<compile_context>
chip_gen: v7x
topology: tpu7x:2x2x1
jax: 0.10.2.dev20260603
libtpu: 0.0.44.dev20260713+nightly
codegen_flags: <defaults>
</compile_context>

<pallas_src>
import functools

import jax
import jax.numpy as jnp
from jax import lax
from jax.experimental import pallas as pl
from jax.experimental.pallas import tpu as pltpu
from jax.experimental.pallas import tpu_sc as plsc

_R = 2048
_Q = 8

_NW = 32
_CPR = 8

_K = 16


def _idx_body(*refs):
    w_refs, o_ref = refs[:_Q], refs[_Q]
    s = w_refs[0].shape[1]
    r = w_refs[0].shape[0]
    tri = (
        lax.broadcasted_iota(jnp.int32, (s, s), 0)
        <= lax.broadcasted_iota(jnp.int32, (s, s), 1)
    ).astype(jnp.float32)
    for q in range(_Q):
        w = w_refs[q][...]
        cum = jnp.dot(
            w, tri, preferred_element_type=jnp.float32,
            precision=lax.Precision.HIGHEST,
        )
        cntf = jnp.sum(jnp.where(cum < 0.5, 1.0, 0.0), axis=1, keepdims=True)
        rq = r // s
        cntf = cntf.reshape(rq, s)
        cnt = jnp.minimum(cntf.astype(jnp.int32), s - 1)
        ray = (lax.broadcasted_iota(jnp.int32, (rq, s), 0) * s
               + lax.broadcasted_iota(jnp.int32, (rq, s), 1)
               + (pl.program_id(0) * _Q + q) * r)
        o_ref[0, q * rq:(q + 1) * rq, :] = ray * s + cnt


def _median_indices(w2):
    B, S = w2.shape
    in_specs = [
        pl.BlockSpec((_R, S), functools.partial(lambda q, i: (i * _Q + q, 0), q))
        for q in range(_Q)
    ]
    nstep = B // (_R * _Q)
    rows = _R * _Q // S
    return pl.pallas_call(
        _idx_body,
        grid=(nstep,),
        in_specs=in_specs,
        out_specs=pl.BlockSpec((1, rows, S), lambda i: (i, 0, 0)),
        out_shape=jax.ShapeDtypeStruct((nstep, rows, S), jnp.int32),
    )(*([w2] * _Q))


_NS = 4


_GD = 8


def _make_sc_fused(B, S):
    bpw = B // _NW
    nch = bpw // 128
    gpc = 128 // 16
    mesh = plsc.VectorSubcoreMesh(core_axis_name="c", subcore_axis_name="s")

    @functools.partial(
        pl.kernel,
        out_type=(jax.ShapeDtypeStruct((_NW, nch, 128), jnp.float32),
                  jax.ShapeDtypeStruct((_NW, 16), jnp.int32)),
        mesh=mesh,
        scratch_types=[
            pltpu.VMEM((_NS, 128, 128), jnp.float32),
            pltpu.VMEM((nch, 128), jnp.int32),
            pltpu.VMEM((nch, 128), jnp.float32),
            pltpu.VMEM((nch, 128), jnp.float32),
            pltpu.VMEM((16,), jnp.int32),
            pltpu.SemaphoreType.DMA((_NS,)),
            pltpu.SemaphoreType.DMA((_GD,)),
            pltpu.SemaphoreType.DMA((_GD,)),
        ],
        compiler_params=pltpu.CompilerParams(needs_layout_passes=False),
    )
    def fused_kernel(w_hbm, s_hbm, e_hbm, out_hbm, min_hbm,
                     wbuf, idxb, sbuf, ebuf, minbuf, wsems, gsem_s, gsem_e):
        wid = lax.axis_index("s") * 2 + lax.axis_index("c")
        base = wid * bpw
        lanes = lax.iota(jnp.int32, 16)

        def issue_w(c, slot):
            pltpu.async_copy(
                w_hbm.at[pl.ds(base + c * 128, 128)],
                wbuf.at[slot], wsems.at[slot])

        def drain_w(c, slot):
            pltpu.make_async_copy(
                w_hbm.at[pl.ds(base + c * 128, 128)],
                wbuf.at[slot], wsems.at[slot]).wait()

        def issue_g(c):
            g = c % _GD
            pltpu.async_copy(s_hbm.at[idxb.at[c]], sbuf.at[c], gsem_s.at[g])
            pltpu.async_copy(e_hbm.at[idxb.at[c]], ebuf.at[c], gsem_e.at[g])

        def finish_g(c):
            g = c % _GD
            pltpu.make_async_copy(
                s_hbm.at[idxb.at[c]], sbuf.at[c], gsem_s.at[g]).wait()
            pltpu.make_async_copy(
                e_hbm.at[idxb.at[c]], ebuf.at[c], gsem_e.at[g]).wait()
            for j in range(8):
                sl = pl.ds(j * 16, 16)
                sbuf[c, sl] = (sbuf[c, sl] + ebuf[c, sl]) * 0.5

        for c in range(_NS):
            issue_w(c, c)

        def chunk_body(c, max_v):
            slot = c % _NS
            drain_w(c, slot)

            for g in range(gpc):
                rsv = (base + c * 128 + g * 16 + lanes) * S
                cacc = jnp.zeros((16,), jnp.int32)
                for r in range(16):
                    v = wbuf[slot, g * 16 + r, pl.ds(0, _K)]
                    cum = jnp.cumsum(v)
                    cntv = plsc.all_reduce_population_count(cum < 0.5)
                    cacc = jnp.where(lanes == r, cntv, cacc)
                max_v = jnp.maximum(max_v, cacc)
                idxb[c, pl.ds(g * 16, 16)] = rsv + cacc

            @pl.when(c >= _GD)
            def _():
                finish_g(c - _GD)

            issue_g(c)

            @pl.when(c + _NS < nch)
            def _():
                issue_w(c + _NS, slot)

            return max_v

        max_v = lax.fori_loop(
            0, nch, chunk_body, jnp.zeros((16,), jnp.int32))

        def tail_body(c, carry):
            finish_g(c)
            return carry

        lax.fori_loop(nch - _GD, nch, tail_body, 0)

        minbuf[...] = max_v
        pltpu.sync_copy(sbuf, out_hbm.at[wid])
        pltpu.sync_copy(minbuf, min_hbm.at[wid])

    return fused_kernel


def _make_sc_gather(B):
    bpw = B // _NW
    nch = bpw // 128
    nrounds = nch // _CPR
    mesh = plsc.VectorSubcoreMesh(core_axis_name="c", subcore_axis_name="s")

    @functools.partial(
        pl.kernel,
        out_type=jax.ShapeDtypeStruct((_NW, nch, 128), jnp.float32),
        mesh=mesh,
        scratch_types=[
            pltpu.VMEM((nch, 128), jnp.int32),
            pltpu.VMEM((nch, 128), jnp.float32),
            pltpu.VMEM((nch, 128), jnp.float32),
            pltpu.SemaphoreType.DMA,
            pltpu.SemaphoreType.DMA,
        ],
        compiler_params=pltpu.CompilerParams(needs_layout_passes=False),
    )
    def gather_kernel(gidx_hbm, s_hbm, e_hbm, out_hbm,
                      idx_v, sbuf, ebuf, sem_s, sem_e):
        wid = lax.axis_index("s") * 2 + lax.axis_index("c")
        pltpu.sync_copy(gidx_hbm.at[wid], idx_v)

        def gather_round(r, carry):
            handles = []
            for j in range(_CPR):
                c = r * _CPR + j
                handles.append(
                    pltpu.async_copy(s_hbm.at[idx_v.at[c]], sbuf.at[c], sem_s))
                handles.append(
                    pltpu.async_copy(e_hbm.at[idx_v.at[c]], ebuf.at[c], sem_e))
            for h in handles:
                h.wait()
            return carry

        lax.fori_loop(0, nrounds, gather_round, 0)

        def avg_row(i, carry):
            for j in range(8):
                sl = pl.ds(j * 16, 16)
                sbuf[i, sl] = (sbuf[i, sl] + ebuf[i, sl]) * 0.5
            return carry

        lax.fori_loop(0, nch, avg_row, 0)

        pltpu.sync_copy(sbuf, out_hbm.at[wid])

    return gather_kernel


def kernel(weights, starts, ends):
    B, S = weights.shape[0], weights.shape[1]
    w2 = weights.reshape(B, S)
    sflat = starts.reshape(B * S)
    eflat = ends.reshape(B * S)
    out_fast, maxs = _make_sc_fused(B, S)(w2, sflat, eflat)
    need_full = jnp.max(maxs) >= _K
    out = lax.cond(
        need_full,
        lambda: _make_sc_gather(B)(
            _median_indices(w2).reshape(_NW, B // (_NW * 128), 128),
            sflat, eflat),
        lambda: out_fast,
    )
    return out.reshape(B, 1)

# --- scband reference (transcript-rebuilt; emitter-appended) ---
"""Pipeline reference for scband-depth-renderer-78632261256053 (READ-ONLY COPY).

The authoritative reference and input builder live on the scoring server;
editing this copy changes nothing except your own understanding.
"""

import jax, jax.numpy as jnp
import numpy as np


def setup_inputs(seed: int = 0) -> dict:
    key = jax.random.key(seed)
    k1, k2, k3 = jax.random.split(key, 3)
    B, S = 262144, 128
    weights = jax.random.uniform(k1, (B, S, 1), dtype=jnp.float32)
    starts = jax.random.uniform(k2, (B, S, 1), dtype=jnp.float32)
    ends = jax.random.uniform(k3, (B, S, 1), dtype=jnp.float32)
    return {"weights": weights, "starts": starts, "ends": ends}


def reference(weights, starts, ends):
    # method == 'median'
    steps = (starts + ends) / 2.0
    cumulative_weights = jnp.cumsum(weights[..., 0], axis=-1)
    split = jnp.ones(weights.shape[:-2] + (1,), dtype=weights.dtype) * 0.5
    # batched searchsorted(side='left') on a sorted-per-row array equals the
    # count of entries strictly less than the query value
    median_index = jnp.sum((cumulative_weights < split).astype(jnp.int32), axis=-1, keepdims=True)
    median_index = jnp.clip(median_index, 0, steps.shape[-2] - 1)
    median_depth = jnp.take_along_axis(steps[..., 0], median_index, axis=-1)
    return median_depth

if __name__ == "__main__":
    import jax
    _d = setup_inputs()
    print(jax.jit(kernel)(*tuple(_d.values())))

</pallas_src>

<mosaic_0001>
#map = affine_map<(d0, d1) -> (0, 0, 0)>
#map1 = affine_map<(d0, d1) -> (0)>
module attributes {stable_mosaic.version = 14 : i64} {
  func.func @gather_kernel(%arg0: i32, %arg1: i32, %arg2: memref<32x64x128xi32, #tpu.memory_space<hbm>>, %arg3: memref<33554432xf32, #tpu.memory_space<hbm>>, %arg4: memref<33554432xf32, #tpu.memory_space<hbm>>, %arg5: memref<32x64x128xf32, #tpu.memory_space<hbm>>, %arg6: memref<64x128xi32, #tpu.memory_space<vmem>>, %arg7: memref<64x128xf32, #tpu.memory_space<vmem>>, %arg8: memref<64x128xf32, #tpu.memory_space<vmem>>, %arg9: memref<!tpu.dma_semaphore, #tpu.memory_space<semaphore_mem>>, %arg10: memref<!tpu.dma_semaphore, #tpu.memory_space<semaphore_mem>>) attributes {dimension_semantics = [#tpu.dimension_semantics<core_parallel>, #tpu.dimension_semantics<subcore_parallel>], iteration_bounds = array<i64: 2, 16>, scalar_prefetch = 0 : i64, scratch_operands = 5 : i64, tpu.core_type = #tpu.core_type<sc_vector_subcore>, window_params = [{transform_indices = #map}, {transform_indices = #map1}, {transform_indices = #map1}, {transform_indices = #map}]} {
    %mul3A = arith.constant 2 : i32
    %mul3A_0 = arith.muli %arg1, %mul3A : i32
    %add3A = arith.addi %mul3A_0, %arg0 : i32
    "tpu.region"() ({
      %run_scoped3A = tpu.sem_alloc : memref<!tpu.dma_semaphore, #tpu.memory_space<semaphore_mem>>
      %dma_start3A = arith.constant 0 : i32
      %dma_start3A_12 = arith.constant 0 : i32
      %dma_start3A_13 = tpu.memref_slice %arg2[%add3A, %dma_start3A, %dma_start3A_12] : memref<32x64x128xi32, #tpu.memory_space<hbm>> -> memref<1x64x128xi32, #tpu.memory_space<hbm>>
      %dma_start3A_14 = tpu.memref_squeeze %dma_start3A_13 : memref<1x64x128xi32, #tpu.memory_space<hbm>> -> memref<64x128xi32, #tpu.memory_space<hbm>>
      %dma_start3A_15 = arith.constant 0 : i32
      %dma_start3A_16 = arith.constant 0 : i32
      %dma_start3A_17 = tpu.memref_slice %arg2[%add3A, %dma_start3A_15, %dma_start3A_16] : memref<32x64x128xi32, #tpu.memory_space<hbm>> -> memref<1x64x128xi32, #tpu.memory_space<hbm>>
      %dma_start3A_18 = tpu.memref_squeeze %dma_start3A_17 : memref<1x64x128xi32, #tpu.memory_space<hbm>> -> memref<64x128xi32, #tpu.memory_space<hbm>>
      tpu.enqueue_dma source(%dma_start3A_18 : memref<64x128xi32, #tpu.memory_space<hbm>>) target(%arg6 : memref<64x128xi32, #tpu.memory_space<vmem>>) target_semaphore(%run_scoped3A : memref<!tpu.dma_semaphore, #tpu.memory_space<semaphore_mem>>)
      %dma_wait3A = arith.constant 0 : i32
      %dma_wait3A_19 = arith.constant 0 : i32
      %dma_wait3A_20 = tpu.memref_slice %arg2[%add3A, %dma_wait3A, %dma_wait3A_19] : memref<32x64x128xi32, #tpu.memory_space<hbm>> -> memref<1x64x128xi32, #tpu.memory_space<hbm>>
      %dma_wait3A_21 = tpu.memref_squeeze %dma_wait3A_20 : memref<1x64x128xi32, #tpu.memory_space<hbm>> -> memref<64x128xi32, #tpu.memory_space<hbm>>
      %dma_wait3A_22 = arith.constant 0 : i32
      %dma_wait3A_23 = arith.constant 0 : i32
      %dma_wait3A_24 = tpu.memref_slice %arg2[%add3A, %dma_wait3A_22, %dma_wait3A_23] : memref<32x64x128xi32, #tpu.memory_space<hbm>> -> memref<1x64x128xi32, #tpu.memory_space<hbm>>
      %dma_wait3A_25 = tpu.memref_squeeze %dma_wait3A_24 : memref<1x64x128xi32, #tpu.memory_space<hbm>> -> memref<64x128xi32, #tpu.memory_space<hbm>>
      tpu.wait_dma2 semaphore(%run_scoped3A : memref<!tpu.dma_semaphore, #tpu.memory_space<semaphore_mem>>) src(%dma_wait3A_25 : memref<64x128xi32, #tpu.memory_space<hbm>>) dst(%arg6 : memref<64x128xi32, #tpu.memory_space<vmem>>)
      tpu.yield
    }) : () -> ()
    %scan3A = arith.constant 0 : i32
    %scan3A_1 = arith.constant 0 : i32
    %scan3A_2 = arith.constant 8 : i32
    %scan3A_3 = arith.addi %scan3A_1, %scan3A_2 : i32
    %scan3A_4 = arith.constant 1 : i32
    scf.for %scan3A_12 = %scan3A_1 to %scan3A_3 step %scan3A_4  : i32 {
      %mul3A_13 = arith.constant 8 : i32
      %mul3A_14 = arith.muli %scan3A_12, %mul3A_13 : i32
      %add3A_15 = arith.constant 0 : i32
      %add3A_16 = arith.addi %mul3A_14, %add3A_15 : i32
      %dma_start3A = arith.constant 0 : i32
      %dma_start3A_17 = tpu.memref_slice %arg7[%add3A_16, %dma_start3A] : memref<64x128xf32, #tpu.memory_space<vmem>> -> memref<1x128xf32, #tpu.memory_space<vmem>>
      %dma_start3A_18 = tpu.memref_squeeze %dma_start3A_17 : memref<1x128xf32, #tpu.memory_space<vmem>> -> memref<128xf32, #tpu.memory_space<vmem>>
      %dma_start3A_19 = arith.constant 0 : i32
      %dma_start3A_20 = tpu.memref_slice %arg6[%add3A_16, %dma_start3A_19] : memref<64x128xi32, #tpu.memory_space<vmem>> -> memref<1x128xi32, #tpu.memory_space<vmem>>
      %dma_start3A_21 = tpu.memref_squeeze %dma_start3A_20 : memref<1x128xi32, #tpu.memory_space<vmem>> -> memref<128xi32, #tpu.memory_space<vmem>>
      %dma_start3A_22 = arith.constant 0 : i32
      %dma_start3A_23 = tpu.memref_slice %arg3[%dma_start3A_22] : memref<33554432xf32, #tpu.memory_space<hbm>> -> memref<33554432xf32, #tpu.memory_space<hbm>>
      tpu.enqueue_indirect_dma source(%dma_start3A_23 : memref<33554432xf32, #tpu.memory_space<hbm>>) target(%dma_start3A_18 : memref<128xf32, #tpu.memory_space<vmem>>) offsets(%dma_start3A_21 : memref<128xi32, #tpu.memory_space<vmem>>) semaphore(%arg9 : memref<!tpu.dma_semaphore, #tpu.memory_space<semaphore_mem>>)
      %dma_start3A_24 = arith.constant 0 : i32
      %dma_start3A_25 = tpu.memref_slice %arg8[%add3A_16, %dma_start3A_24] : memref<64x128xf32, #tpu.memory_space<vmem>> -> memref<1x128xf32, #tpu.memory_space<vmem>>
      %dma_start3A_26 = tpu.memref_squeeze %dma_start3A_25 : memref<1x128xf32, #tpu.memory_space<vmem>> -> memref<128xf32, #tpu.memory_space<vmem>>
      %dma_start3A_27 = arith.constant 0 : i32
      %dma_start3A_28 = tpu.memref_slice %arg6[%add3A_16, %dma_start3A_27] : memref<64x128xi32, #tpu.memory_space<vmem>> -> memref<1x128xi32, #tpu.memory_space<vmem>>
      %dma_start3A_29 = tpu.memref_squeeze %dma_start3A_28 : memref<1x128xi32, #tpu.memory_space<vmem>> -> memref<128xi32, #tpu.memory_space<vmem>>
      %dma_start3A_30 = arith.constant 0 : i32
      %dma_start3A_31 = tpu.memref_slice %arg4[%dma_start3A_30] : memref<33554432xf32, #tpu.memory_space<hbm>> -> memref<33554432xf32, #tpu.memory_space<hbm>>
      tpu.enqueue_indirect_dma source(%dma_start3A_31 : memref<33554432xf32, #tpu.memory_space<hbm>>) target(%dma_start3A_26 : memref<128xf32, #tpu.memory_space<vmem>>) offsets(%dma_start3A_29 : memref<128xi32, #tpu.memory_space<vmem>>) semaphore(%arg10 : memref<!tpu.dma_semaphore, #tpu.memory_space<semaphore_mem>>)
      %mul3A_32 = arith.constant 8 : i32
      %mul3A_33 = arith.muli %scan3A_12, %mul3A_32 : i32
      %add3A_34 = arith.constant 1 : i32
      %add3A_35 = arith.addi %mul3A_33, %add3A_34 : i32
      %dma_start3A_36 = arith.constant 0 : i32
      %dma_start3A_37 = tpu.memref_slice %arg7[%add3A_35, %dma_start3A_36] : memref<64x128xf32, #tpu.memory_space<vmem>> -> memref<1x128xf32, #tpu.memory_space<vmem>>
      %dma_start3A_38 = tpu.memref_squeeze %dma_start3A_37 : memref<1x128xf32, #tpu.memory_space<vmem>> -> memref<128xf32, #tpu.memory_space<vmem>>
      %dma_start3A_39 = arith.constant 0 : i32
      %dma_start3A_40 = tpu.memref_slice %arg6[%add3A_35, %dma_start3A_39] : memref<64x128xi32, #tpu.memory_space<vmem>> -> memref<1x128xi32, #tpu.memory_space<vmem>>
      %dma_start3A_41 = tpu.memref_squeeze %dma_start3A_40 : memref<1x128xi32, #tpu.memory_space<vmem>> -> memref<128xi32, #tpu.memory_space<vmem>>
      %dma_start3A_42 = arith.constant 0 : i32
      %dma_start3A_43 = tpu.memref_slice %arg3[%dma_start3A_42] : memref<33554432xf32, #tpu.memory_space<hbm>> -> memref<33554432xf32, #tpu.memory_space<hbm>>
      tpu.enqueue_indirect_dma source(%dma_start3A_43 : memref<33554432xf32, #tpu.memory_space<hbm>>) target(%dma_start3A_38 : memref<128xf32, #tpu.memory_space<vmem>>) offsets(%dma_start3A_41 : memref<128xi32, #tpu.memory_space<vmem>>) semaphore(%arg9 : memref<!tpu.dma_semaphore, #tpu.memory_space<semaphore_mem>>)
      %dma_start3A_44 = arith.constant 0 : i32
      %dma_start3A_45 = tpu.memref_slice %arg8[%add3A_35, %dma_start3A_44] : memref<64x128xf32, #tpu.memory_space<vmem>> -> memref<1x128xf32, #tpu.memory_space<vmem>>
      %dma_start3A_46 = tpu.memref_squeeze %dma_start3A_45 : memref<1x128xf32, #tpu.memory_space<vmem>> -> memref<128xf32, #tpu.memory_space<vmem>>
      %dma_start3A_47 = arith.constant 0 : i32
      %dma_start3A_48 = tpu.memref_slice %arg6[%add3A_35, %dma_start3A_47] : memref<64x128xi32, #tpu.memory_space<vmem>> -> memref<1x128xi32, #tpu.memory_space<vmem>>
      %dma_start3A_49 = tpu.memref_squeeze %dma_start3A_48 : memref<1x128xi32, #tpu.memory_space<vmem>> -> memref<128xi32, #tpu.memory_space<vmem>>
      %dma_start3A_50 = arith.constant 0 : i32
      %dma_start3A_51 = tpu.memref_slice %arg4[%dma_start3A_50] : memref<33554432xf32, #tpu.memory_space<hbm>> -> memref<33554432xf32, #tpu.memory_space<hbm>>
      tpu.enqueue_indirect_dma source(%dma_start3A_51 : memref<33554432xf32, #tpu.memory_space<hbm>>) target(%dma_start3A_46 : memref<128xf32, #tpu.memory_space<vmem>>) offsets(%dma_start3A_49 : memref<128xi32, #tpu.memory_space<vmem>>) semaphore(%arg10 : memref<!tpu.dma_semaphore, #tpu.memory_space<semaphore_mem>>)
      %mul3A_52 = arith.constant 8 : i32
      %mul3A_53 = arith.muli %scan3A_12, %mul3A_52 : i32
      %add3A_54 = arith.constant 2 : i32
      %add3A_55 = arith.addi %mul3A_53, %add3A_54 : i32
      %dma_start3A_56 = arith.constant 0 : i32
      %dma_start3A_57 = tpu.memref_slice %arg7[%add3A_55, %dma_start3A_56] : memref<64x128xf32, #tpu.memory_space<vmem>> -> memref<1x128xf32, #tpu.memory_space<vmem>>
      %dma_start3A_58 = tpu.memref_squeeze %dma_start3A_57 : memref<1x128xf32, #tpu.memory_space<vmem>> -> memref<128xf32, #tpu.memory_space<vmem>>
      %dma_start3A_59 = arith.constant 0 : i32
      %dma_start3A_60 = tpu.memref_slice %arg6[%add3A_55, %dma_start3A_59] : memref<64x128xi32, #tpu.memory_space<vmem>> -> memref<1x128xi32, #tpu.memory_space<vmem>>
      %dma_start3A_61 = tpu.memref_squeeze %dma_start3A_60 : memref<1x128xi32, #tpu.memory_space<vmem>> -> memref<128xi32, #tpu.memory_space<vmem>>
      %dma_start3A_62 = arith.constant 0 : i32
      %dma_start3A_63 = tpu.memref_slice %arg3[%dma_start3A_62] : memref<33554432xf32, #tpu.memory_space<hbm>> -> memref<33554432xf32, #tpu.memory_space<hbm>>
      tpu.enqueue_indirect_dma source(%dma_start3A_63 : memref<33554432xf32, #tpu.memory_space<hbm>>) target(%dma_start3A_58 : memref<128xf32, #tpu.memory_space<vmem>>) offsets(%dma_start3A_61 : memref<128xi32, #tpu.memory_space<vmem>>) semaphore(%arg9 : memref<!tpu.dma_semaphore, #tpu.memory_space<semaphore_mem>>)
      %dma_start3A_64 = arith.constant 0 : i32
      %dma_start3A_65 = tpu.memref_slice %arg8[%add3A_55, %dma_start3A_64] : memref<64x128xf32, #tpu.memory_space<vmem>> -> memref<1x128xf32, #tpu.memory_space<vmem>>
      %dma_start3A_66 = tpu.memref_squeeze %dma_start3A_65 : memref<1x128xf32, #tpu.memory_space<vmem>> -> memref<128xf32, #tpu.memory_space<vmem>>
      %dma_start3A_67 = arith.constant 0 : i32
      %dma_start3A_68 = tpu.memref_slice %arg6[%add3A_55, %dma_start3A_67] : memref<64x128xi32, #tpu.memory_space<vmem>> -> memref<1x128xi32, #tpu.memory_space<vmem>>
      %dma_start3A_69 = tpu.memref_squeeze %dma_start3A_68 : memref<1x128xi32, #tpu.memory_space<vmem>> -> memref<128xi32, #tpu.memory_space<vmem>>
      %dma_start3A_70 = arith.constant 0 : i32
      %dma_start3A_71 = tpu.memref_slice %arg4[%dma_start3A_70] : memref<33554432xf32, #tpu.memory_space<hbm>> -> memref<33554432xf32, #tpu.memory_space<hbm>>
      tpu.enqueue_indirect_dma source(%dma_start3A_71 : memref<33554432xf32, #tpu.memory_space<hbm>>) target(%dma_start3A_66 : memref<128xf32, #tpu.memory_space<vmem>>) offsets(%dma_start3A_69 : memref<128xi32, #tpu.memory_space<vmem>>) semaphore(%arg10 : memref<!tpu.dma_semaphore, #tpu.memory_space<semaphore_mem>>)
      %mul3A_72 = arith.constant 8 : i32
      %mul3A_73 = arith.muli %scan3A_12, %mul3A_72 : i32
      %add3A_74 = arith.constant 3 : i32
      %add3A_75 = arith.addi %mul3A_73, %add3A_74 : i32
      %dma_start3A_76 = arith.constant 0 : i32
      %dma_start3A_77 = tpu.memref_slice %arg7[%add3A_75, %dma_start3A_76] : memref<64x128xf32, #tpu.memory_space<vmem>> -> memref<1x128xf32, #tpu.memory_space<vmem>>
      %dma_start3A_78 = tpu.memref_squeeze %dma_start3A_77 : memref<1x128xf32, #tpu.memory_space<vmem>> -> memref<128xf32, #tpu.memory_space<vmem>>
      %dma_start3A_79 = arith.constant 0 : i32
      %dma_start3A_80 = tpu.memref_slice %arg6[%add3A_75, %dma_start3A_79] : memref<64x128xi32, #tpu.memory_space<vmem>> -> memref<1x128xi32, #tpu.memory_space<vmem>>
      %dma_start3A_81 = tpu.memref_squeeze %dma_start3A_80 : memref<1x128xi32, #tpu.memory_space<vmem>> -> memref<128xi32, #tpu.memory_space<vmem>>
      %dma_start3A_82 = arith.constant 0 : i32
      %dma_start3A_83 = tpu.memref_slice %arg3[%dma_start3A_82] : memref<33554432xf32, #tpu.memory_space<hbm>> -> memref<33554432xf32, #tpu.memory_space<hbm>>
      tpu.enqueue_indirect_dma source(%dma_start3A_83 : memref<33554432xf32, #tpu.memory_space<hbm>>) target(%dma_start3A_78 : memref<128xf32, #tpu.memory_space<vmem>>) offsets(%dma_start3A_81 : memref<128xi32, #tpu.memory_space<vmem>>) semaphore(%arg9 : memref<!tpu.dma_semaphore, #tpu.memory_space<semaphore_mem>>)
      %dma_start3A_84 = arith.constant 0 : i32
      %dma_start3A_85 = tpu.memref_slice %arg8[%add3A_75, %dma_start3A_84] : memref<64x128xf32, #tpu.memory_space<vmem>> -> memref<1x128xf32, #tpu.memory_space<vmem>>
      %dma_start3A_86 = tpu.memref_squeeze %dma_start3A_85 : memref<1x128xf32, #tpu.memory_space<vmem>> -> memref<128xf32, #tpu.memory_space<vmem>>
      %dma_start3A_87 = arith.constant 0 : i32
      %dma_start3A_88 = tpu.memref_slice %arg6[%add3A_75, %dma_start3A_87] : memref<64x128xi32, #tpu.memory_space<vmem>> -> memref<1x128xi32, #tpu.memory_space<vmem>>
      %dma_start3A_89 = tpu.memref_squeeze %dma_start3A_88 : memref<1x128xi32, #tpu.memory_space<vmem>> -> memref<128xi32, #tpu.memory_space<vmem>>
      %dma_start3A_90 = arith.constant 0 : i32
      %dma_start3A_91 = tpu.memref_slice %arg4[%dma_start3A_90] : memref<33554432xf32, #tpu.memory_space<hbm>> -> memref<33554432xf32, #tpu.memory_space<hbm>>
      tpu.enqueue_indirect_dma source(%dma_start3A_91 : memref<33554432xf32, #tpu.memory_space<hbm>>) target(%dma_start3A_86 : memref<128xf32, #tpu.memory_space<vmem>>) offsets(%dma_start3A_89 : memref<128xi32, #tpu.memory_space<vmem>>) semaphore(%arg10 : memref<!tpu.dma_semaphore, #tpu.memory_space<semaphore_mem>>)
      %mul3A_92 = arith.constant 8 : i32
      %mul3A_93 = arith.muli %scan3A_12, %mul3A_92 : i32
      %add3A_94 = arith.constant 4 : i32
      %add3A_95 = arith.addi %mul3A_93, %add3A_94 : i32
      %dma_start3A_96 = arith.constant 0 : i32
      %dma_start3A_97 = tpu.memref_slice %arg7[%add3A_95, %dma_start3A_96] : memref<64x128xf32, #tpu.memory_space<vmem>> -> memref<1x128xf32, #tpu.memory_space<vmem>>
      %dma_start3A_98 = tpu.memref_squeeze %dma_start3A_97 : memref<1x128xf32, #tpu.memory_space<vmem>> -> memref<128xf32, #tpu.memory_space<vmem>>
      %dma_start3A_99 = arith.constant 0 : i32
      %dma_start3A_100 = tpu.memref_slice %arg6[%add3A_95, %dma_start3A_99] : memref<64x128xi32, #tpu.memory_space<vmem>> -> memref<1x128xi32, #tpu.memory_space<vmem>>
      %dma_start3A_101 = tpu.memref_squeeze %dma_start3A_100 : memref<1x128xi32, #tpu.memory_space<vmem>> -> memref<128xi32, #tpu.memory_space<vmem>>
      %dma_start3A_102 = arith.constant 0 : i32
      %dma_start3A_103 = tpu.memref_slice %arg3[%dma_start3A_102] : memref<33554432xf32, #tpu.memory_space<hbm>> -> memref<33554432xf32, #tpu.memory_space<hbm>>
      tpu.enqueue_indirect_dma source(%dma_start3A_103 : memref<33554432xf32, #tpu.memory_space<hbm>>) target(%dma_start3A_98 : memref<128xf32, #tpu.memory_space<vmem>>) offsets(%dma_start3A_101 : memref<128xi32, #tpu.memory_space<vmem>>) semaphore(%arg9 : memref<!tpu.dma_semaphore, #tpu.memory_space<semaphore_mem>>)
      %dma_start3A_104 = arith.constant 0 : i32
      %dma_start3A_105 = tpu.memref_slice %arg8[%add3A_95, %dma_start3A_104] : memref<64x128xf32, #tpu.memory_space<vmem>> -> memref<1x128xf32, #tpu.memory_space<vmem>>
      %dma_start3A_106 = tpu.memref_squeeze %dma_start3A_105 : memref<1x128xf32, #tpu.memory_space<vmem>> -> memref<128xf32, #tpu.memory_space<vmem>>
      %dma_start3A_107 = arith.constant 0 : i32
      %dma_start3A_108 = tpu.memref_slice %arg6[%add3A_95, %dma_start3A_107] : memref<64x128xi32, #tpu.memory_space<vmem>> -> memref<1x128xi32, #tpu.memory_space<vmem>>
      %dma_start3A_109 = tpu.memref_squeeze %dma_start3A_108 : memref<1x128xi32, #tpu.memory_space<vmem>> -> memref<128xi32, #tpu.memory_space<vmem>>
      %dma_start3A_110 = arith.constant 0 : i32
      %dma_start3A_111 = tpu.memref_slice %arg4[%dma_start3A_110] : memref<33554432xf32, #tpu.memory_space<hbm>> -> memref<33554432xf32, #tpu.memory_space<hbm>>
      tpu.enqueue_indirect_dma source(%dma_start3A_111 : memref<33554432xf32, #tpu.memory_space<hbm>>) target(%dma_start3A_106 : memref<128xf32, #tpu.memory_space<vmem>>) offsets(%dma_start3A_109 : memref<128xi32, #tpu.memory_space<vmem>>) semaphore(%arg10 : memref<!tpu.dma_semaphore, #tpu.memory_space<semaphore_mem>>)
      %mul3A_112 = arith.constant 8 : i32
      %mul3A_113 = arith.muli %scan3A_12, %mul3A_112 : i32
      %add3A_114 = arith.constant 5 : i32
      %add3A_115 = arith.addi %mul3A_113, %add3A_114 : i32
      %dma_start3A_116 = arith.constant 0 : i32
      %dma_start3A_117 = tpu.memref_slice %arg7[%add3A_115, %dma_start3A_116] : memref<64x128xf32, #tpu.memory_space<vmem>> -> memref<1x128xf32, #tpu.memory_space<vmem>>
      %dma_start3A_118 = tpu.memref_squeeze %dma_start3A_117 : memref<1x128xf32, #tpu.memory_space<vmem>> -> memref<128xf32, #tpu.memory_space<vmem>>
      %dma_start3A_119 = arith.constant 0 : i32
      %dma_start3A_120 = tpu.memref_slice %arg6[%add3A_115, %dma_start3A_119] : memref<64x128xi32, #tpu.memory_space<vmem>> -> memref<1x128xi32, #tpu.memory_space<vmem>>
      %dma_start3A_121 = tpu.memref_squeeze %dma_start3A_120 : memref<1x128xi32, #tpu.memory_space<vmem>> -> memref<128xi32, #tpu.memory_space<vmem>>
      %dma_start3A_122 = arith.constant 0 : i32
      %dma_start3A_123 = tpu.memref_slice %arg3[%dma_start3A_122] : memref<33554432xf32, #tpu.memory_space<hbm>> -> memref<33554432xf32, #tpu.memory_space<hbm>>
      tpu.enqueue_indirect_dma source(%dma_start3A_123 : memref<33554432xf32, #tpu.memory_space<hbm>>) target(%dma_start3A_118 : memref<128xf32, #tpu.memory_space<vmem>>) offsets(%dma_start3A_121 : memref<128xi32, #tpu.memory_space<vmem>>) semaphore(%arg9 : memref<!tpu.dma_semaphore, #tpu.memory_space<semaphore_mem>>)
      %dma_start3A_124 = arith.constant 0 : i32
      %dma_start3A_125 = tpu.memref_slice %arg8[%add3A_115, %dma_start3A_124] : memref<64x128xf32, #tpu.memory_space<vmem>> -> memref<1x128xf32, #tpu.memory_space<vmem>>
      %dma_start3A_126 = tpu.memref_squeeze %dma_start3A_125 : memref<1x128xf32, #tpu.memory_space<vmem>> -> memref<128xf32, #tpu.memory_space<vmem>>
      %dma_start3A_127 = arith.constant 0 : i32
      %dma_start3A_128 = tpu.memref_slice %arg6[%add3A_115, %dma_start3A_127] : memref<64x128xi32, #tpu.memory_space<vmem>> -> memref<1x128xi32, #tpu.memory_space<vmem>>
      %dma_start3A_129 = tpu.memref_squeeze %dma_start3A_128 : memref<1x128xi32, #tpu.memory_space<vmem>> -> memref<128xi32, #tpu.memory_space<vmem>>
      %dma_start3A_130 = arith.constant 0 : i32
      %dma_start3A_131 = tpu.memref_slice %arg4[%dma_start3A_130] : memref<33554432xf32, #tpu.memory_space<hbm>> -> memref<33554432xf32, #tpu.memory_space<hbm>>
      tpu.enqueue_indirect_dma source(%dma_start3A_131 : memref<33554432xf32, #tpu.memory_space<hbm>>) target(%dma_start3A_126 : memref<128xf32, #tpu.memory_space<vmem>>) offsets(%dma_start3A_129 : memref<128xi32, #tpu.memory_space<vmem>>) semaphore(%arg10 : memref<!tpu.dma_semaphore, #tpu.memory_space<semaphore_mem>>)
      %mul3A_132 = arith.constant 8 : i32
      %mul3A_133 = arith.muli %scan3A_12, %mul3A_132 : i32
      %add3A_134 = arith.constant 6 : i32
      %add3A_135 = arith.addi %mul3A_133, %add3A_134 : i32
      %dma_start3A_136 = arith.constant 0 : i32
      %dma_start3A_137 = tpu.memref_slice %arg7[%add3A_135, %dma_start3A_136] : memref<64x128xf32, #tpu.memory_space<vmem>> -> memref<1x128xf32, #tpu.memory_space<vmem>>
      %dma_start3A_138 = tpu.memref_squeeze %dma_start3A_137 : memref<1x128xf32, #tpu.memory_space<vmem>> -> memref<128xf32, #tpu.memory_space<vmem>>
      %dma_start3A_139 = arith.constant 0 : i32
      %dma_start3A_140 = tpu.memref_slice %arg6[%add3A_135, %dma_start3A_139] : memref<64x128xi32, #tpu.memory_space<vmem>> -> memref<1x128xi32, #tpu.memory_space<vmem>>
      %dma_start3A_141 = tpu.memref_squeeze %dma_start3A_140 : memref<1x128xi32, #tpu.memory_space<vmem>> -> memref<128xi32, #tpu.memory_space<vmem>>
      %dma_start3A_142 = arith.constant 0 : i32
      %dma_start3A_143 = tpu.memref_slice %arg3[%dma_start3A_142] : memref<33554432xf32, #tpu.memory_space<hbm>> -> memref<33554432xf32, #tpu.memory_space<hbm>>
      tpu.enqueue_indirect_dma source(%dma_start3A_143 : memref<33554432xf32, #tpu.memory_space<hbm>>) target(%dma_start3A_138 : memref<128xf32, #tpu.memory_space<vmem>>) offsets(%dma_start3A_141 : memref<128xi32, #tpu.memory_space<vmem>>) semaphore(%arg9 : memref<!tpu.dma_semaphore, #tpu.memory_space<semaphore_mem>>)
      %dma_start3A_144 = arith.constant 0 : i32
      %dma_start3A_145 = tpu.memref_slice %arg8[%add3A_135, %dma_start3A_144] : memref<64x128xf32, #tpu.memory_space<vmem>> -> memref<1x128xf32, #tpu.memory_space<vmem>>
      %dma_start3A_146 = tpu.memref_squeeze %dma_start3A_145 : memref<1x128xf32, #tpu.memory_space<vmem>> -> memref<128xf32, #tpu.memory_space<vmem>>
      %dma_start3A_147 = arith.constant 0 : i32
      %dma_start3A_148 = tpu.memref_slice %arg6[%add3A_135, %dma_start3A_147] : memref<64x128xi32, #tpu.memory_space<vmem>> -> memref<1x128xi32, #tpu.memory_space<vmem>>
      %dma_start3A_149 = tpu.memref_squeeze %dma_start3A_148 : memref<1x128xi32, #tpu.memory_space<vmem>> -> memref<128xi32, #tpu.memory_space<vmem>>
      %dma_start3A_150 = arith.constant 0 : i32
      %dma_start3A_151 = tpu.memref_slice %arg4[%dma_start3A_150] : memref<33554432xf32, #tpu.memory_space<hbm>> -> memref<33554432xf32, #tpu.memory_space<hbm>>
      tpu.enqueue_indirect_dma source(%dma_start3A_151 : memref<33554432xf32, #tpu.memory_space<hbm>>) target(%dma_start3A_146 : memref<128xf32, #tpu.memory_space<vmem>>) offsets(%dma_start3A_149 : memref<128xi32, #tpu.memory_space<vmem>>) semaphore(%arg10 : memref<!tpu.dma_semaphore, #tpu.memory_space<semaphore_mem>>)
      %mul3A_152 = arith.constant 8 : i32
      %mul3A_153 = arith.muli %scan3A_12, %mul3A_152 : i32
      %add3A_154 = arith.constant 7 : i32
      %add3A_155 = arith.addi %mul3A_153, %add3A_154 : i32
      %dma_start3A_156 = arith.constant 0 : i32
      %dma_start3A_157 = tpu.memref_slice %arg7[%add3A_155, %dma_start3A_156] : memref<64x128xf32, #tpu.memory_space<vmem>> -> memref<1x128xf32, #tpu.memory_space<vmem>>
      %dma_start3A_158 = tpu.memref_squeeze %dma_start3A_157 : memref<1x128xf32, #tpu.memory_space<vmem>> -> memref<128xf32, #tpu.memory_space<vmem>>
      %dma_start3A_159 = arith.constant 0 : i32
      %dma_start3A_160 = tpu.memref_slice %arg6[%add3A_155, %dma_start3A_159] : memref<64x128xi32, #tpu.memory_space<vmem>> -> memref<1x128xi32, #tpu.memory_space<vmem>>
      %dma_start3A_161 = tpu.memref_squeeze %dma_start3A_160 : memref<1x128xi32, #tpu.memory_space<vmem>> -> memref<128xi32, #tpu.memory_space<vmem>>
      %dma_start3A_162 = arith.constant 0 : i32
      %dma_start3A_163 = tpu.memref_slice %arg3[%dma_start3A_162] : memref<33554432xf32, #tpu.memory_space<hbm>> -> memref<33554432xf32, #tpu.memory_space<hbm>>
      tpu.enqueue_indirect_dma source(%dma_start3A_163 : memref<33554432xf32, #tpu.memory_space<hbm>>) target(%dma_start3A_158 : memref<128xf32, #tpu.memory_space<vmem>>) offsets(%dma_start3A_161 : memref<128xi32, #tpu.memory_space<vmem>>) semaphore(%arg9 : memref<!tpu.dma_semaphore, #tpu.memory_space<semaphore_mem>>)
      %dma_start3A_164 = arith.constant 0 : i32
      %dma_start3A_165 = tpu.memref_slice %arg8[%add3A_155, %dma_start3A_164] : memref<64x128xf32, #tpu.memory_space<vmem>> -> memref<1x128xf32, #tpu.memory_space<vmem>>
      %dma_start3A_166 = tpu.memref_squeeze %dma_start3A_165 : memref<1x128xf32, #tpu.memory_space<vmem>> -> memref<128xf32, #tpu.memory_space<vmem>>
      %dma_start3A_167 = arith.constant 0 : i32
      %dma_start3A_168 = tpu.memref_slice %arg6[%add3A_155, %dma_start3A_167] : memref<64x128xi32, #tpu.memory_space<vmem>> -> memref<1x128xi32, #tpu.memory_space<vmem>>
      %dma_start3A_169 = tpu.memref_squeeze %dma_start3A_168 : memref<1x128xi32, #tpu.memory_space<vmem>> -> memref<128xi32, #tpu.memory_space<vmem>>
      %dma_start3A_170 = arith.constant 0 : i32
      %dma_start3A_171 = tpu.memref_slice %arg4[%dma_start3A_170] : memref<33554432xf32, #tpu.memory_space<hbm>> -> memref<33554432xf32, #tpu.memory_space<hbm>>
      tpu.enqueue_indirect_dma source(%dma_start3A_171 : memref<33554432xf32, #tpu.memory_space<hbm>>) target(%dma_start3A_166 : memref<128xf32, #tpu.memory_space<vmem>>) offsets(%dma_start3A_169 : memref<128xi32, #tpu.memory_space<vmem>>) semaphore(%arg10 : memref<!tpu.dma_semaphore, #tpu.memory_space<semaphore_mem>>)
      %dma_wait3A = arith.constant 0 : i32
      %dma_wait3A_172 = tpu.memref_slice %arg7[%add3A_16, %dma_wait3A] : memref<64x128xf32, #tpu.memory_space<vmem>> -> memref<1x128xf32, #tpu.memory_space<vmem>>
      %dma_wait3A_173 = tpu.memref_squeeze %dma_wait3A_172 : memref<1x128xf32, #tpu.memory_space<vmem>> -> memref<128xf32, #tpu.memory_space<vmem>>
      %dma_wait3A_174 = arith.constant 0 : i32
      %dma_wait3A_175 = tpu.memref_slice %arg6[%add3A_16, %dma_wait3A_174] : memref<64x128xi32, #tpu.memory_space<vmem>> -> memref<1x128xi32, #tpu.memory_space<vmem>>
      %dma_wait3A_176 = tpu.memref_squeeze %dma_wait3A_175 : memref<1x128xi32, #tpu.memory_space<vmem>> -> memref<128xi32, #tpu.memory_space<vmem>>
      %dma_wait3A_177 = arith.constant 0 : i32
      %dma_wait3A_178 = tpu.memref_slice %arg3[%dma_wait3A_177] : memref<33554432xf32, #tpu.memory_space<hbm>> -> memref<33554432xf32, #tpu.memory_space<hbm>>
      tpu.wait_indirect_dma semaphore(%arg9 : memref<!tpu.dma_semaphore, #tpu.memory_space<semaphore_mem>>) src(%dma_wait3A_178 : memref<33554432xf32, #tpu.memory_space<hbm>>) dst(%dma_wait3A_173 : memref<128xf32, #tpu.memory_space<vmem>>)
      %dma_wait3A_179 = arith.constant 0 : i32
      %dma_wait3A_180 = tpu.memref_slice %arg8[%add3A_16, %dma_wait3A_179] : memref<64x128xf32, #tpu.memory_space<vmem>> -> memref<1x128xf32, #tpu.memory_space<vmem>>
      %dma_wait3A_181 = tpu.memref_squeeze %dma_wait3A_180 : memref<1x128xf32, #tpu.memory_space<vmem>> -> memref<128xf32, #tpu.memory_space<vmem>>
      %dma_wait3A_182 = arith.constant 0 : i32
      %dma_wait3A_183 = tpu.memref_slice %arg6[%add3A_16, %dma_wait3A_182] : memref<64x128xi32, #tpu.memory_space<vmem>> -> memref<1x128xi32, #tpu.memory_space<vmem>>
      %dma_wait3A_184 = tpu.memref_squeeze %dma_wait3A_183 : memref<1x128xi32, #tpu.memory_space<vmem>> -> memref<128xi32, #tpu.memory_space<vmem>>
      %dma_wait3A_185 = arith.constant 0 : i32
      %dma_wait3A_186 = tpu.memref_slice %arg4[%dma_wait3A_185] : memref<33554432xf32, #tpu.memory_space<hbm>> -> memref<33554432xf32, #tpu.memory_space<hbm>>
      tpu.wait_indirect_dma semaphore(%arg10 : memref<!tpu.dma_semaphore, #tpu.memory_space<semaphore_mem>>) src(%dma_wait3A_186 : memref<33554432xf32, #tpu.memory_space<hbm>>) dst(%dma_wait3A_181 : memref<128xf32, #tpu.memory_space<vmem>>)
      %dma_wait3A_187 = arith.constant 0 : i32
      %dma_wait3A_188 = tpu.memref_slice %arg7[%add3A_35, %dma_wait3A_187] : memref<64x128xf32, #tpu.memory_space<vmem>> -> memref<1x128xf32, #tpu.memory_space<vmem>>
      %dma_wait3A_189 = tpu.memref_squeeze %dma_wait3A_188 : memref<1x128xf32, #tpu.memory_space<vmem>> -> memref<128xf32, #tpu.memory_space<vmem>>
      %dma_wait3A_190 = arith.constant 0 : i32
      %dma_wait3A_191 = tpu.memref_slice %arg6[%add3A_35, %dma_wait3A_190] : memref<64x128xi32, #tpu.memory_space<vmem>> -> memref<1x128xi32, #tpu.memory_space<vmem>>
      %dma_wait3A_192 = tpu.memref_squeeze %dma_wait3A_191 : memref<1x128xi32, #tpu.memory_space<vmem>> -> memref<128xi32, #tpu.memory_space<vmem>>
      %dma_wait3A_193 = arith.constant 0 : i32
      %dma_wait3A_194 = tpu.memref_slice %arg3[%dma_wait3A_193] : memref<33554432xf32, #tpu.memory_space<hbm>> -> memref<33554432xf32, #tpu.memory_space<hbm>>
      tpu.wait_indirect_dma semaphore(%arg9 : memref<!tpu.dma_semaphore, #tpu.memory_space<semaphore_mem>>) src(%dma_wait3A_194 : memref<33554432xf32, #tpu.memory_space<hbm>>) dst(%dma_wait3A_189 : memref<128xf32, #tpu.memory_space<vmem>>)
      %dma_wait3A_195 = arith.constant 0 : i32
      %dma_wait3A_196 = tpu.memref_slice %arg8[%add3A_35, %dma_wait3A_195] : memref<64x128xf32, #tpu.memory_space<vmem>> -> memref<1x128xf32, #tpu.memory_space<vmem>>
      %dma_wait3A_197 = tpu.memref_squeeze %dma_wait3A_196 : memref<1x128xf32, #tpu.memory_space<vmem>> -> memref<128xf32, #tpu.memory_space<vmem>>
      %dma_wait3A_198 = arith.constant 0 : i32
      %dma_wait3A_199 = tpu.memref_slice %arg6[%add3A_35, %dma_wait3A_198] : memref<64x128xi32, #tpu.memory_space<vmem>> -> memref<1x128xi32, #tpu.memory_space<vmem>>
      %dma_wait3A_200 = tpu.memref_squeeze %dma_wait3A_199 : memref<1x128xi32, #tpu.memory_space<vmem>> -> memref<128xi32, #tpu.memory_space<vmem>>
      %dma_wait3A_201 = arith.constant 0 : i32
      %dma_wait3A_202 = tpu.memref_slice %arg4[%dma_wait3A_201] : memref<33554432xf32, #tpu.memory_space<hbm>> -> memref<33554432xf32, #tpu.memory_space<hbm>>
      tpu.wait_indirect_dma semaphore(%arg10 : memref<!tpu.dma_semaphore, #tpu.memory_space<semaphore_mem>>) src(%dma_wait3A_202 : memref<33554432xf32, #tpu.memory_space<hbm>>) dst(%dma_wait3A_197 : memref<128xf32, #tpu.memory_space<vmem>>)
      %dma_wait3A_203 = arith.constant 0 : i32
      %dma_wait3A_204 = tpu.memref_slice %arg7[%add3A_55, %dma_wait3A_203] : memref<64x128xf32, #tpu.memory_space<vmem>> -> memref<1x128xf32, #tpu.memory_space<vmem>>
      %dma_wait3A_205 = tpu.memref_squeeze %dma_wait3A_204 : memref<1x128xf32, #tpu.memory_space<vmem>> -> memref<128xf32, #tpu.memory_space<vmem>>
      %dma_wait3A_206 = arith.constant 0 : i32
      %dma_wait3A_207 = tpu.memref_slice %arg6[%add3A_55, %dma_wait3A_206] : memref<64x128xi32, #tpu.memory_space<vmem>> -> memref<1x128xi32, #tpu.memory_space<vmem>>
      %dma_wait3A_208 = tpu.memref_squeeze %dma_wait3A_207 : memref<1x128xi32, #tpu.memory_space<vmem>> -> memref<128xi32, #tpu.memory_space<vmem>>
      %dma_wait3A_209 = arith.constant 0 : i32
      %dma_wait3A_210 = tpu.memref_slice %arg3[%dma_wait3A_209] : memref<33554432xf32, #tpu.memory_space<hbm>> -> memref<33554432xf32, #tpu.memory_space<hbm>>
      tpu.wait_indirect_dma semaphore(%arg9 : memref<!tpu.dma_semaphore, #tpu.memory_space<semaphore_mem>>) src(%dma_wait3A_210 : memref<33554432xf32, #tpu.memory_space<hbm>>) dst(%dma_wait3A_205 : memref<128xf32, #tpu.memory_space<vmem>>)
      %dma_wait3A_211 = arith.constant 0 : i32
      %dma_wait3A_212 = tpu.memref_slice %arg8[%add3A_55, %dma_wait3A_211] : memref<64x128xf32, #tpu.memory_space<vmem>> -> memref<1x128xf32, #tpu.memory_space<vmem>>
      %dma_wait3A_213 = tpu.memref_squeeze %dma_wait3A_212 : memref<1x128xf32, #tpu.memory_space<vmem>> -> memref<128xf32, #tpu.memory_space<vmem>>
      %dma_wait3A_214 = arith.constant 0 : i32
      %dma_wait3A_215 = tpu.memref_slice %arg6[%add3A_55, %dma_wait3A_214] : memref<64x128xi32, #tpu.memory_space<vmem>> -> memref<1x128xi32, #tpu.memory_space<vmem>>
      %dma_wait3A_216 = tpu.memref_squeeze %dma_wait3A_215 : memref<1x128xi32, #tpu.memory_space<vmem>> -> memref<128xi32, #tpu.memory_space<vmem>>
      %dma_wait3A_217 = arith.constant 0 : i32
      %dma_wait3A_218 = tpu.memref_slice %arg4[%dma_wait3A_217] : memref<33554432xf32, #tpu.memory_space<hbm>> -> memref<33554432xf32, #tpu.memory_space<hbm>>
      tpu.wait_indirect_dma semaphore(%arg10 : memref<!tpu.dma_semaphore, #tpu.memory_space<semaphore_mem>>) src(%dma_wait3A_218 : memref<33554432xf32, #tpu.memory_space<hbm>>) dst(%dma_wait3A_213 : memref<128xf32, #tpu.memory_space<vmem>>)
      %dma_wait3A_219 = arith.constant 0 : i32
      %dma_wait3A_220 = tpu.memref_slice %arg7[%add3A_75, %dma_wait3A_219] : memref<64x128xf32, #tpu.memory_space<vmem>> -> memref<1x128xf32, #tpu.memory_space<vmem>>
      %dma_wait3A_221 = tpu.memref_squeeze %dma_wait3A_220 : memref<1x128xf32, #tpu.memory_space<vmem>> -> memref<128xf32, #tpu.memory_space<vmem>>
      %dma_wait3A_222 = arith.constant 0 : i32
      %dma_wait3A_223 = tpu.memref_slice %arg6[%add3A_75, %dma_wait3A_222] : memref<64x128xi32, #tpu.memory_space<vmem>> -> memref<1x128xi32, #tpu.memory_space<vmem>>
      %dma_wait3A_224 = tpu.memref_squeeze %dma_wait3A_223 : memref<1x128xi32, #tpu.memory_space<vmem>> -> memref<128xi32, #tpu.memory_space<vmem>>
      %dma_wait3A_225 = arith.constant 0 : i32
      %dma_wait3A_226 = tpu.memref_slice %arg3[%dma_wait3A_225] : memref<33554432xf32, #tpu.memory_space<hbm>> -> memref<33554432xf32, #tpu.memory_space<hbm>>
      tpu.wait_indirect_dma semaphore(%arg9 : memref<!tpu.dma_semaphore, #tpu.memory_space<semaphore_mem>>) src(%dma_wait3A_226 : memref<33554432xf32, #tpu.memory_space<hbm>>) dst(%dma_wait3A_221 : memref<128xf32, #tpu.memory_space<vmem>>)
      %dma_wait3A_227 = arith.constant 0 : i32
      %dma_wait3A_228 = tpu.memref_slice %arg8[%add3A_75, %dma_wait3A_227] : memref<64x128xf32, #tpu.memory_space<vmem>> -> memref<1x128xf32, #tpu.memory_space<vmem>>
      %dma_wait3A_229 = tpu.memref_squeeze %dma_wait3A_228 : memref<1x128xf32, #tpu.memory_space<vmem>> -> memref<128xf32, #tpu.memory_space<vmem>>
      %dma_wait3A_230 = arith.constant 0 : i32
      %dma_wait3A_231 = tpu.memref_slice %arg6[%add3A_75, %dma_wait3A_230] : memref<64x128xi32, #tpu.memory_space<vmem>> -> memref<1x128xi32, #tpu.memory_space<vmem>>
      %dma_wait3A_232 = tpu.memref_squeeze %dma_wait3A_231 : memref<1x128xi32, #tpu.memory_space<vmem>> -> memref<128xi32, #tpu.memory_space<vmem>>
      %dma_wait3A_233 = arith.constant 0 : i32
      %dma_wait3A_234 = tpu.memref_slice %arg4[%dma_wait3A_233] : memref<33554432xf32, #tpu.memory_space<hbm>> -> memref<33554432xf32, #tpu.memory_space<hbm>>
      tpu.wait_indirect_dma semaphore(%arg10 : memref<!tpu.dma_semaphore, #tpu.memory_space<semaphore_mem>>) src(%dma_wait3A_234 : memref<33554432xf32, #tpu.memory_space<hbm>>) dst(%dma_wait3A_229 : memref<128xf32, #tpu.memory_space<vmem>>)
      %dma_wait3A_235 = arith.constant 0 : i32
      %dma_wait3A_236 = tpu.memref_slice %arg7[%add3A_95, %dma_wait3A_235] : memref<64x128xf32, #tpu.memory_space<vmem>> -> memref<1x128xf32, #tpu.memory_space<vmem>>
      %dma_wait3A_237 = tpu.memref_squeeze %dma_wait3A_236 : memref<1x128xf32, #tpu.memory_space<vmem>> -> memref<128xf32, #tpu.memory_space<vmem>>
      %dma_wait3A_238 = arith.constant 0 : i32
      %dma_wait3A_239 = tpu.memref_slice %arg6[%add3A_95, %dma_wait3A_238] : memref<64x128xi32, #tpu.memory_space<vmem>> -> memref<1x128xi32, #tpu.memory_space<vmem>>
      %dma_wait3A_240 = tpu.memref_squeeze %dma_wait3A_239 : memref<1x128xi32, #tpu.memory_space<vmem>> -> memref<128xi32, #tpu.memory_space<vmem>>
      %dma_wait3A_241 = arith.constant 0 : i32
      %dma_wait3A_242 = tpu.memref_slice %arg3[%dma_wait3A_241] : memref<33554432xf32, #tpu.memory_space<hbm>> -> memref<33554432xf32, #tpu.memory_space<hbm>>
      tpu.wait_indirect_dma semaphore(%arg9 : memref<!tpu.dma_semaphore, #tpu.memory_space<semaphore_mem>>) src(%dma_wait3A_242 : memref<33554432xf32, #tpu.memory_space<hbm>>) dst(%dma_wait3A_237 : memref<128xf32, #tpu.memory_space<vmem>>)
      %dma_wait3A_243 = arith.constant 0 : i32
      %dma_wait3A_244 = tpu.memref_slice %arg8[%add3A_95, %dma_wait3A_243] : memref<64x128xf32, #tpu.memory_space<vmem>> -> memref<1x128xf32, #tpu.memory_space<vmem>>
      %dma_wait3A_245 = tpu.memref_squeeze %dma_wait3A_244 : memref<1x128xf32, #tpu.memory_space<vmem>> -> memref<128xf32, #tpu.memory_space<vmem>>
      %dma_wait3A_246 = arith.constant 0 : i32
      %dma_wait3A_247 = tpu.memref_slice %arg6[%add3A_95, %dma_wait3A_246] : memref<64x128xi32, #tpu.memory_space<vmem>> -> memref<1x128xi32, #tpu.memory_space<vmem>>
      %dma_wait3A_248 = tpu.memref_squeeze %dma_wait3A_247 : memref<1x128xi32, #tpu.memory_space<vmem>> -> memref<128xi32, #tpu.memory_space<vmem>>
      %dma_wait3A_249 = arith.constant 0 : i32
      %dma_wait3A_250 = tpu.memref_slice %arg4[%dma_wait3A_249] : memref<33554432xf32, #tpu.memory_space<hbm>> -> memref<33554432xf32, #tpu.memory_space<hbm>>
      tpu.wait_indirect_dma semaphore(%arg10 : memref<!tpu.dma_semaphore, #tpu.memory_space<semaphore_mem>>) src(%dma_wait3A_250 : memref<33554432xf32, #tpu.memory_space<hbm>>) dst(%dma_wait3A_245 : memref<128xf32, #tpu.memory_space<vmem>>)
      %dma_wait3A_251 = arith.constant 0 : i32
      %dma_wait3A_252 = tpu.memref_slice %arg7[%add3A_115, %dma_wait3A_251] : memref<64x128xf32, #tpu.memory_space<vmem>> -> memref<1x128xf32, #tpu.memory_space<vmem>>
      %dma_wait3A_253 = tpu.memref_squeeze %dma_wait3A_252 : memref<1x128xf32, #tpu.memory_space<vmem>> -> memref<128xf32, #tpu.memory_space<vmem>>
      %dma_wait3A_254 = arith.constant 0 : i32
      %dma_wait3A_255 = tpu.memref_slice %arg6[%add3A_115, %dma_wait3A_254] : memref<64x128xi32, #tpu.memory_space<vmem>> -> memref<1x128xi32, #tpu.memory_space<vmem>>
      %dma_wait3A_256 = tpu.memref_squeeze %dma_wait3A_255 : memref<1x128xi32, #tpu.memory_space<vmem>> -> memref<128xi32, #tpu.memory_space<vmem>>
      %dma_wait3A_257 = arith.constant 0 : i32
      %dma_wait3A_258 = tpu.memref_slice %arg3[%dma_wait3A_257] : memref<33554432xf32, #tpu.memory_space<hbm>> -> memref<33554432xf32, #tpu.memory_space<hbm>>
      tpu.wait_indirect_dma semaphore(%arg9 : memref<!tpu.dma_semaphore, #tpu.memory_space<semaphore_mem>>) src(%dma_wait3A_258 : memref<33554432xf32, #tpu.memory_space<hbm>>) dst(%dma_wait3A_253 : memref<128xf32, #tpu.memory_space<vmem>>)
      %dma_wait3A_259 = arith.constant 0 : i32
      %dma_wait3A_260 = tpu.memref_slice %arg8[%add3A_115, %dma_wait3A_259] : memref<64x128xf32, #tpu.memory_space<vmem>> -> memref<1x128xf32, #tpu.memory_space<vmem>>
      %dma_wait3A_261 = tpu.memref_squeeze %dma_wait3A_260 : memref<1x128xf32, #tpu.memory_space<vmem>> -> memref<128xf32, #tpu.memory_space<vmem>>
      %dma_wait3A_262 = arith.constant 0 : i32
      %dma_wait3A_263 = tpu.memref_slice %arg6[%add3A_115, %dma_wait3A_262] : memref<64x128xi32, #tpu.memory_space<vmem>> -> memref<1x128xi32, #tpu.memory_space<vmem>>
      %dma_wait3A_264 = tpu.memref_squeeze %dma_wait3A_263 : memref<1x128xi32, #tpu.memory_space<vmem>> -> memref<128xi32, #tpu.memory_space<vmem>>
      %dma_wait3A_265 = arith.constant 0 : i32
      %dma_wait3A_266 = tpu.memref_slice %arg4[%dma_wait3A_265] : memref<33554432xf32, #tpu.memory_space<hbm>> -> memref<33554432xf32, #tpu.memory_space<hbm>>
      tpu.wait_indirect_dma semaphore(%arg10 : memref<!tpu.dma_semaphore, #tpu.memory_space<semaphore_mem>>) src(%dma_wait3A_266 : memref<33554432xf32, #tpu.memory_space<hbm>>) dst(%dma_wait3A_261 : memref<128xf32, #tpu.memory_space<vmem>>)
      %dma_wait3A_267 = arith.constant 0 : i32
      %dma_wait3A_268 = tpu.memref_slice %arg7[%add3A_135, %dma_wait3A_267] : memref<64x128xf32, #tpu.memory_space<vmem>> -> memref<1x128xf32, #tpu.memory_space<vmem>>
      %dma_wait3A_269 = tpu.memref_squeeze %dma_wait3A_268 : memref<1x128xf32, #tpu.memory_space<vmem>> -> memref<128xf32, #tpu.memory_space<vmem>>
      %dma_wait3A_270 = arith.constant 0 : i32
      %dma_wait3A_271 = tpu.memref_slice %arg6[%add3A_135, %dma_wait3A_270] : memref<64x128xi32, #tpu.memory_space<vmem>> -> memref<1x128xi32, #tpu.memory_space<vmem>>
      %dma_wait3A_272 = tpu.memref_squeeze %dma_wait3A_271 : memref<1x128xi32, #tpu.memory_space<vmem>> -> memref<128xi32, #tpu.memory_space<vmem>>
      %dma_wait3A_273 = arith.constant 0 : i32
      %dma_wait3A_274 = tpu.memref_slice %arg3[%dma_wait3A_273] : memref<33554432xf32, #tpu.memory_space<hbm>> -> memref<33554432xf32, #tpu.memory_space<hbm>>
      tpu.wait_indirect_dma semaphore(%arg9 : memref<!tpu.dma_semaphore, #tpu.memory_space<semaphore_mem>>) src(%dma_wait3A_274 : memref<33554432xf32, #tpu.memory_space<hbm>>) dst(%dma_wait3A_269 : memref<128xf32, #tpu.memory_space<vmem>>)
      %dma_wait3A_275 = arith.constant 0 : i32
      %dma_wait3A_276 = tpu.memref_slice %arg8[%add3A_135, %dma_wait3A_275] : memref<64x128xf32, #tpu.memory_space<vmem>> -> memref<1x128xf32, #tpu.memory_space<vmem>>
      %dma_wait3A_277 = tpu.memref_squeeze %dma_wait3A_276 : memref<1x128xf32, #tpu.memory_space<vmem>> -> memref<128xf32, #tpu.memory_space<vmem>>
      %dma_wait3A_278 = arith.constant 0 : i32
      %dma_wait3A_279 = tpu.memref_slice %arg6[%add3A_135, %dma_wait3A_278] : memref<64x128xi32, #tpu.memory_space<vmem>> -> memref<1x128xi32, #tpu.memory_space<vmem>>
      %dma_wait3A_280 = tpu.memref_squeeze %dma_wait3A_279 : memref<1x128xi32, #tpu.memory_space<vmem>> -> memref<128xi32, #tpu.memory_space<vmem>>
      %dma_wait3A_281 = arith.constant 0 : i32
      %dma_wait3A_282 = tpu.memref_slice %arg4[%dma_wait3A_281] : memref<33554432xf32, #tpu.memory_space<hbm>> -> memref<33554432xf32, #tpu.memory_space<hbm>>
      tpu.wait_indirect_dma semaphore(%arg10 : memref<!tpu.dma_semaphore, #tpu.memory_space<semaphore_mem>>) src(%dma_wait3A_282 : memref<33554432xf32, #tpu.memory_space<hbm>>) dst(%dma_wait3A_277 : memref<128xf32, #tpu.memory_space<vmem>>)
      %dma_wait3A_283 = arith.constant 0 : i32
      %dma_wait3A_284 = tpu.memref_slice %arg7[%add3A_155, %dma_wait3A_283] : memref<64x128xf32, #tpu.memory_space<vmem>> -> memref<1x128xf32, #tpu.memory_space<vmem>>
      %dma_wait3A_285 = tpu.memref_squeeze %dma_wait3A_284 : memref<1x128xf32, #tpu.memory_space<vmem>> -> memref<128xf32, #tpu.memory_space<vmem>>
      %dma_wait3A_286 = arith.constant 0 : i32
      %dma_wait3A_287 = tpu.memref_slice %arg6[%add3A_155, %dma_wait3A_286] : memref<64x128xi32, #tpu.memory_space<vmem>> -> memref<1x128xi32, #tpu.memory_space<vmem>>
      %dma_wait3A_288 = tpu.memref_squeeze %dma_wait3A_287 : memref<1x128xi32, #tpu.memory_space<vmem>> -> memref<128xi32, #tpu.memory_space<vmem>>
      %dma_wait3A_289 = arith.constant 0 : i32
      %dma_wait3A_290 = tpu.memref_slice %arg3[%dma_wait3A_289] : memref<33554432xf32, #tpu.memory_space<hbm>> -> memref<33554432xf32, #tpu.memory_space<hbm>>
      tpu.wait_indirect_dma semaphore(%arg9 : memref<!tpu.dma_semaphore, #tpu.memory_space<semaphore_mem>>) src(%dma_wait3A_290 : memref<33554432xf32, #tpu.memory_space<hbm>>) dst(%dma_wait3A_285 : memref<128xf32, #tpu.memory_space<vmem>>)
      %dma_wait3A_291 = arith.constant 0 : i32
      %dma_wait3A_292 = tpu.memref_slice %arg8[%add3A_155, %dma_wait3A_291] : memref<64x128xf32, #tpu.memory_space<vmem>> -> memref<1x128xf32, #tpu.memory_space<vmem>>
      %dma_wait3A_293 = tpu.memref_squeeze %dma_wait3A_292 : memref<1x128xf32, #tpu.memory_space<vmem>> -> memref<128xf32, #tpu.memory_space<vmem>>
      %dma_wait3A_294 = arith.constant 0 : i32
      %dma_wait3A_295 = tpu.memref_slice %arg6[%add3A_155, %dma_wait3A_294] : memref<64x128xi32, #tpu.memory_space<vmem>> -> memref<1x128xi32, #tpu.memory_space<vmem>>
      %dma_wait3A_296 = tpu.memref_squeeze %dma_wait3A_295 : memref<1x128xi32, #tpu.memory_space<vmem>> -> memref<128xi32, #tpu.memory_space<vmem>>
      %dma_wait3A_297 = arith.constant 0 : i32
      %dma_wait3A_298 = tpu.memref_slice %arg4[%dma_wait3A_297] : memref<33554432xf32, #tpu.memory_space<hbm>> -> memref<33554432xf32, #tpu.memory_space<hbm>>
      tpu.wait_indirect_dma semaphore(%arg10 : memref<!tpu.dma_semaphore, #tpu.memory_space<semaphore_mem>>) src(%dma_wait3A_298 : memref<33554432xf32, #tpu.memory_space<hbm>>) dst(%dma_wait3A_293 : memref<128xf32, #tpu.memory_space<vmem>>)
    }
    %scan3A_5 = arith.constant 8 : i32
    %scan3A_6 = arith.constant 0 : i32
    %scan3A_7 = arith.constant 0 : i32
    %scan3A_8 = arith.constant 64 : i32
    %scan3A_9 = arith.addi %scan3A_7, %scan3A_8 : i32
    %scan3A_10 = arith.constant 1 : i32
    scf.for %scan3A_12 = %scan3A_7 to %scan3A_9 step %scan3A_10  : i32 {
      %get3A = arith.index_cast %scan3A_12 : i32 to index
      %get3A_13 = arith.constant 0 : index
      %get3A_14 = tpu.vector_load %arg7[%get3A, %get3A_13] {strides = array<i32>} : memref<64x128xf32, #tpu.memory_space<vmem>>, vector<16xf32>,
      %get3A_15 = arith.index_cast %scan3A_12 : i32 to index
      %get3A_16 = arith.constant 0 : index
      %get3A_17 = tpu.vector_load %arg8[%get3A_15, %get3A_16] {strides = array<i32>} : memref<64x128xf32, #tpu.memory_space<vmem>>, vector<16xf32>,
      %add3A_18 = arith.addf %get3A_14, %get3A_17 : vector<16xf32>
      %mul3A_19 = arith.constant 5.000000e-01 : f32
      %mul3A_20 = vector.broadcast %mul3A_19 : f32 to vector<16xf32>
      %mul3A_21 = arith.mulf %add3A_18, %mul3A_20 : vector<16xf32>
      %swap3A = arith.index_cast %scan3A_12 : i32 to index
      %swap3A_22 = arith.constant 0 : index
      %swap3A_23 = tpu.vector_load %arg7[%swap3A, %swap3A_22] {strides = array<i32>} : memref<64x128xf32, #tpu.memory_space<vmem>>, vector<16xf32>,
      tpu.vector_store %arg7[%swap3A, %swap3A_22], %mul3A_21 {strides = array<i32>} : memref<64x128xf32, #tpu.memory_space<vmem>>, vector<16xf32>,
      %get3A_24 = arith.index_cast %scan3A_12 : i32 to index
      %get3A_25 = arith.constant 16 : index
      %get3A_26 = tpu.vector_load %arg7[%get3A_24, %get3A_25] {strides = array<i32>} : memref<64x128xf32, #tpu.memory_space<vmem>>, vector<16xf32>,
      %get3A_27 = arith.index_cast %scan3A_12 : i32 to index
      %get3A_28 = arith.constant 16 : index
      %get3A_29 = tpu.vector_load %arg8[%get3A_27, %get3A_28] {strides = array<i32>} : memref<64x128xf32, #tpu.memory_space<vmem>>, vector<16xf32>,
      %add3A_30 = arith.addf %get3A_26, %get3A_29 : vector<16xf32>
      %mul3A_31 = arith.constant 5.000000e-01 : f32
      %mul3A_32 = vector.broadcast %mul3A_31 : f32 to vector<16xf32>
      %mul3A_33 = arith.mulf %add3A_30, %mul3A_32 : vector<16xf32>
      %swap3A_34 = arith.index_cast %scan3A_12 : i32 to index
      %swap3A_35 = arith.constant 16 : index
      %swap3A_36 = tpu.vector_load %arg7[%swap3A_34, %swap3A_35] {strides = array<i32>} : memref<64x128xf32, #tpu.memory_space<vmem>>, vector<16xf32>,
      tpu.vector_store %arg7[%swap3A_34, %swap3A_35], %mul3A_33 {strides = array<i32>} : memref<64x128xf32, #tpu.memory_space<vmem>>, vector<16xf32>,
      %get3A_37 = arith.index_cast %scan3A_12 : i32 to index
      %get3A_38 = arith.constant 32 : index
      %get3A_39 = tpu.vector_load %arg7[%get3A_37, %get3A_38] {strides = array<i32>} : memref<64x128xf32, #tpu.memory_space<vmem>>, vector<16xf32>,
      %get3A_40 = arith.index_cast %scan3A_12 : i32 to index
      %get3A_41 = arith.constant 32 : index
      %get3A_42 = tpu.vector_load %arg8[%get3A_40, %get3A_41] {strides = array<i32>} : memref<64x128xf32, #tpu.memory_space<vmem>>, vector<16xf32>,
      %add3A_43 = arith.addf %get3A_39, %get3A_42 : vector<16xf32>
      %mul3A_44 = arith.constant 5.000000e-01 : f32
      %mul3A_45 = vector.broadcast %mul3A_44 : f32 to vector<16xf32>
      %mul3A_46 = arith.mulf %add3A_43, %mul3A_45 : vector<16xf32>
      %swap3A_47 = arith.index_cast %scan3A_12 : i32 to index
      %swap3A_48 = arith.constant 32 : index
      %swap3A_49 = tpu.vector_load %arg7[%swap3A_47, %swap3A_48] {strides = array<i32>} : memref<64x128xf32, #tpu.memory_space<vmem>>, vector<16xf32>,
      tpu.vector_store %arg7[%swap3A_47, %swap3A_48], %mul3A_46 {strides = array<i32>} : memref<64x128xf32, #tpu.memory_space<vmem>>, vector<16xf32>,
      %get3A_50 = arith.index_cast %scan3A_12 : i32 to index
      %get3A_51 = arith.constant 48 : index
      %get3A_52 = tpu.vector_load %arg7[%get3A_50, %get3A_51] {strides = array<i32>} : memref<64x128xf32, #tpu.memory_space<vmem>>, vector<16xf32>,
      %get3A_53 = arith.index_cast %scan3A_12 : i32 to index
      %get3A_54 = arith.constant 48 : index
      %get3A_55 = tpu.vector_load %arg8[%get3A_53, %get3A_54] {strides = array<i32>} : memref<64x128xf32, #tpu.memory_space<vmem>>, vector<16xf32>,
      %add3A_56 = arith.addf %get3A_52, %get3A_55 : vector<16xf32>
      %mul3A_57 = arith.constant 5.000000e-01 : f32
      %mul3A_58 = vector.broadcast %mul3A_57 : f32 to vector<16xf32>
      %mul3A_59 = arith.mulf %add3A_56, %mul3A_58 : vector<16xf32>
      %swap3A_60 = arith.index_cast %scan3A_12 : i32 to index
      %swap3A_61 = arith.constant 48 : index
      %swap3A_62 = tpu.vector_load %arg7[%swap3A_60, %swap3A_61] {strides = array<i32>} : memref<64x128xf32, #tpu.memory_space<vmem>>, vector<16xf32>,
      tpu.vector_store %arg7[%swap3A_60, %swap3A_61], %mul3A_59 {strides = array<i32>} : memref<64x128xf32, #tpu.memory_space<vmem>>, vector<16xf32>,
      %get3A_63 = arith.index_cast %scan3A_12 : i32 to index
      %get3A_64 = arith.constant 64 : index
      %get3A_65 = tpu.vector_load %arg7[%get3A_63, %get3A_64] {strides = array<i32>} : memref<64x128xf32, #tpu.memory_space<vmem>>, vector<16xf32>,
      %get3A_66 = arith.index_cast %scan3A_12 : i32 to index
      %get3A_67 = arith.constant 64 : index
      %get3A_68 = tpu.vector_load %arg8[%get3A_66, %get3A_67] {strides = array<i32>} : memref<64x128xf32, #tpu.memory_space<vmem>>, vector<16xf32>,
      %add3A_69 = arith.addf %get3A_65, %get3A_68 : vector<16xf32>
      %mul3A_70 = arith.constant 5.000000e-01 : f32
      %mul3A_71 = vector.broadcast %mul3A_70 : f32 to vector<16xf32>
      %mul3A_72 = arith.mulf %add3A_69, %mul3A_71 : vector<16xf32>
      %swap3A_73 = arith.index_cast %scan3A_12 : i32 to index
      %swap3A_74 = arith.constant 64 : index
      %swap3A_75 = tpu.vector_load %arg7[%swap3A_73, %swap3A_74] {strides = array<i32>} : memref<64x128xf32, #tpu.memory_space<vmem>>, vector<16xf32>,
      tpu.vector_store %arg7[%swap3A_73, %swap3A_74], %mul3A_72 {strides = array<i32>} : memref<64x128xf32, #tpu.memory_space<vmem>>, vector<16xf32>,
      %get3A_76 = arith.index_cast %scan3A_12 : i32 to index
      %get3A_77 = arith.constant 80 : index
      %get3A_78 = tpu.vector_load %arg7[%get3A_76, %get3A_77] {strides = array<i32>} : memref<64x128xf32, #tpu.memory_space<vmem>>, vector<16xf32>,
      %get3A_79 = arith.index_cast %scan3A_12 : i32 to index
      %get3A_80 = arith.constant 80 : index
      %get3A_81 = tpu.vector_load %arg8[%get3A_79, %get3A_80] {strides = array<i32>} : memref<64x128xf32, #tpu.memory_space<vmem>>, vector<16xf32>,
      %add3A_82 = arith.addf %get3A_78, %get3A_81 : vector<16xf32>
      %mul3A_83 = arith.constant 5.000000e-01 : f32
      %mul3A_84 = vector.broadcast %mul3A_83 : f32 to vector<16xf32>
      %mul3A_85 = arith.mulf %add3A_82, %mul3A_84 : vector<16xf32>
      %swap3A_86 = arith.index_cast %scan3A_12 : i32 to index
      %swap3A_87 = arith.constant 80 : index
      %swap3A_88 = tpu.vector_load %arg7[%swap3A_86, %swap3A_87] {strides = array<i32>} : memref<64x128xf32, #tpu.memory_space<vmem>>, vector<16xf32>,
      tpu.vector_store %arg7[%swap3A_86, %swap3A_87], %mul3A_85 {strides = array<i32>} : memref<64x128xf32, #tpu.memory_space<vmem>>, vector<16xf32>,
      %get3A_89 = arith.index_cast %scan3A_12 : i32 to index
      %get3A_90 = arith.constant 96 : index
      %get3A_91 = tpu.vector_load %arg7[%get3A_89, %get3A_90] {strides = array<i32>} : memref<64x128xf32, #tpu.memory_space<vmem>>, vector<16xf32>,
      %get3A_92 = arith.index_cast %scan3A_12 : i32 to index
      %get3A_93 = arith.constant 96 : index
      %get3A_94 = tpu.vector_load %arg8[%get3A_92, %get3A_93] {strides = array<i32>} : memref<64x128xf32, #tpu.memory_space<vmem>>, vector<16xf32>,
      %add3A_95 = arith.addf %get3A_91, %get3A_94 : vector<16xf32>
      %mul3A_96 = arith.constant 5.000000e-01 : f32
      %mul3A_97 = vector.broadcast %mul3A_96 : f32 to vector<16xf32>
      %mul3A_98 = arith.mulf %add3A_95, %mul3A_97 : vector<16xf32>
      %swap3A_99 = arith.index_cast %scan3A_12 : i32 to index
      %swap3A_100 = arith.constant 96 : index
      %swap3A_101 = tpu.vector_load %arg7[%swap3A_99, %swap3A_100] {strides = array<i32>} : memref<64x128xf32, #tpu.memory_space<vmem>>, vector<16xf32>,
      tpu.vector_store %arg7[%swap3A_99, %swap3A_100], %mul3A_98 {strides = array<i32>} : memref<64x128xf32, #tpu.memory_space<vmem>>, vector<16xf32>,
      %get3A_102 = arith.index_cast %scan3A_12 : i32 to index
      %get3A_103 = arith.constant 112 : index
      %get3A_104 = tpu.vector_load %arg7[%get3A_102, %get3A_103] {strides = array<i32>} : memref<64x128xf32, #tpu.memory_space<vmem>>, vector<16xf32>,
      %get3A_105 = arith.index_cast %scan3A_12 : i32 to index
      %get3A_106 = arith.constant 112 : index
      %get3A_107 = tpu.vector_load %arg8[%get3A_105, %get3A_106] {strides = array<i32>} : memref<64x128xf32, #tpu.memory_space<vmem>>, vector<16xf32>,
      %add3A_108 = arith.addf %get3A_104, %get3A_107 : vector<16xf32>
      %mul3A_109 = arith.constant 5.000000e-01 : f32
      %mul3A_110 = vector.broadcast %mul3A_109 : f32 to vector<16xf32>
      %mul3A_111 = arith.mulf %add3A_108, %mul3A_110 : vector<16xf32>
      %swap3A_112 = arith.index_cast %scan3A_12 : i32 to index
      %swap3A_113 = arith.constant 112 : index
      %swap3A_114 = tpu.vector_load %arg7[%swap3A_112, %swap3A_113] {strides = array<i32>} : memref<64x128xf32, #tpu.memory_space<vmem>>, vector<16xf32>,
      tpu.vector_store %arg7[%swap3A_112, %swap3A_113], %mul3A_111 {strides = array<i32>} : memref<64x128xf32, #tpu.memory_space<vmem>>, vector<16xf32>,
    }
    %scan3A_11 = arith.constant 64 : i32
    "tpu.region"() ({
      %run_scoped3A = tpu.sem_alloc : memref<!tpu.dma_semaphore, #tpu.memory_space<semaphore_mem>>
      %dma_start3A = arith.constant 0 : i32
      %dma_start3A_12 = arith.constant 0 : i32
      %dma_start3A_13 = tpu.memref_slice %arg5[%add3A, %dma_start3A, %dma_start3A_12] : memref<32x64x128xf32, #tpu.memory_space<hbm>> -> memref<1x64x128xf32, #tpu.memory_space<hbm>>
      %dma_start3A_14 = tpu.memref_squeeze %dma_start3A_13 : memref<1x64x128xf32, #tpu.memory_space<hbm>> -> memref<64x128xf32, #tpu.memory_space<hbm>>
      %dma_start3A_15 = arith.constant 0 : i32
      %dma_start3A_16 = arith.constant 0 : i32
      %dma_start3A_17 = tpu.memref_slice %arg5[%add3A, %dma_start3A_15, %dma_start3A_16] : memref<32x64x128xf32, #tpu.memory_space<hbm>> -> memref<1x64x128xf32, #tpu.memory_space<hbm>>
      %dma_start3A_18 = tpu.memref_squeeze %dma_start3A_17 : memref<1x64x128xf32, #tpu.memory_space<hbm>> -> memref<64x128xf32, #tpu.memory_space<hbm>>
      tpu.enqueue_dma source(%arg7 : memref<64x128xf32, #tpu.memory_space<vmem>>) target(%dma_start3A_18 : memref<64x128xf32, #tpu.memory_space<hbm>>) target_semaphore(%run_scoped3A : memref<!tpu.dma_semaphore, #tpu.memory_space<semaphore_mem>>)
      %dma_wait3A = arith.constant 0 : i32
      %dma_wait3A_19 = arith.constant 0 : i32
      %dma_wait3A_20 = tpu.memref_slice %arg5[%add3A, %dma_wait3A, %dma_wait3A_19] : memref<32x64x128xf32, #tpu.memory_space<hbm>> -> memref<1x64x128xf32, #tpu.memory_space<hbm>>
      %dma_wait3A_21 = tpu.memref_squeeze %dma_wait3A_20 : memref<1x64x128xf32, #tpu.memory_space<hbm>> -> memref<64x128xf32, #tpu.memory_space<hbm>>
      %dma_wait3A_22 = arith.constant 0 : i32
      %dma_wait3A_23 = arith.constant 0 : i32
      %dma_wait3A_24 = tpu.memref_slice %arg5[%add3A, %dma_wait3A_22, %dma_wait3A_23] : memref<32x64x128xf32, #tpu.memory_space<hbm>> -> memref<1x64x128xf32, #tpu.memory_space<hbm>>
      %dma_wait3A_25 = tpu.memref_squeeze %dma_wait3A_24 : memref<1x64x128xf32, #tpu.memory_space<hbm>> -> memref<64x128xf32, #tpu.memory_space<hbm>>
      tpu.wait_dma2 semaphore(%run_scoped3A : memref<!tpu.dma_semaphore, #tpu.memory_space<semaphore_mem>>) src(%arg7 : memref<64x128xf32, #tpu.memory_space<vmem>>) dst(%dma_wait3A_25 : memref<64x128xf32, #tpu.memory_space<hbm>>)
      tpu.yield
    }) : () -> ()
    return
  }
}

#map = affine_map<(d0, d1) -> (0, 0)>
#map1 = affine_map<(d0, d1) -> (0)>
#map2 = affine_map<(d0, d1) -> (0, 0, 0)>
module attributes {stable_mosaic.version = 14 : i64} {
  func.func @fused_kernel(%arg0: i32, %arg1: i32, %arg2: memref<262144x128xf32, #tpu.memory_space<hbm>>, %arg3: memref<33554432xf32, #tpu.memory_space<hbm>>, %arg4: memref<33554432xf32, #tpu.memory_space<hbm>>, %arg5: memref<32x64x128xf32, #tpu.memory_space<hbm>>, %arg6: memref<32x16xi32, #tpu.memory_space<hbm>>, %arg7: memref<4x128x128xf32, #tpu.memory_space<vmem>>, %arg8: memref<64x128xi32, #tpu.memory_space<vmem>>, %arg9: memref<64x128xf32, #tpu.memory_space<vmem>>, %arg10: memref<64x128xf32, #tpu.memory_space<vmem>>, %arg11: memref<16xi32, #tpu.memory_space<vmem>>, %arg12: memref<4x!tpu.dma_semaphore, #tpu.memory_space<semaphore_mem>>, %arg13: memref<8x!tpu.dma_semaphore, #tpu.memory_space<semaphore_mem>>, %arg14: memref<8x!tpu.dma_semaphore, #tpu.memory_space<semaphore_mem>>) attributes {dimension_semantics = [#tpu.dimension_semantics<core_parallel>, #tpu.dimension_semantics<subcore_parallel>], iteration_bounds = array<i64: 2, 16>, scalar_prefetch = 0 : i64, scratch_operands = 8 : i64, tpu.core_type = #tpu.core_type<sc_vector_subcore>, window_params = [{transform_indices = #map}, {transform_indices = #map1}, {transform_indices = #map1}, {transform_indices = #map2}, {transform_indices = #map}]} {
    %mul3A = arith.constant 2 : i32
    %mul3A_0 = arith.muli %arg1, %mul3A : i32
    %add3A = arith.addi %mul3A_0, %arg0 : i32
    %mul3A_1 = arith.constant 8192 : i32
    %mul3A_2 = arith.muli %add3A, %mul3A_1 : i32
    %iota3A = tpu.iota {dimensions = array<i32: 0>} : vector<16xi32>
    %add3A_3 = arith.constant 0 : i32
    %add3A_4 = arith.addi %mul3A_2, %add3A_3 : i32
    %dma_start3A = arith.constant 0 : i32
    %dma_start3A_5 = arith.constant 0 : i32
    %dma_start3A_6 = arith.constant 0 : i32
    %dma_start3A_7 = arith.constant 0 : i32
    %dma_start3A_8 = tpu.memref_slice %arg7[%dma_start3A, %dma_start3A_6, %dma_start3A_7] : memref<4x128x128xf32, #tpu.memory_space<vmem>> -> memref<1x128x128xf32, #tpu.memory_space<vmem>>
    %dma_start3A_9 = tpu.memref_squeeze %dma_start3A_8 : memref<1x128x128xf32, #tpu.memory_space<vmem>> -> memref<128x128xf32, #tpu.memory_space<vmem>>
    %dma_start3A_10 = arith.constant 0 : i32
    %dma_start3A_11 = tpu.memref_slice %arg2[%add3A_4, %dma_start3A_10] : memref<262144x128xf32, #tpu.memory_space<hbm>> -> memref<128x128xf32, #tpu.memory_space<hbm>>
    %dma_start3A_12 = tpu.memref_slice %arg12[%dma_start3A_5] : memref<4x!tpu.dma_semaphore, #tpu.memory_space<semaphore_mem>> -> memref<1x!tpu.dma_semaphore, #tpu.memory_space<semaphore_mem>>
    %dma_start3A_13 = tpu.memref_squeeze %dma_start3A_12 : memref<1x!tpu.dma_semaphore, #tpu.memory_space<semaphore_mem>> -> memref<!tpu.dma_semaphore, #tpu.memory_space<semaphore_mem>>
    %dma_start3A_14 = arith.constant 0 : i32
    %dma_start3A_15 = arith.constant 0 : i32
    %dma_start3A_16 = tpu.memref_slice %arg7[%dma_start3A, %dma_start3A_14, %dma_start3A_15] : memref<4x128x128xf32, #tpu.memory_space<vmem>> -> memref<1x128x128xf32, #tpu.memory_space<vmem>>
    %dma_start3A_17 = tpu.memref_squeeze %dma_start3A_16 : memref<1x128x128xf32, #tpu.memory_space<vmem>> -> memref<128x128xf32, #tpu.memory_space<vmem>>
    %dma_start3A_18 = arith.constant 0 : i32
    %dma_start3A_19 = tpu.memref_slice %arg2[%add3A_4, %dma_start3A_18] : memref<262144x128xf32, #tpu.memory_space<hbm>> -> memref<128x128xf32, #tpu.memory_space<hbm>>
    tpu.enqueue_dma source(%dma_start3A_19 : memref<128x128xf32, #tpu.memory_space<hbm>>) target(%dma_start3A_17 : memref<128x128xf32, #tpu.memory_space<vmem>>) target_semaphore(%dma_start3A_13 : memref<!tpu.dma_semaphore, #tpu.memory_space<semaphore_mem>>)
    %add3A_20 = arith.constant 128 : i32
    %add3A_21 = arith.addi %mul3A_2, %add3A_20 : i32
    %dma_start3A_22 = arith.constant 1 : i32
    %dma_start3A_23 = arith.constant 1 : i32
    %dma_start3A_24 = arith.constant 0 : i32
    %dma_start3A_25 = arith.constant 0 : i32
    %dma_start3A_26 = tpu.memref_slice %arg7[%dma_start3A_22, %dma_start3A_24, %dma_start3A_25] : memref<4x128x128xf32, #tpu.memory_space<vmem>> -> memref<1x128x128xf32, #tpu.memory_space<vmem>>
    %dma_start3A_27 = tpu.memref_squeeze %dma_start3A_26 : memref<1x128x128xf32, #tpu.memory_space<vmem>> -> memref<128x128xf32, #tpu.memory_space<vmem>>
    %dma_start3A_28 = arith.constant 0 : i32
    %dma_start3A_29 = tpu.memref_slice %arg2[%add3A_21, %dma_start3A_28] : memref<262144x128xf32, #tpu.memory_space<hbm>> -> memref<128x128xf32, #tpu.memory_space<hbm>>
    %dma_start3A_30 = tpu.memref_slice %arg12[%dma_start3A_23] : memref<4x!tpu.dma_semaphore, #tpu.memory_space<semaphore_mem>> -> memref<1x!tpu.dma_semaphore, #tpu.memory_space<semaphore_mem>>
    %dma_start3A_31 = tpu.memref_squeeze %dma_start3A_30 : memref<1x!tpu.dma_semaphore, #tpu.memory_space<semaphore_mem>> -> memref<!tpu.dma_semaphore, #tpu.memory_space<semaphore_mem>>
    %dma_start3A_32 = arith.constant 0 : i32
    %dma_start3A_33 = arith.constant 0 : i32
    %dma_start3A_34 = tpu.memref_slice %arg7[%dma_start3A_22, %dma_start3A_32, %dma_start3A_33] : memref<4x128x128xf32, #tpu.memory_space<vmem>> -> memref<1x128x128xf32, #tpu.memory_space<vmem>>
    %dma_start3A_35 = tpu.memref_squeeze %dma_start3A_34 : memref<1x128x128xf32, #tpu.memory_space<vmem>> -> memref<128x128xf32, #tpu.memory_space<vmem>>
    %dma_start3A_36 = arith.constant 0 : i32
    %dma_start3A_37 = tpu.memref_slice %arg2[%add3A_21, %dma_start3A_36] : memref<262144x128xf32, #tpu.memory_space<hbm>> -> memref<128x128xf32, #tpu.memory_space<hbm>>
    tpu.enqueue_dma source(%dma_start3A_37 : memref<128x128xf32, #tpu.memory_space<hbm>>) target(%dma_start3A_35 : memref<128x128xf32, #tpu.memory_space<vmem>>) target_semaphore(%dma_start3A_31 : memref<!tpu.dma_semaphore, #tpu.memory_space<semaphore_mem>>)
    %add3A_38 = arith.constant 256 : i32
    %add3A_39 = arith.addi %mul3A_2, %add3A_38 : i32
    %dma_start3A_40 = arith.constant 2 : i32
    %dma_start3A_41 = arith.constant 2 : i32
    %dma_start3A_42 = arith.constant 0 : i32
    %dma_start3A_43 = arith.constant 0 : i32
    %dma_start3A_44 = tpu.memref_slice %arg7[%dma_start3A_40, %dma_start3A_42, %dma_start3A_43] : memref<4x128x128xf32, #tpu.memory_space<vmem>> -> memref<1x128x128xf32, #tpu.memory_space<vmem>>
    %dma_start3A_45 = tpu.memref_squeeze %dma_start3A_44 : memref<1x128x128xf32, #tpu.memory_space<vmem>> -> memref<128x128xf32, #tpu.memory_space<vmem>>
    %dma_start3A_46 = arith.constant 0 : i32
    %dma_start3A_47 = tpu.memref_slice %arg2[%add3A_39, %dma_start3A_46] : memref<262144x128xf32, #tpu.memory_space<hbm>> -> memref<128x128xf32, #tpu.memory_space<hbm>>
    %dma_start3A_48 = tpu.memref_slice %arg12[%dma_start3A_41] : memref<4x!tpu.dma_semaphore, #tpu.memory_space<semaphore_mem>> -> memref<1x!tpu.dma_semaphore, #tpu.memory_space<semaphore_mem>>
    %dma_start3A_49 = tpu.memref_squeeze %dma_start3A_48 : memref<1x!tpu.dma_semaphore, #tpu.memory_space<semaphore_mem>> -> memref<!tpu.dma_semaphore, #tpu.memory_space<semaphore_mem>>
    %dma_start3A_50 = arith.constant 0 : i32
    %dma_start3A_51 = arith.constant 0 : i32
    %dma_start3A_52 = tpu.memref_slice %arg7[%dma_start3A_40, %dma_start3A_50, %dma_start3A_51] : memref<4x128x128xf32, #tpu.memory_space<vmem>> -> memref<1x128x128xf32, #tpu.memory_space<vmem>>
    %dma_start3A_53 = tpu.memref_squeeze %dma_start3A_52 : memref<1x128x128xf32, #tpu.memory_space<vmem>> -> memref<128x128xf32, #tpu.memory_space<vmem>>
    %dma_start3A_54 = arith.constant 0 : i32
    %dma_start3A_55 = tpu.memref_slice %arg2[%add3A_39, %dma_start3A_54] : memref<262144x128xf32, #tpu.memory_space<hbm>> -> memref<128x128xf32, #tpu.memory_space<hbm>>
    tpu.enqueue_dma source(%dma_start3A_55 : memref<128x128xf32, #tpu.memory_space<hbm>>) target(%dma_start3A_53 : memref<128x128xf32, #tpu.memory_space<vmem>>) target_semaphore(%dma_start3A_49 : memref<!tpu.dma_semaphore, #tpu.memory_space<semaphore_mem>>)
    %add3A_56 = arith.constant 384 : i32
    %add3A_57 = arith.addi %mul3A_2, %add3A_56 : i32
    %dma_start3A_58 = arith.constant 3 : i32
    %dma_start3A_59 = arith.constant 3 : i32
    %dma_start3A_60 = arith.constant 0 : i32
    %dma_start3A_61 = arith.constant 0 : i32
    %dma_start3A_62 = tpu.memref_slice %arg7[%dma_start3A_58, %dma_start3A_60, %dma_start3A_61] : memref<4x128x128xf32, #tpu.memory_space<vmem>> -> memref<1x128x128xf32, #tpu.memory_space<vmem>>
    %dma_start3A_63 = tpu.memref_squeeze %dma_start3A_62 : memref<1x128x128xf32, #tpu.memory_space<vmem>> -> memref<128x128xf32, #tpu.memory_space<vmem>>
    %dma_start3A_64 = arith.constant 0 : i32
    %dma_start3A_65 = tpu.memref_slice %arg2[%add3A_57, %dma_start3A_64] : memref<262144x128xf32, #tpu.memory_space<hbm>> -> memref<128x128xf32, #tpu.memory_space<hbm>>
    %dma_start3A_66 = tpu.memref_slice %arg12[%dma_start3A_59] : memref<4x!tpu.dma_semaphore, #tpu.memory_space<semaphore_mem>> -> memref<1x!tpu.dma_semaphore, #tpu.memory_space<semaphore_mem>>
    %dma_start3A_67 = tpu.memref_squeeze %dma_start3A_66 : memref<1x!tpu.dma_semaphore, #tpu.memory_space<semaphore_mem>> -> memref<!tpu.dma_semaphore, #tpu.memory_space<semaphore_mem>>
    %dma_start3A_68 = arith.constant 0 : i32
    %dma_start3A_69 = arith.constant 0 : i32
    %dma_start3A_70 = tpu.memref_slice %arg7[%dma_start3A_58, %dma_start3A_68, %dma_start3A_69] : memref<4x128x128xf32, #tpu.memory_space<vmem>> -> memref<1x128x128xf32, #tpu.memory_space<vmem>>
    %dma_start3A_71 = tpu.memref_squeeze %dma_start3A_70 : memref<1x128x128xf32, #tpu.memory_space<vmem>> -> memref<128x128xf32, #tpu.memory_space<vmem>>
    %dma_start3A_72 = arith.constant 0 : i32
    %dma_start3A_73 = tpu.memref_slice %arg2[%add3A_57, %dma_start3A_72] : memref<262144x128xf32, #tpu.memory_space<hbm>> -> memref<128x128xf32, #tpu.memory_space<hbm>>
    tpu.enqueue_dma source(%dma_start3A_73 : memref<128x128xf32, #tpu.memory_space<hbm>>) target(%dma_start3A_71 : memref<128x128xf32, #tpu.memory_space<vmem>>) target_semaphore(%dma_start3A_67 : memref<!tpu.dma_semaphore, #tpu.memory_space<semaphore_mem>>)
    %broadcast_in_dim3A = arith.constant 0 : i32
    %broadcast_in_dim3A_74 = vector.broadcast %broadcast_in_dim3A : i32 to vector<16xi32>
    %scan3A = arith.constant 0 : i32
    %scan3A_75 = arith.constant 64 : i32
    %scan3A_76 = arith.addi %scan3A, %scan3A_75 : i32
    %scan3A_77 = arith.constant 1 : i32
    %scan3A_78 = scf.for %scan3A_87 = %scan3A to %scan3A_76 step %scan3A_77 iter_args(%scan3A_88 = %broadcast_in_dim3A_74) -> (vector<16xi32>)  : i32 {
      %jit3A = arith.constant 4 : i32
      %eq3A = arith.constant 0 : i32
      %eq3A_89 = arith.cmpi eq, %jit3A, %eq3A : i32
      %jit3A_90 = arith.constant 1 : i32
      %select_n3A = arith.select %eq3A_89, %jit3A_90, %jit3A : i32
      %rem3A = arith.remsi %scan3A_87, %select_n3A : i32
      %ne3A = arith.constant 0 : i32
      %ne3A_91 = arith.cmpi ne, %rem3A, %ne3A : i32
      %lt3A = arith.constant 0 : i32
      %lt3A_92 = arith.cmpi slt, %rem3A, %lt3A : i32
      %lt3A_93 = arith.constant 0 : i32
      %lt3A_94 = arith.cmpi slt, %select_n3A, %lt3A_93 : i32
      %ne3A_95 = arith.xori %lt3A_92, %lt3A_94 : i1
      %and3A = arith.andi %ne3A_95, %ne3A_91 : i1
      %add3A_96 = arith.addi %rem3A, %select_n3A : i32
      %select_n3A_97 = arith.select %and3A, %add3A_96, %rem3A : i32
      %mul3A_98 = arith.constant 128 : i32
      %mul3A_99 = arith.muli %scan3A_87, %mul3A_98 : i32
      %add3A_100 = arith.addi %mul3A_2, %mul3A_99 : i32
      %dma_wait3A = arith.constant 0 : i32
      %dma_wait3A_101 = arith.constant 0 : i32
      %dma_wait3A_102 = tpu.memref_slice %arg7[%select_n3A_97, %dma_wait3A, %dma_wait3A_101] : memref<4x128x128xf32, #tpu.memory_space<vmem>> -> memref<1x128x128xf32, #tpu.memory_space<vmem>>
      %dma_wait3A_103 = tpu.memref_squeeze %dma_wait3A_102 : memref<1x128x128xf32, #tpu.memory_space<vmem>> -> memref<128x128xf32, #tpu.memory_space<vmem>>
      %dma_wait3A_104 = arith.constant 0 : i32
      %dma_wait3A_105 = tpu.memref_slice %arg2[%add3A_100, %dma_wait3A_104] : memref<262144x128xf32, #tpu.memory_space<hbm>> -> memref<128x128xf32, #tpu.memory_space<hbm>>
      %dma_wait3A_106 = tpu.memref_slice %arg12[%select_n3A_97] : memref<4x!tpu.dma_semaphore, #tpu.memory_space<semaphore_mem>> -> memref<1x!tpu.dma_semaphore, #tpu.memory_space<semaphore_mem>>
      %dma_wait3A_107 = tpu.memref_squeeze %dma_wait3A_106 : memref<1x!tpu.dma_semaphore, #tpu.memory_space<semaphore_mem>> -> memref<!tpu.dma_semaphore, #tpu.memory_space<semaphore_mem>>
      %dma_wait3A_108 = arith.constant 0 : i32
      %dma_wait3A_109 = arith.constant 0 : i32
      %dma_wait3A_110 = tpu.memref_slice %arg7[%select_n3A_97, %dma_wait3A_108, %dma_wait3A_109] : memref<4x128x128xf32, #tpu.memory_space<vmem>> -> memref<1x128x128xf32, #tpu.memory_space<vmem>>
      %dma_wait3A_111 = tpu.memref_squeeze %dma_wait3A_110 : memref<1x128x128xf32, #tpu.memory_space<vmem>> -> memref<128x128xf32, #tpu.memory_space<vmem>>
      %dma_wait3A_112 = arith.constant 0 : i32
      %dma_wait3A_113 = tpu.memref_slice %arg2[%add3A_100, %dma_wait3A_112] : memref<262144x128xf32, #tpu.memory_space<hbm>> -> memref<128x128xf32, #tpu.memory_space<hbm>>
      tpu.wait_dma2 semaphore(%dma_wait3A_107 : memref<!tpu.dma_semaphore, #tpu.memory_space<semaphore_mem>>) src(%dma_wait3A_113 : memref<128x128xf32, #tpu.memory_space<hbm>>) dst(%dma_wait3A_111 : memref<128x128xf32, #tpu.memory_space<vmem>>)
      %mul3A_114 = arith.constant 128 : i32
      %mul3A_115 = arith.muli %scan3A_87, %mul3A_114 : i32
      %add3A_116 = arith.addi %mul3A_2, %mul3A_115 : i32
      %add3A_117 = arith.constant 0 : i32
      %add3A_118 = arith.addi %add3A_116, %add3A_117 : i32
      %add3A_119 = vector.broadcast %add3A_118 : i32 to vector<16xi32>
      %add3A_120 = arith.addi %add3A_119, %iota3A : vector<16xi32>
      %mul3A_121 = arith.constant 128 : i32
      %mul3A_122 = vector.broadcast %mul3A_121 : i32 to vector<16xi32>
      %mul3A_123 = arith.muli %add3A_120, %mul3A_122 : vector<16xi32>
      %broadcast_in_dim3A_124 = arith.constant 0 : i32
      %broadcast_in_dim3A_125 = vector.broadcast %broadcast_in_dim3A_124 : i32 to vector<16xi32>
      %get3A = arith.constant 0 : i32
      %get3A_126 = arith.index_cast %select_n3A_97 : i32 to index
      %get3A_127 = arith.index_cast %get3A : i32 to index
      %get3A_128 = arith.constant 0 : index
      %get3A_129 = tpu.vector_load %arg7[%get3A_126, %get3A_127, %get3A_128] {strides = array<i32>} : memref<4x128x128xf32, #tpu.memory_space<vmem>>, vector<16xf32>,
      %cumsum3A = arith.constant true
      %cumsum3A_130 = vector.broadcast %cumsum3A : i1 to vector<16xi1>
      %cumsum3A_131 = tpu.scan <sum>, %get3A_129 masked %cumsum3A_130 : vector<16xf32>, vector<16xi1> -> vector<16xf32>
      %lt3A_132 = arith.constant 5.000000e-01 : f32
      %lt3A_133 = vector.broadcast %lt3A_132 : f32 to vector<16xf32>
      %lt3A_134 = arith.cmpf olt, %cumsum3A_131, %lt3A_133 : vector<16xf32>
      %all_reduce_population_count3A = tpu.all_reduce %lt3A_134 {dim = 0 : i64, kind = #tpu.reduction_kind<sum>} : vector<16xi1> -> vector<16xi32>
      %eq3A_135 = arith.constant 0 : i32
      %eq3A_136 = vector.broadcast %eq3A_135 : i32 to vector<16xi32>
      %eq3A_137 = arith.cmpi eq, %iota3A, %eq3A_136 : vector<16xi32>
      %select_n3A_138 = arith.select %eq3A_137, %all_reduce_population_count3A, %broadcast_in_dim3A_125 : vector<16xi1>, vector<16xi32>
      %get3A_139 = arith.constant 1 : i32
      %get3A_140 = arith.index_cast %select_n3A_97 : i32 to index
      %get3A_141 = arith.index_cast %get3A_139 : i32 to index
      %get3A_142 = arith.constant 0 : index
      %get3A_143 = tpu.vector_load %arg7[%get3A_140, %get3A_141, %get3A_142] {strides = array<i32>} : memref<4x128x128xf32, #tpu.memory_space<vmem>>, vector<16xf32>,
      %cumsum3A_144 = arith.constant true
      %cumsum3A_145 = vector.broadcast %cumsum3A_144 : i1 to vector<16xi1>
      %cumsum3A_146 = tpu.scan <sum>, %get3A_143 masked %cumsum3A_145 : vector<16xf32>, vector<16xi1> -> vector<16xf32>
      %lt3A_147 = arith.constant 5.000000e-01 : f32
      %lt3A_148 = vector.broadcast %lt3A_147 : f32 to vector<16xf32>
      %lt3A_149 = arith.cmpf olt, %cumsum3A_146, %lt3A_148 : vector<16xf32>
      %all_reduce_population_count3A_150 = tpu.all_reduce %lt3A_149 {dim = 0 : i64, kind = #tpu.reduction_kind<sum>} : vector<16xi1> -> vector<16xi32>
      %eq3A_151 = arith.constant 1 : i32
      %eq3A_152 = vector.broadcast %eq3A_151 : i32 to vector<16xi32>
      %eq3A_153 = arith.cmpi eq, %iota3A, %eq3A_152 : vector<16xi32>
      %select_n3A_154 = arith.select %eq3A_153, %all_reduce_population_count3A_150, %select_n3A_138 : vector<16xi1>, vector<16xi32>
      %get3A_155 = arith.constant 2 : i32
      %get3A_156 = arith.index_cast %select_n3A_97 : i32 to index
      %get3A_157 = arith.index_cast %get3A_155 : i32 to index
      %get3A_158 = arith.constant 0 : index
      %get3A_159 = tpu.vector_load %arg7[%get3A_156, %get3A_157, %get3A_158] {strides = array<i32>} : memref<4x128x128xf32, #tpu.memory_space<vmem>>, vector<16xf32>,
      %cumsum3A_160 = arith.constant true
      %cumsum3A_161 = vector.broadcast %cumsum3A_160 : i1 to vector<16xi1>
      %cumsum3A_162 = tpu.scan <sum>, %get3A_159 masked %cumsum3A_161 : vector<16xf32>, vector<16xi1> -> vector<16xf32>
      %lt3A_163 = arith.constant 5.000000e-01 : f32
      %lt3A_164 = vector.broadcast %lt3A_163 : f32 to vector<16xf32>
      %lt3A_165 = arith.cmpf olt, %cumsum3A_162, %lt3A_164 : vector<16xf32>
      %all_reduce_population_count3A_166 = tpu.all_reduce %lt3A_165 {dim = 0 : i64, kind = #tpu.reduction_kind<sum>} : vector<16xi1> -> vector<16xi32>
      %eq3A_167 = arith.constant 2 : i32
      %eq3A_168 = vector.broadcast %eq3A_167 : i32 to vector<16xi32>
      %eq3A_169 = arith.cmpi eq, %iota3A, %eq3A_168 : vector<16xi32>
      %select_n3A_170 = arith.select %eq3A_169, %all_reduce_population_count3A_166, %select_n3A_154 : vector<16xi1>, vector<16xi32>
      %get3A_171 = arith.constant 3 : i32
      %get3A_172 = arith.index_cast %select_n3A_97 : i32 to index
      %get3A_173 = arith.index_cast %get3A_171 : i32 to index
      %get3A_174 = arith.constant 0 : index
      %get3A_175 = tpu.vector_load %arg7[%get3A_172, %get3A_173, %get3A_174] {strides = array<i32>} : memref<4x128x128xf32, #tpu.memory_space<vmem>>, vector<16xf32>,
      %cumsum3A_176 = arith.constant true
      %cumsum3A_177 = vector.broadcast %cumsum3A_176 : i1 to vector<16xi1>
      %cumsum3A_178 = tpu.scan <sum>, %get3A_175 masked %cumsum3A_177 : vector<16xf32>, vector<16xi1> -> vector<16xf32>
      %lt3A_179 = arith.constant 5.000000e-01 : f32
      %lt3A_180 = vector.broadcast %lt3A_179 : f32 to vector<16xf32>
      %lt3A_181 = arith.cmpf olt, %cumsum3A_178, %lt3A_180 : vector<16xf32>
      %all_reduce_population_count3A_182 = tpu.all_reduce %lt3A_181 {dim = 0 : i64, kind = #tpu.reduction_kind<sum>} : vector<16xi1> -> vector<16xi32>
      %eq3A_183 = arith.constant 3 : i32
      %eq3A_184 = vector.broadcast %eq3A_183 : i32 to vector<16xi32>
      %eq3A_185 = arith.cmpi eq, %iota3A, %eq3A_184 : vector<16xi32>
      %select_n3A_186 = arith.select %eq3A_185, %all_reduce_population_count3A_182, %select_n3A_170 : vector<16xi1>, vector<16xi32>
      %get3A_187 = arith.constant 4 : i32
      %get3A_188 = arith.index_cast %select_n3A_97 : i32 to index
      %get3A_189 = arith.index_cast %get3A_187 : i32 to index
      %get3A_190 = arith.constant 0 : index
      %get3A_191 = tpu.vector_load %arg7[%get3A_188, %get3A_189, %get3A_190] {strides = array<i32>} : memref<4x128x128xf32, #tpu.memory_space<vmem>>, vector<16xf32>,
      %cumsum3A_192 = arith.constant true
      %cumsum3A_193 = vector.broadcast %cumsum3A_192 : i1 to vector<16xi1>
      %cumsum3A_194 = tpu.scan <sum>, %get3A_191 masked %cumsum3A_193 : vector<16xf32>, vector<16xi1> -> vector<16xf32>
      %lt3A_195 = arith.constant 5.000000e-01 : f32
      %lt3A_196 = vector.broadcast %lt3A_195 : f32 to vector<16xf32>
      %lt3A_197 = arith.cmpf olt, %cumsum3A_194, %lt3A_196 : vector<16xf32>
      %all_reduce_population_count3A_198 = tpu.all_reduce %lt3A_197 {dim = 0 : i64, kind = #tpu.reduction_kind<sum>} : vector<16xi1> -> vector<16xi32>
      %eq3A_199 = arith.constant 4 : i32
      %eq3A_200 = vector.broadcast %eq3A_199 : i32 to vector<16xi32>
      %eq3A_201 = arith.cmpi eq, %iota3A, %eq3A_200 : vector<16xi32>
      %select_n3A_202 = arith.select %eq3A_201, %all_reduce_population_count3A_198, %select_n3A_186 : vector<16xi1>, vector<16xi32>
      %get3A_203 = arith.constant 5 : i32
      %get3A_204 = arith.index_cast %select_n3A_97 : i32 to index
      %get3A_205 = arith.index_cast %get3A_203 : i32 to index
      %get3A_206 = arith.constant 0 : index
      %get3A_207 = tpu.vector_load %arg7[%get3A_204, %get3A_205, %get3A_206] {strides = array<i32>} : memref<4x128x128xf32, #tpu.memory_space<vmem>>, vector<16xf32>,
      %cumsum3A_208 = arith.constant true
      %cumsum3A_209 = vector.broadcast %cumsum3A_208 : i1 to vector<16xi1>
      %cumsum3A_210 = tpu.scan <sum>, %get3A_207 masked %cumsum3A_209 : vector<16xf32>, vector<16xi1> -> vector<16xf32>
      %lt3A_211 = arith.constant 5.000000e-01 : f32
      %lt3A_212 = vector.broadcast %lt3A_211 : f32 to vector<16xf32>
      %lt3A_213 = arith.cmpf olt, %cumsum3A_210, %lt3A_212 : vector<16xf32>
      %all_reduce_population_count3A_214 = tpu.all_reduce %lt3A_213 {dim = 0 : i64, kind = #tpu.reduction_kind<sum>} : vector<16xi1> -> vector<16xi32>
      %eq3A_215 = arith.constant 5 : i32
      %eq3A_216 = vector.broadcast %eq3A_215 : i32 to vector<16xi32>
      %eq3A_217 = arith.cmpi eq, %iota3A, %eq3A_216 : vector<16xi32>
      %select_n3A_218 = arith.select %eq3A_217, %all_reduce_population_count3A_214, %select_n3A_202 : vector<16xi1>, vector<16xi32>
      %get3A_219 = arith.constant 6 : i32
      %get3A_220 = arith.index_cast %select_n3A_97 : i32 to index
      %get3A_221 = arith.index_cast %get3A_219 : i32 to index
      %get3A_222 = arith.constant 0 : index
      %get3A_223 = tpu.vector_load %arg7[%get3A_220, %get3A_221, %get3A_222] {strides = array<i32>} : memref<4x128x128xf32, #tpu.memory_space<vmem>>, vector<16xf32>,
      %cumsum3A_224 = arith.constant true
      %cumsum3A_225 = vector.broadcast %cumsum3A_224 : i1 to vector<16xi1>
      %cumsum3A_226 = tpu.scan <sum>, %get3A_223 masked %cumsum3A_225 : vector<16xf32>, vector<16xi1> -> vector<16xf32>
      %lt3A_227 = arith.constant 5.000000e-01 : f32
      %lt3A_228 = vector.broadcast %lt3A_227 : f32 to vector<16xf32>
      %lt3A_229 = arith.cmpf olt, %cumsum3A_226, %lt3A_228 : vector<16xf32>
      %all_reduce_population_count3A_230 = tpu.all_reduce %lt3A_229 {dim = 0 : i64, kind = #tpu.reduction_kind<sum>} : vector<16xi1> -> vector<16xi32>
      %eq3A_231 = arith.constant 6 : i32
      %eq3A_232 = vector.broadcast %eq3A_231 : i32 to vector<16xi32>
      %eq3A_233 = arith.cmpi eq, %iota3A, %eq3A_232 : vector<16xi32>
      %select_n3A_234 = arith.select %eq3A_233, %all_reduce_population_count3A_230, %select_n3A_218 : vector<16xi1>, vector<16xi32>
      %get3A_235 = arith.constant 7 : i32
      %get3A_236 = arith.index_cast %select_n3A_97 : i32 to index
      %get3A_237 = arith.index_cast %get3A_235 : i32 to index
      %get3A_238 = arith.constant 0 : index
      %get3A_239 = tpu.vector_load %arg7[%get3A_236, %get3A_237, %get3A_238] {strides = array<i32>} : memref<4x128x128xf32, #tpu.memory_space<vmem>>, vector<16xf32>,
      %cumsum3A_240 = arith.constant true
      %cumsum3A_241 = vector.broadcast %cumsum3A_240 : i1 to vector<16xi1>
      %cumsum3A_242 = tpu.scan <sum>, %get3A_239 masked %cumsum3A_241 : vector<16xf32>, vector<16xi1> -> vector<16xf32>
      %lt3A_243 = arith.constant 5.000000e-01 : f32
      %lt3A_244 = vector.broadcast %lt3A_243 : f32 to vector<16xf32>
      %lt3A_245 = arith.cmpf olt, %cumsum3A_242, %lt3A_244 : vector<16xf32>
      %all_reduce_population_count3A_246 = tpu.all_reduce %lt3A_245 {dim = 0 : i64, kind = #tpu.reduction_kind<sum>} : vector<16xi1> -> vector<16xi32>
      %eq3A_247 = arith.constant 7 : i32
      %eq3A_248 = vector.broadcast %eq3A_247 : i32 to vector<16xi32>
      %eq3A_249 = arith.cmpi eq, %iota3A, %eq3A_248 : vector<16xi32>
      %select_n3A_250 = arith.select %eq3A_249, %all_reduce_population_count3A_246, %select_n3A_234 : vector<16xi1>, vector<16xi32>
      %get3A_251 = arith.constant 8 : i32
      %get3A_252 = arith.index_cast %select_n3A_97 : i32 to index
      %get3A_253 = arith.index_cast %get3A_251 : i32 to index
      %get3A_254 = arith.constant 0 : index
      %get3A_255 = tpu.vector_load %arg7[%get3A_252, %get3A_253, %get3A_254] {strides = array<i32>} : memref<4x128x128xf32, #tpu.memory_space<vmem>>, vector<16xf32>,
      %cumsum3A_256 = arith.constant true
      %cumsum3A_257 = vector.broadcast %cumsum3A_256 : i1 to vector<16xi1>
      %cumsum3A_258 = tpu.scan <sum>, %get3A_255 masked %cumsum3A_257 : vector<16xf32>, vector<16xi1> -> vector<16xf32>
      %lt3A_259 = arith.constant 5.000000e-01 : f32
      %lt3A_260 = vector.broadcast %lt3A_259 : f32 to vector<16xf32>
      %lt3A_261 = arith.cmpf olt, %cumsum3A_258, %lt3A_260 : vector<16xf32>
      %all_reduce_population_count3A_262 = tpu.all_reduce %lt3A_261 {dim = 0 : i64, kind = #tpu.reduction_kind<sum>} : vector<16xi1> -> vector<16xi32>
      %eq3A_263 = arith.constant 8 : i32
      %eq3A_264 = vector.broadcast %eq3A_263 : i32 to vector<16xi32>
      %eq3A_265 = arith.cmpi eq, %iota3A, %eq3A_264 : vector<16xi32>
      %select_n3A_266 = arith.select %eq3A_265, %all_reduce_population_count3A_262, %select_n3A_250 : vector<16xi1>, vector<16xi32>
      %get3A_267 = arith.constant 9 : i32
      %get3A_268 = arith.index_cast %select_n3A_97 : i32 to index
      %get3A_269 = arith.index_cast %get3A_267 : i32 to index
      %get3A_270 = arith.constant 0 : index
      %get3A_271 = tpu.vector_load %arg7[%get3A_268, %get3A_269, %get3A_270] {strides = array<i32>} : memref<4x128x128xf32, #tpu.memory_space<vmem>>, vector<16xf32>,
      %cumsum3A_272 = arith.constant true
      %cumsum3A_273 = vector.broadcast %cumsum3A_272 : i1 to vector<16xi1>
      %cumsum3A_274 = tpu.scan <sum>, %get3A_271 masked %cumsum3A_273 : vector<16xf32>, vector<16xi1> -> vector<16xf32>
      %lt3A_275 = arith.constant 5.000000e-01 : f32
      %lt3A_276 = vector.broadcast %lt3A_275 : f32 to vector<16xf32>
      %lt3A_277 = arith.cmpf olt, %cumsum3A_274, %lt3A_276 : vector<16xf32>
      %all_reduce_population_count3A_278 = tpu.all_reduce %lt3A_277 {dim = 0 : i64, kind = #tpu.reduction_kind<sum>} : vector<16xi1> -> vector<16xi32>
      %eq3A_279 = arith.constant 9 : i32
      %eq3A_280 = vector.broadcast %eq3A_279 : i32 to vector<16xi32>
      %eq3A_281 = arith.cmpi eq, %iota3A, %eq3A_280 : vector<16xi32>
      %select_n3A_282 = arith.select %eq3A_281, %all_reduce_population_count3A_278, %select_n3A_266 : vector<16xi1>, vector<16xi32>
      %get3A_283 = arith.constant 10 : i32
      %get3A_284 = arith.index_cast %select_n3A_97 : i32 to index
      %get3A_285 = arith.index_cast %get3A_283 : i32 to index
      %get3A_286 = arith.constant 0 : index
      %get3A_287 = tpu.vector_load %arg7[%get3A_284, %get3A_285, %get3A_286] {strides = array<i32>} : memref<4x128x128xf32, #tpu.memory_space<vmem>>, vector<16xf32>,
      %cumsum3A_288 = arith.constant true
      %cumsum3A_289 = vector.broadcast %cumsum3A_288 : i1 to vector<16xi1>
      %cumsum3A_290 = tpu.scan <sum>, %get3A_287 masked %cumsum3A_289 : vector<16xf32>, vector<16xi1> -> vector<16xf32>
      %lt3A_291 = arith.constant 5.000000e-01 : f32
      %lt3A_292 = vector.broadcast %lt3A_291 : f32 to vector<16xf32>
      %lt3A_293 = arith.cmpf olt, %cumsum3A_290, %lt3A_292 : vector<16xf32>
      %all_reduce_population_count3A_294 = tpu.all_reduce %lt3A_293 {dim = 0 : i64, kind = #tpu.reduction_kind<sum>} : vector<16xi1> -> vector<16xi32>
      %eq3A_295 = arith.constant 10 : i32
      %eq3A_296 = vector.broadcast %eq3A_295 : i32 to vector<16xi32>
      %eq3A_297 = arith.cmpi eq, %iota3A, %eq3A_296 : vector<16xi32>
      %select_n3A_298 = arith.select %eq3A_297, %all_reduce_population_count3A_294, %select_n3A_282 : vector<16xi1>, vector<16xi32>
      %get3A_299 = arith.constant 11 : i32
      %get3A_300 = arith.index_cast %select_n3A_97 : i32 to index
      %get3A_301 = arith.index_cast %get3A_299 : i32 to index
      %get3A_302 = arith.constant 0 : index
      %get3A_303 = tpu.vector_load %arg7[%get3A_300, %get3A_301, %get3A_302] {strides = array<i32>} : memref<4x128x128xf32, #tpu.memory_space<vmem>>, vector<16xf32>,
      %cumsum3A_304 = arith.constant true
      %cumsum3A_305 = vector.broadcast %cumsum3A_304 : i1 to vector<16xi1>
      %cumsum3A_306 = tpu.scan <sum>, %get3A_303 masked %cumsum3A_305 : vector<16xf32>, vector<16xi1> -> vector<16xf32>
      %lt3A_307 = arith.constant 5.000000e-01 : f32
      %lt3A_308 = vector.broadcast %lt3A_307 : f32 to vector<16xf32>
      %lt3A_309 = arith.cmpf olt, %cumsum3A_306, %lt3A_308 : vector<16xf32>
      %all_reduce_population_count3A_310 = tpu.all_reduce %lt3A_309 {dim = 0 : i64, kind = #tpu.reduction_kind<sum>} : vector<16xi1> -> vector<16xi32>
      %eq3A_311 = arith.constant 11 : i32
      %eq3A_312 = vector.broadcast %eq3A_311 : i32 to vector<16xi32>
      %eq3A_313 = arith.cmpi eq, %iota3A, %eq3A_312 : vector<16xi32>
      %select_n3A_314 = arith.select %eq3A_313, %all_reduce_population_count3A_310, %select_n3A_298 : vector<16xi1>, vector<16xi32>
      %get3A_315 = arith.constant 12 : i32
      %get3A_316 = arith.index_cast %select_n3A_97 : i32 to index
      %get3A_317 = arith.index_cast %get3A_315 : i32 to index
      %get3A_318 = arith.constant 0 : index
      %get3A_319 = tpu.vector_load %arg7[%get3A_316, %get3A_317, %get3A_318] {strides = array<i32>} : memref<4x128x128xf32, #tpu.memory_space<vmem>>, vector<16xf32>,
      %cumsum3A_320 = arith.constant true
      %cumsum3A_321 = vector.broadcast %cumsum3A_320 : i1 to vector<16xi1>
      %cumsum3A_322 = tpu.scan <sum>, %get3A_319 masked %cumsum3A_321 : vector<16xf32>, vector<16xi1> -> vector<16xf32>
      %lt3A_323 = arith.constant 5.000000e-01 : f32
      %lt3A_324 = vector.broadcast %lt3A_323 : f32 to vector<16xf32>
      %lt3A_325 = arith.cmpf olt, %cumsum3A_322, %lt3A_324 : vector<16xf32>
      %all_reduce_population_count3A_326 = tpu.all_reduce %lt3A_325 {dim = 0 : i64, kind = #tpu.reduction_kind<sum>} : vector<16xi1> -> vector<16xi32>
      %eq3A_327 = arith.constant 12 : i32
      %eq3A_328 = vector.broadcast %eq3A_327 : i32 to vector<16xi32>
      %eq3A_329 = arith.cmpi eq, %iota3A, %eq3A_328 : vector<16xi32>
      %select_n3A_330 = arith.select %eq3A_329, %all_reduce_population_count3A_326, %select_n3A_314 : vector<16xi1>, vector<16xi32>
      %get3A_331 = arith.constant 13 : i32
      %get3A_332 = arith.index_cast %select_n3A_97 : i32 to index
      %get3A_333 = arith.index_cast %get3A_331 : i32 to index
      %get3A_334 = arith.constant 0 : index
      %get3A_335 = tpu.vector_load %arg7[%get3A_332, %get3A_333, %get3A_334] {strides = array<i32>} : memref<4x128x128xf32, #tpu.memory_space<vmem>>, vector<16xf32>,
      %cumsum3A_336 = arith.constant true
      %cumsum3A_337 = vector.broadcast %cumsum3A_336 : i1 to vector<16xi1>
      %cumsum3A_338 = tpu.scan <sum>, %get3A_335 masked %cumsum3A_337 : vector<16xf32>, vector<16xi1> -> vector<16xf32>
      %lt3A_339 = arith.constant 5.000000e-01 : f32
      %lt3A_340 = vector.broadcast %lt3A_339 : f32 to vector<16xf32>
      %lt3A_341 = arith.cmpf olt, %cumsum3A_338, %lt3A_340 : vector<16xf32>
      %all_reduce_population_count3A_342 = tpu.all_reduce %lt3A_341 {dim = 0 : i64, kind = #tpu.reduction_kind<sum>} : vector<16xi1> -> vector<16xi32>
      %eq3A_343 = arith.constant 13 : i32
      %eq3A_344 = vector.broadcast %eq3A_343 : i32 to vector<16xi32>
      %eq3A_345 = arith.cmpi eq, %iota3A, %eq3A_344 : vector<16xi32>
      %select_n3A_346 = arith.select %eq3A_345, %all_reduce_population_count3A_342, %select_n3A_330 : vector<16xi1>, vector<16xi32>
      %get3A_347 = arith.constant 14 : i32
      %get3A_348 = arith.index_cast %select_n3A_97 : i32 to index
      %get3A_349 = arith.index_cast %get3A_347 : i32 to index
      %get3A_350 = arith.constant 0 : index
      %get3A_351 = tpu.vector_load %arg7[%get3A_348, %get3A_349, %get3A_350] {strides = array<i32>} : memref<4x128x128xf32, #tpu.memory_space<vmem>>, vector<16xf32>,
      %cumsum3A_352 = arith.constant true
      %cumsum3A_353 = vector.broadcast %cumsum3A_352 : i1 to vector<16xi1>
      %cumsum3A_354 = tpu.scan <sum>, %get3A_351 masked %cumsum3A_353 : vector<16xf32>, vector<16xi1> -> vector<16xf32>
      %lt3A_355 = arith.constant 5.000000e-01 : f32
      %lt3A_356 = vector.broadcast %lt3A_355 : f32 to vector<16xf32>
      %lt3A_357 = arith.cmpf olt, %cumsum3A_354, %lt3A_356 : vector<16xf32>
      %all_reduce_population_count3A_358 = tpu.all_reduce %lt3A_357 {dim = 0 : i64, kind = #tpu.reduction_kind<sum>} : vector<16xi1> -> vector<16xi32>
      %eq3A_359 = arith.constant 14 : i32
      %eq3A_360 = vector.broadcast %eq3A_359 : i32 to vector<16xi32>
      %eq3A_361 = arith.cmpi eq, %iota3A, %eq3A_360 : vector<16xi32>
      %select_n3A_362 = arith.select %eq3A_361, %all_reduce_population_count3A_358, %select_n3A_346 : vector<16xi1>, vector<16xi32>
      %get3A_363 = arith.constant 15 : i32
      %get3A_364 = arith.index_cast %select_n3A_97 : i32 to index
      %get3A_365 = arith.index_cast %get3A_363 : i32 to index
      %get3A_366 = arith.constant 0 : index
      %get3A_367 = tpu.vector_load %arg7[%get3A_364, %get3A_365, %get3A_366] {strides = array<i32>} : memref<4x128x128xf32, #tpu.memory_space<vmem>>, vector<16xf32>,
      %cumsum3A_368 = arith.constant true
      %cumsum3A_369 = vector.broadcast %cumsum3A_368 : i1 to vector<16xi1>
      %cumsum3A_370 = tpu.scan <sum>, %get3A_367 masked %cumsum3A_369 : vector<16xf32>, vector<16xi1> -> vector<16xf32>
      %lt3A_371 = arith.constant 5.000000e-01 : f32
      %lt3A_372 = vector.broadcast %lt3A_371 : f32 to vector<16xf32>
      %lt3A_373 = arith.cmpf olt, %cumsum3A_370, %lt3A_372 : vector<16xf32>
      %all_reduce_population_count3A_374 = tpu.all_reduce %lt3A_373 {dim = 0 : i64, kind = #tpu.reduction_kind<sum>} : vector<16xi1> -> vector<16xi32>
      %eq3A_375 = arith.constant 15 : i32
      %eq3A_376 = vector.broadcast %eq3A_375 : i32 to vector<16xi32>
      %eq3A_377 = arith.cmpi eq, %iota3A, %eq3A_376 : vector<16xi32>
      %select_n3A_378 = arith.select %eq3A_377, %all_reduce_population_count3A_374, %select_n3A_362 : vector<16xi1>, vector<16xi32>
      %max3A = arith.maxsi %scan3A_88, %select_n3A_378 : vector<16xi32>
      %add3A_379 = arith.addi %mul3A_123, %select_n3A_378 : vector<16xi32>
      %swap3A_380 = arith.index_cast %scan3A_87 : i32 to index
      %swap3A_381 = arith.constant 0 : index
      %swap3A_382 = tpu.vector_load %arg8[%swap3A_380, %swap3A_381] {strides = array<i32>} : memref<64x128xi32, #tpu.memory_space<vmem>>, vector<16xi32>,
      tpu.vector_store %arg8[%swap3A_380, %swap3A_381], %add3A_379 {strides = array<i32>} : memref<64x128xi32, #tpu.memory_space<vmem>>, vector<16xi32>,
      %mul3A_383 = arith.constant 128 : i32
      %mul3A_384 = arith.muli %scan3A_87, %mul3A_383 : i32
      %add3A_385 = arith.addi %mul3A_2, %mul3A_384 : i32
      %add3A_386 = arith.constant 16 : i32
      %add3A_387 = arith.addi %add3A_385, %add3A_386 : i32
      %add3A_388 = vector.broadcast %add3A_387 : i32 to vector<16xi32>
      %add3A_389 = arith.addi %add3A_388, %iota3A : vector<16xi32>
      %mul3A_390 = arith.constant 128 : i32
      %mul3A_391 = vector.broadcast %mul3A_390 : i32 to vector<16xi32>
      %mul3A_392 = arith.muli %add3A_389, %mul3A_391 : vector<16xi32>
      %broadcast_in_dim3A_393 = arith.constant 0 : i32
      %broadcast_in_dim3A_394 = vector.broadcast %broadcast_in_dim3A_393 : i32 to vector<16xi32>
      %get3A_395 = arith.constant 16 : i32
      %get3A_396 = arith.index_cast %select_n3A_97 : i32 to index
      %get3A_397 = arith.index_cast %get3A_395 : i32 to index
      %get3A_398 = arith.constant 0 : index
      %get3A_399 = tpu.vector_load %arg7[%get3A_396, %get3A_397, %get3A_398] {strides = array<i32>} : memref<4x128x128xf32, #tpu.memory_space<vmem>>, vector<16xf32>,
      %cumsum3A_400 = arith.constant true
      %cumsum3A_401 = vector.broadcast %cumsum3A_400 : i1 to vector<16xi1>
      %cumsum3A_402 = tpu.scan <sum>, %get3A_399 masked %cumsum3A_401 : vector<16xf32>, vector<16xi1> -> vector<16xf32>
      %lt3A_403 = arith.constant 5.000000e-01 : f32
      %lt3A_404 = vector.broadcast %lt3A_403 : f32 to vector<16xf32>
      %lt3A_405 = arith.cmpf olt, %cumsum3A_402, %lt3A_404 : vector<16xf32>
      %all_reduce_population_count3A_406 = tpu.all_reduce %lt3A_405 {dim = 0 : i64, kind = #tpu.reduction_kind<sum>} : vector<16xi1> -> vector<16xi32>
      %eq3A_407 = arith.constant 0 : i32
      %eq3A_408 = vector.broadcast %eq3A_407 : i32 to vector<16xi32>
      %eq3A_409 = arith.cmpi eq, %iota3A, %eq3A_408 : vector<16xi32>
      %select_n3A_410 = arith.select %eq3A_409, %all_reduce_population_count3A_406, %broadcast_in_dim3A_394 : vector<16xi1>, vector<16xi32>
      %get3A_411 = arith.constant 17 : i32
      %get3A_412 = arith.index_cast %select_n3A_97 : i32 to index
      %get3A_413 = arith.index_cast %get3A_411 : i32 to index
      %get3A_414 = arith.constant 0 : index
      %get3A_415 = tpu.vector_load %arg7[%get3A_412, %get3A_413, %get3A_414] {strides = array<i32>} : memref<4x128x128xf32, #tpu.memory_space<vmem>>, vector<16xf32>,
      %cumsum3A_416 = arith.constant true
      %cumsum3A_417 = vector.broadcast %cumsum3A_416 : i1 to vector<16xi1>
      %cumsum3A_418 = tpu.scan <sum>, %get3A_415 masked %cumsum3A_417 : vector<16xf32>, vector<16xi1> -> vector<16xf32>
      %lt3A_419 = arith.constant 5.000000e-01 : f32
      %lt3A_420 = vector.broadcast %lt3A_419 : f32 to vector<16xf32>
      %lt3A_421 = arith.cmpf olt, %cumsum3A_418, %lt3A_420 : vector<16xf32>
      %all_reduce_population_count3A_422 = tpu.all_reduce %lt3A_421 {dim = 0 : i64, kind = #tpu.reduction_kind<sum>} : vector<16xi1> -> vector<16xi32>
      %eq3A_423 = arith.constant 1 : i32
      %eq3A_424 = vector.broadcast %eq3A_423 : i32 to vector<16xi32>
      %eq3A_425 = arith.cmpi eq, %iota3A, %eq3A_424 : vector<16xi32>
      %select_n3A_426 = arith.select %eq3A_425, %all_reduce_population_count3A_422, %select_n3A_410 : vector<16xi1>, vector<16xi32>
      %get3A_427 = arith.constant 18 : i32
      %get3A_428 = arith.index_cast %select_n3A_97 : i32 to index
      %get3A_429 = arith.index_cast %get3A_427 : i32 to index
      %get3A_430 = arith.constant 0 : index
      %get3A_431 = tpu.vector_load %arg7[%get3A_428, %get3A_429, %get3A_430] {strides = array<i32>} : memref<4x128x128xf32, #tpu.memory_space<vmem>>, vector<16xf32>,
      %cumsum3A_432 = arith.constant true
      %cumsum3A_433 = vector.broadcast %cumsum3A_432 : i1 to vector<16xi1>
      %cumsum3A_434 = tpu.scan <sum>, %get3A_431 masked %cumsum3A_433 : vector<16xf32>, vector<16xi1> -> vector<16xf32>
      %lt3A_435 = arith.constant 5.000000e-01 : f32
      %lt3A_436 = vector.broadcast %lt3A_435 : f32 to vector<16xf32>
      %lt3A_437 = arith.cmpf olt, %cumsum3A_434, %lt3A_436 : vector<16xf32>
      %all_reduce_population_count3A_438 = tpu.all_reduce %lt3A_437 {dim = 0 : i64, kind = #tpu.reduction_kind<sum>} : vector<16xi1> -> vector<16xi32>
      %eq3A_439 = arith.constant 2 : i32
      %eq3A_440 = vector.broadcast %eq3A_439 : i32 to vector<16xi32>
      %eq3A_441 = arith.cmpi eq, %iota3A, %eq3A_440 : vector<16xi32>
      %select_n3A_442 = arith.select %eq3A_441, %all_reduce_population_count3A_438, %select_n3A_426 : vector<16xi1>, vector<16xi32>
      %get3A_443 = arith.constant 19 : i32
      %get3A_444 = arith.index_cast %select_n3A_97 : i32 to index
      %get3A_445 = arith.index_cast %get3A_443 : i32 to index
      %get3A_446 = arith.constant 0 : index
      %get3A_447 = tpu.vector_load %arg7[%get3A_444, %get3A_445, %get3A_446] {strides = array<i32>} : memref<4x128x128xf32, #tpu.memory_space<vmem>>, vector<16xf32>,
      %cumsum3A_448 = arith.constant true
      %cumsum3A_449 = vector.broadcast %cumsum3A_448 : i1 to vector<16xi1>
      %cumsum3A_450 = tpu.scan <sum>, %get3A_447 masked %cumsum3A_449 : vector<16xf32>, vector<16xi1> -> vector<16xf32>
      %lt3A_451 = arith.constant 5.000000e-01 : f32
      %lt3A_452 = vector.broadcast %lt3A_451 : f32 to vector<16xf32>
      %lt3A_453 = arith.cmpf olt, %cumsum3A_450, %lt3A_452 : vector<16xf32>
      %all_reduce_population_count3A_454 = tpu.all_reduce %lt3A_453 {dim = 0 : i64, kind = #tpu.reduction_kind<sum>} : vector<16xi1> -> vector<16xi32>
      %eq3A_455 = arith.constant 3 : i32
      %eq3A_456 = vector.broadcast %eq3A_455 : i32 to vector<16xi32>
      %eq3A_457 = arith.cmpi eq, %iota3A, %eq3A_456 : vector<16xi32>
      %select_n3A_458 = arith.select %eq3A_457, %all_reduce_population_count3A_454, %select_n3A_442 : vector<16xi1>, vector<16xi32>
      %get3A_459 = arith.constant 20 : i32
      %get3A_460 = arith.index_cast %select_n3A_97 : i32 to index
      %get3A_461 = arith.index_cast %get3A_459 : i32 to index
      %get3A_462 = arith.constant 0 : index
      %get3A_463 = tpu.vector_load %arg7[%get3A_460, %get3A_461, %get3A_462] {strides = array<i32>} : memref<4x128x128xf32, #tpu.memory_space<vmem>>, vector<16xf32>,
      %cumsum3A_464 = arith.constant true
      %cumsum3A_465 = vector.broadcast %cumsum3A_464 : i1 to vector<16xi1>
      %cumsum3A_466 = tpu.scan <sum>, %get3A_463 masked %cumsum3A_465 : vector<16xf32>, vector<16xi1> -> vector<16xf32>
      %lt3A_467 = arith.constant 5.000000e-01 : f32
      %lt3A_468 = vector.broadcast %lt3A_467 : f32 to vector<16xf32>
      %lt3A_469 = arith.cmpf olt, %cumsum3A_466, %lt3A_468 : vector<16xf32>
      %all_reduce_population_count3A_470 = tpu.all_reduce %lt3A_469 {dim = 0 : i64, kind = #tpu.reduction_kind<sum>} : vector<16xi1> -> vector<16xi32>
      %eq3A_471 = arith.constant 4 : i32
      %eq3A_472 = vector.broadcast %eq3A_471 : i32 to vector<16xi32>
      %eq3A_473 = arith.cmpi eq, %iota3A, %eq3A_472 : vector<16xi32>
      %select_n3A_474 = arith.select %eq3A_473, %all_reduce_population_count3A_470, %select_n3A_458 : vector<16xi1>, vector<16xi32>
      %get3A_475 = arith.constant 21 : i32
      %get3A_476 = arith.index_cast %select_n3A_97 : i32 to index
      %get3A_477 = arith.index_cast %get3A_475 : i32 to index
      %get3A_478 = arith.constant 0 : index
      %get3A_479 = tpu.vector_load %arg7[%get3A_476, %get3A_477, %get3A_478] {strides = array<i32>} : memref<4x128x128xf32, #tpu.memory_space<vmem>>, vector<16xf32>,
      %cumsum3A_480 = arith.constant true
      %cumsum3A_481 = vector.broadcast %cumsum3A_480 : i1 to vector<16xi1>
      %cumsum3A_482 = tpu.scan <sum>, %get3A_479 masked %cumsum3A_481 : vector<16xf32>, vector<16xi1> -> vector<16xf32>
      %lt3A_483 = arith.constant 5.000000e-01 : f32
      %lt3A_484 = vector.broadcast %lt3A_483 : f32 to vector<16xf32>
      %lt3A_485 = arith.cmpf olt, %cumsum3A_482, %lt3A_484 : vector<16xf32>
      %all_reduce_population_count3A_486 = tpu.all_reduce %lt3A_485 {dim = 0 : i64, kind = #tpu.reduction_kind<sum>} : vector<16xi1> -> vector<16xi32>
      %eq3A_487 = arith.constant 5 : i32
      %eq3A_488 = vector.broadcast %eq3A_487 : i32 to vector<16xi32>
      %eq3A_489 = arith.cmpi eq, %iota3A, %eq3A_488 : vector<16xi32>
      %select_n3A_490 = arith.select %eq3A_489, %all_reduce_population_count3A_486, %select_n3A_474 : vector<16xi1>, vector<16xi32>
      %get3A_491 = arith.constant 22 : i32
      %get3A_492 = arith.index_cast %select_n3A_97 : i32 to index
      %get3A_493 = arith.index_cast %get3A_491 : i32 to index
      %get3A_494 = arith.constant 0 : index
      %get3A_495 = tpu.vector_load %arg7[%get3A_492, %get3A_493, %get3A_494] {strides = array<i32>} : memref<4x128x128xf32, #tpu.memory_space<vmem>>, vector<16xf32>,
      %cumsum3A_496 = arith.constant true
      %cumsum3A_497 = vector.broadcast %cumsum3A_496 : i1 to vector<16xi1>
      %cumsum3A_498 = tpu.scan <sum>, %get3A_495 masked %cumsum3A_497 : vector<16xf32>, vector<16xi1> -> vector<16xf32>
      %lt3A_499 = arith.constant 5.000000e-01 : f32
      %lt3A_500 = vector.broadcast %lt3A_499 : f32 to vector<16xf32>
      %lt3A_501 = arith.cmpf olt, %cumsum3A_498, %lt3A_500 : vector<16xf32>
      %all_reduce_population_count3A_502 = tpu.all_reduce %lt3A_501 {dim = 0 : i64, kind = #tpu.reduction_kind<sum>} : vector<16xi1> -> vector<16xi32>
      %eq3A_503 = arith.constant 6 : i32
      %eq3A_504 = vector.broadcast %eq3A_503 : i32 to vector<16xi32>
      %eq3A_505 = arith.cmpi eq, %iota3A, %eq3A_504 : vector<16xi32>
      %select_n3A_506 = arith.select %eq3A_505, %all_reduce_population_count3A_502, %select_n3A_490 : vector<16xi1>, vector<16xi32>
      %get3A_507 = arith.constant 23 : i32
      %get3A_508 = arith.index_cast %select_n3A_97 : i32 to index
      %get3A_509 = arith.index_cast %get3A_507 : i32 to index
      %get3A_510 = arith.constant 0 : index
      %get3A_511 = tpu.vector_load %arg7[%get3A_508, %get3A_509, %get3A_510] {strides = array<i32>} : memref<4x128x128xf32, #tpu.memory_space<vmem>>, vector<16xf32>,
      %cumsum3A_512 = arith.constant true
      %cumsum3A_513 = vector.broadcast %cumsum3A_512 : i1 to vector<16xi1>
      %cumsum3A_514 = tpu.scan <sum>, %get3A_511 masked %cumsum3A_513 : vector<16xf32>, vector<16xi1> -> vector<16xf32>
      %lt3A_515 = arith.constant 5.000000e-01 : f32
      %lt3A_516 = vector.broadcast %lt3A_515 : f32 to vector<16xf32>
      %lt3A_517 = arith.cmpf olt, %cumsum3A_514, %lt3A_516 : vector<16xf32>
      %all_reduce_population_count3A_518 = tpu.all_reduce %lt3A_517 {dim = 0 : i64, kind = #tpu.reduction_kind<sum>} : vector<16xi1> -> vector<16xi32>
      %eq3A_519 = arith.constant 7 : i32
      %eq3A_520 = vector.broadcast %eq3A_519 : i32 to vector<16xi32>
      %eq3A_521 = arith.cmpi eq, %iota3A, %eq3A_520 : vector<16xi32>
      %select_n3A_522 = arith.select %eq3A_521, %all_reduce_population_count3A_518, %select_n3A_506 : vector<16xi1>, vector<16xi32>
      %get3A_523 = arith.constant 24 : i32
      %get3A_524 = arith.index_cast %select_n3A_97 : i32 to index
      %get3A_525 = arith.index_cast %get3A_523 : i32 to index
      %get3A_526 = arith.constant 0 : index
      %get3A_527 = tpu.vector_load %arg7[%get3A_524, %get3A_525, %get3A_526] {strides = array<i32>} : memref<4x128x128xf32, #tpu.memory_space<vmem>>, vector<16xf32>,
      %cumsum3A_528 = arith.constant true
      %cumsum3A_529 = vector.broadcast %cumsum3A_528 : i1 to vector<16xi1>
      %cumsum3A_530 = tpu.scan <sum>, %get3A_527 masked %cumsum3A_529 : vector<16xf32>, vector<16xi1> -> vector<16xf32>
      %lt3A_531 = arith.constant 5.000000e-01 : f32
      %lt3A_532 = vector.broadcast %lt3A_531 : f32 to vector<16xf32>
      %lt3A_533 = arith.cmpf olt, %cumsum3A_530, %lt3A_532 : vector<16xf32>
      %all_reduce_population_count3A_534 = tpu.all_reduce %lt3A_533 {dim = 0 : i64, kind = #tpu.reduction_kind<sum>} : vector<16xi1> -> vector<16xi32>
      %eq3A_535 = arith.constant 8 : i32
      %eq3A_536 = vector.broadcast %eq3A_535 : i32 to vector<16xi32>
      %eq3A_537 = arith.cmpi eq, %iota3A, %eq3A_536 : vector<16xi32>
      %select_n3A_538 = arith.select %eq3A_537, %all_reduce_population_count3A_534, %select_n3A_522 : vector<16xi1>, vector<16xi32>
      %get3A_539 = arith.constant 25 : i32
      %get3A_540 = arith.index_cast %select_n3A_97 : i32 to index
      %get3A_541 = arith.index_cast %get3A_539 : i32 to index
      %get3A_542 = arith.constant 0 : index
      %get3A_543 = tpu.vector_load %arg7[%get3A_540, %get3A_541, %get3A_542] {strides = array<i32>} : memref<4x128x128xf32, #tpu.memory_space<vmem>>, vector<16xf32>,
      %cumsum3A_544 = arith.constant true
      %cumsum3A_545 = vector.broadcast %cumsum3A_544 : i1 to vector<16xi1>
      %cumsum3A_546 = tpu.scan <sum>, %get3A_543 masked %cumsum3A_545 : vector<16xf32>, vector<16xi1> -> vector<16xf32>
      %lt3A_547 = arith.constant 5.000000e-01 : f32
      %lt3A_548 = vector.broadcast %lt3A_547 : f32 to vector<16xf32>
      %lt3A_549 = arith.cmpf olt, %cumsum3A_546, %lt3A_548 : vector<16xf32>
      %all_reduce_population_count3A_550 = tpu.all_reduce %lt3A_549 {dim = 0 : i64, kind = #tpu.reduction_kind<sum>} : vector<16xi1> -> vector<16xi32>
      %eq3A_551 = arith.constant 9 : i32
      %eq3A_552 = vector.broadcast %eq3A_551 : i32 to vector<16xi32>
      %eq3A_553 = arith.cmpi eq, %iota3A, %eq3A_552 : vector<16xi32>
      %select_n3A_554 = arith.select %eq3A_553, %all_reduce_population_count3A_550, %select_n3A_538 : vector<16xi1>, vector<16xi32>
      %get3A_555 = arith.constant 26 : i32
      %get3A_556 = arith.index_cast %select_n3A_97 : i32 to index
      %get3A_557 = arith.index_cast %get3A_555 : i32 to index
      %get3A_558 = arith.constant 0 : index
      %get3A_559 = tpu.vector_load %arg7[%get3A_556, %get3A_557, %get3A_558] {strides = array<i32>} : memref<4x128x128xf32, #tpu.memory_space<vmem>>, vector<16xf32>,
      %cumsum3A_560 = arith.constant true
      %cumsum3A_561 = vector.broadcast %cumsum3A_560 : i1 to vector<16xi1>
      %cumsum3A_562 = tpu.scan <sum>, %get3A_559 masked %cumsum3A_561 : vector<16xf32>, vector<16xi1> -> vector<16xf32>
      %lt3A_563 = arith.constant 5.000000e-01 : f32
      %lt3A_564 = vector.broadcast %lt3A_563 : f32 to vector<16xf32>
      %lt3A_565 = arith.cmpf olt, %cumsum3A_562, %lt3A_564 : vector<16xf32>
      %all_reduce_population_count3A_566 = tpu.all_reduce %lt3A_565 {dim = 0 : i64, kind = #tpu.reduction_kind<sum>} : vector<16xi1> -> vector<16xi32>
      %eq3A_567 = arith.constant 10 : i32
      %eq3A_568 = vector.broadcast %eq3A_567 : i32 to vector<16xi32>
      %eq3A_569 = arith.cmpi eq, %iota3A, %eq3A_568 : vector<16xi32>
      %select_n3A_570 = arith.select %eq3A_569, %all_reduce_population_count3A_566, %select_n3A_554 : vector<16xi1>, vector<16xi32>
      %get3A_571 = arith.constant 27 : i32
      %get3A_572 = arith.index_cast %select_n3A_97 : i32 to index
      %get3A_573 = arith.index_cast %get3A_571 : i32 to index
      %get3A_574 = arith.constant 0 : index
      %get3A_575 = tpu.vector_load %arg7[%get3A_572, %get3A_573, %get3A_574] {strides = array<i32>} : memref<4x128x128xf32, #tpu.memory_space<vmem>>, vector<16xf32>,
      %cumsum3A_576 = arith.constant true
      %cumsum3A_577 = vector.broadcast %cumsum3A_576 : i1 to vector<16xi1>
      %cumsum3A_578 = tpu.scan <sum>, %get3A_575 masked %cumsum3A_577 : vector<16xf32>, vector<16xi1> -> vector<16xf32>
      %lt3A_579 = arith.constant 5.000000e-01 : f32
      %lt3A_580 = vector.broadcast %lt3A_579 : f32 to vector<16xf32>
      %lt3A_581 = arith.cmpf olt, %cumsum3A_578, %lt3A_580 : vector<16xf32>
      %all_reduce_population_count3A_582 = tpu.all_reduce %lt3A_581 {dim = 0 : i64, kind = #tpu.reduction_kind<sum>} : vector<16xi1> -> vector<16xi32>
      %eq3A_583 = arith.constant 11 : i32
      %eq3A_584 = vector.broadcast %eq3A_583 : i32 to vector<16xi32>
      %eq3A_585 = arith.cmpi eq, %iota3A, %eq3A_584 : vector<16xi32>
      %select_n3A_586 = arith.select %eq3A_585, %all_reduce_population_count3A_582, %select_n3A_570 : vector<16xi1>, vector<16xi32>
      %get3A_587 = arith.constant 28 : i32
      %get3A_588 = arith.index_cast %select_n3A_97 : i32 to index
      %get3A_589 = arith.index_cast %get3A_587 : i32 to index
      %get3A_590 = arith.constant 0 : index
      %get3A_591 = tpu.vector_load %arg7[%get3A_588, %get3A_589, %get3A_590] {strides = array<i32>} : memref<4x128x128xf32, #tpu.memory_space<vmem>>, vector<16xf32>,
      %cumsum3A_592 = arith.constant true
      %cumsum3A_593 = vector.broadcast %cumsum3A_592 : i1 to vector<16xi1>
      %cumsum3A_594 = tpu.scan <sum>, %get3A_591 masked %cumsum3A_593 : vector<16xf32>, vector<16xi1> -> vector<16xf32>
      %lt3A_595 = arith.constant 5.000000e-01 : f32
      %lt3A_596 = vector.broadcast %lt3A_595 : f32 to vector<16xf32>
      %lt3A_597 = arith.cmpf olt, %cumsum3A_594, %lt3A_596 : vector<16xf32>
      %all_reduce_population_count3A_598 = tpu.all_reduce %lt3A_597 {dim = 0 : i64, kind = #tpu.reduction_kind<sum>} : vector<16xi1> -> vector<16xi32>
      %eq3A_599 = arith.constant 12 : i32
      %eq3A_600 = vector.broadcast %eq3A_599 : i32 to vector<16xi32>
      %eq3A_601 = arith.cmpi eq, %iota3A, %eq3A_600 : vector<16xi32>
      %select_n3A_602 = arith.select %eq3A_601, %all_reduce_population_count3A_598, %select_n3A_586 : vector<16xi1>, vector<16xi32>
      %get3A_603 = arith.constant 29 : i32
      %get3A_604 = arith.index_cast %select_n3A_97 : i32 to index
      %get3A_605 = arith.index_cast %get3A_603 : i32 to index
      %get3A_606 = arith.constant 0 : index
      %get3A_607 = tpu.vector_load %arg7[%get3A_604, %get3A_605, %get3A_606] {strides = array<i32>} : memref<4x128x128xf32, #tpu.memory_space<vmem>>, vector<16xf32>,
      %cumsum3A_608 = arith.constant true
      %cumsum3A_609 = vector.broadcast %cumsum3A_608 : i1 to vector<16xi1>
      %cumsum3A_610 = tpu.scan <sum>, %get3A_607 masked %cumsum3A_609 : vector<16xf32>, vector<16xi1> -> vector<16xf32>
      %lt3A_611 = arith.constant 5.000000e-01 : f32
      %lt3A_612 = vector.broadcast %lt3A_611 : f32 to vector<16xf32>
      %lt3A_613 = arith.cmpf olt, %cumsum3A_610, %lt3A_612 : vector<16xf32>
      %all_reduce_population_count3A_614 = tpu.all_reduce %lt3A_613 {dim = 0 : i64, kind = #tpu.reduction_kind<sum>} : vector<16xi1> -> vector<16xi32>
      %eq3A_615 = arith.constant 13 : i32
      %eq3A_616 = vector.broadcast %eq3A_615 : i32 to vector<16xi32>
      %eq3A_617 = arith.cmpi eq, %iota3A, %eq3A_616 : vector<16xi32>
      %select_n3A_618 = arith.select %eq3A_617, %all_reduce_population_count3A_614, %select_n3A_602 : vector<16xi1>, vector<16xi32>
      %get3A_619 = arith.constant 30 : i32
      %get3A_620 = arith.index_cast %select_n3A_97 : i32 to index
      %get3A_621 = arith.index_cast %get3A_619 : i32 to index
      %get3A_622 = arith.constant 0 : index
      %get3A_623 = tpu.vector_load %arg7[%get3A_620, %get3A_621, %get3A_622] {strides = array<i32>} : memref<4x128x128xf32, #tpu.memory_space<vmem>>, vector<16xf32>,
      %cumsum3A_624 = arith.constant true
      %cumsum3A_625 = vector.broadcast %cumsum3A_624 : i1 to vector<16xi1>
      %cumsum3A_626 = tpu.scan <sum>, %get3A_623 masked %cumsum3A_625 : vector<16xf32>, vector<16xi1> -> vector<16xf32>
      %lt3A_627 = arith.constant 5.000000e-01 : f32
      %lt3A_628 = vector.broadcast %lt3A_627 : f32 to vector<16xf32>
      %lt3A_629 = arith.cmpf olt, %cumsum3A_626, %lt3A_628 : vector<16xf32>
      %all_reduce_population_count3A_630 = tpu.all_reduce %lt3A_629 {dim = 0 : i64, kind = #tpu.reduction_kind<sum>} : vector<16xi1> -> vector<16xi32>
      %eq3A_631 = arith.constant 14 : i32
      %eq3A_632 = vector.broadcast %eq3A_631 : i32 to vector<16xi32>
      %eq3A_633 = arith.cmpi eq, %iota3A, %eq3A_632 : vector<16xi32>
      %select_n3A_634 = arith.select %eq3A_633, %all_reduce_population_count3A_630, %select_n3A_618 : vector<16xi1>, vector<16xi32>
      %get3A_635 = arith.constant 31 : i32
      %get3A_636 = arith.index_cast %select_n3A_97 : i32 to index
      %get3A_637 = arith.index_cast %get3A_635 : i32 to index
      %get3A_638 = arith.constant 0 : index
      %get3A_639 = tpu.vector_load %arg7[%get3A_636, %get3A_637, %get3A_638] {strides = array<i32>} : memref<4x128x128xf32, #tpu.memory_space<vmem>>, vector<16xf32>,
      %cumsum3A_640 = arith.constant true
      %cumsum3A_641 = vector.broadcast %cumsum3A_640 : i1 to vector<16xi1>
      %cumsum3A_642 = tpu.scan <sum>, %get3A_639 masked %cumsum3A_641 : vector<16xf32>, vector<16xi1> -> vector<16xf32>
      %lt3A_643 = arith.constant 5.000000e-01 : f32
      %lt3A_644 = vector.broadcast %lt3A_643 : f32 to vector<16xf32>
      %lt3A_645 = arith.cmpf olt, %cumsum3A_642, %lt3A_644 : vector<16xf32>
      %all_reduce_population_count3A_646 = tpu.all_reduce %lt3A_645 {dim = 0 : i64, kind = #tpu.reduction_kind<sum>} : vector<16xi1> -> vector<16xi32>
      %eq3A_647 = arith.constant 15 : i32
      %eq3A_648 = vector.broadcast %eq3A_647 : i32 to vector<16xi32>
      %eq3A_649 = arith.cmpi eq, %iota3A, %eq3A_648 : vector<16xi32>
      %select_n3A_650 = arith.select %eq3A_649, %all_reduce_population_count3A_646, %select_n3A_634 : vector<16xi1>, vector<16xi32>
      %max3A_651 = arith.maxsi %max3A, %select_n3A_650 : vector<16xi32>
      %add3A_652 = arith.addi %mul3A_392, %select_n3A_650 : vector<16xi32>
      %swap3A_653 = arith.index_cast %scan3A_87 : i32 to index
      %swap3A_654 = arith.constant 16 : index
      %swap3A_655 = tpu.vector_load %arg8[%swap3A_653, %swap3A_654] {strides = array<i32>} : memref<64x128xi32, #tpu.memory_space<vmem>>, vector<16xi32>,
      tpu.vector_store %arg8[%swap3A_653, %swap3A_654], %add3A_652 {strides = array<i32>} : memref<64x128xi32, #tpu.memory_space<vmem>>, vector<16xi32>,
      %mul3A_656 = arith.constant 128 : i32
      %mul3A_657 = arith.muli %scan3A_87, %mul3A_656 : i32
      %add3A_658 = arith.addi %mul3A_2, %mul3A_657 : i32
      %add3A_659 = arith.constant 32 : i32
      %add3A_660 = arith.addi %add3A_658, %add3A_659 : i32
      %add3A_661 = vector.broadcast %add3A_660 : i32 to vector<16xi32>
      %add3A_662 = arith.addi %add3A_661, %iota3A : vector<16xi32>
      %mul3A_663 = arith.constant 128 : i32
      %mul3A_664 = vector.broadcast %mul3A_663 : i32 to vector<16xi32>
      %mul3A_665 = arith.muli %add3A_662, %mul3A_664 : vector<16xi32>
      %broadcast_in_dim3A_666 = arith.constant 0 : i32
      %broadcast_in_dim3A_667 = vector.broadcast %broadcast_in_dim3A_666 : i32 to vector<16xi32>
      %get3A_668 = arith.constant 32 : i32
      %get3A_669 = arith.index_cast %select_n3A_97 : i32 to index
      %get3A_670 = arith.index_cast %get3A_668 : i32 to index
      %get3A_671 = arith.constant 0 : index
      %get3A_672 = tpu.vector_load %arg7[%get3A_669, %get3A_670, %get3A_671] {strides = array<i32>} : memref<4x128x128xf32, #tpu.memory_space<vmem>>, vector<16xf32>,
      %cumsum3A_673 = arith.constant true
      %cumsum3A_674 = vector.broadcast %cumsum3A_673 : i1 to vector<16xi1>
      %cumsum3A_675 = tpu.scan <sum>, %get3A_672 masked %cumsum3A_674 : vector<16xf32>, vector<16xi1> -> vector<16xf32>
      %lt3A_676 = arith.constant 5.000000e-01 : f32
      %lt3A_677 = vector.broadcast %lt3A_676 : f32 to vector<16xf32>
      %lt3A_678 = arith.cmpf olt, %cumsum3A_675, %lt3A_677 : vector<16xf32>
      %all_reduce_population_count3A_679 = tpu.all_reduce %lt3A_678 {dim = 0 : i64, kind = #tpu.reduction_kind<sum>} : vector<16xi1> -> vector<16xi32>
      %eq3A_680 = arith.constant 0 : i32
      %eq3A_681 = vector.broadcast %eq3A_680 : i32 to vector<16xi32>
      %eq3A_682 = arith.cmpi eq, %iota3A, %eq3A_681 : vector<16xi32>
      %select_n3A_683 = arith.select %eq3A_682, %all_reduce_population_count3A_679, %broadcast_in_dim3A_667 : vector<16xi1>, vector<16xi32>
      %get3A_684 = arith.constant 33 : i32
      %get3A_685 = arith.index_cast %select_n3A_97 : i32 to index
      %get3A_686 = arith.index_cast %get3A_684 : i32 to index
      %get3A_687 = arith.constant 0 : index
      %get3A_688 = tpu.vector_load %arg7[%get3A_685, %get3A_686, %get3A_687] {strides = array<i32>} : memref<4x128x128xf32, #tpu.memory_space<vmem>>, vector<16xf32>,
      %cumsum3A_689 = arith.constant true
      %cumsum3A_690 = vector.broadcast %cumsum3A_689 : i1 to vector<16xi1>
      %cumsum3A_691 = tpu.scan <sum>, %get3A_688 masked %cumsum3A_690 : vector<16xf32>, vector<16xi1> -> vector<16xf32>
      %lt3A_692 = arith.constant 5.000000e-01 : f32
      %lt3A_693 = vector.broadcast %lt3A_692 : f32 to vector<16xf32>
      %lt3A_694 = arith.cmpf olt, %cumsum3A_691, %lt3A_693 : vector<16xf32>
      %all_reduce_population_count3A_695 = tpu.all_reduce %lt3A_694 {dim = 0 : i64, kind = #tpu.reduction_kind<sum>} : vector<16xi1> -> vector<16xi32>
      %eq3A_696 = arith.constant 1 : i32
      %eq3A_697 = vector.broadcast %eq3A_696 : i32 to vector<16xi32>
      %eq3A_698 = arith.cmpi eq, %iota3A, %eq3A_697 : vector<16xi32>
      %select_n3A_699 = arith.select %eq3A_698, %all_reduce_population_count3A_695, %select_n3A_683 : vector<16xi1>, vector<16xi32>
      %get3A_700 = arith.constant 34 : i32
      %get3A_701 = arith.index_cast %select_n3A_97 : i32 to index
      %get3A_702 = arith.index_cast %get3A_700 : i32 to index
      %get3A_703 = arith.constant 0 : index
      %get3A_704 = tpu.vector_load %arg7[%get3A_701, %get3A_702, %get3A_703] {strides = array<i32>} : memref<4x128x128xf32, #tpu.memory_space<vmem>>, vector<16xf32>,
      %cumsum3A_705 = arith.constant true
      %cumsum3A_706 = vector.broadcast %cumsum3A_705 : i1 to vector<16xi1>
      %cumsum3A_707 = tpu.scan <sum>, %get3A_704 masked %cumsum3A_706 : vector<16xf32>, vector<16xi1> -> vector<16xf32>
      %lt3A_708 = arith.constant 5.000000e-01 : f32
      %lt3A_709 = vector.broadcast %lt3A_708 : f32 to vector<16xf32>
      %lt3A_710 = arith.cmpf olt, %cumsum3A_707, %lt3A_709 : vector<16xf32>
      %all_reduce_population_count3A_711 = tpu.all_reduce %lt3A_710 {dim = 0 : i64, kind = #tpu.reduction_kind<sum>} : vector<16xi1> -> vector<16xi32>
      %eq3A_712 = arith.constant 2 : i32
      %eq3A_713 = vector.broadcast %eq3A_712 : i32 to vector<16xi32>
      %eq3A_714 = arith.cmpi eq, %iota3A, %eq3A_713 : vector<16xi32>
      %select_n3A_715 = arith.select %eq3A_714, %all_reduce_population_count3A_711, %select_n3A_699 : vector<16xi1>, vector<16xi32>
      %get3A_716 = arith.constant 35 : i32
      %get3A_717 = arith.index_cast %select_n3A_97 : i32 to index
      %get3A_718 = arith.index_cast %get3A_716 : i32 to index
      %get3A_719 = arith.constant 0 : index
      %get3A_720 = tpu.vector_load %arg7[%get3A_717, %get3A_718, %get3A_719] {strides = array<i32>} : memref<4x128x128xf32, #tpu.memory_space<vmem>>, vector<16xf32>,
      %cumsum3A_721 = arith.constant true
      %cumsum3A_722 = vector.broadcast %cumsum3A_721 : i1 to vector<16xi1>
      %cumsum3A_723 = tpu.scan <sum>, %get3A_720 masked %cumsum3A_722 : vector<16xf32>, vector<16xi1> -> vector<16xf32>
      %lt3A_724 = arith.constant 5.000000e-01 : f32
      %lt3A_725 = vector.broadcast %lt3A_724 : f32 to vector<16xf32>
      %lt3A_726 = arith.cmpf olt, %cumsum3A_723, %lt3A_725 : vector<16xf32>
      %all_reduce_population_count3A_727 = tpu.all_reduce %lt3A_726 {dim = 0 : i64, kind = #tpu.reduction_kind<sum>} : vector<16xi1> -> vector<16xi32>
      %eq3A_728 = arith.constant 3 : i32
      %eq3A_729 = vector.broadcast %eq3A_728 : i32 to vector<16xi32>
      %eq3A_730 = arith.cmpi eq, %iota3A, %eq3A_729 : vector<16xi32>
      %select_n3A_731 = arith.select %eq3A_730, %all_reduce_population_count3A_727, %select_n3A_715 : vector<16xi1>, vector<16xi32>
      %get3A_732 = arith.constant 36 : i32
      %get3A_733 = arith.index_cast %select_n3A_97 : i32 to index
      %get3A_734 = arith.index_cast %get3A_732 : i32 to index
      %get3A_735 = arith.constant 0 : index
      %get3A_736 = tpu.vector_load %arg7[%get3A_733, %get3A_734, %get3A_735] {strides = array<i32>} : memref<4x128x128xf32, #tpu.memory_space<vmem>>, vector<16xf32>,
      %cumsum3A_737 = arith.constant true
      %cumsum3A_738 = vector.broadcast %cumsum3A_737 : i1 to vector<16xi1>
      %cumsum3A_739 = tpu.scan <sum>, %get3A_736 masked %cumsum3A_738 : vector<16xf32>, vector<16xi1> -> vector<16xf32>
      %lt3A_740 = arith.constant 5.000000e-01 : f32
      %lt3A_741 = vector.broadcast %lt3A_740 : f32 to vector<16xf32>
      %lt3A_742 = arith.cmpf olt, %cumsum3A_739, %lt3A_741 : vector<16xf32>
      %all_reduce_population_count3A_743 = tpu.all_reduce %lt3A_742 {dim = 0 : i64, kind = #tpu.reduction_kind<sum>} : vector<16xi1> -> vector<16xi32>
      %eq3A_744 = arith.constant 4 : i32
      %eq3A_745 = vector.broadcast %eq3A_744 : i32 to vector<16xi32>
      %eq3A_746 = arith.cmpi eq, %iota3A, %eq3A_745 : vector<16xi32>
      %select_n3A_747 = arith.select %eq3A_746, %all_reduce_population_count3A_743, %select_n3A_731 : vector<16xi1>, vector<16xi32>
      %get3A_748 = arith.constant 37 : i32
      %get3A_749 = arith.index_cast %select_n3A_97 : i32 to index
      %get3A_750 = arith.index_cast %get3A_748 : i32 to index
      %get3A_751 = arith.constant 0 : index
      %get3A_752 = tpu.vector_load %arg7[%get3A_749, %get3A_750, %get3A_751] {strides = array<i32>} : memref<4x128x128xf32, #tpu.memory_space<vmem>>, vector<16xf32>,
      %cumsum3A_753 = arith.constant true
      %cumsum3A_754 = vector.broadcast %cumsum3A_753 : i1 to vector<16xi1>
      %cumsum3A_755 = tpu.scan <sum>, %get3A_752 masked %cumsum3A_754 : vector<16xf32>, vector<16xi1> -> vector<16xf32>
      %lt3A_756 = arith.constant 5.000000e-01 : f32
      %lt3A_757 = vector.broadcast %lt3A_756 : f32 to vector<16xf32>
      %lt3A_758 = arith.cmpf olt, %cumsum3A_755, %lt3A_757 : vector<16xf32>
      %all_reduce_population_count3A_759 = tpu.all_reduce %lt3A_758 {dim = 0 : i64, kind = #tpu.reduction_kind<sum>} : vector<16xi1> -> vector<16xi32>
      %eq3A_760 = arith.constant 5 : i32
      %eq3A_761 = vector.broadcast %eq3A_760 : i32 to vector<16xi32>
      %eq3A_762 = arith.cmpi eq, %iota3A, %eq3A_761 : vector<16xi32>
      %select_n3A_763 = arith.select %eq3A_762, %all_reduce_population_count3A_759, %select_n3A_747 : vector<16xi1>, vector<16xi32>
      %get3A_764 = arith.constant 38 : i32
      %get3A_765 = arith.index_cast %select_n3A_97 : i32 to index
      %get3A_766 = arith.index_cast %get3A_764 : i32 to index
      %get3A_767 = arith.constant 0 : index
      %get3A_768 = tpu.vector_load %arg7[%get3A_765, %get3A_766, %get3A_767] {strides = array<i32>} : memref<4x128x128xf32, #tpu.memory_space<vmem>>, vector<16xf32>,
      %cumsum3A_769 = arith.constant true
      %cumsum3A_770 = vector.broadcast %cumsum3A_769 : i1 to vector<16xi1>
      %cumsum3A_771 = tpu.scan <sum>, %get3A_768 masked %cumsum3A_770 : vector<16xf32>, vector<16xi1> -> vector<16xf32>
      %lt3A_772 = arith.constant 5.000000e-01 : f32
      %lt3A_773 = vector.broadcast %lt3A_772 : f32 to vector<16xf32>
      %lt3A_774 = arith.cmpf olt, %cumsum3A_771, %lt3A_773 : vector<16xf32>
      %all_reduce_population_count3A_775 = tpu.all_reduce %lt3A_774 {dim = 0 : i64, kind = #tpu.reduction_kind<sum>} : vector<16xi1> -> vector<16xi32>
      %eq3A_776 = arith.constant 6 : i32
      %eq3A_777 = vector.broadcast %eq3A_776 : i32 to vector<16xi32>
      %eq3A_778 = arith.cmpi eq, %iota3A, %eq3A_777 : vector<16xi32>
      %select_n3A_779 = arith.select %eq3A_778, %all_reduce_population_count3A_775, %select_n3A_763 : vector<16xi1>, vector<16xi32>
      %get3A_780 = arith.constant 39 : i32
      %get3A_781 = arith.index_cast %select_n3A_97 : i32 to index
      %get3A_782 = arith.index_cast %get3A_780 : i32 to index
      %get3A_783 = arith.constant 0 : index
      %get3A_784 = tpu.vector_load %arg7[%get3A_781, %get3A_782, %get3A_783] {strides = array<i32>} : memref<4x128x128xf32, #tpu.memory_space<vmem>>, vector<16xf32>,
      %cumsum3A_785 = arith.constant true
      %cumsum3A_786 = vector.broadcast %cumsum3A_785 : i1 to vector<16xi1>
      %cumsum3A_787 = tpu.scan <sum>, %get3A_784 masked %cumsum3A_786 : vector<16xf32>, vector<16xi1> -> vector<16xf32>
      %lt3A_788 = arith.constant 5.000000e-01 : f32
      %lt3A_789 = vector.broadcast %lt3A_788 : f32 to vector<16xf32>
      %lt3A_790 = arith.cmpf olt, %cumsum3A_787, %lt3A_789 : vector<16xf32>
      %all_reduce_population_count3A_791 = tpu.all_reduce %lt3A_790 {dim = 0 : i64, kind = #tpu.reduction_kind<sum>} : vector<16xi1> -> vector<16xi32>
      %eq3A_792 = arith.constant 7 : i32
      %eq3A_793 = vector.broadcast %eq3A_792 : i32 to vector<16xi32>
      %eq3A_794 = arith.cmpi eq, %iota3A, %eq3A_793 : vector<16xi32>
      %select_n3A_795 = arith.select %eq3A_794, %all_reduce_population_count3A_791, %select_n3A_779 : vector<16xi1>, vector<16xi32>
      %get3A_796 = arith.constant 40 : i32
      %get3A_797 = arith.index_cast %select_n3A_97 : i32 to index
      %get3A_798 = arith.index_cast %get3A_796 : i32 to index
      %get3A_799 = arith.constant 0 : index
      %get3A_800 = tpu.vector_load %arg7[%get3A_797, %get3A_798, %get3A_799] {strides = array<i32>} : memref<4x128x128xf32, #tpu.memory_space<vmem>>, vector<16xf32>,
      %cumsum3A_801 = arith.constant true
      %cumsum3A_802 = vector.broadcast %cumsum3A_801 : i1 to vector<16xi1>
      %cumsum3A_803 = tpu.scan <sum>, %get3A_800 masked %cumsum3A_802 : vector<16xf32>, vector<16xi1> -> vector<16xf32>
      %lt3A_804 = arith.constant 5.000000e-01 : f32
      %lt3A_805 = vector.broadcast %lt3A_804 : f32 to vector<16xf32>
      %lt3A_806 = arith.cmpf olt, %cumsum3A_803, %lt3A_805 : vector<16xf32>
      %all_reduce_population_count3A_807 = tpu.all_reduce %lt3A_806 {dim = 0 : i64, kind = #tpu.reduction_kind<sum>} : vector<16xi1> -> vector<16xi32>
      %eq3A_808 = arith.constant 8 : i32
      %eq3A_809 = vector.broadcast %eq3A_808 : i32 to vector<16xi32>
      %eq3A_810 = arith.cmpi eq, %iota3A, %eq3A_809 : vector<16xi32>
      %select_n3A_811 = arith.select %eq3A_810, %all_reduce_population_count3A_807, %select_n3A_795 : vector<16xi1>, vector<16xi32>
      %get3A_812 = arith.constant 41 : i32
      %get3A_813 = arith.index_cast %select_n3A_97 : i32 to index
      %get3A_814 = arith.index_cast %get3A_812 : i32 to index
      %get3A_815 = arith.constant 0 : index
      %get3A_816 = tpu.vector_load %arg7[%get3A_813, %get3A_814, %get3A_815] {strides = array<i32>} : memref<4x128x128xf32, #tpu.memory_space<vmem>>, vector<16xf32>,
      %cumsum3A_817 = arith.constant true
      %cumsum3A_818 = vector.broadcast %cumsum3A_817 : i1 to vector<16xi1>
      %cumsum3A_819 = tpu.scan <sum>, %get3A_816 masked %cumsum3A_818 : vector<16xf32>, vector<16xi1> -> vector<16xf32>
      %lt3A_820 = arith.constant 5.000000e-01 : f32
      %lt3A_821 = vector.broadcast %lt3A_820 : f32 to vector<16xf32>
      %lt3A_822 = arith.cmpf olt, %cumsum3A_819, %lt3A_821 : vector<16xf32>
      %all_reduce_population_count3A_823 = tpu.all_reduce %lt3A_822 {dim = 0 : i64, kind = #tpu.reduction_kind<sum>} : vector<16xi1> -> vector<16xi32>
      %eq3A_824 = arith.constant 9 : i32
      %eq3A_825 = vector.broadcast %eq3A_824 : i32 to vector<16xi32>
      %eq3A_826 = arith.cmpi eq, %iota3A, %eq3A_825 : vector<16xi32>
      %select_n3A_827 = arith.select %eq3A_826, %all_reduce_population_count3A_823, %select_n3A_811 : vector<16xi1>, vector<16xi32>
      %get3A_828 = arith.constant 42 : i32
      %get3A_829 = arith.index_cast %select_n3A_97 : i32 to index
      %get3A_830 = arith.index_cast %get3A_828 : i32 to index
      %get3A_831 = arith.constant 0 : index
      %get3A_832 = tpu.vector_load %arg7[%get3A_829, %get3A_830, %get3A_831] {strides = array<i32>} : memref<4x128x128xf32, #tpu.memory_space<vmem>>, vector<16xf32>,
      %cumsum3A_833 = arith.constant true
      %cumsum3A_834 = vector.broadcast %cumsum3A_833 : i1 to vector<16xi1>
      %cumsum3A_835 = tpu.scan <sum>, %get3A_832 masked %cumsum3A_834 : vector<16xf32>, vector<16xi1> -> vector<16xf32>
      %lt3A_836 = arith.constant 5.000000e-01 : f32
      %lt3A_837 = vector.broadcast %lt3A_836 : f32 to vector<16xf32>
      %lt3A_838 = arith.cmpf olt, %cumsum3A_835, %lt3A_837 : vector<16xf32>
      %all_reduce_population_count3A_839 = tpu.all_reduce %lt3A_838 {dim = 0 : i64, kind = #tpu.reduction_kind<sum>} : vector<16xi1> -> vector<16xi32>
      %eq3A_840 = arith.constant 10 : i32
      %eq3A_841 = vector.broadcast %eq3A_840 : i32 to vector<16xi32>
      %eq3A_842 = arith.cmpi eq, %iota3A, %eq3A_841 : vector<16xi32>
      %select_n3A_843 = arith.select %eq3A_842, %all_reduce_population_count3A_839, %select_n3A_827 : vector<16xi1>, vector<16xi32>
      %get3A_844 = arith.constant 43 : i32
      %get3A_845 = arith.index_cast %select_n3A_97 : i32 to index
      %get3A_846 = arith.index_cast %get3A_844 : i32 to index
      %get3A_847 = arith.constant 0 : index
      %get3A_848 = tpu.vector_load %arg7[%get3A_845, %get3A_846, %get3A_847] {strides = array<i32>} : memref<4x128x128xf32, #tpu.memory_space<vmem>>, vector<16xf32>,
      %cumsum3A_849 = arith.constant true
      %cumsum3A_850 = vector.broadcast %cumsum3A_849 : i1 to vector<16xi1>
      %cumsum3A_851 = tpu.scan <sum>, %get3A_848 masked %cumsum3A_850 : vector<16xf32>, vector<16xi1> -> vector<16xf32>
      %lt3A_852 = arith.constant 5.000000e-01 : f32
      %lt3A_853 = vector.broadcast %lt3A_852 : f32 to vector<16xf32>
      %lt3A_854 = arith.cmpf olt, %cumsum3A_851, %lt3A_853 : vector<16xf32>
      %all_reduce_population_count3A_855 = tpu.all_reduce %lt3A_854 {dim = 0 : i64, kind = #tpu.reduction_kind<sum>} : vector<16xi1> -> vector<16xi32>
      %eq3A_856 = arith.constant 11 : i32
      %eq3A_857 = vector.broadcast %eq3A_856 : i32 to vector<16xi32>
      %eq3A_858 = arith.cmpi eq, %iota3A, %eq3A_857 : vector<16xi32>
      %select_n3A_859 = arith.select %eq3A_858, %all_reduce_population_count3A_855, %select_n3A_843 : vector<16xi1>, vector<16xi32>
      %get3A_860 = arith.constant 44 : i32
      %get3A_861 = arith.index_cast %select_n3A_97 : i32 to index
      %get3A_862 = arith.index_cast %get3A_860 : i32 to index
      %get3A_863 = arith.constant 0 : index
      %get3A_864 = tpu.vector_load %arg7[%get3A_861, %get3A_862, %get3A_863] {strides = array<i32>} : memref<4x128x128xf32, #tpu.memory_space<vmem>>, vector<16xf32>,
      %cumsum3A_865 = arith.constant true
      %cumsum3A_866 = vector.broadcast %cumsum3A_865 : i1 to vector<16xi1>
      %cumsum3A_867 = tpu.scan <sum>, %get3A_864 masked %cumsum3A_866 : vector<16xf32>, vector<16xi1> -> vector<16xf32>
      %lt3A_868 = arith.constant 5.000000e-01 : f32
      %lt3A_869 = vector.broadcast %lt3A_868 : f32 to vector<16xf32>
      %lt3A_870 = arith.cmpf olt, %cumsum3A_867, %lt3A_869 : vector<16xf32>
      %all_reduce_population_count3A_871 = tpu.all_reduce %lt3A_870 {dim = 0 : i64, kind = #tpu.reduction_kind<sum>} : vector<16xi1> -> vector<16xi32>
      %eq3A_872 = arith.constant 12 : i32
      %eq3A_873 = vector.broadcast %eq3A_872 : i32 to vector<16xi32>
      %eq3A_874 = arith.cmpi eq, %iota3A, %eq3A_873 : vector<16xi32>
      %select_n3A_875 = arith.select %eq3A_874, %all_reduce_population_count3A_871, %select_n3A_859 : vector<16xi1>, vector<16xi32>
      %get3A_876 = arith.constant 45 : i32
      %get3A_877 = arith.index_cast %select_n3A_97 : i32 to index
      %get3A_878 = arith.index_cast %get3A_876 : i32 to index
      %get3A_879 = arith.constant 0 : index
      %get3A_880 = tpu.vector_load %arg7[%get3A_877, %get3A_878, %get3A_879] {strides = array<i32>} : memref<4x128x128xf32, #tpu.memory_space<vmem>>, vector<16xf32>,
      %cumsum3A_881 = arith.constant true
      %cumsum3A_882 = vector.broadcast %cumsum3A_881 : i1 to vector<16xi1>
      %cumsum3A_883 = tpu.scan <sum>, %get3A_880 masked %cumsum3A_882 : vector<16xf32>, vector<16xi1> -> vector<16xf32>
      %lt3A_884 = arith.constant 5.000000e-01 : f32
      %lt3A_885 = vector.broadcast %lt3A_884 : f32 to vector<16xf32>
      %lt3A_886 = arith.cmpf olt, %cumsum3A_883, %lt3A_885 : vector<16xf32>
      %all_reduce_population_count3A_887 = tpu.all_reduce %lt3A_886 {dim = 0 : i64, kind = #tpu.reduction_kind<sum>} : vector<16xi1> -> vector<16xi32>
      %eq3A_888 = arith.constant 13 : i32
      %eq3A_889 = vector.broadcast %eq3A_888 : i32 to vector<16xi32>
      %eq3A_890 = arith.cmpi eq, %iota3A, %eq3A_889 : vector<16xi32>
      %select_n3A_891 = arith.select %eq3A_890, %all_reduce_population_count3A_887, %select_n3A_875 : vector<16xi1>, vector<16xi32>
      %get3A_892 = arith.constant 46 : i32
      %get3A_893 = arith.index_cast %select_n3A_97 : i32 to index
      %get3A_894 = arith.index_cast %get3A_892 : i32 to index
      %get3A_895 = arith.constant 0 : index
      %get3A_896 = tpu.vector_load %arg7[%get3A_893, %get3A_894, %get3A_895] {strides = array<i32>} : memref<4x128x128xf32, #tpu.memory_space<vmem>>, vector<16xf32>,
      %cumsum3A_897 = arith.constant true
      %cumsum3A_898 = vector.broadcast %cumsum3A_897 : i1 to vector<16xi1>
      %cumsum3A_899 = tpu.scan <sum>, %get3A_896 masked %cumsum3A_898 : vector<16xf32>, vector<16xi1> -> vector<16xf32>
      %lt3A_900 = arith.constant 5.000000e-01 : f32
      %lt3A_901 = vector.broadcast %lt3A_900 : f32 to vector<16xf32>
      %lt3A_902 = arith.cmpf olt, %cumsum3A_899, %lt3A_901 : vector<16xf32>
      %all_reduce_population_count3A_903 = tpu.all_reduce %lt3A_902 {dim = 0 : i64, kind = #tpu.reduction_kind<sum>} : vector<16xi1> -> vector<16xi32>
      %eq3A_904 = arith.constant 14 : i32
      %eq3A_905 = vector.broadcast %eq3A_904 : i32 to vector<16xi32>
      %eq3A_906 = arith.cmpi eq, %iota3A, %eq3A_905 : vector<16xi32>
      %select_n3A_907 = arith.select %eq3A_906, %all_reduce_population_count3A_903, %select_n3A_891 : vector<16xi1>, vector<16xi32>
      %get3A_908 = arith.constant 47 : i32
      %get3A_909 = arith.index_cast %select_n3A_97 : i32 to index
      %get3A_910 = arith.index_cast %get3A_908 : i32 to index
      %get3A_911 = arith.constant 0 : index
      %get3A_912 = tpu.vector_load %arg7[%get3A_909, %get3A_910, %get3A_911] {strides = array<i32>} : memref<4x128x128xf32, #tpu.memory_space<vmem>>, vector<16xf32>,
      %cumsum3A_913 = arith.constant true
      %cumsum3A_914 = vector.broadcast %cumsum3A_913 : i1 to vector<16xi1>
      %cumsum3A_915 = tpu.scan <sum>, %get3A_912 masked %cumsum3A_914 : vector<16xf32>, vector<16xi1> -> vector<16xf32>
      %lt3A_916 = arith.constant 5.000000e-01 : f32
      %lt3A_917 = vector.broadcast %lt3A_916 : f32 to vector<16xf32>
      %lt3A_918 = arith.cmpf olt, %cumsum3A_915, %lt3A_917 : vector<16xf32>
      %all_reduce_population_count3A_919 = tpu.all_reduce %lt3A_918 {dim = 0 : i64, kind = #tpu.reduction_kind<sum>} : vector<16xi1> -> vector<16xi32>
      %eq3A_920 = arith.constant 15 : i32
      %eq3A_921 = vector.broadcast %eq3A_920 : i32 to vector<16xi32>
      %eq3A_922 = arith.cmpi eq, %iota3A, %eq3A_921 : vector<16xi32>
      %select_n3A_923 = arith.select %eq3A_922, %all_reduce_population_count3A_919, %select_n3A_907 : vector<16xi1>, vector<16xi32>
      %max3A_924 = arith.maxsi %max3A_651, %select_n3A_923 : vector<16xi32>
      %add3A_925 = arith.addi %mul3A_665, %select_n3A_923 : vector<16xi32>
      %swap3A_926 = arith.index_cast %scan3A_87 : i32 to index
      %swap3A_927 = arith.constant 32 : index
      %swap3A_928 = tpu.vector_load %arg8[%swap3A_926, %swap3A_927] {strides = array<i32>} : memref<64x128xi32, #tpu.memory_space<vmem>>, vector<16xi32>,
      tpu.vector_store %arg8[%swap3A_926, %swap3A_927], %add3A_925 {strides = array<i32>} : memref<64x128xi32, #tpu.memory_space<vmem>>, vector<16xi32>,
      %mul3A_929 = arith.constant 128 : i32
      %mul3A_930 = arith.muli %scan3A_87, %mul3A_929 : i32
      %add3A_931 = arith.addi %mul3A_2, %mul3A_930 : i32
      %add3A_932 = arith.constant 48 : i32
      %add3A_933 = arith.addi %add3A_931, %add3A_932 : i32
      %add3A_934 = vector.broadcast %add3A_933 : i32 to vector<16xi32>
      %add3A_935 = arith.addi %add3A_934, %iota3A : vector<16xi32>
      %mul3A_936 = arith.constant 128 : i32
      %mul3A_937 = vector.broadcast %mul3A_936 : i32 to vector<16xi32>
      %mul3A_938 = arith.muli %add3A_935, %mul3A_937 : vector<16xi32>
      %broadcast_in_dim3A_939 = arith.constant 0 : i32
      %broadcast_in_dim3A_940 = vector.broadcast %broadcast_in_dim3A_939 : i32 to vector<16xi32>
      %get3A_941 = arith.constant 48 : i32
      %get3A_942 = arith.index_cast %select_n3A_97 : i32 to index
      %get3A_943 = arith.index_cast %get3A_941 : i32 to index
      %get3A_944 = arith.constant 0 : index
      %get3A_945 = tpu.vector_load %arg7[%get3A_942, %get3A_943, %get3A_944] {strides = array<i32>} : memref<4x128x128xf32, #tpu.memory_space<vmem>>, vector<16xf32>,
      %cumsum3A_946 = arith.constant true
      %cumsum3A_947 = vector.broadcast %cumsum3A_946 : i1 to vector<16xi1>
      %cumsum3A_948 = tpu.scan <sum>, %get3A_945 masked %cumsum3A_947 : vector<16xf32>, vector<16xi1> -> vector<16xf32>
      %lt3A_949 = arith.constant 5.000000e-01 : f32
      %lt3A_950 = vector.broadcast %lt3A_949 : f32 to vector<16xf32>
      %lt3A_951 = arith.cmpf olt, %cumsum3A_948, %lt3A_950 : vector<16xf32>
      %all_reduce_population_count3A_952 = tpu.all_reduce %lt3A_951 {dim = 0 : i64, kind = #tpu.reduction_kind<sum>} : vector<16xi1> -> vector<16xi32>
      %eq3A_953 = arith.constant 0 : i32
      %eq3A_954 = vector.broadcast %eq3A_953 : i32 to vector<16xi32>
      %eq3A_955 = arith.cmpi eq, %iota3A, %eq3A_954 : vector<16xi32>
      %select_n3A_956 = arith.select %eq3A_955, %all_reduce_population_count3A_952, %broadcast_in_dim3A_940 : vector<16xi1>, vector<16xi32>
      %get3A_957 = arith.constant 49 : i32
      %get3A_958 = arith.index_cast %select_n3A_97 : i32 to index
      %get3A_959 = arith.index_cast %get3A_957 : i32 to index
      %get3A_960 = arith.constant 0 : index
      %get3A_961 = tpu.vector_load %arg7[%get3A_958, %get3A_959, %get3A_960] {strides = array<i32>} : memref<4x128x128xf32, #tpu.memory_space<vmem>>, vector<16xf32>,
      %cumsum3A_962 = arith.constant true
      %cumsum3A_963 = vector.broadcast %cumsum3A_962 : i1 to vector<16xi1>
      %cumsum3A_964 = tpu.scan <sum>, %get3A_961 masked %cumsum3A_963 : vector<16xf32>, vector<16xi1> -> vector<16xf32>
      %lt3A_965 = arith.constant 5.000000e-01 : f32
      %lt3A_966 = vector.broadcast %lt3A_965 : f32 to vector<16xf32>
      %lt3A_967 = arith.cmpf olt, %cumsum3A_964, %lt3A_966 : vector<16xf32>
      %all_reduce_population_count3A_968 = tpu.all_reduce %lt3A_967 {dim = 0 : i64, kind = #tpu.reduction_kind<sum>} : vector<16xi1> -> vector<16xi32>
      %eq3A_969 = arith.constant 1 : i32
      %eq3A_970 = vector.broadcast %eq3A_969 : i32 to vector<16xi32>
      %eq3A_971 = arith.cmpi eq, %iota3A, %eq3A_970 : vector<16xi32>
      %select_n3A_972 = arith.select %eq3A_971, %all_reduce_population_count3A_968, %select_n3A_956 : vector<16xi1>, vector<16xi32>
      %get3A_973 = arith.constant 50 : i32
      %get3A_974 = arith.index_cast %select_n3A_97 : i32 to index
      %get3A_975 = arith.index_cast %get3A_973 : i32 to index
      %get3A_976 = arith.constant 0 : index
      %get3A_977 = tpu.vector_load %arg7[%get3A_974, %get3A_975, %get3A_976] {strides = array<i32>} : memref<4x128x128xf32, #tpu.memory_space<vmem>>, vector<16xf32>,
      %cumsum3A_978 = arith.constant true
      %cumsum3A_979 = vector.broadcast %cumsum3A_978 : i1 to vector<16xi1>
      %cumsum3A_980 = tpu.scan <sum>, %get3A_977 masked %cumsum3A_979 : vector<16xf32>, vector<16xi1> -> vector<16xf32>
      %lt3A_981 = arith.constant 5.000000e-01 : f32
      %lt3A_982 = vector.broadcast %lt3A_981 : f32 to vector<16xf32>
      %lt3A_983 = arith.cmpf olt, %cumsum3A_980, %lt3A_982 : vector<16xf32>
      %all_reduce_population_count3A_984 = tpu.all_reduce %lt3A_983 {dim = 0 : i64, kind = #tpu.reduction_kind<sum>} : vector<16xi1> -> vector<16xi32>
      %eq3A_985 = arith.constant 2 : i32
      %eq3A_986 = vector.broadcast %eq3A_985 : i32 to vector<16xi32>
      %eq3A_987 = arith.cmpi eq, %iota3A, %eq3A_986 : vector<16xi32>
      %select_n3A_988 = arith.select %eq3A_987, %all_reduce_population_count3A_984, %select_n3A_972 : vector<16xi1>, vector<16xi32>
      %get3A_989 = arith.constant 51 : i32
      %get3A_990 = arith.index_cast %select_n3A_97 : i32 to index
      %get3A_991 = arith.index_cast %get3A_989 : i32 to index
      %get3A_992 = arith.constant 0 : index
      %get3A_993 = tpu.vector_load %arg7[%get3A_990, %get3A_991, %get3A_992] {strides = array<i32>} : memref<4x128x128xf32, #tpu.memory_space<vmem>>, vector<16xf32>,
      %cumsum3A_994 = arith.constant true
      %cumsum3A_995 = vector.broadcast %cumsum3A_994 : i1 to vector<16xi1>
      %cumsum3A_996 = tpu.scan <sum>, %get3A_993 masked %cumsum3A_995 : vector<16xf32>, vector<16xi1> -> vector<16xf32>
      %lt3A_997 = arith.constant 5.000000e-01 : f32
      %lt3A_998 = vector.broadcast %lt3A_997 : f32 to vector<16xf32>
      %lt3A_999 = arith.cmpf olt, %cumsum3A_996, %lt3A_998 : vector<16xf32>
      %all_reduce_population_count3A_1000 = tpu.all_reduce %lt3A_999 {dim = 0 : i64, kind = #tpu.reduction_kind<sum>} : vector<16xi1> -> vector<16xi32>
      %eq3A_1001 = arith.constant 3 : i32
      %eq3A_1002 = vector.broadcast %eq3A_1001 : i32 to vector<16xi32>
      %eq3A_1003 = arith.cmpi eq, %iota3A, %eq3A_1002 : vector<16xi32>
      %select_n3A_1004 = arith.select %eq3A_1003, %all_reduce_population_count3A_1000, %select_n3A_988 : vector<16xi1>, vector<16xi32>
      %get3A_1005 = arith.constant 52 : i32
      %get3A_1006 = arith.index_cast %select_n3A_97 : i32 to index
      %get3A_1007 = arith.index_cast %get3A_1005 : i32 to index
      %get3A_1008 = arith.constant 0 : index
      %get3A_1009 = tpu.vector_load %arg7[%get3A_1006, %get3A_1007, %get3A_1008] {strides = array<i32>} : memref<4x128x128xf32, #tpu.memory_space<vmem>>, vector<16xf32>,
      %cumsum3A_1010 = arith.constant true
      %cumsum3A_1011 = vector.broadcast %cumsum3A_1010 : i1 to vector<16xi1>
      %cumsum3A_1012 = tpu.scan <sum>, %get3A_1009 masked %cumsum3A_1011 : vector<16xf32>, vector<16xi1> -> vector<16xf32>
      %lt3A_1013 = arith.constant 5.000000e-01 : f32
      %lt3A_1014 = vector.broadcast %lt3A_1013 : f32 to vector<16xf32>
      %lt3A_1015 = arith.cmpf olt, %cumsum3A_1012, %lt3A_1014 : vector<16xf32>
      %all_reduce_population_count3A_1016 = tpu.all_reduce %lt3A_1015 {dim = 0 : i64, kind = #tpu.reduction_kind<sum>} : vector<16xi1> -> vector<16xi32>
      %eq3A_1017 = arith.constant 4 : i32
      %eq3A_1018 = vector.broadcast %eq3A_1017 : i32 to vector<16xi32>
      %eq3A_1019 = arith.cmpi eq, %iota3A, %eq3A_1018 : vector<16xi32>
      %select_n3A_1020 = arith.select %eq3A_1019, %all_reduce_population_count3A_1016, %select_n3A_1004 : vector<16xi1>, vector<16xi32>
      %get3A_1021 = arith.constant 53 : i32
      %get3A_1022 = arith.index_cast %select_n3A_97 : i32 to index
      %get3A_1023 = arith.index_cast %get3A_1021 : i32 to index
      %get3A_1024 = arith.constant 0 : index
      %get3A_1025 = tpu.vector_load %arg7[%get3A_1022, %get3A_1023, %get3A_1024] {strides = array<i32>} : memref<4x128x128xf32, #tpu.memory_space<vmem>>, vector<16xf32>,
      %cumsum3A_1026 = arith.constant true
      %cumsum3A_1027 = vector.broadcast %cumsum3A_1026 : i1 to vector<16xi1>
      %cumsum3A_1028 = tpu.scan <sum>, %get3A_1025 masked %cumsum3A_1027 : vector<16xf32>, vector<16xi1> -> vector<16xf32>
      %lt3A_1029 = arith.constant 5.000000e-01 : f32
      %lt3A_1030 = vector.broadcast %lt3A_1029 : f32 to vector<16xf32>
      %lt3A_1031 = arith.cmpf olt, %cumsum3A_1028, %lt3A_1030 : vector<16xf32>
      %all_reduce_population_count3A_1032 = tpu.all_reduce %lt3A_1031 {dim = 0 : i64, kind = #tpu.reduction_kind<sum>} : vector<16xi1> -> vector<16xi32>
      %eq3A_1033 = arith.constant 5 : i32
      %eq3A_1034 = vector.broadcast %eq3A_1033 : i32 to vector<16xi32>
      %eq3A_1035 = arith.cmpi eq, %iota3A, %eq3A_1034 : vector<16xi32>
      %select_n3A_1036 = arith.select %eq3A_1035, %all_reduce_population_count3A_1032, %select_n3A_1020 : vector<16xi1>, vector<16xi32>
      %get3A_1037 = arith.constant 54 : i32
      %get3A_1038 = arith.index_cast %select_n3A_97 : i32 to index
      %get3A_1039 = arith.index_cast %get3A_1037 : i32 to index
      %get3A_1040 = arith.constant 0 : index
      %get3A_1041 = tpu.vector_load %arg7[%get3A_1038, %get3A_1039, %get3A_1040] {strides = array<i32>} : memref<4x128x128xf32, #tpu.memory_space<vmem>>, vector<16xf32>,
      %cumsum3A_1042 = arith.constant true
      %cumsum3A_1043 = vector.broadcast %cumsum3A_1042 : i1 to vector<16xi1>
      %cumsum3A_1044 = tpu.scan <sum>, %get3A_1041 masked %cumsum3A_1043 : vector<16xf32>, vector<16xi1> -> vector<16xf32>
      %lt3A_1045 = arith.constant 5.000000e-01 : f32
      %lt3A_1046 = vector.broadcast %lt3A_1045 : f32 to vector<16xf32>
      %lt3A_1047 = arith.cmpf olt, %cumsum3A_1044, %lt3A_1046 : vector<16xf32>
      %all_reduce_population_count3A_1048 = tpu.all_reduce %lt3A_1047 {dim = 0 : i64, kind = #tpu.reduction_kind<sum>} : vector<16xi1> -> vector<16xi32>
      %eq3A_1049 = arith.constant 6 : i32
      %eq3A_1050 = vector.broadcast %eq3A_1049 : i32 to vector<16xi32>
      %eq3A_1051 = arith.cmpi eq, %iota3A, %eq3A_1050 : vector<16xi32>
      %select_n3A_1052 = arith.select %eq3A_1051, %all_reduce_population_count3A_1048, %select_n3A_1036 : vector<16xi1>, vector<16xi32>
      %get3A_1053 = arith.constant 55 : i32
      %get3A_1054 = arith.index_cast %select_n3A_97 : i32 to index
      %get3A_1055 = arith.index_cast %get3A_1053 : i32 to index
      %get3A_1056 = arith.constant 0 : index
      %get3A_1057 = tpu.vector_load %arg7[%get3A_1054, %get3A_1055, %get3A_1056] {strides = array<i32>} : memref<4x128x128xf32, #tpu.memory_space<vmem>>, vector<16xf32>,
      %cumsum3A_1058 = arith.constant true
      %cumsum3A_1059 = vector.broadcast %cumsum3A_1058 : i1 to vector<16xi1>
      %cumsum3A_1060 = tpu.scan <sum>, %get3A_1057 masked %cumsum3A_1059 : vector<16xf32>, vector<16xi1> -> vector<16xf32>
      %lt3A_1061 = arith.constant 5.000000e-01 : f32
      %lt3A_1062 = vector.broadcast %lt3A_1061 : f32 to vector<16xf32>
      %lt3A_1063 = arith.cmpf olt, %cumsum3A_1060, %lt3A_1062 : vector<16xf32>
      %all_reduce_population_count3A_1064 = tpu.all_reduce %lt3A_1063 {dim = 0 : i64, kind = #tpu.reduction_kind<sum>} : vector<16xi1> -> vector<16xi32>
      %eq3A_1065 = arith.constant 7 : i32
      %eq3A_1066 = vector.broadcast %eq3A_1065 : i32 to vector<16xi32>
      %eq3A_1067 = arith.cmpi eq, %iota3A, %eq3A_1066 : vector<16xi32>
      %select_n3A_1068 = arith.select %eq3A_1067, %all_reduce_population_count3A_1064, %select_n3A_1052 : vector<16xi1>, vector<16xi32>
      %get3A_1069 = arith.constant 56 : i32
      %get3A_1070 = arith.index_cast %select_n3A_97 : i32 to index
      %get3A_1071 = arith.index_cast %get3A_1069 : i32 to index
      %get3A_1072 = arith.constant 0 : index
      %get3A_1073 = tpu.vector_load %arg7[%get3A_1070, %get3A_1071, %get3A_1072] {strides = array<i32>} : memref<4x128x128xf32, #tpu.memory_space<vmem>>, vector<16xf32>,
      %cumsum3A_1074 = arith.constant true
      %cumsum3A_1075 = vector.broadcast %cumsum3A_1074 : i1 to vector<16xi1>
      %cumsum3A_1076 = tpu.scan <sum>, %get3A_1073 masked %cumsum3A_1075 : vector<16xf32>, vector<16xi1> -> vector<16xf32>
      %lt3A_1077 = arith.constant 5.000000e-01 : f32
      %lt3A_1078 = vector.broadcast %lt3A_1077 : f32 to vector<16xf32>
      %lt3A_1079 = arith.cmpf olt, %cumsum3A_1076, %lt3A_1078 : vector<16xf32>
      %all_reduce_population_count3A_1080 = tpu.all_reduce %lt3A_1079 {dim = 0 : i64, kind = #tpu.reduction_kind<sum>} : vector<16xi1> -> vector<16xi32>
      %eq3A_1081 = arith.constant 8 : i32
      %eq3A_1082 = vector.broadcast %eq3A_1081 : i32 to vector<16xi32>
      %eq3A_1083 = arith.cmpi eq, %iota3A, %eq3A_1082 : vector<16xi32>
      %select_n3A_1084 = arith.select %eq3A_1083, %all_reduce_population_count3A_1080, %select_n3A_1068 : vector<16xi1>, vector<16xi32>
      %get3A_1085 = arith.constant 57 : i32
      %get3A_1086 = arith.index_cast %select_n3A_97 : i32 to index
      %get3A_1087 = arith.index_cast %get3A_1085 : i32 to index
      %get3A_1088 = arith.constant 0 : index
      %get3A_1089 = tpu.vector_load %arg7[%get3A_1086, %get3A_1087, %get3A_1088] {strides = array<i32>} : memref<4x128x128xf32, #tpu.memory_space<vmem>>, vector<16xf32>,
      %cumsum3A_1090 = arith.constant true
      %cumsum3A_1091 = vector.broadcast %cumsum3A_1090 : i1 to vector<16xi1>
      %cumsum3A_1092 = tpu.scan <sum>, %get3A_1089 masked %cumsum3A_1091 : vector<16xf32>, vector<16xi1> -> vector<16xf32>
      %lt3A_1093 = arith.constant 5.000000e-01 : f32
      %lt3A_1094 = vector.broadcast %lt3A_1093 : f32 to vector<16xf32>
      %lt3A_1095 = arith.cmpf olt, %cumsum3A_1092, %lt3A_1094 : vector<16xf32>
      %all_reduce_population_count3A_1096 = tpu.all_reduce %lt3A_1095 {dim = 0 : i64, kind = #tpu.reduction_kind<sum>} : vector<16xi1> -> vector<16xi32>
      %eq3A_1097 = arith.constant 9 : i32
      %eq3A_1098 = vector.broadcast %eq3A_1097 : i32 to vector<16xi32>
      %eq3A_1099 = arith.cmpi eq, %iota3A, %eq3A_1098 : vector<16xi32>
      %select_n3A_1100 = arith.select %eq3A_1099, %all_reduce_population_count3A_1096, %select_n3A_1084 : vector<16xi1>, vector<16xi32>
      %get3A_1101 = arith.constant 58 : i32
      %get3A_1102 = arith.index_cast %select_n3A_97 : i32 to index
      %get3A_1103 = arith.index_cast %get3A_1101 : i32 to index
      %get3A_1104 = arith.constant 0 : index
      %get3A_1105 = tpu.vector_load %arg7[%get3A_1102, %get3A_1103, %get3A_1104] {strides = array<i32>} : memref<4x128x128xf32, #tpu.memory_space<vmem>>, vector<16xf32>,
      %cumsum3A_1106 = arith.constant true
      %cumsum3A_1107 = vector.broadcast %cumsum3A_1106 : i1 to vector<16xi1>
      %cumsum3A_1108 = tpu.scan <sum>, %get3A_1105 masked %cumsum3A_1107 : vector<16xf32>, vector<16xi1> -> vector<16xf32>
      %lt3A_1109 = arith.constant 5.000000e-01 : f32
      %lt3A_1110 = vector.broadcast %lt3A_1109 : f32 to vector<16xf32>
      %lt3A_1111 = arith.cmpf olt, %cumsum3A_1108, %lt3A_1110 : vector<16xf32>
      %all_reduce_population_count3A_1112 = tpu.all_reduce %lt3A_1111 {dim = 0 : i64, kind = #tpu.reduction_kind<sum>} : vector<16xi1> -> vector<16xi32>
      %eq3A_1113 = arith.constant 10 : i32
      %eq3A_1114 = vector.broadcast %eq3A_1113 : i32 to vector<16xi32>
      %eq3A_1115 = arith.cmpi eq, %iota3A, %eq3A_1114 : vector<16xi32>
      %select_n3A_1116 = arith.select %eq3A_1115, %all_reduce_population_count3A_1112, %select_n3A_1100 : vector<16xi1>, vector<16xi32>
      %get3A_1117 = arith.constant 59 : i32
      %get3A_1118 = arith.index_cast %select_n3A_97 : i32 to index
      %get3A_1119 = arith.index_cast %get3A_1117 : i32 to index
      %get3A_1120 = arith.constant 0 : index
      %get3A_1121 = tpu.vector_load %arg7[%get3A_1118, %get3A_1119, %get3A_1120] {strides = array<i32>} : memref<4x128x128xf32, #tpu.memory_space<vmem>>, vector<16xf32>,
      %cumsum3A_1122 = arith.constant true
      %cumsum3A_1123 = vector.broadcast %cumsum3A_1122 : i1 to vector<16xi1>
      %cumsum3A_1124 = tpu.scan <sum>, %get3A_1121 masked %cumsum3A_1123 : vector<16xf32>, vector<16xi1> -> vector<16xf32>
      %lt3A_1125 = arith.constant 5.000000e-01 : f32
      %lt3A_1126 = vector.broadcast %lt3A_1125 : f32 to vector<16xf32>
      %lt3A_1127 = arith.cmpf olt, %cumsum3A_1124, %lt3A_1126 : vector<16xf32>
      %all_reduce_population_count3A_1128 = tpu.all_reduce %lt3A_1127 {dim = 0 : i64, kind = #tpu.reduction_kind<sum>} : vector<16xi1> -> vector<16xi32>
      %eq3A_1129 = arith.constant 11 : i32
      %eq3A_1130 = vector.broadcast %eq3A_1129 : i32 to vector<16xi32>
      %eq3A_1131 = arith.cmpi eq, %iota3A, %eq3A_1130 : vector<16xi32>
      %select_n3A_1132 = arith.select %eq3A_1131, %all_reduce_population_count3A_1128, %select_n3A_1116 : vector<16xi1>, vector<16xi32>
      %get3A_1133 = arith.constant 60 : i32
      %get3A_1134 = arith.index_cast %select_n3A_97 : i32 to index
      %get3A_1135 = arith.index_cast %get3A_1133 : i32 to index
      %get3A_1136 = arith.constant 0 : index
      %get3A_1137 = tpu.vector_load %arg7[%get3A_1134, %get3A_1135, %get3A_1136] {strides = array<i32>} : memref<4x128x128xf32, #tpu.memory_space<vmem>>, vector<16xf32>,
      %cumsum3A_1138 = arith.constant true
      %cumsum3A_1139 = vector.broadcast %cumsum3A_1138 : i1 to vector<16xi1>
      %cumsum3A_1140 = tpu.scan <sum>, %get3A_1137 masked %cumsum3A_1139 : vector<16xf32>, vector<16xi1> -> vector<16xf32>
      %lt3A_1141 = arith.constant 5.000000e-01 : f32
      %lt3A_1142 = vector.broadcast %lt3A_1141 : f32 to vector<16xf32>
      %lt3A_1143 = arith.cmpf olt, %cumsum3A_1140, %lt3A_1142 : vector<16xf32>
      %all_reduce_population_count3A_1144 = tpu.all_reduce %lt3A_1143 {dim = 0 : i64, kind = #tpu.reduction_kind<sum>} : vector<16xi1> -> vector<16xi32>
      %eq3A_1145 = arith.constant 12 : i32
      %eq3A_1146 = vector.broadcast %eq3A_1145 : i32 to vector<16xi32>
      %eq3A_1147 = arith.cmpi eq, %iota3A, %eq3A_1146 : vector<16xi32>
      %select_n3A_1148 = arith.select %eq3A_1147, %all_reduce_population_count3A_1144, %select_n3A_1132 : vector<16xi1>, vector<16xi32>
      %get3A_1149 = arith.constant 61 : i32
      %get3A_1150 = arith.index_cast %select_n3A_97 : i32 to index
      %get3A_1151 = arith.index_cast %get3A_1149 : i32 to index
      %get3A_1152 = arith.constant 0 : index
      %get3A_1153 = tpu.vector_load %arg7[%get3A_1150, %get3A_1151, %get3A_1152] {strides = array<i32>} : memref<4x128x128xf32, #tpu.memory_space<vmem>>, vector<16xf32>,
      %cumsum3A_1154 = arith.constant true
      %cumsum3A_1155 = vector.broadcast %cumsum3A_1154 : i1 to vector<16xi1>
      %cumsum3A_1156 = tpu.scan <sum>, %get3A_1153 masked %cumsum3A_1155 : vector<16xf32>, vector<16xi1> -> vector<16xf32>
      %lt3A_1157 = arith.constant 5.000000e-01 : f32
      %lt3A_1158 = vector.broadcast %lt3A_1157 : f32 to vector<16xf32>
      %lt3A_1159 = arith.cmpf olt, %cumsum3A_1156, %lt3A_1158 : vector<16xf32>
      %all_reduce_population_count3A_1160 = tpu.all_reduce %lt3A_1159 {dim = 0 : i64, kind = #tpu.reduction_kind<sum>} : vector<16xi1> -> vector<16xi32>
      %eq3A_1161 = arith.constant 13 : i32
      %eq3A_1162 = vector.broadcast %eq3A_1161 : i32 to vector<16xi32>
      %eq3A_1163 = arith.cmpi eq, %iota3A, %eq3A_1162 : vector<16xi32>
      %select_n3A_1164 = arith.select %eq3A_1163, %all_reduce_population_count3A_1160, %select_n3A_1148 : vector<16xi1>, vector<16xi32>
      %get3A_1165 = arith.constant 62 : i32
      %get3A_1166 = arith.index_cast %select_n3A_97 : i32 to index
      %get3A_1167 = arith.index_cast %get3A_1165 : i32 to index
      %get3A_1168 = arith.constant 0 : index
      %get3A_1169 = tpu.vector_load %arg7[%get3A_1166, %get3A_1167, %get3A_1168] {strides = array<i32>} : memref<4x128x128xf32, #tpu.memory_space<vmem>>, vector<16xf32>,
      %cumsum3A_1170 = arith.constant true
      %cumsum3A_1171 = vector.broadcast %cumsum3A_1170 : i1 to vector<16xi1>
      %cumsum3A_1172 = tpu.scan <sum>, %get3A_1169 masked %cumsum3A_1171 : vector<16xf32>, vector<16xi1> -> vector<16xf32>
      %lt3A_1173 = arith.constant 5.000000e-01 : f32
      %lt3A_1174 = vector.broadcast %lt3A_1173 : f32 to vector<16xf32>
      %lt3A_1175 = arith.cmpf olt, %cumsum3A_1172, %lt3A_1174 : vector<16xf32>
      %all_reduce_population_count3A_1176 = tpu.all_reduce %lt3A_1175 {dim = 0 : i64, kind = #tpu.reduction_kind<sum>} : vector<16xi1> -> vector<16xi32>
      %eq3A_1177 = arith.constant 14 : i32
      %eq3A_1178 = vector.broadcast %eq3A_1177 : i32 to vector<16xi32>
      %eq3A_1179 = arith.cmpi eq, %iota3A, %eq3A_1178 : vector<16xi32>
      %select_n3A_1180 = arith.select %eq3A_1179, %all_reduce_population_count3A_1176, %select_n3A_1164 : vector<16xi1>, vector<16xi32>
      %get3A_1181 = arith.constant 63 : i32
      %get3A_1182 = arith.index_cast %select_n3A_97 : i32 to index
      %get3A_1183 = arith.index_cast %get3A_1181 : i32 to index
      %get3A_1184 = arith.constant 0 : index
      %get3A_1185 = tpu.vector_load %arg7[%get3A_1182, %get3A_1183, %get3A_1184] {strides = array<i32>} : memref<4x128x128xf32, #tpu.memory_space<vmem>>, vector<16xf32>,
      %cumsum3A_1186 = arith.constant true
      %cumsum3A_1187 = vector.broadcast %cumsum3A_1186 : i1 to vector<16xi1>
      %cumsum3A_1188 = tpu.scan <sum>, %get3A_1185 masked %cumsum3A_1187 : vector<16xf32>, vector<16xi1> -> vector<16xf32>
      %lt3A_1189 = arith.constant 5.000000e-01 : f32
      %lt3A_1190 = vector.broadcast %lt3A_1189 : f32 to vector<16xf32>
      %lt3A_1191 = arith.cmpf olt, %cumsum3A_1188, %lt3A_1190 : vector<16xf32>
      %all_reduce_population_count3A_1192 = tpu.all_reduce %lt3A_1191 {dim = 0 : i64, kind = #tpu.reduction_kind<sum>} : vector<16xi1> -> vector<16xi32>
      %eq3A_1193 = arith.constant 15 : i32
      %eq3A_1194 = vector.broadcast %eq3A_1193 : i32 to vector<16xi32>
      %eq3A_1195 = arith.cmpi eq, %iota3A, %eq3A_1194 : vector<16xi32>
      %select_n3A_1196 = arith.select %eq3A_1195, %all_reduce_population_count3A_1192, %select_n3A_1180 : vector<16xi1>, vector<16xi32>
      %max3A_1197 = arith.maxsi %max3A_924, %select_n3A_1196 : vector<16xi32>
      %add3A_1198 = arith.addi %mul3A_938, %select_n3A_1196 : vector<16xi32>
      %swap3A_1199 = arith.index_cast %scan3A_87 : i32 to index
      %swap3A_1200 = arith.constant 48 : index
      %swap3A_1201 = tpu.vector_load %arg8[%swap3A_1199, %swap3A_1200] {strides = array<i32>} : memref<64x128xi32, #tpu.memory_space<vmem>>, vector<16xi32>,
      tpu.vector_store %arg8[%swap3A_1199, %swap3A_1200], %add3A_1198 {strides = array<i32>} : memref<64x128xi32, #tpu.memory_space<vmem>>, vector<16xi32>,
      %mul3A_1202 = arith.constant 128 : i32
      %mul3A_1203 = arith.muli %scan3A_87, %mul3A_1202 : i32
      %add3A_1204 = arith.addi %mul3A_2, %mul3A_1203 : i32
      %add3A_1205 = arith.constant 64 : i32
      %add3A_1206 = arith.addi %add3A_1204, %add3A_1205 : i32
      %add3A_1207 = vector.broadcast %add3A_1206 : i32 to vector<16xi32>
      %add3A_1208 = arith.addi %add3A_1207, %iota3A : vector<16xi32>
      %mul3A_1209 = arith.constant 128 : i32
      %mul3A_1210 = vector.broadcast %mul3A_1209 : i32 to vector<16xi32>
      %mul3A_1211 = arith.muli %add3A_1208, %mul3A_1210 : vector<16xi32>
      %broadcast_in_dim3A_1212 = arith.constant 0 : i32
      %broadcast_in_dim3A_1213 = vector.broadcast %broadcast_in_dim3A_1212 : i32 to vector<16xi32>
      %get3A_1214 = arith.constant 64 : i32
      %get3A_1215 = arith.index_cast %select_n3A_97 : i32 to index
      %get3A_1216 = arith.index_cast %get3A_1214 : i32 to index
      %get3A_1217 = arith.constant 0 : index
      %get3A_1218 = tpu.vector_load %arg7[%get3A_1215, %get3A_1216, %get3A_1217] {strides = array<i32>} : memref<4x128x128xf32, #tpu.memory_space<vmem>>, vector<16xf32>,
      %cumsum3A_1219 = arith.constant true
      %cumsum3A_1220 = vector.broadcast %cumsum3A_1219 : i1 to vector<16xi1>
      %cumsum3A_1221 = tpu.scan <sum>, %get3A_1218 masked %cumsum3A_1220 : vector<16xf32>, vector<16xi1> -> vector<16xf32>
      %lt3A_1222 = arith.constant 5.000000e-01 : f32
      %lt3A_1223 = vector.broadcast %lt3A_1222 : f32 to vector<16xf32>
      %lt3A_1224 = arith.cmpf olt, %cumsum3A_1221, %lt3A_1223 : vector<16xf32>
      %all_reduce_population_count3A_1225 = tpu.all_reduce %lt3A_1224 {dim = 0 : i64, kind = #tpu.reduction_kind<sum>} : vector<16xi1> -> vector<16xi32>
      %eq3A_1226 = arith.constant 0 : i32
      %eq3A_1227 = vector.broadcast %eq3A_1226 : i32 to vector<16xi32>
      %eq3A_1228 = arith.cmpi eq, %iota3A, %eq3A_1227 : vector<16xi32>
      %select_n3A_1229 = arith.select %eq3A_1228, %all_reduce_population_count3A_1225, %broadcast_in_dim3A_1213 : vector<16xi1>, vector<16xi32>
      %get3A_1230 = arith.constant 65 : i32
      %get3A_1231 = arith.index_cast %select_n3A_97 : i32 to index
      %get3A_1232 = arith.index_cast %get3A_1230 : i32 to index
      %get3A_1233 = arith.constant 0 : index
      %get3A_1234 = tpu.vector_load %arg7[%get3A_1231, %get3A_1232, %get3A_1233] {strides = array<i32>} : memref<4x128x128xf32, #tpu.memory_space<vmem>>, vector<16xf32>,
      %cumsum3A_1235 = arith.constant true
      %cumsum3A_1236 = vector.broadcast %cumsum3A_1235 : i1 to vector<16xi1>
      %cumsum3A_1237 = tpu.scan <sum>, %get3A_1234 masked %cumsum3A_1236 : vector<16xf32>, vector<16xi1> -> vector<16xf32>
      %lt3A_1238 = arith.constant 5.000000e-01 : f32
      %lt3A_1239 = vector.broadcast %lt3A_1238 : f32 to vector<16xf32>
      %lt3A_1240 = arith.cmpf olt, %cumsum3A_1237, %lt3A_1239 : vector<16xf32>
      %all_reduce_population_count3A_1241 = tpu.all_reduce %lt3A_1240 {dim = 0 : i64, kind = #tpu.reduction_kind<sum>} : vector<16xi1> -> vector<16xi32>
      %eq3A_1242 = arith.constant 1 : i32
      %eq3A_1243 = vector.broadcast %eq3A_1242 : i32 to vector<16xi32>
      %eq3A_1244 = arith.cmpi eq, %iota3A, %eq3A_1243 : vector<16xi32>
      %select_n3A_1245 = arith.select %eq3A_1244, %all_reduce_population_count3A_1241, %select_n3A_1229 : vector<16xi1>, vector<16xi32>
      %get3A_1246 = arith.constant 66 : i32
      %get3A_1247 = arith.index_cast %select_n3A_97 : i32 to index
      %get3A_1248 = arith.index_cast %get3A_1246 : i32 to index
      %get3A_1249 = arith.constant 0 : index
      %get3A_1250 = tpu.vector_load %arg7[%get3A_1247, %get3A_1248, %get3A_1249] {strides = array<i32>} : memref<4x128x128xf32, #tpu.memory_space<vmem>>, vector<16xf32>,
      %cumsum3A_1251 = arith.constant true
      %cumsum3A_1252 = vector.broadcast %cumsum3A_1251 : i1 to vector<16xi1>
      %cumsum3A_1253 = tpu.scan <sum>, %get3A_1250 masked %cumsum3A_1252 : vector<16xf32>, vector<16xi1> -> vector<16xf32>
      %lt3A_1254 = arith.constant 5.000000e-01 : f32
      %lt3A_1255 = vector.broadcast %lt3A_1254 : f32 to vector<16xf32>
      %lt3A_1256 = arith.cmpf olt, %cumsum3A_1253, %lt3A_1255 : vector<16xf32>
      %all_reduce_population_count3A_1257 = tpu.all_reduce %lt3A_1256 {dim = 0 : i64, kind = #tpu.reduction_kind<sum>} : vector<16xi1> -> vector<16xi32>
      %eq3A_1258 = arith.constant 2 : i32
      %eq3A_1259 = vector.broadcast %eq3A_1258 : i32 to vector<16xi32>
      %eq3A_1260 = arith.cmpi eq, %iota3A, %eq3A_1259 : vector<16xi32>
      %select_n3A_1261 = arith.select %eq3A_1260, %all_reduce_population_count3A_1257, %select_n3A_1245 : vector<16xi1>, vector<16xi32>
      %get3A_1262 = arith.constant 67 : i32
      %get3A_1263 = arith.index_cast %select_n3A_97 : i32 to index
      %get3A_1264 = arith.index_cast %get3A_1262 : i32 to index
      %get3A_1265 = arith.constant 0 : index
      %get3A_1266 = tpu.vector_load %arg7[%get3A_1263, %get3A_1264, %get3A_1265] {strides = array<i32>} : memref<4x128x128xf32, #tpu.memory_space<vmem>>, vector<16xf32>,
      %cumsum3A_1267 = arith.constant true
      %cumsum3A_1268 = vector.broadcast %cumsum3A_1267 : i1 to vector<16xi1>
      %cumsum3A_1269 = tpu.scan <sum>, %get3A_1266 masked %cumsum3A_1268 : vector<16xf32>, vector<16xi1> -> vector<16xf32>
      %lt3A_1270 = arith.constant 5.000000e-01 : f32
      %lt3A_1271 = vector.broadcast %lt3A_1270 : f32 to vector<16xf32>
      %lt3A_1272 = arith.cmpf olt, %cumsum3A_1269, %lt3A_1271 : vector<16xf32>
      %all_reduce_population_count3A_1273 = tpu.all_reduce %lt3A_1272 {dim = 0 : i64, kind = #tpu.reduction_kind<sum>} : vector<16xi1> -> vector<16xi32>
      %eq3A_1274 = arith.constant 3 : i32
      %eq3A_1275 = vector.broadcast %eq3A_1274 : i32 to vector<16xi32>
      %eq3A_1276 = arith.cmpi eq, %iota3A, %eq3A_1275 : vector<16xi32>
      %select_n3A_1277 = arith.select %eq3A_1276, %all_reduce_population_count3A_1273, %select_n3A_1261 : vector<16xi1>, vector<16xi32>
      %get3A_1278 = arith.constant 68 : i32
      %get3A_1279 = arith.index_cast %select_n3A_97 : i32 to index
      %get3A_1280 = arith.index_cast %get3A_1278 : i32 to index
      %get3A_1281 = arith.constant 0 : index
      %get3A_1282 = tpu.vector_load %arg7[%get3A_1279, %get3A_1280, %get3A_1281] {strides = array<i32>} : memref<4x128x128xf32, #tpu.memory_space<vmem>>, vector<16xf32>,
      %cumsum3A_1283 = arith.constant true
      %cumsum3A_1284 = vector.broadcast %cumsum3A_1283 : i1 to vector<16xi1>
      %cumsum3A_1285 = tpu.scan <sum>, %get3A_1282 masked %cumsum3A_1284 : vector<16xf32>, vector<16xi1> -> vector<16xf32>
      %lt3A_1286 = arith.constant 5.000000e-01 : f32
      %lt3A_1287 = vector.broadcast %lt3A_1286 : f32 to vector<16xf32>
      %lt3A_1288 = arith.cmpf olt, %cumsum3A_1285, %lt3A_1287 : vector<16xf32>
      %all_reduce_population_count3A_1289 = tpu.all_reduce %lt3A_1288 {dim = 0 : i64, kind = #tpu.reduction_kind<sum>} : vector<16xi1> -> vector<16xi32>
      %eq3A_1290 = arith.constant 4 : i32
      %eq3A_1291 = vector.broadcast %eq3A_1290 : i32 to vector<16xi32>
      %eq3A_1292 = arith.cmpi eq, %iota3A, %eq3A_1291 : vector<16xi32>
      %select_n3A_1293 = arith.select %eq3A_1292, %all_reduce_population_count3A_1289, %select_n3A_1277 : vector<16xi1>, vector<16xi32>
      %get3A_1294 = arith.constant 69 : i32
      %get3A_1295 = arith.index_cast %select_n3A_97 : i32 to index
      %get3A_1296 = arith.index_cast %get3A_1294 : i32 to index
      %get3A_1297 = arith.constant 0 : index
      %get3A_1298 = tpu.vector_load %arg7[%get3A_1295, %get3A_1296, %get3A_1297] {strides = array<i32>} : memref<4x128x128xf32, #tpu.memory_space<vmem>>, vector<16xf32>,
      %cumsum3A_1299 = arith.constant true
      %cumsum3A_1300 = vector.broadcast %cumsum3A_1299 : i1 to vector<16xi1>
      %cumsum3A_1301 = tpu.scan <sum>, %get3A_1298 masked %cumsum3A_1300 : vector<16xf32>, vector<16xi1> -> vector<16xf32>
      %lt3A_1302 = arith.constant 5.000000e-01 : f32
      %lt3A_1303 = vector.broadcast %lt3A_1302 : f32 to vector<16xf32>
      %lt3A_1304 = arith.cmpf olt, %cumsum3A_1301, %lt3A_1303 : vector<16xf32>
      %all_reduce_population_count3A_1305 = tpu.all_reduce %lt3A_1304 {dim = 0 : i64, kind = #tpu.reduction_kind<sum>} : vector<16xi1> -> vector<16xi32>
      %eq3A_1306 = arith.constant 5 : i32
      %eq3A_1307 = vector.broadcast %eq3A_1306 : i32 to vector<16xi32>
      %eq3A_1308 = arith.cmpi eq, %iota3A, %eq3A_1307 : vector<16xi32>
      %select_n3A_1309 = arith.select %eq3A_1308, %all_reduce_population_count3A_1305, %select_n3A_1293 : vector<16xi1>, vector<16xi32>
      %get3A_1310 = arith.constant 70 : i32
      %get3A_1311 = arith.index_cast %select_n3A_97 : i32 to index
      %get3A_1312 = arith.index_cast %get3A_1310 : i32 to index
      %get3A_1313 = arith.constant 0 : index
      %get3A_1314 = tpu.vector_load %arg7[%get3A_1311, %get3A_1312, %get3A_1313] {strides = array<i32>} : memref<4x128x128xf32, #tpu.memory_space<vmem>>, vector<16xf32>,
      %cumsum3A_1315 = arith.constant true
      %cumsum3A_1316 = vector.broadcast %cumsum3A_1315 : i1 to vector<16xi1>
      %cumsum3A_1317 = tpu.scan <sum>, %get3A_1314 masked %cumsum3A_1316 : vector<16xf32>, vector<16xi1> -> vector<16xf32>
      %lt3A_1318 = arith.constant 5.000000e-01 : f32
      %lt3A_1319 = vector.broadcast %lt3A_1318 : f32 to vector<16xf32>
      %lt3A_1320 = arith.cmpf olt, %cumsum3A_1317, %lt3A_1319 : vector<16xf32>
      %all_reduce_population_count3A_1321 = tpu.all_reduce %lt3A_1320 {dim = 0 : i64, kind = #tpu.reduction_kind<sum>} : vector<16xi1> -> vector<16xi32>
      %eq3A_1322 = arith.constant 6 : i32
      %eq3A_1323 = vector.broadcast %eq3A_1322 : i32 to vector<16xi32>
      %eq3A_1324 = arith.cmpi eq, %iota3A, %eq3A_1323 : vector<16xi32>
      %select_n3A_1325 = arith.select %eq3A_1324, %all_reduce_population_count3A_1321, %select_n3A_1309 : vector<16xi1>, vector<16xi32>
      %get3A_1326 = arith.constant 71 : i32
      %get3A_1327 = arith.index_cast %select_n3A_97 : i32 to index
      %get3A_1328 = arith.index_cast %get3A_1326 : i32 to index
      %get3A_1329 = arith.constant 0 : index
      %get3A_1330 = tpu.vector_load %arg7[%get3A_1327, %get3A_1328, %get3A_1329] {strides = array<i32>} : memref<4x128x128xf32, #tpu.memory_space<vmem>>, vector<16xf32>,
      %cumsum3A_1331 = arith.constant true
      %cumsum3A_1332 = vector.broadcast %cumsum3A_1331 : i1 to vector<16xi1>
      %cumsum3A_1333 = tpu.scan <sum>, %get3A_1330 masked %cumsum3A_1332 : vector<16xf32>, vector<16xi1> -> vector<16xf32>
      %lt3A_1334 = arith.constant 5.000000e-01 : f32
      %lt3A_1335 = vector.broadcast %lt3A_1334 : f32 to vector<16xf32>
      %lt3A_1336 = arith.cmpf olt, %cumsum3A_1333, %lt3A_1335 : vector<16xf32>
      %all_reduce_population_count3A_1337 = tpu.all_reduce %lt3A_1336 {dim = 0 : i64, kind = #tpu.reduction_kind<sum>} : vector<16xi1> -> vector<16xi32>
      %eq3A_1338 = arith.constant 7 : i32
      %eq3A_1339 = vector.broadcast %eq3A_1338 : i32 to vector<16xi32>
      %eq3A_1340 = arith.cmpi eq, %iota3A, %eq3A_1339 : vector<16xi32>
      %select_n3A_1341 = arith.select %eq3A_1340, %all_reduce_population_count3A_1337, %select_n3A_1325 : vector<16xi1>, vector<16xi32>
      %get3A_1342 = arith.constant 72 : i32
      %get3A_1343 = arith.index_cast %select_n3A_97 : i32 to index
      %get3A_1344 = arith.index_cast %get3A_1342 : i32 to index
      %get3A_1345 = arith.constant 0 : index
      %get3A_1346 = tpu.vector_load %arg7[%get3A_1343, %get3A_1344, %get3A_1345] {strides = array<i32>} : memref<4x128x128xf32, #tpu.memory_space<vmem>>, vector<16xf32>,
      %cumsum3A_1347 = arith.constant true
      %cumsum3A_1348 = vector.broadcast %cumsum3A_1347 : i1 to vector<16xi1>
      %cumsum3A_1349 = tpu.scan <sum>, %get3A_1346 masked %cumsum3A_1348 : vector<16xf32>, vector<16xi1> -> vector<16xf32>
      %lt3A_1350 = arith.constant 5.000000e-01 : f32
      %lt3A_1351 = vector.broadcast %lt3A_1350 : f32 to vector<16xf32>
      %lt3A_1352 = arith.cmpf olt, %cumsum3A_1349, %lt3A_1351 : vector<16xf32>
      %all_reduce_population_count3A_1353 = tpu.all_reduce %lt3A_1352 {dim = 0 : i64, kind = #tpu.reduction_kind<sum>} : vector<16xi1> -> vector<16xi32>
      %eq3A_1354 = arith.constant 8 : i32
      %eq3A_1355 = vector.broadcast %eq3A_1354 : i32 to vector<16xi32>
      %eq3A_1356 = arith.cmpi eq, %iota3A, %eq3A_1355 : vector<16xi32>
      %select_n3A_1357 = arith.select %eq3A_1356, %all_reduce_population_count3A_1353, %select_n3A_1341 : vector<16xi1>, vector<16xi32>
      %get3A_1358 = arith.constant 73 : i32
      %get3A_1359 = arith.index_cast %select_n3A_97 : i32 to index
      %get3A_1360 = arith.index_cast %get3A_1358 : i32 to index
      %get3A_1361 = arith.constant 0 : index
      %get3A_1362 = tpu.vector_load %arg7[%get3A_1359, %get3A_1360, %get3A_1361] {strides = array<i32>} : memref<4x128x128xf32, #tpu.memory_space<vmem>>, vector<16xf32>,
      %cumsum3A_1363 = arith.constant true
      %cumsum3A_1364 = vector.broadcast %cumsum3A_1363 : i1 to vector<16xi1>
      %cumsum3A_1365 = tpu.scan <sum>, %get3A_1362 masked %cumsum3A_1364 : vector<16xf32>, vector<16xi1> -> vector<16xf32>
      %lt3A_1366 = arith.constant 5.000000e-01 : f32
      %lt3A_1367 = vector.broadcast %lt3A_1366 : f32 to vector<16xf32>
      %lt3A_1368 = arith.cmpf olt, %cumsum3A_1365, %lt3A_1367 : vector<16xf32>
      %all_reduce_population_count3A_1369 = tpu.all_reduce %lt3A_1368 {dim = 0 : i64, kind = #tpu.reduction_kind<sum>} : vector<16xi1> -> vector<16xi32>
      %eq3A_1370 = arith.constant 9 : i32
      %eq3A_1371 = vector.broadcast %eq3A_1370 : i32 to vector<16xi32>
      %eq3A_1372 = arith.cmpi eq, %iota3A, %eq3A_1371 : vector<16xi32>
      %select_n3A_1373 = arith.select %eq3A_1372, %all_reduce_population_count3A_1369, %select_n3A_1357 : vector<16xi1>, vector<16xi32>
      %get3A_1374 = arith.constant 74 : i32
      %get3A_1375 = arith.index_cast %select_n3A_97 : i32 to index
      %get3A_1376 = arith.index_cast %get3A_1374 : i32 to index
      %get3A_1377 = arith.constant 0 : index
      %get3A_1378 = tpu.vector_load %arg7[%get3A_1375, %get3A_1376, %get3A_1377] {strides = array<i32>} : memref<4x128x128xf32, #tpu.memory_space<vmem>>, vector<16xf32>,
      %cumsum3A_1379 = arith.constant true
      %cumsum3A_1380 = vector.broadcast %cumsum3A_1379 : i1 to vector<16xi1>
      %cumsum3A_1381 = tpu.scan <sum>, %get3A_1378 masked %cumsum3A_1380 : vector<16xf32>, vector<16xi1> -> vector<16xf32>
      %lt3A_1382 = arith.constant 5.000000e-01 : f32
      %lt3A_1383 = vector.broadcast %lt3A_1382 : f32 to vector<16xf32>
      %lt3A_1384 = arith.cmpf olt, %cumsum3A_1381, %lt3A_1383 : vector<16xf32>
      %all_reduce_population_count3A_1385 = tpu.all_reduce %lt3A_1384 {dim = 0 : i64, kind = #tpu.reduction_kind<sum>} : vector<16xi1> -> vector<16xi32>
      %eq3A_1386 = arith.constant 10 : i32
      %eq3A_1387 = vector.broadcast %eq3A_1386 : i32 to vector<16xi32>
      %eq3A_1388 = arith.cmpi eq, %iota3A, %eq3A_1387 : vector<16xi32>
      %select_n3A_1389 = arith.select %eq3A_1388, %all_reduce_population_count3A_1385, %select_n3A_1373 : vector<16xi1>, vector<16xi32>
      %get3A_1390 = arith.constant 75 : i32
      %get3A_1391 = arith.index_cast %select_n3A_97 : i32 to index
      %get3A_1392 = arith.index_cast %get3A_1390 : i32 to index
      %get3A_1393 = arith.constant 0 : index
      %get3A_1394 = tpu.vector_load %arg7[%get3A_1391, %get3A_1392, %get3A_1393] {strides = array<i32>} : memref<4x128x128xf32, #tpu.memory_space<vmem>>, vector<16xf32>,
      %cumsum3A_1395 = arith.constant true
      %cumsum3A_1396 = vector.broadcast %cumsum3A_1395 : i1 to vector<16xi1>
      %cumsum3A_1397 = tpu.scan <sum>, %get3A_1394 masked %cumsum3A_1396 : vector<16xf32>, vector<16xi1> -> vector<16xf32>
      %lt3A_1398 = arith.constant 5.000000e-01 : f32
      %lt3A_1399 = vector.broadcast %lt3A_1398 : f32 to vector<16xf32>
      %lt3A_1400 = arith.cmpf olt, %cumsum3A_1397, %lt3A_1399 : vector<16xf32>
      %all_reduce_population_count3A_1401 = tpu.all_reduce %lt3A_1400 {dim = 0 : i64, kind = #tpu.reduction_kind<sum>} : vector<16xi1> -> vector<16xi32>
      %eq3A_1402 = arith.constant 11 : i32
      %eq3A_1403 = vector.broadcast %eq3A_1402 : i32 to vector<16xi32>
      %eq3A_1404 = arith.cmpi eq, %iota3A, %eq3A_1403 : vector<16xi32>
      %select_n3A_1405 = arith.select %eq3A_1404, %all_reduce_population_count3A_1401, %select_n3A_1389 : vector<16xi1>, vector<16xi32>
      %get3A_1406 = arith.constant 76 : i32
      %get3A_1407 = arith.index_cast %select_n3A_97 : i32 to index
      %get3A_1408 = arith.index_cast %get3A_1406 : i32 to index
      %get3A_1409 = arith.constant 0 : index
      %get3A_1410 = tpu.vector_load %arg7[%get3A_1407, %get3A_1408, %get3A_1409] {strides = array<i32>} : memref<4x128x128xf32, #tpu.memory_space<vmem>>, vector<16xf32>,
      %cumsum3A_1411 = arith.constant true
      %cumsum3A_1412 = vector.broadcast %cumsum3A_1411 : i1 to vector<16xi1>
      %cumsum3A_1413 = tpu.scan <sum>, %get3A_1410 masked %cumsum3A_1412 : vector<16xf32>, vector<16xi1> -> vector<16xf32>
      %lt3A_1414 = arith.constant 5.000000e-01 : f32
      %lt3A_1415 = vector.broadcast %lt3A_1414 : f32 to vector<16xf32>
      %lt3A_1416 = arith.cmpf olt, %cumsum3A_1413, %lt3A_1415 : vector<16xf32>
      %all_reduce_population_count3A_1417 = tpu.all_reduce %lt3A_1416 {dim = 0 : i64, kind = #tpu.reduction_kind<sum>} : vector<16xi1> -> vector<16xi32>
      %eq3A_1418 = arith.constant 12 : i32
      %eq3A_1419 = vector.broadcast %eq3A_1418 : i32 to vector<16xi32>
      %eq3A_1420 = arith.cmpi eq, %iota3A, %eq3A_1419 : vector<16xi32>
      %select_n3A_1421 = arith.select %eq3A_1420, %all_reduce_population_count3A_1417, %select_n3A_1405 : vector<16xi1>, vector<16xi32>
      %get3A_1422 = arith.constant 77 : i32
      %get3A_1423 = arith.index_cast %select_n3A_97 : i32 to index
      %get3A_1424 = arith.index_cast %get3A_1422 : i32 to index
      %get3A_1425 = arith.constant 0 : index
      %get3A_1426 = tpu.vector_load %arg7[%get3A_1423, %get3A_1424, %get3A_1425] {strides = array<i32>} : memref<4x128x128xf32, #tpu.memory_space<vmem>>, vector<16xf32>,
      %cumsum3A_1427 = arith.constant true
      %cumsum3A_1428 = vector.broadcast %cumsum3A_1427 : i1 to vector<16xi1>
      %cumsum3A_1429 = tpu.scan <sum>, %get3A_1426 masked %cumsum3A_1428 : vector<16xf32>, vector<16xi1> -> vector<16xf32>
      %lt3A_1430 = arith.constant 5.000000e-01 : f32
      %lt3A_1431 = vector.broadcast %lt3A_1430 : f32 to vector<16xf32>
      %lt3A_1432 = arith.cmpf olt, %cumsum3A_1429, %lt3A_1431 : vector<16xf32>
      %all_reduce_population_count3A_1433 = tpu.all_reduce %lt3A_1432 {dim = 0 : i64, kind = #tpu.reduction_kind<sum>} : vector<16xi1> -> vector<16xi32>
      %eq3A_1434 = arith.constant 13 : i32
      %eq3A_1435 = vector.broadcast %eq3A_1434 : i32 to vector<16xi32>
      %eq3A_1436 = arith.cmpi eq, %iota3A, %eq3A_1435 : vector<16xi32>
      %select_n3A_1437 = arith.select %eq3A_1436, %all_reduce_population_count3A_1433, %select_n3A_1421 : vector<16xi1>, vector<16xi32>
      %get3A_1438 = arith.constant 78 : i32
      %get3A_1439 = arith.index_cast %select_n3A_97 : i32 to index
      %get3A_1440 = arith.index_cast %get3A_1438 : i32 to index
      %get3A_1441 = arith.constant 0 : index
      %get3A_1442 = tpu.vector_load %arg7[%get3A_1439, %get3A_1440, %get3A_1441] {strides = array<i32>} : memref<4x128x128xf32, #tpu.memory_space<vmem>>, vector<16xf32>,
      %cumsum3A_1443 = arith.constant true
      %cumsum3A_1444 = vector.broadcast %cumsum3A_1443 : i1 to vector<16xi1>
      %cumsum3A_1445 = tpu.scan <sum>, %get3A_1442 masked %cumsum3A_1444 : vector<16xf32>, vector<16xi1> -> vector<16xf32>
      %lt3A_1446 = arith.constant 5.000000e-01 : f32
      %lt3A_1447 = vector.broadcast %lt3A_1446 : f32 to vector<16xf32>
      %lt3A_1448 = arith.cmpf olt, %cumsum3A_1445, %lt3A_1447 : vector<16xf32>
      %all_reduce_population_count3A_1449 = tpu.all_reduce %lt3A_1448 {dim = 0 : i64, kind = #tpu.reduction_kind<sum>} : vector<16xi1> -> vector<16xi32>
      %eq3A_1450 = arith.constant 14 : i32
      %eq3A_1451 = vector.broadcast %eq3A_1450 : i32 to vector<16xi32>
      %eq3A_1452 = arith.cmpi eq, %iota3A, %eq3A_1451 : vector<16xi32>
      %select_n3A_1453 = arith.select %eq3A_1452, %all_reduce_population_count3A_1449, %select_n3A_1437 : vector<16xi1>, vector<16xi32>
      %get3A_1454 = arith.constant 79 : i32
      %get3A_1455 = arith.index_cast %select_n3A_97 : i32 to index
      %get3A_1456 = arith.index_cast %get3A_1454 : i32 to index
      %get3A_1457 = arith.constant 0 : index
      %get3A_1458 = tpu.vector_load %arg7[%get3A_1455, %get3A_1456, %get3A_1457] {strides = array<i32>} : memref<4x128x128xf32, #tpu.memory_space<vmem>>, vector<16xf32>,
      %cumsum3A_1459 = arith.constant true
      %cumsum3A_1460 = vector.broadcast %cumsum3A_1459 : i1 to vector<16xi1>
      %cumsum3A_1461 = tpu.scan <sum>, %get3A_1458 masked %cumsum3A_1460 : vector<16xf32>, vector<16xi1> -> vector<16xf32>
      %lt3A_1462 = arith.constant 5.000000e-01 : f32
      %lt3A_1463 = vector.broadcast %lt3A_1462 : f32 to vector<16xf32>
      %lt3A_1464 = arith.cmpf olt, %cumsum3A_1461, %lt3A_1463 : vector<16xf32>
      %all_reduce_population_count3A_1465 = tpu.all_reduce %lt3A_1464 {dim = 0 : i64, kind = #tpu.reduction_kind<sum>} : vector<16xi1> -> vector<16xi32>
      %eq3A_1466 = arith.constant 15 : i32
      %eq3A_1467 = vector.broadcast %eq3A_1466 : i32 to vector<16xi32>
      %eq3A_1468 = arith.cmpi eq, %iota3A, %eq3A_1467 : vector<16xi32>
      %select_n3A_1469 = arith.select %eq3A_1468, %all_reduce_population_count3A_1465, %select_n3A_1453 : vector<16xi1>, vector<16xi32>
      %max3A_1470 = arith.maxsi %max3A_1197, %select_n3A_1469 : vector<16xi32>
      %add3A_1471 = arith.addi %mul3A_1211, %select_n3A_1469 : vector<16xi32>
      %swap3A_1472 = arith.index_cast %scan3A_87 : i32 to index
      %swap3A_1473 = arith.constant 64 : index
      %swap3A_1474 = tpu.vector_load %arg8[%swap3A_1472, %swap3A_1473] {strides = array<i32>} : memref<64x128xi32, #tpu.memory_space<vmem>>, vector<16xi32>,
      tpu.vector_store %arg8[%swap3A_1472, %swap3A_1473], %add3A_1471 {strides = array<i32>} : memref<64x128xi32, #tpu.memory_space<vmem>>, vector<16xi32>,
      %mul3A_1475 = arith.constant 128 : i32
      %mul3A_1476 = arith.muli %scan3A_87, %mul3A_1475 : i32
      %add3A_1477 = arith.addi %mul3A_2, %mul3A_1476 : i32
      %add3A_1478 = arith.constant 80 : i32
      %add3A_1479 = arith.addi %add3A_1477, %add3A_1478 : i32
      %add3A_1480 = vector.broadcast %add3A_1479 : i32 to vector<16xi32>
      %add3A_1481 = arith.addi %add3A_1480, %iota3A : vector<16xi32>
      %mul3A_1482 = arith.constant 128 : i32
      %mul3A_1483 = vector.broadcast %mul3A_1482 : i32 to vector<16xi32>
      %mul3A_1484 = arith.muli %add3A_1481, %mul3A_1483 : vector<16xi32>
      %broadcast_in_dim3A_1485 = arith.constant 0 : i32
      %broadcast_in_dim3A_1486 = vector.broadcast %broadcast_in_dim3A_1485 : i32 to vector<16xi32>
      %get3A_1487 = arith.constant 80 : i32
      %get3A_1488 = arith.index_cast %select_n3A_97 : i32 to index
      %get3A_1489 = arith.index_cast %get3A_1487 : i32 to index
      %get3A_1490 = arith.constant 0 : index
      %get3A_1491 = tpu.vector_load %arg7[%get3A_1488, %get3A_1489, %get3A_1490] {strides = array<i32>} : memref<4x128x128xf32, #tpu.memory_space<vmem>>, vector<16xf32>,
      %cumsum3A_1492 = arith.constant true
      %cumsum3A_1493 = vector.broadcast %cumsum3A_1492 : i1 to vector<16xi1>
      %cumsum3A_1494 = tpu.scan <sum>, %get3A_1491 masked %cumsum3A_1493 : vector<16xf32>, vector<16xi1> -> vector<16xf32>
      %lt3A_1495 = arith.constant 5.000000e-01 : f32
      %lt3A_1496 = vector.broadcast %lt3A_1495 : f32 to vector<16xf32>
      %lt3A_1497 = arith.cmpf olt, %cumsum3A_1494, %lt3A_1496 : vector<16xf32>
      %all_reduce_population_count3A_1498 = tpu.all_reduce %lt3A_1497 {dim = 0 : i64, kind = #tpu.reduction_kind<sum>} : vector<16xi1> -> vector<16xi32>
      %eq3A_1499 = arith.constant 0 : i32
      %eq3A_1500 = vector.broadcast %eq3A_1499 : i32 to vector<16xi32>
      %eq3A_1501 = arith.cmpi eq, %iota3A, %eq3A_1500 : vector<16xi32>
      %select_n3A_1502 = arith.select %eq3A_1501, %all_reduce_population_count3A_1498, %broadcast_in_dim3A_1486 : vector<16xi1>, vector<16xi32>
      %get3A_1503 = arith.constant 81 : i32
      %get3A_1504 = arith.index_cast %select_n3A_97 : i32 to index
      %get3A_1505 = arith.index_cast %get3A_1503 : i32 to index
      %get3A_1506 = arith.constant 0 : index
      %get3A_1507 = tpu.vector_load %arg7[%get3A_1504, %get3A_1505, %get3A_1506] {strides = array<i32>} : memref<4x128x128xf32, #tpu.memory_space<vmem>>, vector<16xf32>,
      %cumsum3A_1508 = arith.constant true
      %cumsum3A_1509 = vector.broadcast %cumsum3A_1508 : i1 to vector<16xi1>
      %cumsum3A_1510 = tpu.scan <sum>, %get3A_1507 masked %cumsum3A_1509 : vector<16xf32>, vector<16xi1> -> vector<16xf32>
      %lt3A_1511 = arith.constant 5.000000e-01 : f32
      %lt3A_1512 = vector.broadcast %lt3A_1511 : f32 to vector<16xf32>
      %lt3A_1513 = arith.cmpf olt, %cumsum3A_1510, %lt3A_1512 : vector<16xf32>
      %all_reduce_population_count3A_1514 = tpu.all_reduce %lt3A_1513 {dim = 0 : i64, kind = #tpu.reduction_kind<sum>} : vector<16xi1> -> vector<16xi32>
      %eq3A_1515 = arith.constant 1 : i32
      %eq3A_1516 = vector.broadcast %eq3A_1515 : i32 to vector<16xi32>
      %eq3A_1517 = arith.cmpi eq, %iota3A, %eq3A_1516 : vector<16xi32>
      %select_n3A_1518 = arith.select %eq3A_1517, %all_reduce_population_count3A_1514, %select_n3A_1502 : vector<16xi1>, vector<16xi32>
      %get3A_1519 = arith.constant 82 : i32
      %get3A_1520 = arith.index_cast %select_n3A_97 : i32 to index
      %get3A_1521 = arith.index_cast %get3A_1519 : i32 to index
      %get3A_1522 = arith.constant 0 : index
      %get3A_1523 = tpu.vector_load %arg7[%get3A_1520, %get3A_1521, %get3A_1522] {strides = array<i32>} : memref<4x128x128xf32, #tpu.memory_space<vmem>>, vector<16xf32>,
      %cumsum3A_1524 = arith.constant true
      %cumsum3A_1525 = vector.broadcast %cumsum3A_1524 : i1 to vector<16xi1>
      %cumsum3A_1526 = tpu.scan <sum>, %get3A_1523 masked %cumsum3A_1525 : vector<16xf32>, vector<16xi1> -> vector<16xf32>
      %lt3A_1527 = arith.constant 5.000000e-01 : f32
      %lt3A_1528 = vector.broadcast %lt3A_1527 : f32 to vector<16xf32>
      %lt3A_1529 = arith.cmpf olt, %cumsum3A_1526, %lt3A_1528 : vector<16xf32>
      %all_reduce_population_count3A_1530 = tpu.all_reduce %lt3A_1529 {dim = 0 : i64, kind = #tpu.reduction_kind<sum>} : vector<16xi1> -> vector<16xi32>
      %eq3A_1531 = arith.constant 2 : i32
      %eq3A_1532 = vector.broadcast %eq3A_1531 : i32 to vector<16xi32>
      %eq3A_1533 = arith.cmpi eq, %iota3A, %eq3A_1532 : vector<16xi32>
      %select_n3A_1534 = arith.select %eq3A_1533, %all_reduce_population_count3A_1530, %select_n3A_1518 : vector<16xi1>, vector<16xi32>
      %get3A_1535 = arith.constant 83 : i32
      %get3A_1536 = arith.index_cast %select_n3A_97 : i32 to index
      %get3A_1537 = arith.index_cast %get3A_1535 : i32 to index
      %get3A_1538 = arith.constant 0 : index
      %get3A_1539 = tpu.vector_load %arg7[%get3A_1536, %get3A_1537, %get3A_1538] {strides = array<i32>} : memref<4x128x128xf32, #tpu.memory_space<vmem>>, vector<16xf32>,
      %cumsum3A_1540 = arith.constant true
      %cumsum3A_1541 = vector.broadcast %cumsum3A_1540 : i1 to vector<16xi1>
      %cumsum3A_1542 = tpu.scan <sum>, %get3A_1539 masked %cumsum3A_1541 : vector<16xf32>, vector<16xi1> -> vector<16xf32>
      %lt3A_1543 = arith.constant 5.000000e-01 : f32
      %lt3A_1544 = vector.broadcast %lt3A_1543 : f32 to vector<16xf32>
      %lt3A_1545 = arith.cmpf olt, %cumsum3A_1542, %lt3A_1544 : vector<16xf32>
      %all_reduce_population_count3A_1546 = tpu.all_reduce %lt3A_1545 {dim = 0 : i64, kind = #tpu.reduction_kind<sum>} : vector<16xi1> -> vector<16xi32>
      %eq3A_1547 = arith.constant 3 : i32
      %eq3A_1548 = vector.broadcast %eq3A_1547 : i32 to vector<16xi32>
      %eq3A_1549 = arith.cmpi eq, %iota3A, %eq3A_1548 : vector<16xi32>
      %select_n3A_1550 = arith.select %eq3A_1549, %all_reduce_population_count3A_1546, %select_n3A_1534 : vector<16xi1>, vector<16xi32>
      %get3A_1551 = arith.constant 84 : i32
      %get3A_1552 = arith.index_cast %select_n3A_97 : i32 to index
      %get3A_1553 = arith.index_cast %get3A_1551 : i32 to index
      %get3A_1554 = arith.constant 0 : index
      %get3A_1555 = tpu.vector_load %arg7[%get3A_1552, %get3A_1553, %get3A_1554] {strides = array<i32>} : memref<4x128x128xf32, #tpu.memory_space<vmem>>, vector<16xf32>,
      %cumsum3A_1556 = arith.constant true
      %cumsum3A_1557 = vector.broadcast %cumsum3A_1556 : i1 to vector<16xi1>
      %cumsum3A_1558 = tpu.scan <sum>, %get3A_1555 masked %cumsum3A_1557 : vector<16xf32>, vector<16xi1> -> vector<16xf32>
      %lt3A_1559 = arith.constant 5.000000e-01 : f32
      %lt3A_1560 = vector.broadcast %lt3A_1559 : f32 to vector<16xf32>
      %lt3A_1561 = arith.cmpf olt, %cumsum3A_1558, %lt3A_1560 : vector<16xf32>
      %all_reduce_population_count3A_1562 = tpu.all_reduce %lt3A_1561 {dim = 0 : i64, kind = #tpu.reduction_kind<sum>} : vector<16xi1> -> vector<16xi32>
      %eq3A_1563 = arith.constant 4 : i32
      %eq3A_1564 = vector.broadcast %eq3A_1563 : i32 to vector<16xi32>
      %eq3A_1565 = arith.cmpi eq, %iota3A, %eq3A_1564 : vector<16xi32>
      %select_n3A_1566 = arith.select %eq3A_1565, %all_reduce_population_count3A_1562, %select_n3A_1550 : vector<16xi1>, vector<16xi32>
      %get3A_1567 = arith.constant 85 : i32
      %get3A_1568 = arith.index_cast %select_n3A_97 : i32 to index
      %get3A_1569 = arith.index_cast %get3A_1567 : i32 to index
      %get3A_1570 = arith.constant 0 : index
      %get3A_1571 = tpu.vector_load %arg7[%get3A_1568, %get3A_1569, %get3A_1570] {strides = array<i32>} : memref<4x128x128xf32, #tpu.memory_space<vmem>>, vector<16xf32>,
      %cumsum3A_1572 = arith.constant true
      %cumsum3A_1573 = vector.broadcast %cumsum3A_1572 : i1 to vector<16xi1>
      %cumsum3A_1574 = tpu.scan <sum>, %get3A_1571 masked %cumsum3A_1573 : vector<16xf32>, vector<16xi1> -> vector<16xf32>
      %lt3A_1575 = arith.constant 5.000000e-01 : f32
      %lt3A_1576 = vector.broadcast %lt3A_1575 : f32 to vector<16xf32>
      %lt3A_1577 = arith.cmpf olt, %cumsum3A_1574, %lt3A_1576 : vector<16xf32>
      %all_reduce_population_count3A_1578 = tpu.all_reduce %lt3A_1577 {dim = 0 : i64, kind = #tpu.reduction_kind<sum>} : vector<16xi1> -> vector<16xi32>
      %eq3A_1579 = arith.constant 5 : i32
      %eq3A_1580 = vector.broadcast %eq3A_1579 : i32 to vector<16xi32>
      %eq3A_1581 = arith.cmpi eq, %iota3A, %eq3A_1580 : vector<16xi32>
      %select_n3A_1582 = arith.select %eq3A_1581, %all_reduce_population_count3A_1578, %select_n3A_1566 : vector<16xi1>, vector<16xi32>
      %get3A_1583 = arith.constant 86 : i32
      %get3A_1584 = arith.index_cast %select_n3A_97 : i32 to index
      %get3A_1585 = arith.index_cast %get3A_1583 : i32 to index
      %get3A_1586 = arith.constant 0 : index
      %get3A_1587 = tpu.vector_load %arg7[%get3A_1584, %get3A_1585, %get3A_1586] {strides = array<i32>} : memref<4x128x128xf32, #tpu.memory_space<vmem>>, vector<16xf32>,
      %cumsum3A_1588 = arith.constant true
      %cumsum3A_1589 = vector.broadcast %cumsum3A_1588 : i1 to vector<16xi1>
      %cumsum3A_1590 = tpu.scan <sum>, %get3A_1587 masked %cumsum3A_1589 : vector<16xf32>, vector<16xi1> -> vector<16xf32>
      %lt3A_1591 = arith.constant 5.000000e-01 : f32
      %lt3A_1592 = vector.broadcast %lt3A_1591 : f32 to vector<16xf32>
      %lt3A_1593 = arith.cmpf olt, %cumsum3A_1590, %lt3A_1592 : vector<16xf32>
      %all_reduce_population_count3A_1594 = tpu.all_reduce %lt3A_1593 {dim = 0 : i64, kind = #tpu.reduction_kind<sum>} : vector<16xi1> -> vector<16xi32>
      %eq3A_1595 = arith.constant 6 : i32
      %eq3A_1596 = vector.broadcast %eq3A_1595 : i32 to vector<16xi32>
      %eq3A_1597 = arith.cmpi eq, %iota3A, %eq3A_1596 : vector<16xi32>
      %select_n3A_1598 = arith.select %eq3A_1597, %all_reduce_population_count3A_1594, %select_n3A_1582 : vector<16xi1>, vector<16xi32>
      %get3A_1599 = arith.constant 87 : i32
      %get3A_1600 = arith.index_cast %select_n3A_97 : i32 to index
      %get3A_1601 = arith.index_cast %get3A_1599 : i32 to index
      %get3A_1602 = arith.constant 0 : index
      %get3A_1603 = tpu.vector_load %arg7[%get3A_1600, %get3A_1601, %get3A_1602] {strides = array<i32>} : memref<4x128x128xf32, #tpu.memory_space<vmem>>, vector<16xf32>,
      %cumsum3A_1604 = arith.constant true
      %cumsum3A_1605 = vector.broadcast %cumsum3A_1604 : i1 to vector<16xi1>
      %cumsum3A_1606 = tpu.scan <sum>, %get3A_1603 masked %cumsum3A_1605 : vector<16xf32>, vector<16xi1> -> vector<16xf32>
      %lt3A_1607 = arith.constant 5.000000e-01 : f32
      %lt3A_1608 = vector.broadcast %lt3A_1607 : f32 to vector<16xf32>
      %lt3A_1609 = arith.cmpf olt, %cumsum3A_1606, %lt3A_1608 : vector<16xf32>
      %all_reduce_population_count3A_1610 = tpu.all_reduce %lt3A_1609 {dim = 0 : i64, kind = #tpu.reduction_kind<sum>} : vector<16xi1> -> vector<16xi32>
      %eq3A_1611 = arith.constant 7 : i32
      %eq3A_1612 = vector.broadcast %eq3A_1611 : i32 to vector<16xi32>
      %eq3A_1613 = arith.cmpi eq, %iota3A, %eq3A_1612 : vector<16xi32>
      %select_n3A_1614 = arith.select %eq3A_1613, %all_reduce_population_count3A_1610, %select_n3A_1598 : vector<16xi1>, vector<16xi32>
      %get3A_1615 = arith.constant 88 : i32
      %get3A_1616 = arith.index_cast %select_n3A_97 : i32 to index
      %get3A_1617 = arith.index_cast %get3A_1615 : i32 to index
      %get3A_1618 = arith.constant 0 : index
      %get3A_1619 = tpu.vector_load %arg7[%get3A_1616, %get3A_1617, %get3A_1618] {strides = array<i32>} : memref<4x128x128xf32, #tpu.memory_space<vmem>>, vector<16xf32>,
      %cumsum3A_1620 = arith.constant true
      %cumsum3A_1621 = vector.broadcast %cumsum3A_1620 : i1 to vector<16xi1>
      %cumsum3A_1622 = tpu.scan <sum>, %get3A_1619 masked %cumsum3A_1621 : vector<16xf32>, vector<16xi1> -> vector<16xf32>
      %lt3A_1623 = arith.constant 5.000000e-01 : f32
      %lt3A_1624 = vector.broadcast %lt3A_1623 : f32 to vector<16xf32>
      %lt3A_1625 = arith.cmpf olt, %cumsum3A_1622, %lt3A_1624 : vector<16xf32>
      %all_reduce_population_count3A_1626 = tpu.all_reduce %lt3A_1625 {dim = 0 : i64, kind = #tpu.reduction_kind<sum>} : vector<16xi1> -> vector<16xi32>
      %eq3A_1627 = arith.constant 8 : i32
      %eq3A_1628 = vector.broadcast %eq3A_1627 : i32 to vector<16xi32>
      %eq3A_1629 = arith.cmpi eq, %iota3A, %eq3A_1628 : vector<16xi32>
      %select_n3A_1630 = arith.select %eq3A_1629, %all_reduce_population_count3A_1626, %select_n3A_1614 : vector<16xi1>, vector<16xi32>
      %get3A_1631 = arith.constant 89 : i32
      %get3A_1632 = arith.index_cast %select_n3A_97 : i32 to index
      %get3A_1633 = arith.index_cast %get3A_1631 : i32 to index
      %get3A_1634 = arith.constant 0 : index
      %get3A_1635 = tpu.vector_load %arg7[%get3A_1632, %get3A_1633, %get3A_1634] {strides = array<i32>} : memref<4x128x128xf32, #tpu.memory_space<vmem>>, vector<16xf32>,
      %cumsum3A_1636 = arith.constant true
      %cumsum3A_1637 = vector.broadcast %cumsum3A_1636 : i1 to vector<16xi1>
      %cumsum3A_1638 = tpu.scan <sum>, %get3A_1635 masked %cumsum3A_1637 : vector<16xf32>, vector<16xi1> -> vector<16xf32>
      %lt3A_1639 = arith.constant 5.000000e-01 : f32
      %lt3A_1640 = vector.broadcast %lt3A_1639 : f32 to vector<16xf32>
      %lt3A_1641 = arith.cmpf olt, %cumsum3A_1638, %lt3A_1640 : vector<16xf32>
      %all_reduce_population_count3A_1642 = tpu.all_reduce %lt3A_1641 {dim = 0 : i64, kind = #tpu.reduction_kind<sum>} : vector<16xi1> -> vector<16xi32>
      %eq3A_1643 = arith.constant 9 : i32
      %eq3A_1644 = vector.broadcast %eq3A_1643 : i32 to vector<16xi32>
      %eq3A_1645 = arith.cmpi eq, %iota3A, %eq3A_1644 : vector<16xi32>
      %select_n3A_1646 = arith.select %eq3A_1645, %all_reduce_population_count3A_1642, %select_n3A_1630 : vector<16xi1>, vector<16xi32>
      %get3A_1647 = arith.constant 90 : i32
      %get3A_1648 = arith.index_cast %select_n3A_97 : i32 to index
      %get3A_1649 = arith.index_cast %get3A_1647 : i32 to index
      %get3A_1650 = arith.constant 0 : index
      %get3A_1651 = tpu.vector_load %arg7[%get3A_1648, %get3A_1649, %get3A_1650] {strides = array<i32>} : memref<4x128x128xf32, #tpu.memory_space<vmem>>, vector<16xf32>,
      %cumsum3A_1652 = arith.constant true
      %cumsum3A_1653 = vector.broadcast %cumsum3A_1652 : i1 to vector<16xi1>
      %cumsum3A_1654 = tpu.scan <sum>, %get3A_1651 masked %cumsum3A_1653 : vector<16xf32>, vector<16xi1> -> vector<16xf32>
      %lt3A_1655 = arith.constant 5.000000e-01 : f32
      %lt3A_1656 = vector.broadcast %lt3A_1655 : f32 to vector<16xf32>
      %lt3A_1657 = arith.cmpf olt, %cumsum3A_1654, %lt3A_1656 : vector<16xf32>
      %all_reduce_population_count3A_1658 = tpu.all_reduce %lt3A_1657 {dim = 0 : i64, kind = #tpu.reduction_kind<sum>} : vector<16xi1> -> vector<16xi32>
      %eq3A_1659 = arith.constant 10 : i32
      %eq3A_1660 = vector.broadcast %eq3A_1659 : i32 to vector<16xi32>
      %eq3A_1661 = arith.cmpi eq, %iota3A, %eq3A_1660 : vector<16xi32>
      %select_n3A_1662 = arith.select %eq3A_1661, %all_reduce_population_count3A_1658, %select_n3A_1646 : vector<16xi1>, vector<16xi32>
      %get3A_1663 = arith.constant 91 : i32
      %get3A_1664 = arith.index_cast %select_n3A_97 : i32 to index
      %get3A_1665 = arith.index_cast %get3A_1663 : i32 to index
      %get3A_1666 = arith.constant 0 : index
      %get3A_1667 = tpu.vector_load %arg7[%get3A_1664, %get3A_1665, %get3A_1666] {strides = array<i32>} : memref<4x128x128xf32, #tpu.memory_space<vmem>>, vector<16xf32>,
      %cumsum3A_1668 = arith.constant true
      %cumsum3A_1669 = vector.broadcast %cumsum3A_1668 : i1 to vector<16xi1>
      %cumsum3A_1670 = tpu.scan <sum>, %get3A_1667 masked %cumsum3A_1669 : vector<16xf32>, vector<16xi1> -> vector<16xf32>
      %lt3A_1671 = arith.constant 5.000000e-01 : f32
      %lt3A_1672 = vector.broadcast %lt3A_1671 : f32 to vector<16xf32>
      %lt3A_1673 = arith.cmpf olt, %cumsum3A_1670, %lt3A_1672 : vector<16xf32>
      %all_reduce_population_count3A_1674 = tpu.all_reduce %lt3A_1673 {dim = 0 : i64, kind = #tpu.reduction_kind<sum>} : vector<16xi1> -> vector<16xi32>
      %eq3A_1675 = arith.constant 11 : i32
      %eq3A_1676 = vector.broadcast %eq3A_1675 : i32 to vector<16xi32>
      %eq3A_1677 = arith.cmpi eq, %iota3A, %eq3A_1676 : vector<16xi32>
      %select_n3A_1678 = arith.select %eq3A_1677, %all_reduce_population_count3A_1674, %select_n3A_1662 : vector<16xi1>, vector<16xi32>
      %get3A_1679 = arith.constant 92 : i32
      %get3A_1680 = arith.index_cast %select_n3A_97 : i32 to index
      %get3A_1681 = arith.index_cast %get3A_1679 : i32 to index
      %get3A_1682 = arith.constant 0 : index
      %get3A_1683 = tpu.vector_load %arg7[%get3A_1680, %get3A_1681, %get3A_1682] {strides = array<i32>} : memref<4x128x128xf32, #tpu.memory_space<vmem>>, vector<16xf32>,
      %cumsum3A_1684 = arith.constant true
      %cumsum3A_1685 = vector.broadcast %cumsum3A_1684 : i1 to vector<16xi1>
      %cumsum3A_1686 = tpu.scan <sum>, %get3A_1683 masked %cumsum3A_1685 : vector<16xf32>, vector<16xi1> -> vector<16xf32>
      %lt3A_1687 = arith.constant 5.000000e-01 : f32
      %lt3A_1688 = vector.broadcast %lt3A_1687 : f32 to vector<16xf32>
      %lt3A_1689 = arith.cmpf olt, %cumsum3A_1686, %lt3A_1688 : vector<16xf32>
      %all_reduce_population_count3A_1690 = tpu.all_reduce %lt3A_1689 {dim = 0 : i64, kind = #tpu.reduction_kind<sum>} : vector<16xi1> -> vector<16xi32>
      %eq3A_1691 = arith.constant 12 : i32
      %eq3A_1692 = vector.broadcast %eq3A_1691 : i32 to vector<16xi32>
      %eq3A_1693 = arith.cmpi eq, %iota3A, %eq3A_1692 : vector<16xi32>
      %select_n3A_1694 = arith.select %eq3A_1693, %all_reduce_population_count3A_1690, %select_n3A_1678 : vector<16xi1>, vector<16xi32>
      %get3A_1695 = arith.constant 93 : i32
      %get3A_1696 = arith.index_cast %select_n3A_97 : i32 to index
      %get3A_1697 = arith.index_cast %get3A_1695 : i32 to index
      %get3A_1698 = arith.constant 0 : index
      %get3A_1699 = tpu.vector_load %arg7[%get3A_1696, %get3A_1697, %get3A_1698] {strides = array<i32>} : memref<4x128x128xf32, #tpu.memory_space<vmem>>, vector<16xf32>,
      %cumsum3A_1700 = arith.constant true
      %cumsum3A_1701 = vector.broadcast %cumsum3A_1700 : i1 to vector<16xi1>
      %cumsum3A_1702 = tpu.scan <sum>, %get3A_1699 masked %cumsum3A_1701 : vector<16xf32>, vector<16xi1> -> vector<16xf32>
      %lt3A_1703 = arith.constant 5.000000e-01 : f32
      %lt3A_1704 = vector.broadcast %lt3A_1703 : f32 to vector<16xf32>
      %lt3A_1705 = arith.cmpf olt, %cumsum3A_1702, %lt3A_1704 : vector<16xf32>
      %all_reduce_population_count3A_1706 = tpu.all_reduce %lt3A_1705 {dim = 0 : i64, kind = #tpu.reduction_kind<sum>} : vector<16xi1> -> vector<16xi32>
      %eq3A_1707 = arith.constant 13 : i32
      %eq3A_1708 = vector.broadcast %eq3A_1707 : i32 to vector<16xi32>
      %eq3A_1709 = arith.cmpi eq, %iota3A, %eq3A_1708 : vector<16xi32>
      %select_n3A_1710 = arith.select %eq3A_1709, %all_reduce_population_count3A_1706, %select_n3A_1694 : vector<16xi1>, vector<16xi32>
      %get3A_1711 = arith.constant 94 : i32
      %get3A_1712 = arith.index_cast %select_n3A_97 : i32 to index
      %get3A_1713 = arith.index_cast %get3A_1711 : i32 to index
      %get3A_1714 = arith.constant 0 : index
      %get3A_1715 = tpu.vector_load %arg7[%get3A_1712, %get3A_1713, %get3A_1714] {strides = array<i32>} : memref<4x128x128xf32, #tpu.memory_space<vmem>>, vector<16xf32>,
      %cumsum3A_1716 = arith.constant true
      %cumsum3A_1717 = vector.broadcast %cumsum3A_1716 : i1 to vector<16xi1>
      %cumsum3A_1718 = tpu.scan <sum>, %get3A_1715 masked %cumsum3A_1717 : vector<16xf32>, vector<16xi1> -> vector<16xf32>
      %lt3A_1719 = arith.constant 5.000000e-01 : f32
      %lt3A_1720 = vector.broadcast %lt3A_1719 : f32 to vector<16xf32>
      %lt3A_1721 = arith.cmpf olt, %cumsum3A_1718, %lt3A_1720 : vector<16xf32>
      %all_reduce_population_count3A_1722 = tpu.all_reduce %lt3A_1721 {dim = 0 : i64, kind = #tpu.reduction_kind<sum>} : vector<16xi1> -> vector<16xi32>
      %eq3A_1723 = arith.constant 14 : i32
      %eq3A_1724 = vector.broadcast %eq3A_1723 : i32 to vector<16xi32>
      %eq3A_1725 = arith.cmpi eq, %iota3A, %eq3A_1724 : vector<16xi32>
      %select_n3A_1726 = arith.select %eq3A_1725, %all_reduce_population_count3A_1722, %select_n3A_1710 : vector<16xi1>, vector<16xi32>
      %get3A_1727 = arith.constant 95 : i32
      %get3A_1728 = arith.index_cast %select_n3A_97 : i32 to index
      %get3A_1729 = arith.index_cast %get3A_1727 : i32 to index
      %get3A_1730 = arith.constant 0 : index
      %get3A_1731 = tpu.vector_load %arg7[%get3A_1728, %get3A_1729, %get3A_1730] {strides = array<i32>} : memref<4x128x128xf32, #tpu.memory_space<vmem>>, vector<16xf32>,
      %cumsum3A_1732 = arith.constant true
      %cumsum3A_1733 = vector.broadcast %cumsum3A_1732 : i1 to vector<16xi1>
      %cumsum3A_1734 = tpu.scan <sum>, %get3A_1731 masked %cumsum3A_1733 : vector<16xf32>, vector<16xi1> -> vector<16xf32>
      %lt3A_1735 = arith.constant 5.000000e-01 : f32
      %lt3A_1736 = vector.broadcast %lt3A_1735 : f32 to vector<16xf32>
      %lt3A_1737 = arith.cmpf olt, %cumsum3A_1734, %lt3A_1736 : vector<16xf32>
      %all_reduce_population_count3A_1738 = tpu.all_reduce %lt3A_1737 {dim = 0 : i64, kind = #tpu.reduction_kind<sum>} : vector<16xi1> -> vector<16xi32>
      %eq3A_1739 = arith.constant 15 : i32
      %eq3A_1740 = vector.broadcast %eq3A_1739 : i32 to vector<16xi32>
      %eq3A_1741 = arith.cmpi eq, %iota3A, %eq3A_1740 : vector<16xi32>
      %select_n3A_1742 = arith.select %eq3A_1741, %all_reduce_population_count3A_1738, %select_n3A_1726 : vector<16xi1>, vector<16xi32>
      %max3A_1743 = arith.maxsi %max3A_1470, %select_n3A_1742 : vector<16xi32>
      %add3A_1744 = arith.addi %mul3A_1484, %select_n3A_1742 : vector<16xi32>
      %swap3A_1745 = arith.index_cast %scan3A_87 : i32 to index
      %swap3A_1746 = arith.constant 80 : index
      %swap3A_1747 = tpu.vector_load %arg8[%swap3A_1745, %swap3A_1746] {strides = array<i32>} : memref<64x128xi32, #tpu.memory_space<vmem>>, vector<16xi32>,
      tpu.vector_store %arg8[%swap3A_1745, %swap3A_1746], %add3A_1744 {strides = array<i32>} : memref<64x128xi32, #tpu.memory_space<vmem>>, vector<16xi32>,
      %mul3A_1748 = arith.constant 128 : i32
      %mul3A_1749 = arith.muli %scan3A_87, %mul3A_1748 : i32
      %add3A_1750 = arith.addi %mul3A_2, %mul3A_1749 : i32
      %add3A_1751 = arith.constant 96 : i32
      %add3A_1752 = arith.addi %add3A_1750, %add3A_1751 : i32
      %add3A_1753 = vector.broadcast %add3A_1752 : i32 to vector<16xi32>
      %add3A_1754 = arith.addi %add3A_1753, %iota3A : vector<16xi32>
      %mul3A_1755 = arith.constant 128 : i32
      %mul3A_1756 = vector.broadcast %mul3A_1755 : i32 to vector<16xi32>
      %mul3A_1757 = arith.muli %add3A_1754, %mul3A_1756 : vector<16xi32>
      %broadcast_in_dim3A_1758 = arith.constant 0 : i32
      %broadcast_in_dim3A_1759 = vector.broadcast %broadcast_in_dim3A_1758 : i32 to vector<16xi32>
      %get3A_1760 = arith.constant 96 : i32
      %get3A_1761 = arith.index_cast %select_n3A_97 : i32 to index
      %get3A_1762 = arith.index_cast %get3A_1760 : i32 to index
      %get3A_1763 = arith.constant 0 : index
      %get3A_1764 = tpu.vector_load %arg7[%get3A_1761, %get3A_1762, %get3A_1763] {strides = array<i32>} : memref<4x128x128xf32, #tpu.memory_space<vmem>>, vector<16xf32>,
      %cumsum3A_1765 = arith.constant true
      %cumsum3A_1766 = vector.broadcast %cumsum3A_1765 : i1 to vector<16xi1>
      %cumsum3A_1767 = tpu.scan <sum>, %get3A_1764 masked %cumsum3A_1766 : vector<16xf32>, vector<16xi1> -> vector<16xf32>
      %lt3A_1768 = arith.constant 5.000000e-01 : f32
      %lt3A_1769 = vector.broadcast %lt3A_1768 : f32 to vector<16xf32>
      %lt3A_1770 = arith.cmpf olt, %cumsum3A_1767, %lt3A_1769 : vector<16xf32>
      %all_reduce_population_count3A_1771 = tpu.all_reduce %lt3A_1770 {dim = 0 : i64, kind = #tpu.reduction_kind<sum>} : vector<16xi1> -> vector<16xi32>
      %eq3A_1772 = arith.constant 0 : i32
      %eq3A_1773 = vector.broadcast %eq3A_1772 : i32 to vector<16xi32>
      %eq3A_1774 = arith.cmpi eq, %iota3A, %eq3A_1773 : vector<16xi32>
      %select_n3A_1775 = arith.select %eq3A_1774, %all_reduce_population_count3A_1771, %broadcast_in_dim3A_1759 : vector<16xi1>, vector<16xi32>
      %get3A_1776 = arith.constant 97 : i32
      %get3A_1777 = arith.index_cast %select_n3A_97 : i32 to index
      %get3A_1778 = arith.index_cast %get3A_1776 : i32 to index
      %get3A_1779 = arith.constant 0 : index
      %get3A_1780 = tpu.vector_load %arg7[%get3A_1777, %get3A_1778, %get3A_1779] {strides = array<i32>} : memref<4x128x128xf32, #tpu.memory_space<vmem>>, vector<16xf32>,
      %cumsum3A_1781 = arith.constant true
      %cumsum3A_1782 = vector.broadcast %cumsum3A_1781 : i1 to vector<16xi1>
      %cumsum3A_1783 = tpu.scan <sum>, %get3A_1780 masked %cumsum3A_1782 : vector<16xf32>, vector<16xi1> -> vector<16xf32>
      %lt3A_1784 = arith.constant 5.000000e-01 : f32
      %lt3A_1785 = vector.broadcast %lt3A_1784 : f32 to vector<16xf32>
      %lt3A_1786 = arith.cmpf olt, %cumsum3A_1783, %lt3A_1785 : vector<16xf32>
      %all_reduce_population_count3A_1787 = tpu.all_reduce %lt3A_1786 {dim = 0 : i64, kind = #tpu.reduction_kind<sum>} : vector<16xi1> -> vector<16xi32>
      %eq3A_1788 = arith.constant 1 : i32
      %eq3A_1789 = vector.broadcast %eq3A_1788 : i32 to vector<16xi32>
      %eq3A_1790 = arith.cmpi eq, %iota3A, %eq3A_1789 : vector<16xi32>
      %select_n3A_1791 = arith.select %eq3A_1790, %all_reduce_population_count3A_1787, %select_n3A_1775 : vector<16xi1>, vector<16xi32>
      %get3A_1792 = arith.constant 98 : i32
      %get3A_1793 = arith.index_cast %select_n3A_97 : i32 to index
      %get3A_1794 = arith.index_cast %get3A_1792 : i32 to index
      %get3A_1795 = arith.constant 0 : index
      %get3A_1796 = tpu.vector_load %arg7[%get3A_1793, %get3A_1794, %get3A_1795] {strides = array<i32>} : memref<4x128x128xf32, #tpu.memory_space<vmem>>, vector<16xf32>,
      %cumsum3A_1797 = arith.constant true
      %cumsum3A_1798 = vector.broadcast %cumsum3A_1797 : i1 to vector<16xi1>
      %cumsum3A_1799 = tpu.scan <sum>, %get3A_1796 masked %cumsum3A_1798 : vector<16xf32>, vector<16xi1> -> vector<16xf32>
      %lt3A_1800 = arith.constant 5.000000e-01 : f32
      %lt3A_1801 = vector.broadcast %lt3A_1800 : f32 to vector<16xf32>
      %lt3A_1802 = arith.cmpf olt, %cumsum3A_1799, %lt3A_1801 : vector<16xf32>
      %all_reduce_population_count3A_1803 = tpu.all_reduce %lt3A_1802 {dim = 0 : i64, kind = #tpu.reduction_kind<sum>} : vector<16xi1> -> vector<16xi32>
      %eq3A_1804 = arith.constant 2 : i32
      %eq3A_1805 = vector.broadcast %eq3A_1804 : i32 to vector<16xi32>
      %eq3A_1806 = arith.cmpi eq, %iota3A, %eq3A_1805 : vector<16xi32>
      %select_n3A_1807 = arith.select %eq3A_1806, %all_reduce_population_count3A_1803, %select_n3A_1791 : vector<16xi1>, vector<16xi32>
      %get3A_1808 = arith.constant 99 : i32
      %get3A_1809 = arith.index_cast %select_n3A_97 : i32 to index
      %get3A_1810 = arith.index_cast %get3A_1808 : i32 to index
      %get3A_1811 = arith.constant 0 : index
      %get3A_1812 = tpu.vector_load %arg7[%get3A_1809, %get3A_1810, %get3A_1811] {strides = array<i32>} : memref<4x128x128xf32, #tpu.memory_space<vmem>>, vector<16xf32>,
      %cumsum3A_1813 = arith.constant true
      %cumsum3A_1814 = vector.broadcast %cumsum3A_1813 : i1 to vector<16xi1>
      %cumsum3A_1815 = tpu.scan <sum>, %get3A_1812 masked %cumsum3A_1814 : vector<16xf32>, vector<16xi1> -> vector<16xf32>
      %lt3A_1816 = arith.constant 5.000000e-01 : f32
      %lt3A_1817 = vector.broadcast %lt3A_1816 : f32 to vector<16xf32>
      %lt3A_1818 = arith.cmpf olt, %cumsum3A_1815, %lt3A_1817 : vector<16xf32>
      %all_reduce_population_count3A_1819 = tpu.all_reduce %lt3A_1818 {dim = 0 : i64, kind = #tpu.reduction_kind<sum>} : vector<16xi1> -> vector<16xi32>
      %eq3A_1820 = arith.constant 3 : i32
      %eq3A_1821 = vector.broadcast %eq3A_1820 : i32 to vector<16xi32>
      %eq3A_1822 = arith.cmpi eq, %iota3A, %eq3A_1821 : vector<16xi32>
      %select_n3A_1823 = arith.select %eq3A_1822, %all_reduce_population_count3A_1819, %select_n3A_1807 : vector<16xi1>, vector<16xi32>
      %get3A_1824 = arith.constant 100 : i32
      %get3A_1825 = arith.index_cast %select_n3A_97 : i32 to index
      %get3A_1826 = arith.index_cast %get3A_1824 : i32 to index
      %get3A_1827 = arith.constant 0 : index
      %get3A_1828 = tpu.vector_load %arg7[%get3A_1825, %get3A_1826, %get3A_1827] {strides = array<i32>} : memref<4x128x128xf32, #tpu.memory_space<vmem>>, vector<16xf32>,
      %cumsum3A_1829 = arith.constant true
      %cumsum3A_1830 = vector.broadcast %cumsum3A_1829 : i1 to vector<16xi1>
      %cumsum3A_1831 = tpu.scan <sum>, %get3A_1828 masked %cumsum3A_1830 : vector<16xf32>, vector<16xi1> -> vector<16xf32>
      %lt3A_1832 = arith.constant 5.000000e-01 : f32
      %lt3A_1833 = vector.broadcast %lt3A_1832 : f32 to vector<16xf32>
      %lt3A_1834 = arith.cmpf olt, %cumsum3A_1831, %lt3A_1833 : vector<16xf32>
      %all_reduce_population_count3A_1835 = tpu.all_reduce %lt3A_1834 {dim = 0 : i64, kind = #tpu.reduction_kind<sum>} : vector<16xi1> -> vector<16xi32>
      %eq3A_1836 = arith.constant 4 : i32
      %eq3A_1837 = vector.broadcast %eq3A_1836 : i32 to vector<16xi32>
      %eq3A_1838 = arith.cmpi eq, %iota3A, %eq3A_1837 : vector<16xi32>
      %select_n3A_1839 = arith.select %eq3A_1838, %all_reduce_population_count3A_1835, %select_n3A_1823 : vector<16xi1>, vector<16xi32>
      %get3A_1840 = arith.constant 101 : i32
      %get3A_1841 = arith.index_cast %select_n3A_97 : i32 to index
      %get3A_1842 = arith.index_cast %get3A_1840 : i32 to index
      %get3A_1843 = arith.constant 0 : index
      %get3A_1844 = tpu.vector_load %arg7[%get3A_1841, %get3A_1842, %get3A_1843] {strides = array<i32>} : memref<4x128x128xf32, #tpu.memory_space<vmem>>, vector<16xf32>,
      %cumsum3A_1845 = arith.constant true
      %cumsum3A_1846 = vector.broadcast %cumsum3A_1845 : i1 to vector<16xi1>
      %cumsum3A_1847 = tpu.scan <sum>, %get3A_1844 masked %cumsum3A_1846 : vector<16xf32>, vector<16xi1> -> vector<16xf32>
      %lt3A_1848 = arith.constant 5.000000e-01 : f32
      %lt3A_1849 = vector.broadcast %lt3A_1848 : f32 to vector<16xf32>
      %lt3A_1850 = arith.cmpf olt, %cumsum3A_1847, %lt3A_1849 : vector<16xf32>
      %all_reduce_population_count3A_1851 = tpu.all_reduce %lt3A_1850 {dim = 0 : i64, kind = #tpu.reduction_kind<sum>} : vector<16xi1> -> vector<16xi32>
      %eq3A_1852 = arith.constant 5 : i32
      %eq3A_1853 = vector.broadcast %eq3A_1852 : i32 to vector<16xi32>
      %eq3A_1854 = arith.cmpi eq, %iota3A, %eq3A_1853 : vector<16xi32>
      %select_n3A_1855 = arith.select %eq3A_1854, %all_reduce_population_count3A_1851, %select_n3A_1839 : vector<16xi1>, vector<16xi32>
      %get3A_1856 = arith.constant 102 : i32
      %get3A_1857 = arith.index_cast %select_n3A_97 : i32 to index
      %get3A_1858 = arith.index_cast %get3A_1856 : i32 to index
      %get3A_1859 = arith.constant 0 : index
      %get3A_1860 = tpu.vector_load %arg7[%get3A_1857, %get3A_1858, %get3A_1859] {strides = array<i32>} : memref<4x128x128xf32, #tpu.memory_space<vmem>>, vector<16xf32>,
      %cumsum3A_1861 = arith.constant true
      %cumsum3A_1862 = vector.broadcast %cumsum3A_1861 : i1 to vector<16xi1>
      %cumsum3A_1863 = tpu.scan <sum>, %get3A_1860 masked %cumsum3A_1862 : vector<16xf32>, vector<16xi1> -> vector<16xf32>
      %lt3A_1864 = arith.constant 5.000000e-01 : f32
      %lt3A_1865 = vector.broadcast %lt3A_1864 : f32 to vector<16xf32>
      %lt3A_1866 = arith.cmpf olt, %cumsum3A_1863, %lt3A_1865 : vector<16xf32>
      %all_reduce_population_count3A_1867 = tpu.all_reduce %lt3A_1866 {dim = 0 : i64, kind = #tpu.reduction_kind<sum>} : vector<16xi1> -> vector<16xi32>
      %eq3A_1868 = arith.constant 6 : i32
      %eq3A_1869 = vector.broadcast %eq3A_1868 : i32 to vector<16xi32>
      %eq3A_1870 = arith.cmpi eq, %iota3A, %eq3A_1869 : vector<16xi32>
      %select_n3A_1871 = arith.select %eq3A_1870, %all_reduce_population_count3A_1867, %select_n3A_1855 : vector<16xi1>, vector<16xi32>
      %get3A_1872 = arith.constant 103 : i32
      %get3A_1873 = arith.index_cast %select_n3A_97 : i32 to index
      %get3A_1874 = arith.index_cast %get3A_1872 : i32 to index
      %get3A_1875 = arith.constant 0 : index
      %get3A_1876 = tpu.vector_load %arg7[%get3A_1873, %get3A_1874, %get3A_1875] {strides = array<i32>} : memref<4x128x128xf32, #tpu.memory_space<vmem>>, vector<16xf32>,
      %cumsum3A_1877 = arith.constant true
      %cumsum3A_1878 = vector.broadcast %cumsum3A_1877 : i1 to vector<16xi1>
      %cumsum3A_1879 = tpu.scan <sum>, %get3A_1876 masked %cumsum3A_1878 : vector<16xf32>, vector<16xi1> -> vector<16xf32>
      %lt3A_1880 = arith.constant 5.000000e-01 : f32
      %lt3A_1881 = vector.broadcast %lt3A_1880 : f32 to vector<16xf32>
      %lt3A_1882 = arith.cmpf olt, %cumsum3A_1879, %lt3A_1881 : vector<16xf32>
      %all_reduce_population_count3A_1883 = tpu.all_reduce %lt3A_1882 {dim = 0 : i64, kind = #tpu.reduction_kind<sum>} : vector<16xi1> -> vector<16xi32>
      %eq3A_1884 = arith.constant 7 : i32
      %eq3A_1885 = vector.broadcast %eq3A_1884 : i32 to vector<16xi32>
      %eq3A_1886 = arith.cmpi eq, %iota3A, %eq3A_1885 : vector<16xi32>
      %select_n3A_1887 = arith.select %eq3A_1886, %all_reduce_population_count3A_1883, %select_n3A_1871 : vector<16xi1>, vector<16xi32>
      %get3A_1888 = arith.constant 104 : i32
      %get3A_1889 = arith.index_cast %select_n3A_97 : i32 to index
      %get3A_1890 = arith.index_cast %get3A_1888 : i32 to index
      %get3A_1891 = arith.constant 0 : index
      %get3A_1892 = tpu.vector_load %arg7[%get3A_1889, %get3A_1890, %get3A_1891] {strides = array<i32>} : memref<4x128x128xf32, #tpu.memory_space<vmem>>, vector<16xf32>,
      %cumsum3A_1893 = arith.constant true
      %cumsum3A_1894 = vector.broadcast %cumsum3A_1893 : i1 to vector<16xi1>
      %cumsum3A_1895 = tpu.scan <sum>, %get3A_1892 masked %cumsum3A_1894 : vector<16xf32>, vector<16xi1> -> vector<16xf32>
      %lt3A_1896 = arith.constant 5.000000e-01 : f32
      %lt3A_1897 = vector.broadcast %lt3A_1896 : f32 to vector<16xf32>
      %lt3A_1898 = arith.cmpf olt, %cumsum3A_1895, %lt3A_1897 : vector<16xf32>
      %all_reduce_population_count3A_1899 = tpu.all_reduce %lt3A_1898 {dim = 0 : i64, kind = #tpu.reduction_kind<sum>} : vector<16xi1> -> vector<16xi32>
      %eq3A_1900 = arith.constant 8 : i32
      %eq3A_1901 = vector.broadcast %eq3A_1900 : i32 to vector<16xi32>
      %eq3A_1902 = arith.cmpi eq, %iota3A, %eq3A_1901 : vector<16xi32>
      %select_n3A_1903 = arith.select %eq3A_1902, %all_reduce_population_count3A_1899, %select_n3A_1887 : vector<16xi1>, vector<16xi32>
      %get3A_1904 = arith.constant 105 : i32
      %get3A_1905 = arith.index_cast %select_n3A_97 : i32 to index
      %get3A_1906 = arith.index_cast %get3A_1904 : i32 to index
      %get3A_1907 = arith.constant 0 : index
      %get3A_1908 = tpu.vector_load %arg7[%get3A_1905, %get3A_1906, %get3A_1907] {strides = array<i32>} : memref<4x128x128xf32, #tpu.memory_space<vmem>>, vector<16xf32>,
      %cumsum3A_1909 = arith.constant true
      %cumsum3A_1910 = vector.broadcast %cumsum3A_1909 : i1 to vector<16xi1>
      %cumsum3A_1911 = tpu.scan <sum>, %get3A_1908 masked %cumsum3A_1910 : vector<16xf32>, vector<16xi1> -> vector<16xf32>
      %lt3A_1912 = arith.constant 5.000000e-01 : f32
      %lt3A_1913 = vector.broadcast %lt3A_1912 : f32 to vector<16xf32>
      %lt3A_1914 = arith.cmpf olt, %cumsum3A_1911, %lt3A_1913 : vector<16xf32>
      %all_reduce_population_count3A_1915 = tpu.all_reduce %lt3A_1914 {dim = 0 : i64, kind = #tpu.reduction_kind<sum>} : vector<16xi1> -> vector<16xi32>
      %eq3A_1916 = arith.constant 9 : i32
      %eq3A_1917 = vector.broadcast %eq3A_1916 : i32 to vector<16xi32>
      %eq3A_1918 = arith.cmpi eq, %iota3A, %eq3A_1917 : vector<16xi32>
      %select_n3A_1919 = arith.select %eq3A_1918, %all_reduce_population_count3A_1915, %select_n3A_1903 : vector<16xi1>, vector<16xi32>
      %get3A_1920 = arith.constant 106 : i32
      %get3A_1921 = arith.index_cast %select_n3A_97 : i32 to index
      %get3A_1922 = arith.index_cast %get3A_1920 : i32 to index
      %get3A_1923 = arith.constant 0 : index
      %get3A_1924 = tpu.vector_load %arg7[%get3A_1921, %get3A_1922, %get3A_1923] {strides = array<i32>} : memref<4x128x128xf32, #tpu.memory_space<vmem>>, vector<16xf32>,
      %cumsum3A_1925 = arith.constant true
      %cumsum3A_1926 = vector.broadcast %cumsum3A_1925 : i1 to vector<16xi1>
      %cumsum3A_1927 = tpu.scan <sum>, %get3A_1924 masked %cumsum3A_1926 : vector<16xf32>, vector<16xi1> -> vector<16xf32>
      %lt3A_1928 = arith.constant 5.000000e-01 : f32
      %lt3A_1929 = vector.broadcast %lt3A_1928 : f32 to vector<16xf32>
      %lt3A_1930 = arith.cmpf olt, %cumsum3A_1927, %lt3A_1929 : vector<16xf32>
      %all_reduce_population_count3A_1931 = tpu.all_reduce %lt3A_1930 {dim = 0 : i64, kind = #tpu.reduction_kind<sum>} : vector<16xi1> -> vector<16xi32>
      %eq3A_1932 = arith.constant 10 : i32
      %eq3A_1933 = vector.broadcast %eq3A_1932 : i32 to vector<16xi32>
      %eq3A_1934 = arith.cmpi eq, %iota3A, %eq3A_1933 : vector<16xi32>
      %select_n3A_1935 = arith.select %eq3A_1934, %all_reduce_population_count3A_1931, %select_n3A_1919 : vector<16xi1>, vector<16xi32>
      %get3A_1936 = arith.constant 107 : i32
      %get3A_1937 = arith.index_cast %select_n3A_97 : i32 to index
      %get3A_1938 = arith.index_cast %get3A_1936 : i32 to index
      %get3A_1939 = arith.constant 0 : index
      %get3A_1940 = tpu.vector_load %arg7[%get3A_1937, %get3A_1938, %get3A_1939] {strides = array<i32>} : memref<4x128x128xf32, #tpu.memory_space<vmem>>, vector<16xf32>,
      %cumsum3A_1941 = arith.constant true
      %cumsum3A_1942 = vector.broadcast %cumsum3A_1941 : i1 to vector<16xi1>
      %cumsum3A_1943 = tpu.scan <sum>, %get3A_1940 masked %cumsum3A_1942 : vector<16xf32>, vector<16xi1> -> vector<16xf32>
      %lt3A_1944 = arith.constant 5.000000e-01 : f32
      %lt3A_1945 = vector.broadcast %lt3A_1944 : f32 to vector<16xf32>
      %lt3A_1946 = arith.cmpf olt, %cumsum3A_1943, %lt3A_1945 : vector<16xf32>
      %all_reduce_population_count3A_1947 = tpu.all_reduce %lt3A_1946 {dim = 0 : i64, kind = #tpu.reduction_kind<sum>} : vector<16xi1> -> vector<16xi32>
      %eq3A_1948 = arith.constant 11 : i32
      %eq3A_1949 = vector.broadcast %eq3A_1948 : i32 to vector<16xi32>
      %eq3A_1950 = arith.cmpi eq, %iota3A, %eq3A_1949 : vector<16xi32>
      %select_n3A_1951 = arith.select %eq3A_1950, %all_reduce_population_count3A_1947, %select_n3A_1935 : vector<16xi1>, vector<16xi32>
      %get3A_1952 = arith.constant 108 : i32
      %get3A_1953 = arith.index_cast %select_n3A_97 : i32 to index
      %get3A_1954 = arith.index_cast %get3A_1952 : i32 to index
      %get3A_1955 = arith.constant 0 : index
      %get3A_1956 = tpu.vector_load %arg7[%get3A_1953, %get3A_1954, %get3A_1955] {strides = array<i32>} : memref<4x128x128xf32, #tpu.memory_space<vmem>>, vector<16xf32>,
      %cumsum3A_1957 = arith.constant true
      %cumsum3A_1958 = vector.broadcast %cumsum3A_1957 : i1 to vector<16xi1>
      %cumsum3A_1959 = tpu.scan <sum>, %get3A_1956 masked %cumsum3A_1958 : vector<16xf32>, vector<16xi1> -> vector<16xf32>
      %lt3A_1960 = arith.constant 5.000000e-01 : f32
      %lt3A_1961 = vector.broadcast %lt3A_1960 : f32 to vector<16xf32>
      %lt3A_1962 = arith.cmpf olt, %cumsum3A_1959, %lt3A_1961 : vector<16xf32>
      %all_reduce_population_count3A_1963 = tpu.all_reduce %lt3A_1962 {dim = 0 : i64, kind = #tpu.reduction_kind<sum>} : vector<16xi1> -> vector<16xi32>
      %eq3A_1964 = arith.constant 12 : i32
      %eq3A_1965 = vector.broadcast %eq3A_1964 : i32 to vector<16xi32>
      %eq3A_1966 = arith.cmpi eq, %iota3A, %eq3A_1965 : vector<16xi32>
      %select_n3A_1967 = arith.select %eq3A_1966, %all_reduce_population_count3A_1963, %select_n3A_1951 : vector<16xi1>, vector<16xi32>
      %get3A_1968 = arith.constant 109 : i32
      %get3A_1969 = arith.index_cast %select_n3A_97 : i32 to index
      %get3A_1970 = arith.index_cast %get3A_1968 : i32 to index
      %get3A_1971 = arith.constant 0 : index
      %get3A_1972 = tpu.vector_load %arg7[%get3A_1969, %get3A_1970, %get3A_1971] {strides = array<i32>} : memref<4x128x128xf32, #tpu.memory_space<vmem>>, vector<16xf32>,
      %cumsum3A_1973 = arith.constant true
      %cumsum3A_1974 = vector.broadcast %cumsum3A_1973 : i1 to vector<16xi1>
      %cumsum3A_1975 = tpu.scan <sum>, %get3A_1972 masked %cumsum3A_1974 : vector<16xf32>, vector<16xi1> -> vector<16xf32>
      %lt3A_1976 = arith.constant 5.000000e-01 : f32
      %lt3A_1977 = vector.broadcast %lt3A_1976 : f32 to vector<16xf32>
      %lt3A_1978 = arith.cmpf olt, %cumsum3A_1975, %lt3A_1977 : vector<16xf32>
      %all_reduce_population_count3A_1979 = tpu.all_reduce %lt3A_1978 {dim = 0 : i64, kind = #tpu.reduction_kind<sum>} : vector<16xi1> -> vector<16xi32>
      %eq3A_1980 = arith.constant 13 : i32
      %eq3A_1981 = vector.broadcast %eq3A_1980 : i32 to vector<16xi32>
      %eq3A_1982 = arith.cmpi eq, %iota3A, %eq3A_1981 : vector<16xi32>
      %select_n3A_1983 = arith.select %eq3A_1982, %all_reduce_population_count3A_1979, %select_n3A_1967 : vector<16xi1>, vector<16xi32>
      %get3A_1984 = arith.constant 110 : i32
      %get3A_1985 = arith.index_cast %select_n3A_97 : i32 to index
      %get3A_1986 = arith.index_cast %get3A_1984 : i32 to index
      %get3A_1987 = arith.constant 0 : index
      %get3A_1988 = tpu.vector_load %arg7[%get3A_1985, %get3A_1986, %get3A_1987] {strides = array<i32>} : memref<4x128x128xf32, #tpu.memory_space<vmem>>, vector<16xf32>,
      %cumsum3A_1989 = arith.constant true
      %cumsum3A_1990 = vector.broadcast %cumsum3A_1989 : i1 to vector<16xi1>
      %cumsum3A_1991 = tpu.scan <sum>, %get3A_1988 masked %cumsum3A_1990 : vector<16xf32>, vector<16xi1> -> vector<16xf32>
      %lt3A_1992 = arith.constant 5.000000e-01 : f32
      %lt3A_1993 = vector.broadcast %lt3A_1992 : f32 to vector<16xf32>
      %lt3A_1994 = arith.cmpf olt, %cumsum3A_1991, %lt3A_1993 : vector<16xf32>
      %all_reduce_population_count3A_1995 = tpu.all_reduce %lt3A_1994 {dim = 0 : i64, kind = #tpu.reduction_kind<sum>} : vector<16xi1> -> vector<16xi32>
      %eq3A_1996 = arith.constant 14 : i32
      %eq3A_1997 = vector.broadcast %eq3A_1996 : i32 to vector<16xi32>
      %eq3A_1998 = arith.cmpi eq, %iota3A, %eq3A_1997 : vector<16xi32>
      %select_n3A_1999 = arith.select %eq3A_1998, %all_reduce_population_count3A_1995, %select_n3A_1983 : vector<16xi1>, vector<16xi32>
      %get3A_2000 = arith.constant 111 : i32
      %get3A_2001 = arith.index_cast %select_n3A_97 : i32 to index
      %get3A_2002 = arith.index_cast %get3A_2000 : i32 to index
      %get3A_2003 = arith.constant 0 : index
      %get3A_2004 = tpu.vector_load %arg7[%get3A_2001, %get3A_2002, %get3A_2003] {strides = array<i32>} : memref<4x128x128xf32, #tpu.memory_space<vmem>>, vector<16xf32>,
      %cumsum3A_2005 = arith.constant true
      %cumsum3A_2006 = vector.broadcast %cumsum3A_2005 : i1 to vector<16xi1>
      %cumsum3A_2007 = tpu.scan <sum>, %get3A_2004 masked %cumsum3A_2006 : vector<16xf32>, vector<16xi1> -> vector<16xf32>
      %lt3A_2008 = arith.constant 5.000000e-01 : f32
      %lt3A_2009 = vector.broadcast %lt3A_2008 : f32 to vector<16xf32>
      %lt3A_2010 = arith.cmpf olt, %cumsum3A_2007, %lt3A_2009 : vector<16xf32>
      %all_reduce_population_count3A_2011 = tpu.all_reduce %lt3A_2010 {dim = 0 : i64, kind = #tpu.reduction_kind<sum>} : vector<16xi1> -> vector<16xi32>
      %eq3A_2012 = arith.constant 15 : i32
      %eq3A_2013 = vector.broadcast %eq3A_2012 : i32 to vector<16xi32>
      %eq3A_2014 = arith.cmpi eq, %iota3A, %eq3A_2013 : vector<16xi32>
      %select_n3A_2015 = arith.select %eq3A_2014, %all_reduce_population_count3A_2011, %select_n3A_1999 : vector<16xi1>, vector<16xi32>
      %max3A_2016 = arith.maxsi %max3A_1743, %select_n3A_2015 : vector<16xi32>
      %add3A_2017 = arith.addi %mul3A_1757, %select_n3A_2015 : vector<16xi32>
      %swap3A_2018 = arith.index_cast %scan3A_87 : i32 to index
      %swap3A_2019 = arith.constant 96 : index
      %swap3A_2020 = tpu.vector_load %arg8[%swap3A_2018, %swap3A_2019] {strides = array<i32>} : memref<64x128xi32, #tpu.memory_space<vmem>>, vector<16xi32>,
      tpu.vector_store %arg8[%swap3A_2018, %swap3A_2019], %add3A_2017 {strides = array<i32>} : memref<64x128xi32, #tpu.memory_space<vmem>>, vector<16xi32>,
      %mul3A_2021 = arith.constant 128 : i32
      %mul3A_2022 = arith.muli %scan3A_87, %mul3A_2021 : i32
      %add3A_2023 = arith.addi %mul3A_2, %mul3A_2022 : i32
      %add3A_2024 = arith.constant 112 : i32
      %add3A_2025 = arith.addi %add3A_2023, %add3A_2024 : i32
      %add3A_2026 = vector.broadcast %add3A_2025 : i32 to vector<16xi32>
      %add3A_2027 = arith.addi %add3A_2026, %iota3A : vector<16xi32>
      %mul3A_2028 = arith.constant 128 : i32
      %mul3A_2029 = vector.broadcast %mul3A_2028 : i32 to vector<16xi32>
      %mul3A_2030 = arith.muli %add3A_2027, %mul3A_2029 : vector<16xi32>
      %broadcast_in_dim3A_2031 = arith.constant 0 : i32
      %broadcast_in_dim3A_2032 = vector.broadcast %broadcast_in_dim3A_2031 : i32 to vector<16xi32>
      %get3A_2033 = arith.constant 112 : i32
      %get3A_2034 = arith.index_cast %select_n3A_97 : i32 to index
      %get3A_2035 = arith.index_cast %get3A_2033 : i32 to index
      %get3A_2036 = arith.constant 0 : index
      %get3A_2037 = tpu.vector_load %arg7[%get3A_2034, %get3A_2035, %get3A_2036] {strides = array<i32>} : memref<4x128x128xf32, #tpu.memory_space<vmem>>, vector<16xf32>,
      %cumsum3A_2038 = arith.constant true
      %cumsum3A_2039 = vector.broadcast %cumsum3A_2038 : i1 to vector<16xi1>
      %cumsum3A_2040 = tpu.scan <sum>, %get3A_2037 masked %cumsum3A_2039 : vector<16xf32>, vector<16xi1> -> vector<16xf32>
      %lt3A_2041 = arith.constant 5.000000e-01 : f32
      %lt3A_2042 = vector.broadcast %lt3A_2041 : f32 to vector<16xf32>
      %lt3A_2043 = arith.cmpf olt, %cumsum3A_2040, %lt3A_2042 : vector<16xf32>
      %all_reduce_population_count3A_2044 = tpu.all_reduce %lt3A_2043 {dim = 0 : i64, kind = #tpu.reduction_kind<sum>} : vector<16xi1> -> vector<16xi32>
      %eq3A_2045 = arith.constant 0 : i32
      %eq3A_2046 = vector.broadcast %eq3A_2045 : i32 to vector<16xi32>
      %eq3A_2047 = arith.cmpi eq, %iota3A, %eq3A_2046 : vector<16xi32>
      %select_n3A_2048 = arith.select %eq3A_2047, %all_reduce_population_count3A_2044, %broadcast_in_dim3A_2032 : vector<16xi1>, vector<16xi32>
      %get3A_2049 = arith.constant 113 : i32
      %get3A_2050 = arith.index_cast %select_n3A_97 : i32 to index
      %get3A_2051 = arith.index_cast %get3A_2049 : i32 to index
      %get3A_2052 = arith.constant 0 : index
      %get3A_2053 = tpu.vector_load %arg7[%get3A_2050, %get3A_2051, %get3A_2052] {strides = array<i32>} : memref<4x128x128xf32, #tpu.memory_space<vmem>>, vector<16xf32>,
      %cumsum3A_2054 = arith.constant true
      %cumsum3A_2055 = vector.broadcast %cumsum3A_2054 : i1 to vector<16xi1>
      %cumsum3A_2056 = tpu.scan <sum>, %get3A_2053 masked %cumsum3A_2055 : vector<16xf32>, vector<16xi1> -> vector<16xf32>
      %lt3A_2057 = arith.constant 5.000000e-01 : f32
      %lt3A_2058 = vector.broadcast %lt3A_2057 : f32 to vector<16xf32>
      %lt3A_2059 = arith.cmpf olt, %cumsum3A_2056, %lt3A_2058 : vector<16xf32>
      %all_reduce_population_count3A_2060 = tpu.all_reduce %lt3A_2059 {dim = 0 : i64, kind = #tpu.reduction_kind<sum>} : vector<16xi1> -> vector<16xi32>
      %eq3A_2061 = arith.constant 1 : i32
      %eq3A_2062 = vector.broadcast %eq3A_2061 : i32 to vector<16xi32>
      %eq3A_2063 = arith.cmpi eq, %iota3A, %eq3A_2062 : vector<16xi32>
      %select_n3A_2064 = arith.select %eq3A_2063, %all_reduce_population_count3A_2060, %select_n3A_2048 : vector<16xi1>, vector<16xi32>
      %get3A_2065 = arith.constant 114 : i32
      %get3A_2066 = arith.index_cast %select_n3A_97 : i32 to index
      %get3A_2067 = arith.index_cast %get3A_2065 : i32 to index
      %get3A_2068 = arith.constant 0 : index
      %get3A_2069 = tpu.vector_load %arg7[%get3A_2066, %get3A_2067, %get3A_2068] {strides = array<i32>} : memref<4x128x128xf32, #tpu.memory_space<vmem>>, vector<16xf32>,
      %cumsum3A_2070 = arith.constant true
      %cumsum3A_2071 = vector.broadcast %cumsum3A_2070 : i1 to vector<16xi1>
      %cumsum3A_2072 = tpu.scan <sum>, %get3A_2069 masked %cumsum3A_2071 : vector<16xf32>, vector<16xi1> -> vector<16xf32>
      %lt3A_2073 = arith.constant 5.000000e-01 : f32
      %lt3A_2074 = vector.broadcast %lt3A_2073 : f32 to vector<16xf32>
      %lt3A_2075 = arith.cmpf olt, %cumsum3A_2072, %lt3A_2074 : vector<16xf32>
      %all_reduce_population_count3A_2076 = tpu.all_reduce %lt3A_2075 {dim = 0 : i64, kind = #tpu.reduction_kind<sum>} : vector<16xi1> -> vector<16xi32>
      %eq3A_2077 = arith.constant 2 : i32
      %eq3A_2078 = vector.broadcast %eq3A_2077 : i32 to vector<16xi32>
      %eq3A_2079 = arith.cmpi eq, %iota3A, %eq3A_2078 : vector<16xi32>
      %select_n3A_2080 = arith.select %eq3A_2079, %all_reduce_population_count3A_2076, %select_n3A_2064 : vector<16xi1>, vector<16xi32>
      %get3A_2081 = arith.constant 115 : i32
      %get3A_2082 = arith.index_cast %select_n3A_97 : i32 to index
      %get3A_2083 = arith.index_cast %get3A_2081 : i32 to index
      %get3A_2084 = arith.constant 0 : index
      %get3A_2085 = tpu.vector_load %arg7[%get3A_2082, %get3A_2083, %get3A_2084] {strides = array<i32>} : memref<4x128x128xf32, #tpu.memory_space<vmem>>, vector<16xf32>,
      %cumsum3A_2086 = arith.constant true
      %cumsum3A_2087 = vector.broadcast %cumsum3A_2086 : i1 to vector<16xi1>
      %cumsum3A_2088 = tpu.scan <sum>, %get3A_2085 masked %cumsum3A_2087 : vector<16xf32>, vector<16xi1> -> vector<16xf32>
      %lt3A_2089 = arith.constant 5.000000e-01 : f32
      %lt3A_2090 = vector.broadcast %lt3A_2089 : f32 to vector<16xf32>
      %lt3A_2091 = arith.cmpf olt, %cumsum3A_2088, %lt3A_2090 : vector<16xf32>
      %all_reduce_population_count3A_2092 = tpu.all_reduce %lt3A_2091 {dim = 0 : i64, kind = #tpu.reduction_kind<sum>} : vector<16xi1> -> vector<16xi32>
      %eq3A_2093 = arith.constant 3 : i32
      %eq3A_2094 = vector.broadcast %eq3A_2093 : i32 to vector<16xi32>
      %eq3A_2095 = arith.cmpi eq, %iota3A, %eq3A_2094 : vector<16xi32>
      %select_n3A_2096 = arith.select %eq3A_2095, %all_reduce_population_count3A_2092, %select_n3A_2080 : vector<16xi1>, vector<16xi32>
      %get3A_2097 = arith.constant 116 : i32
      %get3A_2098 = arith.index_cast %select_n3A_97 : i32 to index
      %get3A_2099 = arith.index_cast %get3A_2097 : i32 to index
      %get3A_2100 = arith.constant 0 : index
      %get3A_2101 = tpu.vector_load %arg7[%get3A_2098, %get3A_2099, %get3A_2100] {strides = array<i32>} : memref<4x128x128xf32, #tpu.memory_space<vmem>>, vector<16xf32>,
      %cumsum3A_2102 = arith.constant true
      %cumsum3A_2103 = vector.broadcast %cumsum3A_2102 : i1 to vector<16xi1>
      %cumsum3A_2104 = tpu.scan <sum>, %get3A_2101 masked %cumsum3A_2103 : vector<16xf32>, vector<16xi1> -> vector<16xf32>
      %lt3A_2105 = arith.constant 5.000000e-01 : f32
      %lt3A_2106 = vector.broadcast %lt3A_2105 : f32 to vector<16xf32>
      %lt3A_2107 = arith.cmpf olt, %cumsum3A_2104, %lt3A_2106 : vector<16xf32>
      %all_reduce_population_count3A_2108 = tpu.all_reduce %lt3A_2107 {dim = 0 : i64, kind = #tpu.reduction_kind<sum>} : vector<16xi1> -> vector<16xi32>
      %eq3A_2109 = arith.constant 4 : i32
      %eq3A_2110 = vector.broadcast %eq3A_2109 : i32 to vector<16xi32>
      %eq3A_2111 = arith.cmpi eq, %iota3A, %eq3A_2110 : vector<16xi32>
      %select_n3A_2112 = arith.select %eq3A_2111, %all_reduce_population_count3A_2108, %select_n3A_2096 : vector<16xi1>, vector<16xi32>
      %get3A_2113 = arith.constant 117 : i32
      %get3A_2114 = arith.index_cast %select_n3A_97 : i32 to index
      %get3A_2115 = arith.index_cast %get3A_2113 : i32 to index
      %get3A_2116 = arith.constant 0 : index
      %get3A_2117 = tpu.vector_load %arg7[%get3A_2114, %get3A_2115, %get3A_2116] {strides = array<i32>} : memref<4x128x128xf32, #tpu.memory_space<vmem>>, vector<16xf32>,
      %cumsum3A_2118 = arith.constant true
      %cumsum3A_2119 = vector.broadcast %cumsum3A_2118 : i1 to vector<16xi1>
      %cumsum3A_2120 = tpu.scan <sum>, %get3A_2117 masked %cumsum3A_2119 : vector<16xf32>, vector<16xi1> -> vector<16xf32>
      %lt3A_2121 = arith.constant 5.000000e-01 : f32
      %lt3A_2122 = vector.broadcast %lt3A_2121 : f32 to vector<16xf32>
      %lt3A_2123 = arith.cmpf olt, %cumsum3A_2120, %lt3A_2122 : vector<16xf32>
      %all_reduce_population_count3A_2124 = tpu.all_reduce %lt3A_2123 {dim = 0 : i64, kind = #tpu.reduction_kind<sum>} : vector<16xi1> -> vector<16xi32>
      %eq3A_2125 = arith.constant 5 : i32
      %eq3A_2126 = vector.broadcast %eq3A_2125 : i32 to vector<16xi32>
      %eq3A_2127 = arith.cmpi eq, %iota3A, %eq3A_2126 : vector<16xi32>
      %select_n3A_2128 = arith.select %eq3A_2127, %all_reduce_population_count3A_2124, %select_n3A_2112 : vector<16xi1>, vector<16xi32>
      %get3A_2129 = arith.constant 118 : i32
      %get3A_2130 = arith.index_cast %select_n3A_97 : i32 to index
      %get3A_2131 = arith.index_cast %get3A_2129 : i32 to index
      %get3A_2132 = arith.constant 0 : index
      %get3A_2133 = tpu.vector_load %arg7[%get3A_2130, %get3A_2131, %get3A_2132] {strides = array<i32>} : memref<4x128x128xf32, #tpu.memory_space<vmem>>, vector<16xf32>,
      %cumsum3A_2134 = arith.constant true
      %cumsum3A_2135 = vector.broadcast %cumsum3A_2134 : i1 to vector<16xi1>
      %cumsum3A_2136 = tpu.scan <sum>, %get3A_2133 masked %cumsum3A_2135 : vector<16xf32>, vector<16xi1> -> vector<16xf32>
      %lt3A_2137 = arith.constant 5.000000e-01 : f32
      %lt3A_2138 = vector.broadcast %lt3A_2137 : f32 to vector<16xf32>
      %lt3A_2139 = arith.cmpf olt, %cumsum3A_2136, %lt3A_2138 : vector<16xf32>
      %all_reduce_population_count3A_2140 = tpu.all_reduce %lt3A_2139 {dim = 0 : i64, kind = #tpu.reduction_kind<sum>} : vector<16xi1> -> vector<16xi32>
      %eq3A_2141 = arith.constant 6 : i32
      %eq3A_2142 = vector.broadcast %eq3A_2141 : i32 to vector<16xi32>
      %eq3A_2143 = arith.cmpi eq, %iota3A, %eq3A_2142 : vector<16xi32>
      %select_n3A_2144 = arith.select %eq3A_2143, %all_reduce_population_count3A_2140, %select_n3A_2128 : vector<16xi1>, vector<16xi32>
      %get3A_2145 = arith.constant 119 : i32
      %get3A_2146 = arith.index_cast %select_n3A_97 : i32 to index
      %get3A_2147 = arith.index_cast %get3A_2145 : i32 to index
      %get3A_2148 = arith.constant 0 : index
      %get3A_2149 = tpu.vector_load %arg7[%get3A_2146, %get3A_2147, %get3A_2148] {strides = array<i32>} : memref<4x128x128xf32, #tpu.memory_space<vmem>>, vector<16xf32>,
      %cumsum3A_2150 = arith.constant true
      %cumsum3A_2151 = vector.broadcast %cumsum3A_2150 : i1 to vector<16xi1>
      %cumsum3A_2152 = tpu.scan <sum>, %get3A_2149 masked %cumsum3A_2151 : vector<16xf32>, vector<16xi1> -> vector<16xf32>
      %lt3A_2153 = arith.constant 5.000000e-01 : f32
      %lt3A_2154 = vector.broadcast %lt3A_2153 : f32 to vector<16xf32>
      %lt3A_2155 = arith.cmpf olt, %cumsum3A_2152, %lt3A_2154 : vector<16xf32>
      %all_reduce_population_count3A_2156 = tpu.all_reduce %lt3A_2155 {dim = 0 : i64, kind = #tpu.reduction_kind<sum>} : vector<16xi1> -> vector<16xi32>
      %eq3A_2157 = arith.constant 7 : i32
      %eq3A_2158 = vector.broadcast %eq3A_2157 : i32 to vector<16xi32>
      %eq3A_2159 = arith.cmpi eq, %iota3A, %eq3A_2158 : vector<16xi32>
      %select_n3A_2160 = arith.select %eq3A_2159, %all_reduce_population_count3A_2156, %select_n3A_2144 : vector<16xi1>, vector<16xi32>
      %get3A_2161 = arith.constant 120 : i32
      %get3A_2162 = arith.index_cast %select_n3A_97 : i32 to index
      %get3A_2163 = arith.index_cast %get3A_2161 : i32 to index
      %get3A_2164 = arith.constant 0 : index
      %get3A_2165 = tpu.vector_load %arg7[%get3A_2162, %get3A_2163, %get3A_2164] {strides = array<i32>} : memref<4x128x128xf32, #tpu.memory_space<vmem>>, vector<16xf32>,
      %cumsum3A_2166 = arith.constant true
      %cumsum3A_2167 = vector.broadcast %cumsum3A_2166 : i1 to vector<16xi1>
      %cumsum3A_2168 = tpu.scan <sum>, %get3A_2165 masked %cumsum3A_2167 : vector<16xf32>, vector<16xi1> -> vector<16xf32>
      %lt3A_2169 = arith.constant 5.000000e-01 : f32
      %lt3A_2170 = vector.broadcast %lt3A_2169 : f32 to vector<16xf32>
      %lt3A_2171 = arith.cmpf olt, %cumsum3A_2168, %lt3A_2170 : vector<16xf32>
      %all_reduce_population_count3A_2172 = tpu.all_reduce %lt3A_2171 {dim = 0 : i64, kind = #tpu.reduction_kind<sum>} : vector<16xi1> -> vector<16xi32>
      %eq3A_2173 = arith.constant 8 : i32
      %eq3A_2174 = vector.broadcast %eq3A_2173 : i32 to vector<16xi32>
      %eq3A_2175 = arith.cmpi eq, %iota3A, %eq3A_2174 : vector<16xi32>
      %select_n3A_2176 = arith.select %eq3A_2175, %all_reduce_population_count3A_2172, %select_n3A_2160 : vector<16xi1>, vector<16xi32>
      %get3A_2177 = arith.constant 121 : i32
      %get3A_2178 = arith.index_cast %select_n3A_97 : i32 to index
      %get3A_2179 = arith.index_cast %get3A_2177 : i32 to index
      %get3A_2180 = arith.constant 0 : index
      %get3A_2181 = tpu.vector_load %arg7[%get3A_2178, %get3A_2179, %get3A_2180] {strides = array<i32>} : memref<4x128x128xf32, #tpu.memory_space<vmem>>, vector<16xf32>,
      %cumsum3A_2182 = arith.constant true
      %cumsum3A_2183 = vector.broadcast %cumsum3A_2182 : i1 to vector<16xi1>
      %cumsum3A_2184 = tpu.scan <sum>, %get3A_2181 masked %cumsum3A_2183 : vector<16xf32>, vector<16xi1> -> vector<16xf32>
      %lt3A_2185 = arith.constant 5.000000e-01 : f32
      %lt3A_2186 = vector.broadcast %lt3A_2185 : f32 to vector<16xf32>
      %lt3A_2187 = arith.cmpf olt, %cumsum3A_2184, %lt3A_2186 : vector<16xf32>
      %all_reduce_population_count3A_2188 = tpu.all_reduce %lt3A_2187 {dim = 0 : i64, kind = #tpu.reduction_kind<sum>} : vector<16xi1> -> vector<16xi32>
      %eq3A_2189 = arith.constant 9 : i32
      %eq3A_2190 = vector.broadcast %eq3A_2189 : i32 to vector<16xi32>
      %eq3A_2191 = arith.cmpi eq, %iota3A, %eq3A_2190 : vector<16xi32>
      %select_n3A_2192 = arith.select %eq3A_2191, %all_reduce_population_count3A_2188, %select_n3A_2176 : vector<16xi1>, vector<16xi32>
      %get3A_2193 = arith.constant 122 : i32
      %get3A_2194 = arith.index_cast %select_n3A_97 : i32 to index
      %get3A_2195 = arith.index_cast %get3A_2193 : i32 to index
      %get3A_2196 = arith.constant 0 : index
      %get3A_2197 = tpu.vector_load %arg7[%get3A_2194, %get3A_2195, %get3A_2196] {strides = array<i32>} : memref<4x128x128xf32, #tpu.memory_space<vmem>>, vector<16xf32>,
      %cumsum3A_2198 = arith.constant true
      %cumsum3A_2199 = vector.broadcast %cumsum3A_2198 : i1 to vector<16xi1>
      %cumsum3A_2200 = tpu.scan <sum>, %get3A_2197 masked %cumsum3A_2199 : vector<16xf32>, vector<16xi1> -> vector<16xf32>
      %lt3A_2201 = arith.constant 5.000000e-01 : f32
      %lt3A_2202 = vector.broadcast %lt3A_2201 : f32 to vector<16xf32>
      %lt3A_2203 = arith.cmpf olt, %cumsum3A_2200, %lt3A_2202 : vector<16xf32>
      %all_reduce_population_count3A_2204 = tpu.all_reduce %lt3A_2203 {dim = 0 : i64, kind = #tpu.reduction_kind<sum>} : vector<16xi1> -> vector<16xi32>
      %eq3A_2205 = arith.constant 10 : i32
      %eq3A_2206 = vector.broadcast %eq3A_2205 : i32 to vector<16xi32>
      %eq3A_2207 = arith.cmpi eq, %iota3A, %eq3A_2206 : vector<16xi32>
      %select_n3A_2208 = arith.select %eq3A_2207, %all_reduce_population_count3A_2204, %select_n3A_2192 : vector<16xi1>, vector<16xi32>
      %get3A_2209 = arith.constant 123 : i32
      %get3A_2210 = arith.index_cast %select_n3A_97 : i32 to index
      %get3A_2211 = arith.index_cast %get3A_2209 : i32 to index
      %get3A_2212 = arith.constant 0 : index
      %get3A_2213 = tpu.vector_load %arg7[%get3A_2210, %get3A_2211, %get3A_2212] {strides = array<i32>} : memref<4x128x128xf32, #tpu.memory_space<vmem>>, vector<16xf32>,
      %cumsum3A_2214 = arith.constant true
      %cumsum3A_2215 = vector.broadcast %cumsum3A_2214 : i1 to vector<16xi1>
      %cumsum3A_2216 = tpu.scan <sum>, %get3A_2213 masked %cumsum3A_2215 : vector<16xf32>, vector<16xi1> -> vector<16xf32>
      %lt3A_2217 = arith.constant 5.000000e-01 : f32
      %lt3A_2218 = vector.broadcast %lt3A_2217 : f32 to vector<16xf32>
      %lt3A_2219 = arith.cmpf olt, %cumsum3A_2216, %lt3A_2218 : vector<16xf32>
      %all_reduce_population_count3A_2220 = tpu.all_reduce %lt3A_2219 {dim = 0 : i64, kind = #tpu.reduction_kind<sum>} : vector<16xi1> -> vector<16xi32>
      %eq3A_2221 = arith.constant 11 : i32
      %eq3A_2222 = vector.broadcast %eq3A_2221 : i32 to vector<16xi32>
      %eq3A_2223 = arith.cmpi eq, %iota3A, %eq3A_2222 : vector<16xi32>
      %select_n3A_2224 = arith.select %eq3A_2223, %all_reduce_population_count3A_2220, %select_n3A_2208 : vector<16xi1>, vector<16xi32>
      %get3A_2225 = arith.constant 124 : i32
      %get3A_2226 = arith.index_cast %select_n3A_97 : i32 to index
      %get3A_2227 = arith.index_cast %get3A_2225 : i32 to index
      %get3A_2228 = arith.constant 0 : index
      %get3A_2229 = tpu.vector_load %arg7[%get3A_2226, %get3A_2227, %get3A_2228] {strides = array<i32>} : memref<4x128x128xf32, #tpu.memory_space<vmem>>, vector<16xf32>,
      %cumsum3A_2230 = arith.constant true
      %cumsum3A_2231 = vector.broadcast %cumsum3A_2230 : i1 to vector<16xi1>
      %cumsum3A_2232 = tpu.scan <sum>, %get3A_2229 masked %cumsum3A_2231 : vector<16xf32>, vector<16xi1> -> vector<16xf32>
      %lt3A_2233 = arith.constant 5.000000e-01 : f32
      %lt3A_2234 = vector.broadcast %lt3A_2233 : f32 to vector<16xf32>
      %lt3A_2235 = arith.cmpf olt, %cumsum3A_2232, %lt3A_2234 : vector<16xf32>
      %all_reduce_population_count3A_2236 = tpu.all_reduce %lt3A_2235 {dim = 0 : i64, kind = #tpu.reduction_kind<sum>} : vector<16xi1> -> vector<16xi32>
      %eq3A_2237 = arith.constant 12 : i32
      %eq3A_2238 = vector.broadcast %eq3A_2237 : i32 to vector<16xi32>
      %eq3A_2239 = arith.cmpi eq, %iota3A, %eq3A_2238 : vector<16xi32>
      %select_n3A_2240 = arith.select %eq3A_2239, %all_reduce_population_count3A_2236, %select_n3A_2224 : vector<16xi1>, vector<16xi32>
      %get3A_2241 = arith.constant 125 : i32
      %get3A_2242 = arith.index_cast %select_n3A_97 : i32 to index
      %get3A_2243 = arith.index_cast %get3A_2241 : i32 to index
      %get3A_2244 = arith.constant 0 : index
      %get3A_2245 = tpu.vector_load %arg7[%get3A_2242, %get3A_2243, %get3A_2244] {strides = array<i32>} : memref<4x128x128xf32, #tpu.memory_space<vmem>>, vector<16xf32>,
      %cumsum3A_2246 = arith.constant true
      %cumsum3A_2247 = vector.broadcast %cumsum3A_2246 : i1 to vector<16xi1>
      %cumsum3A_2248 = tpu.scan <sum>, %get3A_2245 masked %cumsum3A_2247 : vector<16xf32>, vector<16xi1> -> vector<16xf32>
      %lt3A_2249 = arith.constant 5.000000e-01 : f32
      %lt3A_2250 = vector.broadcast %lt3A_2249 : f32 to vector<16xf32>
      %lt3A_2251 = arith.cmpf olt, %cumsum3A_2248, %lt3A_2250 : vector<16xf32>
      %all_reduce_population_count3A_2252 = tpu.all_reduce %lt3A_2251 {dim = 0 : i64, kind = #tpu.reduction_kind<sum>} : vector<16xi1> -> vector<16xi32>
      %eq3A_2253 = arith.constant 13 : i32
      %eq3A_2254 = vector.broadcast %eq3A_2253 : i32 to vector<16xi32>
      %eq3A_2255 = arith.cmpi eq, %iota3A, %eq3A_2254 : vector<16xi32>
      %select_n3A_2256 = arith.select %eq3A_2255, %all_reduce_population_count3A_2252, %select_n3A_2240 : vector<16xi1>, vector<16xi32>
      %get3A_2257 = arith.constant 126 : i32
      %get3A_2258 = arith.index_cast %select_n3A_97 : i32 to index
      %get3A_2259 = arith.index_cast %get3A_2257 : i32 to index
      %get3A_2260 = arith.constant 0 : index
      %get3A_2261 = tpu.vector_load %arg7[%get3A_2258, %get3A_2259, %get3A_2260] {strides = array<i32>} : memref<4x128x128xf32, #tpu.memory_space<vmem>>, vector<16xf32>,
      %cumsum3A_2262 = arith.constant true
      %cumsum3A_2263 = vector.broadcast %cumsum3A_2262 : i1 to vector<16xi1>
      %cumsum3A_2264 = tpu.scan <sum>, %get3A_2261 masked %cumsum3A_2263 : vector<16xf32>, vector<16xi1> -> vector<16xf32>
      %lt3A_2265 = arith.constant 5.000000e-01 : f32
      %lt3A_2266 = vector.broadcast %lt3A_2265 : f32 to vector<16xf32>
      %lt3A_2267 = arith.cmpf olt, %cumsum3A_2264, %lt3A_2266 : vector<16xf32>
      %all_reduce_population_count3A_2268 = tpu.all_reduce %lt3A_2267 {dim = 0 : i64, kind = #tpu.reduction_kind<sum>} : vector<16xi1> -> vector<16xi32>
      %eq3A_2269 = arith.constant 14 : i32
      %eq3A_2270 = vector.broadcast %eq3A_2269 : i32 to vector<16xi32>
      %eq3A_2271 = arith.cmpi eq, %iota3A, %eq3A_2270 : vector<16xi32>
      %select_n3A_2272 = arith.select %eq3A_2271, %all_reduce_population_count3A_2268, %select_n3A_2256 : vector<16xi1>, vector<16xi32>
      %get3A_2273 = arith.constant 127 : i32
      %get3A_2274 = arith.index_cast %select_n3A_97 : i32 to index
      %get3A_2275 = arith.index_cast %get3A_2273 : i32 to index
      %get3A_2276 = arith.constant 0 : index
      %get3A_2277 = tpu.vector_load %arg7[%get3A_2274, %get3A_2275, %get3A_2276] {strides = array<i32>} : memref<4x128x128xf32, #tpu.memory_space<vmem>>, vector<16xf32>,
      %cumsum3A_2278 = arith.constant true
      %cumsum3A_2279 = vector.broadcast %cumsum3A_2278 : i1 to vector<16xi1>
      %cumsum3A_2280 = tpu.scan <sum>, %get3A_2277 masked %cumsum3A_2279 : vector<16xf32>, vector<16xi1> -> vector<16xf32>
      %lt3A_2281 = arith.constant 5.000000e-01 : f32
      %lt3A_2282 = vector.broadcast %lt3A_2281 : f32 to vector<16xf32>
      %lt3A_2283 = arith.cmpf olt, %cumsum3A_2280, %lt3A_2282 : vector<16xf32>
      %all_reduce_population_count3A_2284 = tpu.all_reduce %lt3A_2283 {dim = 0 : i64, kind = #tpu.reduction_kind<sum>} : vector<16xi1> -> vector<16xi32>
      %eq3A_2285 = arith.constant 15 : i32
      %eq3A_2286 = vector.broadcast %eq3A_2285 : i32 to vector<16xi32>
      %eq3A_2287 = arith.cmpi eq, %iota3A, %eq3A_2286 : vector<16xi32>
      %select_n3A_2288 = arith.select %eq3A_2287, %all_reduce_population_count3A_2284, %select_n3A_2272 : vector<16xi1>, vector<16xi32>
      %max3A_2289 = arith.maxsi %max3A_2016, %select_n3A_2288 : vector<16xi32>
      %add3A_2290 = arith.addi %mul3A_2030, %select_n3A_2288 : vector<16xi32>
      %swap3A_2291 = arith.index_cast %scan3A_87 : i32 to index
      %swap3A_2292 = arith.constant 112 : index
      %swap3A_2293 = tpu.vector_load %arg8[%swap3A_2291, %swap3A_2292] {strides = array<i32>} : memref<64x128xi32, #tpu.memory_space<vmem>>, vector<16xi32>,
      tpu.vector_store %arg8[%swap3A_2291, %swap3A_2292], %add3A_2290 {strides = array<i32>} : memref<64x128xi32, #tpu.memory_space<vmem>>, vector<16xi32>,
      %ge3A = arith.constant 8 : i32
      %ge3A_2294 = arith.cmpi sge, %scan3A_87, %ge3A : i32
      %convert_element_type3A = arith.extui %ge3A_2294 : i1 to i32
      %cond3A = arith.constant 0 : i32
      %cond3A_2295 = arith.cmpi ne, %convert_element_type3A, %cond3A : i32
      scf.if %cond3A_2295 {
        %sub3A = arith.constant 8 : i32
        %sub3A_2339 = arith.subi %scan3A_87, %sub3A : i32
        %jit3A_2340 = arith.constant 8 : i32
        %eq3A_2341 = arith.constant 0 : i32
        %eq3A_2342 = arith.cmpi eq, %jit3A_2340, %eq3A_2341 : i32
        %jit3A_2343 = arith.constant 1 : i32
        %select_n3A_2344 = arith.select %eq3A_2342, %jit3A_2343, %jit3A_2340 : i32
        %rem3A_2345 = arith.remsi %sub3A_2339, %select_n3A_2344 : i32
        %ne3A_2346 = arith.constant 0 : i32
        %ne3A_2347 = arith.cmpi ne, %rem3A_2345, %ne3A_2346 : i32
        %lt3A_2348 = arith.constant 0 : i32
        %lt3A_2349 = arith.cmpi slt, %rem3A_2345, %lt3A_2348 : i32
        %lt3A_2350 = arith.constant 0 : i32
        %lt3A_2351 = arith.cmpi slt, %select_n3A_2344, %lt3A_2350 : i32
        %ne3A_2352 = arith.xori %lt3A_2349, %lt3A_2351 : i1
        %and3A_2353 = arith.andi %ne3A_2352, %ne3A_2347 : i1
        %add3A_2354 = arith.addi %rem3A_2345, %select_n3A_2344 : i32
        %select_n3A_2355 = arith.select %and3A_2353, %add3A_2354, %rem3A_2345 : i32
        %dma_wait3A_2356 = arith.constant 0 : i32
        %dma_wait3A_2357 = tpu.memref_slice %arg9[%sub3A_2339, %dma_wait3A_2356] : memref<64x128xf32, #tpu.memory_space<vmem>> -> memref<1x128xf32, #tpu.memory_space<vmem>>
        %dma_wait3A_2358 = tpu.memref_squeeze %dma_wait3A_2357 : memref<1x128xf32, #tpu.memory_space<vmem>> -> memref<128xf32, #tpu.memory_space<vmem>>
        %dma_wait3A_2359 = arith.constant 0 : i32
        %dma_wait3A_2360 = tpu.memref_slice %arg8[%sub3A_2339, %dma_wait3A_2359] : memref<64x128xi32, #tpu.memory_space<vmem>> -> memref<1x128xi32, #tpu.memory_space<vmem>>
        %dma_wait3A_2361 = tpu.memref_squeeze %dma_wait3A_2360 : memref<1x128xi32, #tpu.memory_space<vmem>> -> memref<128xi32, #tpu.memory_space<vmem>>
        %dma_wait3A_2362 = arith.constant 0 : i32
        %dma_wait3A_2363 = tpu.memref_slice %arg3[%dma_wait3A_2362] : memref<33554432xf32, #tpu.memory_space<hbm>> -> memref<33554432xf32, #tpu.memory_space<hbm>>
        %dma_wait3A_2364 = tpu.memref_slice %arg13[%select_n3A_2355] : memref<8x!tpu.dma_semaphore, #tpu.memory_space<semaphore_mem>> -> memref<1x!tpu.dma_semaphore, #tpu.memory_space<semaphore_mem>>
        %dma_wait3A_2365 = tpu.memref_squeeze %dma_wait3A_2364 : memref<1x!tpu.dma_semaphore, #tpu.memory_space<semaphore_mem>> -> memref<!tpu.dma_semaphore, #tpu.memory_space<semaphore_mem>>
        tpu.wait_indirect_dma semaphore(%dma_wait3A_2365 : memref<!tpu.dma_semaphore, #tpu.memory_space<semaphore_mem>>) src(%dma_wait3A_2363 : memref<33554432xf32, #tpu.memory_space<hbm>>) dst(%dma_wait3A_2358 : memref<128xf32, #tpu.memory_space<vmem>>)
        %dma_wait3A_2366 = arith.constant 0 : i32
        %dma_wait3A_2367 = tpu.memref_slice %arg10[%sub3A_2339, %dma_wait3A_2366] : memref<64x128xf32, #tpu.memory_space<vmem>> -> memref<1x128xf32, #tpu.memory_space<vmem>>
        %dma_wait3A_2368 = tpu.memref_squeeze %dma_wait3A_2367 : memref<1x128xf32, #tpu.memory_space<vmem>> -> memref<128xf32, #tpu.memory_space<vmem>>
        %dma_wait3A_2369 = arith.constant 0 : i32
        %dma_wait3A_2370 = tpu.memref_slice %arg8[%sub3A_2339, %dma_wait3A_2369] : memref<64x128xi32, #tpu.memory_space<vmem>> -> memref<1x128xi32, #tpu.memory_space<vmem>>
        %dma_wait3A_2371 = tpu.memref_squeeze %dma_wait3A_2370 : memref<1x128xi32, #tpu.memory_space<vmem>> -> memref<128xi32, #tpu.memory_space<vmem>>
        %dma_wait3A_2372 = arith.constant 0 : i32
        %dma_wait3A_2373 = tpu.memref_slice %arg4[%dma_wait3A_2372] : memref<33554432xf32, #tpu.memory_space<hbm>> -> memref<33554432xf32, #tpu.memory_space<hbm>>
        %dma_wait3A_2374 = tpu.memref_slice %arg14[%select_n3A_2355] : memref<8x!tpu.dma_semaphore, #tpu.memory_space<semaphore_mem>> -> memref<1x!tpu.dma_semaphore, #tpu.memory_space<semaphore_mem>>
        %dma_wait3A_2375 = tpu.memref_squeeze %dma_wait3A_2374 : memref<1x!tpu.dma_semaphore, #tpu.memory_space<semaphore_mem>> -> memref<!tpu.dma_semaphore, #tpu.memory_space<semaphore_mem>>
        tpu.wait_indirect_dma semaphore(%dma_wait3A_2375 : memref<!tpu.dma_semaphore, #tpu.memory_space<semaphore_mem>>) src(%dma_wait3A_2373 : memref<33554432xf32, #tpu.memory_space<hbm>>) dst(%dma_wait3A_2368 : memref<128xf32, #tpu.memory_space<vmem>>)
        %get3A_2376 = arith.index_cast %sub3A_2339 : i32 to index
        %get3A_2377 = arith.constant 0 : index
        %get3A_2378 = tpu.vector_load %arg9[%get3A_2376, %get3A_2377] {strides = array<i32>} : memref<64x128xf32, #tpu.memory_space<vmem>>, vector<16xf32>,
        %get3A_2379 = arith.index_cast %sub3A_2339 : i32 to index
        %get3A_2380 = arith.constant 0 : index
        %get3A_2381 = tpu.vector_load %arg10[%get3A_2379, %get3A_2380] {strides = array<i32>} : memref<64x128xf32, #tpu.memory_space<vmem>>, vector<16xf32>,
        %add3A_2382 = arith.addf %get3A_2378, %get3A_2381 : vector<16xf32>
        %mul3A_2383 = arith.constant 5.000000e-01 : f32
        %mul3A_2384 = vector.broadcast %mul3A_2383 : f32 to vector<16xf32>
        %mul3A_2385 = arith.mulf %add3A_2382, %mul3A_2384 : vector<16xf32>
        %swap3A_2386 = arith.index_cast %sub3A_2339 : i32 to index
        %swap3A_2387 = arith.constant 0 : index
        %swap3A_2388 = tpu.vector_load %arg9[%swap3A_2386, %swap3A_2387] {strides = array<i32>} : memref<64x128xf32, #tpu.memory_space<vmem>>, vector<16xf32>,
        tpu.vector_store %arg9[%swap3A_2386, %swap3A_2387], %mul3A_2385 {strides = array<i32>} : memref<64x128xf32, #tpu.memory_space<vmem>>, vector<16xf32>,
        %get3A_2389 = arith.index_cast %sub3A_2339 : i32 to index
        %get3A_2390 = arith.constant 16 : index
        %get3A_2391 = tpu.vector_load %arg9[%get3A_2389, %get3A_2390] {strides = array<i32>} : memref<64x128xf32, #tpu.memory_space<vmem>>, vector<16xf32>,
        %get3A_2392 = arith.index_cast %sub3A_2339 : i32 to index
        %get3A_2393 = arith.constant 16 : index
        %get3A_2394 = tpu.vector_load %arg10[%get3A_2392, %get3A_2393] {strides = array<i32>} : memref<64x128xf32, #tpu.memory_space<vmem>>, vector<16xf32>,
        %add3A_2395 = arith.addf %get3A_2391, %get3A_2394 : vector<16xf32>
        %mul3A_2396 = arith.constant 5.000000e-01 : f32
        %mul3A_2397 = vector.broadcast %mul3A_2396 : f32 to vector<16xf32>
        %mul3A_2398 = arith.mulf %add3A_2395, %mul3A_2397 : vector<16xf32>
        %swap3A_2399 = arith.index_cast %sub3A_2339 : i32 to index
        %swap3A_2400 = arith.constant 16 : index
        %swap3A_2401 = tpu.vector_load %arg9[%swap3A_2399, %swap3A_2400] {strides = array<i32>} : memref<64x128xf32, #tpu.memory_space<vmem>>, vector<16xf32>,
        tpu.vector_store %arg9[%swap3A_2399, %swap3A_2400], %mul3A_2398 {strides = array<i32>} : memref<64x128xf32, #tpu.memory_space<vmem>>, vector<16xf32>,
        %get3A_2402 = arith.index_cast %sub3A_2339 : i32 to index
        %get3A_2403 = arith.constant 32 : index
        %get3A_2404 = tpu.vector_load %arg9[%get3A_2402, %get3A_2403] {strides = array<i32>} : memref<64x128xf32, #tpu.memory_space<vmem>>, vector<16xf32>,
        %get3A_2405 = arith.index_cast %sub3A_2339 : i32 to index
        %get3A_2406 = arith.constant 32 : index
        %get3A_2407 = tpu.vector_load %arg10[%get3A_2405, %get3A_2406] {strides = array<i32>} : memref<64x128xf32, #tpu.memory_space<vmem>>, vector<16xf32>,
        %add3A_2408 = arith.addf %get3A_2404, %get3A_2407 : vector<16xf32>
        %mul3A_2409 = arith.constant 5.000000e-01 : f32
        %mul3A_2410 = vector.broadcast %mul3A_2409 : f32 to vector<16xf32>
        %mul3A_2411 = arith.mulf %add3A_2408, %mul3A_2410 : vector<16xf32>
        %swap3A_2412 = arith.index_cast %sub3A_2339 : i32 to index
        %swap3A_2413 = arith.constant 32 : index
        %swap3A_2414 = tpu.vector_load %arg9[%swap3A_2412, %swap3A_2413] {strides = array<i32>} : memref<64x128xf32, #tpu.memory_space<vmem>>, vector<16xf32>,
        tpu.vector_store %arg9[%swap3A_2412, %swap3A_2413], %mul3A_2411 {strides = array<i32>} : memref<64x128xf32, #tpu.memory_space<vmem>>, vector<16xf32>,
        %get3A_2415 = arith.index_cast %sub3A_2339 : i32 to index
        %get3A_2416 = arith.constant 48 : index
        %get3A_2417 = tpu.vector_load %arg9[%get3A_2415, %get3A_2416] {strides = array<i32>} : memref<64x128xf32, #tpu.memory_space<vmem>>, vector<16xf32>,
        %get3A_2418 = arith.index_cast %sub3A_2339 : i32 to index
        %get3A_2419 = arith.constant 48 : index
        %get3A_2420 = tpu.vector_load %arg10[%get3A_2418, %get3A_2419] {strides = array<i32>} : memref<64x128xf32, #tpu.memory_space<vmem>>, vector<16xf32>,
        %add3A_2421 = arith.addf %get3A_2417, %get3A_2420 : vector<16xf32>
        %mul3A_2422 = arith.constant 5.000000e-01 : f32
        %mul3A_2423 = vector.broadcast %mul3A_2422 : f32 to vector<16xf32>
        %mul3A_2424 = arith.mulf %add3A_2421, %mul3A_2423 : vector<16xf32>
        %swap3A_2425 = arith.index_cast %sub3A_2339 : i32 to index
        %swap3A_2426 = arith.constant 48 : index
        %swap3A_2427 = tpu.vector_load %arg9[%swap3A_2425, %swap3A_2426] {strides = array<i32>} : memref<64x128xf32, #tpu.memory_space<vmem>>, vector<16xf32>,
        tpu.vector_store %arg9[%swap3A_2425, %swap3A_2426], %mul3A_2424 {strides = array<i32>} : memref<64x128xf32, #tpu.memory_space<vmem>>, vector<16xf32>,
        %get3A_2428 = arith.index_cast %sub3A_2339 : i32 to index
        %get3A_2429 = arith.constant 64 : index
        %get3A_2430 = tpu.vector_load %arg9[%get3A_2428, %get3A_2429] {strides = array<i32>} : memref<64x128xf32, #tpu.memory_space<vmem>>, vector<16xf32>,
        %get3A_2431 = arith.index_cast %sub3A_2339 : i32 to index
        %get3A_2432 = arith.constant 64 : index
        %get3A_2433 = tpu.vector_load %arg10[%get3A_2431, %get3A_2432] {strides = array<i32>} : memref<64x128xf32, #tpu.memory_space<vmem>>, vector<16xf32>,
        %add3A_2434 = arith.addf %get3A_2430, %get3A_2433 : vector<16xf32>
        %mul3A_2435 = arith.constant 5.000000e-01 : f32
        %mul3A_2436 = vector.broadcast %mul3A_2435 : f32 to vector<16xf32>
        %mul3A_2437 = arith.mulf %add3A_2434, %mul3A_2436 : vector<16xf32>
        %swap3A_2438 = arith.index_cast %sub3A_2339 : i32 to index
        %swap3A_2439 = arith.constant 64 : index
        %swap3A_2440 = tpu.vector_load %arg9[%swap3A_2438, %swap3A_2439] {strides = array<i32>} : memref<64x128xf32, #tpu.memory_space<vmem>>, vector<16xf32>,
        tpu.vector_store %arg9[%swap3A_2438, %swap3A_2439], %mul3A_2437 {strides = array<i32>} : memref<64x128xf32, #tpu.memory_space<vmem>>, vector<16xf32>,
        %get3A_2441 = arith.index_cast %sub3A_2339 : i32 to index
        %get3A_2442 = arith.constant 80 : index
        %get3A_2443 = tpu.vector_load %arg9[%get3A_2441, %get3A_2442] {strides = array<i32>} : memref<64x128xf32, #tpu.memory_space<vmem>>, vector<16xf32>,
        %get3A_2444 = arith.index_cast %sub3A_2339 : i32 to index
        %get3A_2445 = arith.constant 80 : index
        %get3A_2446 = tpu.vector_load %arg10[%get3A_2444, %get3A_2445] {strides = array<i32>} : memref<64x128xf32, #tpu.memory_space<vmem>>, vector<16xf32>,
        %add3A_2447 = arith.addf %get3A_2443, %get3A_2446 : vector<16xf32>
        %mul3A_2448 = arith.constant 5.000000e-01 : f32
        %mul3A_2449 = vector.broadcast %mul3A_2448 : f32 to vector<16xf32>
        %mul3A_2450 = arith.mulf %add3A_2447, %mul3A_2449 : vector<16xf32>
        %swap3A_2451 = arith.index_cast %sub3A_2339 : i32 to index
        %swap3A_2452 = arith.constant 80 : index
        %swap3A_2453 = tpu.vector_load %arg9[%swap3A_2451, %swap3A_2452] {strides = array<i32>} : memref<64x128xf32, #tpu.memory_space<vmem>>, vector<16xf32>,
        tpu.vector_store %arg9[%swap3A_2451, %swap3A_2452], %mul3A_2450 {strides = array<i32>} : memref<64x128xf32, #tpu.memory_space<vmem>>, vector<16xf32>,
        %get3A_2454 = arith.index_cast %sub3A_2339 : i32 to index
        %get3A_2455 = arith.constant 96 : index
        %get3A_2456 = tpu.vector_load %arg9[%get3A_2454, %get3A_2455] {strides = array<i32>} : memref<64x128xf32, #tpu.memory_space<vmem>>, vector<16xf32>,
        %get3A_2457 = arith.index_cast %sub3A_2339 : i32 to index
        %get3A_2458 = arith.constant 96 : index
        %get3A_2459 = tpu.vector_load %arg10[%get3A_2457, %get3A_2458] {strides = array<i32>} : memref<64x128xf32, #tpu.memory_space<vmem>>, vector<16xf32>,
        %add3A_2460 = arith.addf %get3A_2456, %get3A_2459 : vector<16xf32>
        %mul3A_2461 = arith.constant 5.000000e-01 : f32
        %mul3A_2462 = vector.broadcast %mul3A_2461 : f32 to vector<16xf32>
        %mul3A_2463 = arith.mulf %add3A_2460, %mul3A_2462 : vector<16xf32>
        %swap3A_2464 = arith.index_cast %sub3A_2339 : i32 to index
        %swap3A_2465 = arith.constant 96 : index
        %swap3A_2466 = tpu.vector_load %arg9[%swap3A_2464, %swap3A_2465] {strides = array<i32>} : memref<64x128xf32, #tpu.memory_space<vmem>>, vector<16xf32>,
        tpu.vector_store %arg9[%swap3A_2464, %swap3A_2465], %mul3A_2463 {strides = array<i32>} : memref<64x128xf32, #tpu.memory_space<vmem>>, vector<16xf32>,
        %get3A_2467 = arith.index_cast %sub3A_2339 : i32 to index
        %get3A_2468 = arith.constant 112 : index
        %get3A_2469 = tpu.vector_load %arg9[%get3A_2467, %get3A_2468] {strides = array<i32>} : memref<64x128xf32, #tpu.memory_space<vmem>>, vector<16xf32>,
        %get3A_2470 = arith.index_cast %sub3A_2339 : i32 to index
        %get3A_2471 = arith.constant 112 : index
        %get3A_2472 = tpu.vector_load %arg10[%get3A_2470, %get3A_2471] {strides = array<i32>} : memref<64x128xf32, #tpu.memory_space<vmem>>, vector<16xf32>,
        %add3A_2473 = arith.addf %get3A_2469, %get3A_2472 : vector<16xf32>
        %mul3A_2474 = arith.constant 5.000000e-01 : f32
        %mul3A_2475 = vector.broadcast %mul3A_2474 : f32 to vector<16xf32>
        %mul3A_2476 = arith.mulf %add3A_2473, %mul3A_2475 : vector<16xf32>
        %swap3A_2477 = arith.index_cast %sub3A_2339 : i32 to index
        %swap3A_2478 = arith.constant 112 : index
        %swap3A_2479 = tpu.vector_load %arg9[%swap3A_2477, %swap3A_2478] {strides = array<i32>} : memref<64x128xf32, #tpu.memory_space<vmem>>, vector<16xf32>,
        tpu.vector_store %arg9[%swap3A_2477, %swap3A_2478], %mul3A_2476 {strides = array<i32>} : memref<64x128xf32, #tpu.memory_space<vmem>>, vector<16xf32>,
      } else {
      }
      %jit3A_2296 = arith.constant 8 : i32
      %eq3A_2297 = arith.constant 0 : i32
      %eq3A_2298 = arith.cmpi eq, %jit3A_2296, %eq3A_2297 : i32
      %jit3A_2299 = arith.constant 1 : i32
      %select_n3A_2300 = arith.select %eq3A_2298, %jit3A_2299, %jit3A_2296 : i32
      %rem3A_2301 = arith.remsi %scan3A_87, %select_n3A_2300 : i32
      %ne3A_2302 = arith.constant 0 : i32
      %ne3A_2303 = arith.cmpi ne, %rem3A_2301, %ne3A_2302 : i32
      %lt3A_2304 = arith.constant 0 : i32
      %lt3A_2305 = arith.cmpi slt, %rem3A_2301, %lt3A_2304 : i32
      %lt3A_2306 = arith.constant 0 : i32
      %lt3A_2307 = arith.cmpi slt, %select_n3A_2300, %lt3A_2306 : i32
      %ne3A_2308 = arith.xori %lt3A_2305, %lt3A_2307 : i1
      %and3A_2309 = arith.andi %ne3A_2308, %ne3A_2303 : i1
      %add3A_2310 = arith.addi %rem3A_2301, %select_n3A_2300 : i32
      %select_n3A_2311 = arith.select %and3A_2309, %add3A_2310, %rem3A_2301 : i32
      %dma_start3A_2312 = arith.constant 0 : i32
      %dma_start3A_2313 = tpu.memref_slice %arg9[%scan3A_87, %dma_start3A_2312] : memref<64x128xf32, #tpu.memory_space<vmem>> -> memref<1x128xf32, #tpu.memory_space<vmem>>
      %dma_start3A_2314 = tpu.memref_squeeze %dma_start3A_2313 : memref<1x128xf32, #tpu.memory_space<vmem>> -> memref<128xf32, #tpu.memory_space<vmem>>
      %dma_start3A_2315 = arith.constant 0 : i32
      %dma_start3A_2316 = tpu.memref_slice %arg8[%scan3A_87, %dma_start3A_2315] : memref<64x128xi32, #tpu.memory_space<vmem>> -> memref<1x128xi32, #tpu.memory_space<vmem>>
      %dma_start3A_2317 = tpu.memref_squeeze %dma_start3A_2316 : memref<1x128xi32, #tpu.memory_space<vmem>> -> memref<128xi32, #tpu.memory_space<vmem>>
      %dma_start3A_2318 = arith.constant 0 : i32
      %dma_start3A_2319 = tpu.memref_slice %arg3[%dma_start3A_2318] : memref<33554432xf32, #tpu.memory_space<hbm>> -> memref<33554432xf32, #tpu.memory_space<hbm>>
      %dma_start3A_2320 = tpu.memref_slice %arg13[%select_n3A_2311] : memref<8x!tpu.dma_semaphore, #tpu.memory_space<semaphore_mem>> -> memref<1x!tpu.dma_semaphore, #tpu.memory_space<semaphore_mem>>
      %dma_start3A_2321 = tpu.memref_squeeze %dma_start3A_2320 : memref<1x!tpu.dma_semaphore, #tpu.memory_space<semaphore_mem>> -> memref<!tpu.dma_semaphore, #tpu.memory_space<semaphore_mem>>
      tpu.enqueue_indirect_dma source(%dma_start3A_2319 : memref<33554432xf32, #tpu.memory_space<hbm>>) target(%dma_start3A_2314 : memref<128xf32, #tpu.memory_space<vmem>>) offsets(%dma_start3A_2317 : memref<128xi32, #tpu.memory_space<vmem>>) semaphore(%dma_start3A_2321 : memref<!tpu.dma_semaphore, #tpu.memory_space<semaphore_mem>>)
      %dma_start3A_2322 = arith.constant 0 : i32
      %dma_start3A_2323 = tpu.memref_slice %arg10[%scan3A_87, %dma_start3A_2322] : memref<64x128xf32, #tpu.memory_space<vmem>> -> memref<1x128xf32, #tpu.memory_space<vmem>>
      %dma_start3A_2324 = tpu.memref_squeeze %dma_start3A_2323 : memref<1x128xf32, #tpu.memory_space<vmem>> -> memref<128xf32, #tpu.memory_space<vmem>>
      %dma_start3A_2325 = arith.constant 0 : i32
      %dma_start3A_2326 = tpu.memref_slice %arg8[%scan3A_87, %dma_start3A_2325] : memref<64x128xi32, #tpu.memory_space<vmem>> -> memref<1x128xi32, #tpu.memory_space<vmem>>
      %dma_start3A_2327 = tpu.memref_squeeze %dma_start3A_2326 : memref<1x128xi32, #tpu.memory_space<vmem>> -> memref<128xi32, #tpu.memory_space<vmem>>
      %dma_start3A_2328 = arith.constant 0 : i32
      %dma_start3A_2329 = tpu.memref_slice %arg4[%dma_start3A_2328] : memref<33554432xf32, #tpu.memory_space<hbm>> -> memref<33554432xf32, #tpu.memory_space<hbm>>
      %dma_start3A_2330 = tpu.memref_slice %arg14[%select_n3A_2311] : memref<8x!tpu.dma_semaphore, #tpu.memory_space<semaphore_mem>> -> memref<1x!tpu.dma_semaphore, #tpu.memory_space<semaphore_mem>>
      %dma_start3A_2331 = tpu.memref_squeeze %dma_start3A_2330 : memref<1x!tpu.dma_semaphore, #tpu.memory_space<semaphore_mem>> -> memref<!tpu.dma_semaphore, #tpu.memory_space<semaphore_mem>>
      tpu.enqueue_indirect_dma source(%dma_start3A_2329 : memref<33554432xf32, #tpu.memory_space<hbm>>) target(%dma_start3A_2324 : memref<128xf32, #tpu.memory_space<vmem>>) offsets(%dma_start3A_2327 : memref<128xi32, #tpu.memory_space<vmem>>) semaphore(%dma_start3A_2331 : memref<!tpu.dma_semaphore, #tpu.memory_space<semaphore_mem>>)
      %add3A_2332 = arith.constant 4 : i32
      %add3A_2333 = arith.addi %scan3A_87, %add3A_2332 : i32
      %lt3A_2334 = arith.constant 64 : i32
      %lt3A_2335 = arith.cmpi slt, %add3A_2333, %lt3A_2334 : i32
      %convert_element_type3A_2336 = arith.extui %lt3A_2335 : i1 to i32
      %cond3A_2337 = arith.constant 0 : i32
      %cond3A_2338 = arith.cmpi ne, %convert_element_type3A_2336, %cond3A_2337 : i32
      scf.if %cond3A_2338 {
        %add3A_2339 = arith.constant 4 : i32
        %add3A_2340 = arith.addi %scan3A_87, %add3A_2339 : i32
        %mul3A_2341 = arith.constant 128 : i32
        %mul3A_2342 = arith.muli %add3A_2340, %mul3A_2341 : i32
        %add3A_2343 = arith.addi %mul3A_2, %mul3A_2342 : i32
        %dma_start3A_2344 = arith.constant 0 : i32
        %dma_start3A_2345 = arith.constant 0 : i32
        %dma_start3A_2346 = tpu.memref_slice %arg7[%select_n3A_97, %dma_start3A_2344, %dma_start3A_2345] : memref<4x128x128xf32, #tpu.memory_space<vmem>> -> memref<1x128x128xf32, #tpu.memory_space<vmem>>
        %dma_start3A_2347 = tpu.memref_squeeze %dma_start3A_2346 : memref<1x128x128xf32, #tpu.memory_space<vmem>> -> memref<128x128xf32, #tpu.memory_space<vmem>>
        %dma_start3A_2348 = arith.constant 0 : i32
        %dma_start3A_2349 = tpu.memref_slice %arg2[%add3A_2343, %dma_start3A_2348] : memref<262144x128xf32, #tpu.memory_space<hbm>> -> memref<128x128xf32, #tpu.memory_space<hbm>>
        %dma_start3A_2350 = tpu.memref_slice %arg12[%select_n3A_97] : memref<4x!tpu.dma_semaphore, #tpu.memory_space<semaphore_mem>> -> memref<1x!tpu.dma_semaphore, #tpu.memory_space<semaphore_mem>>
        %dma_start3A_2351 = tpu.memref_squeeze %dma_start3A_2350 : memref<1x!tpu.dma_semaphore, #tpu.memory_space<semaphore_mem>> -> memref<!tpu.dma_semaphore, #tpu.memory_space<semaphore_mem>>
        %dma_start3A_2352 = arith.constant 0 : i32
        %dma_start3A_2353 = arith.constant 0 : i32
        %dma_start3A_2354 = tpu.memref_slice %arg7[%select_n3A_97, %dma_start3A_2352, %dma_start3A_2353] : memref<4x128x128xf32, #tpu.memory_space<vmem>> -> memref<1x128x128xf32, #tpu.memory_space<vmem>>
        %dma_start3A_2355 = tpu.memref_squeeze %dma_start3A_2354 : memref<1x128x128xf32, #tpu.memory_space<vmem>> -> memref<128x128xf32, #tpu.memory_space<vmem>>
        %dma_start3A_2356 = arith.constant 0 : i32
        %dma_start3A_2357 = tpu.memref_slice %arg2[%add3A_2343, %dma_start3A_2356] : memref<262144x128xf32, #tpu.memory_space<hbm>> -> memref<128x128xf32, #tpu.memory_space<hbm>>
        tpu.enqueue_dma source(%dma_start3A_2357 : memref<128x128xf32, #tpu.memory_space<hbm>>) target(%dma_start3A_2355 : memref<128x128xf32, #tpu.memory_space<vmem>>) target_semaphore(%dma_start3A_2351 : memref<!tpu.dma_semaphore, #tpu.memory_space<semaphore_mem>>)
      } else {
      }
      scf.yield %max3A_2289 : vector<16xi32>
    }
    %scan3A_79 = arith.constant 64 : i32
    %scan3A_80 = arith.constant 0 : i32
    %scan3A_81 = arith.constant 56 : i32
    %scan3A_82 = arith.constant 8 : i32
    %scan3A_83 = arith.addi %scan3A_81, %scan3A_82 : i32
    %scan3A_84 = arith.constant 1 : i32
    scf.for %scan3A_87 = %scan3A_81 to %scan3A_83 step %scan3A_84  : i32 {
      %jit3A = arith.constant 8 : i32
      %eq3A = arith.constant 0 : i32
      %eq3A_88 = arith.cmpi eq, %jit3A, %eq3A : i32
      %jit3A_89 = arith.constant 1 : i32
      %select_n3A = arith.select %eq3A_88, %jit3A_89, %jit3A : i32
      %rem3A = arith.remsi %scan3A_87, %select_n3A : i32
      %ne3A = arith.constant 0 : i32
      %ne3A_90 = arith.cmpi ne, %rem3A, %ne3A : i32
      %lt3A = arith.constant 0 : i32
      %lt3A_91 = arith.cmpi slt, %rem3A, %lt3A : i32
      %lt3A_92 = arith.constant 0 : i32
      %lt3A_93 = arith.cmpi slt, %select_n3A, %lt3A_92 : i32
      %ne3A_94 = arith.xori %lt3A_91, %lt3A_93 : i1
      %and3A = arith.andi %ne3A_94, %ne3A_90 : i1
      %add3A_95 = arith.addi %rem3A, %select_n3A : i32
      %select_n3A_96 = arith.select %and3A, %add3A_95, %rem3A : i32
      %dma_wait3A = arith.constant 0 : i32
      %dma_wait3A_97 = tpu.memref_slice %arg9[%scan3A_87, %dma_wait3A] : memref<64x128xf32, #tpu.memory_space<vmem>> -> memref<1x128xf32, #tpu.memory_space<vmem>>
      %dma_wait3A_98 = tpu.memref_squeeze %dma_wait3A_97 : memref<1x128xf32, #tpu.memory_space<vmem>> -> memref<128xf32, #tpu.memory_space<vmem>>
      %dma_wait3A_99 = arith.constant 0 : i32
      %dma_wait3A_100 = tpu.memref_slice %arg8[%scan3A_87, %dma_wait3A_99] : memref<64x128xi32, #tpu.memory_space<vmem>> -> memref<1x128xi32, #tpu.memory_space<vmem>>
      %dma_wait3A_101 = tpu.memref_squeeze %dma_wait3A_100 : memref<1x128xi32, #tpu.memory_space<vmem>> -> memref<128xi32, #tpu.memory_space<vmem>>
      %dma_wait3A_102 = arith.constant 0 : i32
      %dma_wait3A_103 = tpu.memref_slice %arg3[%dma_wait3A_102] : memref<33554432xf32, #tpu.memory_space<hbm>> -> memref<33554432xf32, #tpu.memory_space<hbm>>
      %dma_wait3A_104 = tpu.memref_slice %arg13[%select_n3A_96] : memref<8x!tpu.dma_semaphore, #tpu.memory_space<semaphore_mem>> -> memref<1x!tpu.dma_semaphore, #tpu.memory_space<semaphore_mem>>
      %dma_wait3A_105 = tpu.memref_squeeze %dma_wait3A_104 : memref<1x!tpu.dma_semaphore, #tpu.memory_space<semaphore_mem>> -> memref<!tpu.dma_semaphore, #tpu.memory_space<semaphore_mem>>
      tpu.wait_indirect_dma semaphore(%dma_wait3A_105 : memref<!tpu.dma_semaphore, #tpu.memory_space<semaphore_mem>>) src(%dma_wait3A_103 : memref<33554432xf32, #tpu.memory_space<hbm>>) dst(%dma_wait3A_98 : memref<128xf32, #tpu.memory_space<vmem>>)
      %dma_wait3A_106 = arith.constant 0 : i32
      %dma_wait3A_107 = tpu.memref_slice %arg10[%scan3A_87, %dma_wait3A_106] : memref<64x128xf32, #tpu.memory_space<vmem>> -> memref<1x128xf32, #tpu.memory_space<vmem>>
      %dma_wait3A_108 = tpu.memref_squeeze %dma_wait3A_107 : memref<1x128xf32, #tpu.memory_space<vmem>> -> memref<128xf32, #tpu.memory_space<vmem>>
      %dma_wait3A_109 = arith.constant 0 : i32
      %dma_wait3A_110 = tpu.memref_slice %arg8[%scan3A_87, %dma_wait3A_109] : memref<64x128xi32, #tpu.memory_space<vmem>> -> memref<1x128xi32, #tpu.memory_space<vmem>>
      %dma_wait3A_111 = tpu.memref_squeeze %dma_wait3A_110 : memref<1x128xi32, #tpu.memory_space<vmem>> -> memref<128xi32, #tpu.memory_space<vmem>>
      %dma_wait3A_112 = arith.constant 0 : i32
      %dma_wait3A_113 = tpu.memref_slice %arg4[%dma_wait3A_112] : memref<33554432xf32, #tpu.memory_space<hbm>> -> memref<33554432xf32, #tpu.memory_space<hbm>>
      %dma_wait3A_114 = tpu.memref_slice %arg14[%select_n3A_96] : memref<8x!tpu.dma_semaphore, #tpu.memory_space<semaphore_mem>> -> memref<1x!tpu.dma_semaphore, #tpu.memory_space<semaphore_mem>>
      %dma_wait3A_115 = tpu.memref_squeeze %dma_wait3A_114 : memref<1x!tpu.dma_semaphore, #tpu.memory_space<semaphore_mem>> -> memref<!tpu.dma_semaphore, #tpu.memory_space<semaphore_mem>>
      tpu.wait_indirect_dma semaphore(%dma_wait3A_115 : memref<!tpu.dma_semaphore, #tpu.memory_space<semaphore_mem>>) src(%dma_wait3A_113 : memref<33554432xf32, #tpu.memory_space<hbm>>) dst(%dma_wait3A_108 : memref<128xf32, #tpu.memory_space<vmem>>)
      %get3A = arith.index_cast %scan3A_87 : i32 to index
      %get3A_116 = arith.constant 0 : index
      %get3A_117 = tpu.vector_load %arg9[%get3A, %get3A_116] {strides = array<i32>} : memref<64x128xf32, #tpu.memory_space<vmem>>, vector<16xf32>,
      %get3A_118 = arith.index_cast %scan3A_87 : i32 to index
      %get3A_119 = arith.constant 0 : index
      %get3A_120 = tpu.vector_load %arg10[%get3A_118, %get3A_119] {strides = array<i32>} : memref<64x128xf32, #tpu.memory_space<vmem>>, vector<16xf32>,
      %add3A_121 = arith.addf %get3A_117, %get3A_120 : vector<16xf32>
      %mul3A_122 = arith.constant 5.000000e-01 : f32
      %mul3A_123 = vector.broadcast %mul3A_122 : f32 to vector<16xf32>
      %mul3A_124 = arith.mulf %add3A_121, %mul3A_123 : vector<16xf32>
      %swap3A_125 = arith.index_cast %scan3A_87 : i32 to index
      %swap3A_126 = arith.constant 0 : index
      %swap3A_127 = tpu.vector_load %arg9[%swap3A_125, %swap3A_126] {strides = array<i32>} : memref<64x128xf32, #tpu.memory_space<vmem>>, vector<16xf32>,
      tpu.vector_store %arg9[%swap3A_125, %swap3A_126], %mul3A_124 {strides = array<i32>} : memref<64x128xf32, #tpu.memory_space<vmem>>, vector<16xf32>,
      %get3A_128 = arith.index_cast %scan3A_87 : i32 to index
      %get3A_129 = arith.constant 16 : index
      %get3A_130 = tpu.vector_load %arg9[%get3A_128, %get3A_129] {strides = array<i32>} : memref<64x128xf32, #tpu.memory_space<vmem>>, vector<16xf32>,
      %get3A_131 = arith.index_cast %scan3A_87 : i32 to index
      %get3A_132 = arith.constant 16 : index
      %get3A_133 = tpu.vector_load %arg10[%get3A_131, %get3A_132] {strides = array<i32>} : memref<64x128xf32, #tpu.memory_space<vmem>>, vector<16xf32>,
      %add3A_134 = arith.addf %get3A_130, %get3A_133 : vector<16xf32>
      %mul3A_135 = arith.constant 5.000000e-01 : f32
      %mul3A_136 = vector.broadcast %mul3A_135 : f32 to vector<16xf32>
      %mul3A_137 = arith.mulf %add3A_134, %mul3A_136 : vector<16xf32>
      %swap3A_138 = arith.index_cast %scan3A_87 : i32 to index
      %swap3A_139 = arith.constant 16 : index
      %swap3A_140 = tpu.vector_load %arg9[%swap3A_138, %swap3A_139] {strides = array<i32>} : memref<64x128xf32, #tpu.memory_space<vmem>>, vector<16xf32>,
      tpu.vector_store %arg9[%swap3A_138, %swap3A_139], %mul3A_137 {strides = array<i32>} : memref<64x128xf32, #tpu.memory_space<vmem>>, vector<16xf32>,
      %get3A_141 = arith.index_cast %scan3A_87 : i32 to index
      %get3A_142 = arith.constant 32 : index
      %get3A_143 = tpu.vector_load %arg9[%get3A_141, %get3A_142] {strides = array<i32>} : memref<64x128xf32, #tpu.memory_space<vmem>>, vector<16xf32>,
      %get3A_144 = arith.index_cast %scan3A_87 : i32 to index
      %get3A_145 = arith.constant 32 : index
      %get3A_146 = tpu.vector_load %arg10[%get3A_144, %get3A_145] {strides = array<i32>} : memref<64x128xf32, #tpu.memory_space<vmem>>, vector<16xf32>,
      %add3A_147 = arith.addf %get3A_143, %get3A_146 : vector<16xf32>
      %mul3A_148 = arith.constant 5.000000e-01 : f32
      %mul3A_149 = vector.broadcast %mul3A_148 : f32 to vector<16xf32>
      %mul3A_150 = arith.mulf %add3A_147, %mul3A_149 : vector<16xf32>
      %swap3A_151 = arith.index_cast %scan3A_87 : i32 to index
      %swap3A_152 = arith.constant 32 : index
      %swap3A_153 = tpu.vector_load %arg9[%swap3A_151, %swap3A_152] {strides = array<i32>} : memref<64x128xf32, #tpu.memory_space<vmem>>, vector<16xf32>,
      tpu.vector_store %arg9[%swap3A_151, %swap3A_152], %mul3A_150 {strides = array<i32>} : memref<64x128xf32, #tpu.memory_space<vmem>>, vector<16xf32>,
      %get3A_154 = arith.index_cast %scan3A_87 : i32 to index
      %get3A_155 = arith.constant 48 : index
      %get3A_156 = tpu.vector_load %arg9[%get3A_154, %get3A_155] {strides = array<i32>} : memref<64x128xf32, #tpu.memory_space<vmem>>, vector<16xf32>,
      %get3A_157 = arith.index_cast %scan3A_87 : i32 to index
      %get3A_158 = arith.constant 48 : index
      %get3A_159 = tpu.vector_load %arg10[%get3A_157, %get3A_158] {strides = array<i32>} : memref<64x128xf32, #tpu.memory_space<vmem>>, vector<16xf32>,
      %add3A_160 = arith.addf %get3A_156, %get3A_159 : vector<16xf32>
      %mul3A_161 = arith.constant 5.000000e-01 : f32
      %mul3A_162 = vector.broadcast %mul3A_161 : f32 to vector<16xf32>
      %mul3A_163 = arith.mulf %add3A_160, %mul3A_162 : vector<16xf32>
      %swap3A_164 = arith.index_cast %scan3A_87 : i32 to index
      %swap3A_165 = arith.constant 48 : index
      %swap3A_166 = tpu.vector_load %arg9[%swap3A_164, %swap3A_165] {strides = array<i32>} : memref<64x128xf32, #tpu.memory_space<vmem>>, vector<16xf32>,
      tpu.vector_store %arg9[%swap3A_164, %swap3A_165], %mul3A_163 {strides = array<i32>} : memref<64x128xf32, #tpu.memory_space<vmem>>, vector<16xf32>,
      %get3A_167 = arith.index_cast %scan3A_87 : i32 to index
      %get3A_168 = arith.constant 64 : index
      %get3A_169 = tpu.vector_load %arg9[%get3A_167, %get3A_168] {strides = array<i32>} : memref<64x128xf32, #tpu.memory_space<vmem>>, vector<16xf32>,
      %get3A_170 = arith.index_cast %scan3A_87 : i32 to index
      %get3A_171 = arith.constant 64 : index
      %get3A_172 = tpu.vector_load %arg10[%get3A_170, %get3A_171] {strides = array<i32>} : memref<64x128xf32, #tpu.memory_space<vmem>>, vector<16xf32>,
      %add3A_173 = arith.addf %get3A_169, %get3A_172 : vector<16xf32>
      %mul3A_174 = arith.constant 5.000000e-01 : f32
      %mul3A_175 = vector.broadcast %mul3A_174 : f32 to vector<16xf32>
      %mul3A_176 = arith.mulf %add3A_173, %mul3A_175 : vector<16xf32>
      %swap3A_177 = arith.index_cast %scan3A_87 : i32 to index
      %swap3A_178 = arith.constant 64 : index
      %swap3A_179 = tpu.vector_load %arg9[%swap3A_177, %swap3A_178] {strides = array<i32>} : memref<64x128xf32, #tpu.memory_space<vmem>>, vector<16xf32>,
      tpu.vector_store %arg9[%swap3A_177, %swap3A_178], %mul3A_176 {strides = array<i32>} : memref<64x128xf32, #tpu.memory_space<vmem>>, vector<16xf32>,
      %get3A_180 = arith.index_cast %scan3A_87 : i32 to index
      %get3A_181 = arith.constant 80 : index
      %get3A_182 = tpu.vector_load %arg9[%get3A_180, %get3A_181] {strides = array<i32>} : memref<64x128xf32, #tpu.memory_space<vmem>>, vector<16xf32>,
      %get3A_183 = arith.index_cast %scan3A_87 : i32 to index
      %get3A_184 = arith.constant 80 : index
      %get3A_185 = tpu.vector_load %arg10[%get3A_183, %get3A_184] {strides = array<i32>} : memref<64x128xf32, #tpu.memory_space<vmem>>, vector<16xf32>,
      %add3A_186 = arith.addf %get3A_182, %get3A_185 : vector<16xf32>
      %mul3A_187 = arith.constant 5.000000e-01 : f32
      %mul3A_188 = vector.broadcast %mul3A_187 : f32 to vector<16xf32>
      %mul3A_189 = arith.mulf %add3A_186, %mul3A_188 : vector<16xf32>
      %swap3A_190 = arith.index_cast %scan3A_87 : i32 to index
      %swap3A_191 = arith.constant 80 : index
      %swap3A_192 = tpu.vector_load %arg9[%swap3A_190, %swap3A_191] {strides = array<i32>} : memref<64x128xf32, #tpu.memory_space<vmem>>, vector<16xf32>,
      tpu.vector_store %arg9[%swap3A_190, %swap3A_191], %mul3A_189 {strides = array<i32>} : memref<64x128xf32, #tpu.memory_space<vmem>>, vector<16xf32>,
      %get3A_193 = arith.index_cast %scan3A_87 : i32 to index
      %get3A_194 = arith.constant 96 : index
      %get3A_195 = tpu.vector_load %arg9[%get3A_193, %get3A_194] {strides = array<i32>} : memref<64x128xf32, #tpu.memory_space<vmem>>, vector<16xf32>,
      %get3A_196 = arith.index_cast %scan3A_87 : i32 to index
      %get3A_197 = arith.constant 96 : index
      %get3A_198 = tpu.vector_load %arg10[%get3A_196, %get3A_197] {strides = array<i32>} : memref<64x128xf32, #tpu.memory_space<vmem>>, vector<16xf32>,
      %add3A_199 = arith.addf %get3A_195, %get3A_198 : vector<16xf32>
      %mul3A_200 = arith.constant 5.000000e-01 : f32
      %mul3A_201 = vector.broadcast %mul3A_200 : f32 to vector<16xf32>
      %mul3A_202 = arith.mulf %add3A_199, %mul3A_201 : vector<16xf32>
      %swap3A_203 = arith.index_cast %scan3A_87 : i32 to index
      %swap3A_204 = arith.constant 96 : index
      %swap3A_205 = tpu.vector_load %arg9[%swap3A_203, %swap3A_204] {strides = array<i32>} : memref<64x128xf32, #tpu.memory_space<vmem>>, vector<16xf32>,
      tpu.vector_store %arg9[%swap3A_203, %swap3A_204], %mul3A_202 {strides = array<i32>} : memref<64x128xf32, #tpu.memory_space<vmem>>, vector<16xf32>,
      %get3A_206 = arith.index_cast %scan3A_87 : i32 to index
      %get3A_207 = arith.constant 112 : index
      %get3A_208 = tpu.vector_load %arg9[%get3A_206, %get3A_207] {strides = array<i32>} : memref<64x128xf32, #tpu.memory_space<vmem>>, vector<16xf32>,
      %get3A_209 = arith.index_cast %scan3A_87 : i32 to index
      %get3A_210 = arith.constant 112 : index
      %get3A_211 = tpu.vector_load %arg10[%get3A_209, %get3A_210] {strides = array<i32>} : memref<64x128xf32, #tpu.memory_space<vmem>>, vector<16xf32>,
      %add3A_212 = arith.addf %get3A_208, %get3A_211 : vector<16xf32>
      %mul3A_213 = arith.constant 5.000000e-01 : f32
      %mul3A_214 = vector.broadcast %mul3A_213 : f32 to vector<16xf32>
      %mul3A_215 = arith.mulf %add3A_212, %mul3A_214 : vector<16xf32>
      %swap3A_216 = arith.index_cast %scan3A_87 : i32 to index
      %swap3A_217 = arith.constant 112 : index
      %swap3A_218 = tpu.vector_load %arg9[%swap3A_216, %swap3A_217] {strides = array<i32>} : memref<64x128xf32, #tpu.memory_space<vmem>>, vector<16xf32>,
      tpu.vector_store %arg9[%swap3A_216, %swap3A_217], %mul3A_215 {strides = array<i32>} : memref<64x128xf32, #tpu.memory_space<vmem>>, vector<16xf32>,
    }
    %scan3A_85 = arith.constant 8 : i32
    %swap3A = arith.constant 0 : index
    %swap3A_86 = tpu.vector_load %arg11[%swap3A] {strides = array<i32>} : memref<16xi32, #tpu.memory_space<vmem>>, vector<16xi32>,
    tpu.vector_store %arg11[%swap3A], %scan3A_78 {strides = array<i32>} : memref<16xi32, #tpu.memory_space<vmem>>, vector<16xi32>,
    "tpu.region"() ({
      %run_scoped3A = tpu.sem_alloc : memref<!tpu.dma_semaphore, #tpu.memory_space<semaphore_mem>>
      %dma_start3A_87 = arith.constant 0 : i32
      %dma_start3A_88 = arith.constant 0 : i32
      %dma_start3A_89 = tpu.memref_slice %arg5[%add3A, %dma_start3A_87, %dma_start3A_88] : memref<32x64x128xf32, #tpu.memory_space<hbm>> -> memref<1x64x128xf32, #tpu.memory_space<hbm>>
      %dma_start3A_90 = tpu.memref_squeeze %dma_start3A_89 : memref<1x64x128xf32, #tpu.memory_space<hbm>> -> memref<64x128xf32, #tpu.memory_space<hbm>>
      %dma_start3A_91 = arith.constant 0 : i32
      %dma_start3A_92 = arith.constant 0 : i32
      %dma_start3A_93 = tpu.memref_slice %arg5[%add3A, %dma_start3A_91, %dma_start3A_92] : memref<32x64x128xf32, #tpu.memory_space<hbm>> -> memref<1x64x128xf32, #tpu.memory_space<hbm>>
      %dma_start3A_94 = tpu.memref_squeeze %dma_start3A_93 : memref<1x64x128xf32, #tpu.memory_space<hbm>> -> memref<64x128xf32, #tpu.memory_space<hbm>>
      tpu.enqueue_dma source(%arg9 : memref<64x128xf32, #tpu.memory_space<vmem>>) target(%dma_start3A_94 : memref<64x128xf32, #tpu.memory_space<hbm>>) target_semaphore(%run_scoped3A : memref<!tpu.dma_semaphore, #tpu.memory_space<semaphore_mem>>)
      %dma_wait3A = arith.constant 0 : i32
      %dma_wait3A_95 = arith.constant 0 : i32
      %dma_wait3A_96 = tpu.memref_slice %arg5[%add3A, %dma_wait3A, %dma_wait3A_95] : memref<32x64x128xf32, #tpu.memory_space<hbm>> -> memref<1x64x128xf32, #tpu.memory_space<hbm>>
      %dma_wait3A_97 = tpu.memref_squeeze %dma_wait3A_96 : memref<1x64x128xf32, #tpu.memory_space<hbm>> -> memref<64x128xf32, #tpu.memory_space<hbm>>
      %dma_wait3A_98 = arith.constant 0 : i32
      %dma_wait3A_99 = arith.constant 0 : i32
      %dma_wait3A_100 = tpu.memref_slice %arg5[%add3A, %dma_wait3A_98, %dma_wait3A_99] : memref<32x64x128xf32, #tpu.memory_space<hbm>> -> memref<1x64x128xf32, #tpu.memory_space<hbm>>
      %dma_wait3A_101 = tpu.memref_squeeze %dma_wait3A_100 : memref<1x64x128xf32, #tpu.memory_space<hbm>> -> memref<64x128xf32, #tpu.memory_space<hbm>>
      tpu.wait_dma2 semaphore(%run_scoped3A : memref<!tpu.dma_semaphore, #tpu.memory_space<semaphore_mem>>) src(%arg9 : memref<64x128xf32, #tpu.memory_space<vmem>>) dst(%dma_wait3A_101 : memref<64x128xf32, #tpu.memory_space<hbm>>)
      tpu.yield
    }) : () -> ()
    "tpu.region"() ({
      %run_scoped3A = tpu.sem_alloc : memref<!tpu.dma_semaphore, #tpu.memory_space<semaphore_mem>>
      %dma_start3A_87 = arith.constant 0 : i32
      %dma_start3A_88 = tpu.memref_slice %arg6[%add3A, %dma_start3A_87] : memref<32x16xi32, #tpu.memory_space<hbm>> -> memref<1x16xi32, #tpu.memory_space<hbm>>
      %dma_start3A_89 = tpu.memref_squeeze %dma_start3A_88 : memref<1x16xi32, #tpu.memory_space<hbm>> -> memref<16xi32, #tpu.memory_space<hbm>>
      %dma_start3A_90 = arith.constant 0 : i32
      %dma_start3A_91 = tpu.memref_slice %arg6[%add3A, %dma_start3A_90] : memref<32x16xi32, #tpu.memory_space<hbm>> -> memref<1x16xi32, #tpu.memory_space<hbm>>
      %dma_start3A_92 = tpu.memref_squeeze %dma_start3A_91 : memref<1x16xi32, #tpu.memory_space<hbm>> -> memref<16xi32, #tpu.memory_space<hbm>>
      tpu.enqueue_dma source(%arg11 : memref<16xi32, #tpu.memory_space<vmem>>) target(%dma_start3A_92 : memref<16xi32, #tpu.memory_space<hbm>>) target_semaphore(%run_scoped3A : memref<!tpu.dma_semaphore, #tpu.memory_space<semaphore_mem>>)
      %dma_wait3A = arith.constant 0 : i32
      %dma_wait3A_93 = tpu.memref_slice %arg6[%add3A, %dma_wait3A] : memref<32x16xi32, #tpu.memory_space<hbm>> -> memref<1x16xi32, #tpu.memory_space<hbm>>
      %dma_wait3A_94 = tpu.memref_squeeze %dma_wait3A_93 : memref<1x16xi32, #tpu.memory_space<hbm>> -> memref<16xi32, #tpu.memory_space<hbm>>
      %dma_wait3A_95 = arith.constant 0 : i32
      %dma_wait3A_96 = tpu.memref_slice %arg6[%add3A, %dma_wait3A_95] : memref<32x16xi32, #tpu.memory_space<hbm>> -> memref<1x16xi32, #tpu.memory_space<hbm>>
      %dma_wait3A_97 = tpu.memref_squeeze %dma_wait3A_96 : memref<1x16xi32, #tpu.memory_space<hbm>> -> memref<16xi32, #tpu.memory_space<hbm>>
      tpu.wait_dma2 semaphore(%run_scoped3A : memref<!tpu.dma_semaphore, #tpu.memory_space<semaphore_mem>>) src(%arg11 : memref<16xi32, #tpu.memory_space<vmem>>) dst(%dma_wait3A_97 : memref<16xi32, #tpu.memory_space<hbm>>)
      tpu.yield
    }) : () -> ()
    return
  }
}

module attributes {stable_mosaic.version = 14 : i64} {
  func.func @_idx_body(%arg0: i32, %arg1: memref<2048x128xf32, #tpu.memory_space<vmem>>, %arg2: memref<2048x128xf32, #tpu.memory_space<vmem>>, %arg3: memref<2048x128xf32, #tpu.memory_space<vmem>>, %arg4: memref<2048x128xf32, #tpu.memory_space<vmem>>, %arg5: memref<2048x128xf32, #tpu.memory_space<vmem>>, %arg6: memref<2048x128xf32, #tpu.memory_space<vmem>>, %arg7: memref<2048x128xf32, #tpu.memory_space<vmem>>, %arg8: memref<2048x128xf32, #tpu.memory_space<vmem>>, %arg9: memref<1x128x128xi32, #tpu.memory_space<vmem>>) attributes {dimension_semantics = [#tpu.dimension_semantics<arbitrary>], iteration_bounds = array<i64: 16>, scalar_prefetch = 0 : i64, scratch_operands = 0 : i64, tpu.core_type = #tpu.core_type<tc>, window_params = [{transform_indices = @transform_0, window_bounds = array<i64: 2048, 128>}, {transform_indices = @transform_1, window_bounds = array<i64: 2048, 128>}, {transform_indices = @transform_2, window_bounds = array<i64: 2048, 128>}, {transform_indices = @transform_3, window_bounds = array<i64: 2048, 128>}, {transform_indices = @transform_4, window_bounds = array<i64: 2048, 128>}, {transform_indices = @transform_5, window_bounds = array<i64: 2048, 128>}, {transform_indices = @transform_6, window_bounds = array<i64: 2048, 128>}, {transform_indices = @transform_7, window_bounds = array<i64: 2048, 128>}, {transform_indices = @transform_8, window_bounds = array<i64: 1, 128, 128>}]} {
    %iota3A = tpu.iota {dimensions = array<i32: 0>} : vector<128x128xi32>
    %iota3A_0 = tpu.iota {dimensions = array<i32: 1>} : vector<128x128xi32>
    %le3A = arith.cmpi sle, %iota3A, %iota3A_0 : vector<128x128xi32>
    %convert_element_type3A = arith.extui %le3A : vector<128x128xi1> to vector<128x128xi32>
    %convert_element_type3A_1 = arith.sitofp %convert_element_type3A : vector<128x128xi32> to vector<128x128xf32>
    %get3A = arith.constant 0 : index
    %get3A_2 = arith.constant 0 : index
    %get3A_3 = vector.load %arg1[%get3A, %get3A_2] : memref<2048x128xf32, #tpu.memory_space<vmem>>, vector<2048x128xf32>
    %dot_general3A = arith.constant dense<0.000000e+00> : vector<2048x128xf32>
    %dot_general3A_4 = tpu.matmul %get3A_3, %convert_element_type3A_1, %dot_general3A {dimension_numbers = #tpu.dot_dimension_numbers<[1], [0], [0], [1], [0, 0, 1, 1], [], []>, precision = #tpu.contract_precision<fp32>, transpose_lhs_hint = false} : vector<2048x128xf32>, vector<128x128xf32>, vector<2048x128xf32> -> vector<2048x128xf32>
    %lt3A = arith.constant 5.000000e-01 : f32
    %lt3A_5 = vector.broadcast %lt3A : f32 to vector<2048x128xf32>
    %lt3A_6 = arith.cmpf olt, %dot_general3A_4, %lt3A_5 : vector<2048x128xf32>
    %jit3A = arith.constant 1.000000e+00 : f32
    %jit3A_7 = arith.constant 0.000000e+00 : f32
    %broadcast_in_dim3A = vector.broadcast %jit3A : f32 to vector<2048x128xf32>
    %broadcast_in_dim3A_8 = vector.broadcast %jit3A_7 : f32 to vector<2048x128xf32>
    %select_n3A = arith.select %lt3A_6, %broadcast_in_dim3A, %broadcast_in_dim3A_8 : vector<2048x128xi1>, vector<2048x128xf32>
    %reduce_sum3A = arith.constant dense<0.000000e+00> : vector<2048xf32>
    %reduce_sum3A_9 = vector.multi_reduction <add>, %select_n3A, %reduce_sum3A [1] : vector<2048x128xf32> to vector<2048xf32>
    %broadcast_in_dim3A_10 = vector.shape_cast %reduce_sum3A_9 : vector<2048xf32> to vector<2048x1xf32>
    %reshape3A = vector.shape_cast %broadcast_in_dim3A_10 : vector<2048x1xf32> to vector<16x128xf32>
    %convert_element_type3A_11 = arith.fptosi %reshape3A : vector<16x128xf32> to vector<16x128xi32>
    %min3A = arith.constant 127 : i32
    %min3A_12 = vector.broadcast %min3A : i32 to vector<16x128xi32>
    %min3A_13 = arith.minsi %convert_element_type3A_11, %min3A_12 : vector<16x128xi32>
    %iota3A_14 = tpu.iota {dimensions = array<i32: 0>} : vector<16x128xi32>
    %mul3A = arith.constant 128 : i32
    %mul3A_15 = vector.broadcast %mul3A : i32 to vector<16x128xi32>
    %mul3A_16 = arith.muli %iota3A_14, %mul3A_15 : vector<16x128xi32>
    %iota3A_17 = tpu.iota {dimensions = array<i32: 1>} : vector<16x128xi32>
    %add3A = arith.addi %mul3A_16, %iota3A_17 : vector<16x128xi32>
    %mul3A_18 = arith.constant 8 : i32
    %mul3A_19 = arith.muli %arg0, %mul3A_18 : i32
    %add3A_20 = arith.constant 0 : i32
    %add3A_21 = arith.addi %mul3A_19, %add3A_20 : i32
    %mul3A_22 = arith.constant 2048 : i32
    %mul3A_23 = arith.muli %add3A_21, %mul3A_22 : i32
    %add3A_24 = vector.broadcast %mul3A_23 : i32 to vector<16x128xi32>
    %add3A_25 = arith.addi %add3A, %add3A_24 : vector<16x128xi32>
    %mul3A_26 = arith.constant 128 : i32
    %mul3A_27 = vector.broadcast %mul3A_26 : i32 to vector<16x128xi32>
    %mul3A_28 = arith.muli %add3A_25, %mul3A_27 : vector<16x128xi32>
    %add3A_29 = arith.addi %mul3A_28, %min3A_13 : vector<16x128xi32>
    %swap3A = arith.constant 0 : index
    %swap3A_30 = arith.constant 0 : index
    %swap3A_31 = arith.constant 0 : index
    %swap3A_32 = vector.load %arg9[%swap3A, %swap3A_30, %swap3A_31] : memref<1x128x128xi32, #tpu.memory_space<vmem>>, vector<1x16x128xi32>
    %swap3A_33 = vector.shape_cast %swap3A_32 : vector<1x16x128xi32> to vector<16x128xi32>
    %swap3A_34 = vector.shape_cast %add3A_29 : vector<16x128xi32> to vector<1x16x128xi32>
    tpu.vector_store %arg9[%swap3A, %swap3A_30, %swap3A_31], %swap3A_34 {strides = array<i32>} : memref<1x128x128xi32, #tpu.memory_space<vmem>>, vector<1x16x128xi32>,
    %get3A_35 = arith.constant 0 : index
    %get3A_36 = arith.constant 0 : index
    %get3A_37 = vector.load %arg2[%get3A_35, %get3A_36] : memref<2048x128xf32, #tpu.memory_space<vmem>>, vector<2048x128xf32>
    %dot_general3A_38 = arith.constant dense<0.000000e+00> : vector<2048x128xf32>
    %dot_general3A_39 = tpu.matmul %get3A_37, %convert_element_type3A_1, %dot_general3A_38 {dimension_numbers = #tpu.dot_dimension_numbers<[1], [0], [0], [1], [0, 0, 1, 1], [], []>, precision = #tpu.contract_precision<fp32>, transpose_lhs_hint = false} : vector<2048x128xf32>, vector<128x128xf32>, vector<2048x128xf32> -> vector<2048x128xf32>
    %lt3A_40 = arith.constant 5.000000e-01 : f32
    %lt3A_41 = vector.broadcast %lt3A_40 : f32 to vector<2048x128xf32>
    %lt3A_42 = arith.cmpf olt, %dot_general3A_39, %lt3A_41 : vector<2048x128xf32>
    %jit3A_43 = arith.constant 1.000000e+00 : f32
    %jit3A_44 = arith.constant 0.000000e+00 : f32
    %broadcast_in_dim3A_45 = vector.broadcast %jit3A_43 : f32 to vector<2048x128xf32>
    %broadcast_in_dim3A_46 = vector.broadcast %jit3A_44 : f32 to vector<2048x128xf32>
    %select_n3A_47 = arith.select %lt3A_42, %broadcast_in_dim3A_45, %broadcast_in_dim3A_46 : vector<2048x128xi1>, vector<2048x128xf32>
    %reduce_sum3A_48 = arith.constant dense<0.000000e+00> : vector<2048xf32>
    %reduce_sum3A_49 = vector.multi_reduction <add>, %select_n3A_47, %reduce_sum3A_48 [1] : vector<2048x128xf32> to vector<2048xf32>
    %broadcast_in_dim3A_50 = vector.shape_cast %reduce_sum3A_49 : vector<2048xf32> to vector<2048x1xf32>
    %reshape3A_51 = vector.shape_cast %broadcast_in_dim3A_50 : vector<2048x1xf32> to vector<16x128xf32>
    %convert_element_type3A_52 = arith.fptosi %reshape3A_51 : vector<16x128xf32> to vector<16x128xi32>
    %min3A_53 = arith.constant 127 : i32
    %min3A_54 = vector.broadcast %min3A_53 : i32 to vector<16x128xi32>
    %min3A_55 = arith.minsi %convert_element_type3A_52, %min3A_54 : vector<16x128xi32>
    %iota3A_56 = tpu.iota {dimensions = array<i32: 0>} : vector<16x128xi32>
    %mul3A_57 = arith.constant 128 : i32
    %mul3A_58 = vector.broadcast %mul3A_57 : i32 to vector<16x128xi32>
    %mul3A_59 = arith.muli %iota3A_56, %mul3A_58 : vector<16x128xi32>
    %iota3A_60 = tpu.iota {dimensions = array<i32: 1>} : vector<16x128xi32>
    %add3A_61 = arith.addi %mul3A_59, %iota3A_60 : vector<16x128xi32>
    %mul3A_62 = arith.constant 8 : i32
    %mul3A_63 = arith.muli %arg0, %mul3A_62 : i32
    %add3A_64 = arith.constant 1 : i32
    %add3A_65 = arith.addi %mul3A_63, %add3A_64 : i32
    %mul3A_66 = arith.constant 2048 : i32
    %mul3A_67 = arith.muli %add3A_65, %mul3A_66 : i32
    %add3A_68 = vector.broadcast %mul3A_67 : i32 to vector<16x128xi32>
    %add3A_69 = arith.addi %add3A_61, %add3A_68 : vector<16x128xi32>
    %mul3A_70 = arith.constant 128 : i32
    %mul3A_71 = vector.broadcast %mul3A_70 : i32 to vector<16x128xi32>
    %mul3A_72 = arith.muli %add3A_69, %mul3A_71 : vector<16x128xi32>
    %add3A_73 = arith.addi %mul3A_72, %min3A_55 : vector<16x128xi32>
    %swap3A_74 = arith.constant 0 : index
    %swap3A_75 = arith.constant 16 : index
    %swap3A_76 = arith.constant 0 : index
    %swap3A_77 = vector.load %arg9[%swap3A_74, %swap3A_75, %swap3A_76] : memref<1x128x128xi32, #tpu.memory_space<vmem>>, vector<1x16x128xi32>
    %swap3A_78 = vector.shape_cast %swap3A_77 : vector<1x16x128xi32> to vector<16x128xi32>
    %swap3A_79 = vector.shape_cast %add3A_73 : vector<16x128xi32> to vector<1x16x128xi32>
    tpu.vector_store %arg9[%swap3A_74, %swap3A_75, %swap3A_76], %swap3A_79 {strides = array<i32>} : memref<1x128x128xi32, #tpu.memory_space<vmem>>, vector<1x16x128xi32>,
    %get3A_80 = arith.constant 0 : index
    %get3A_81 = arith.constant 0 : index
    %get3A_82 = vector.load %arg3[%get3A_80, %get3A_81] : memref<2048x128xf32, #tpu.memory_space<vmem>>, vector<2048x128xf32>
    %dot_general3A_83 = arith.constant dense<0.000000e+00> : vector<2048x128xf32>
    %dot_general3A_84 = tpu.matmul %get3A_82, %convert_element_type3A_1, %dot_general3A_83 {dimension_numbers = #tpu.dot_dimension_numbers<[1], [0], [0], [1], [0, 0, 1, 1], [], []>, precision = #tpu.contract_precision<fp32>, transpose_lhs_hint = false} : vector<2048x128xf32>, vector<128x128xf32>, vector<2048x128xf32> -> vector<2048x128xf32>
    %lt3A_85 = arith.constant 5.000000e-01 : f32
    %lt3A_86 = vector.broadcast %lt3A_85 : f32 to vector<2048x128xf32>
    %lt3A_87 = arith.cmpf olt, %dot_general3A_84, %lt3A_86 : vector<2048x128xf32>
    %jit3A_88 = arith.constant 1.000000e+00 : f32
    %jit3A_89 = arith.constant 0.000000e+00 : f32
    %broadcast_in_dim3A_90 = vector.broadcast %jit3A_88 : f32 to vector<2048x128xf32>
    %broadcast_in_dim3A_91 = vector.broadcast %jit3A_89 : f32 to vector<2048x128xf32>
    %select_n3A_92 = arith.select %lt3A_87, %broadcast_in_dim3A_90, %broadcast_in_dim3A_91 : vector<2048x128xi1>, vector<2048x128xf32>
    %reduce_sum3A_93 = arith.constant dense<0.000000e+00> : vector<2048xf32>
    %reduce_sum3A_94 = vector.multi_reduction <add>, %select_n3A_92, %reduce_sum3A_93 [1] : vector<2048x128xf32> to vector<2048xf32>
    %broadcast_in_dim3A_95 = vector.shape_cast %reduce_sum3A_94 : vector<2048xf32> to vector<2048x1xf32>
    %reshape3A_96 = vector.shape_cast %broadcast_in_dim3A_95 : vector<2048x1xf32> to vector<16x128xf32>
    %convert_element_type3A_97 = arith.fptosi %reshape3A_96 : vector<16x128xf32> to vector<16x128xi32>
    %min3A_98 = arith.constant 127 : i32
    %min3A_99 = vector.broadcast %min3A_98 : i32 to vector<16x128xi32>
    %min3A_100 = arith.minsi %convert_element_type3A_97, %min3A_99 : vector<16x128xi32>
    %iota3A_101 = tpu.iota {dimensions = array<i32: 0>} : vector<16x128xi32>
    %mul3A_102 = arith.constant 128 : i32
    %mul3A_103 = vector.broadcast %mul3A_102 : i32 to vector<16x128xi32>
    %mul3A_104 = arith.muli %iota3A_101, %mul3A_103 : vector<16x128xi32>
    %iota3A_105 = tpu.iota {dimensions = array<i32: 1>} : vector<16x128xi32>
    %add3A_106 = arith.addi %mul3A_104, %iota3A_105 : vector<16x128xi32>
    %mul3A_107 = arith.constant 8 : i32
    %mul3A_108 = arith.muli %arg0, %mul3A_107 : i32
    %add3A_109 = arith.constant 2 : i32
    %add3A_110 = arith.addi %mul3A_108, %add3A_109 : i32
    %mul3A_111 = arith.constant 2048 : i32
    %mul3A_112 = arith.muli %add3A_110, %mul3A_111 : i32
    %add3A_113 = vector.broadcast %mul3A_112 : i32 to vector<16x128xi32>
    %add3A_114 = arith.addi %add3A_106, %add3A_113 : vector<16x128xi32>
    %mul3A_115 = arith.constant 128 : i32
    %mul3A_116 = vector.broadcast %mul3A_115 : i32 to vector<16x128xi32>
    %mul3A_117 = arith.muli %add3A_114, %mul3A_116 : vector<16x128xi32>
    %add3A_118 = arith.addi %mul3A_117, %min3A_100 : vector<16x128xi32>
    %swap3A_119 = arith.constant 0 : index
    %swap3A_120 = arith.constant 32 : index
    %swap3A_121 = arith.constant 0 : index
    %swap3A_122 = vector.load %arg9[%swap3A_119, %swap3A_120, %swap3A_121] : memref<1x128x128xi32, #tpu.memory_space<vmem>>, vector<1x16x128xi32>
    %swap3A_123 = vector.shape_cast %swap3A_122 : vector<1x16x128xi32> to vector<16x128xi32>
    %swap3A_124 = vector.shape_cast %add3A_118 : vector<16x128xi32> to vector<1x16x128xi32>
    tpu.vector_store %arg9[%swap3A_119, %swap3A_120, %swap3A_121], %swap3A_124 {strides = array<i32>} : memref<1x128x128xi32, #tpu.memory_space<vmem>>, vector<1x16x128xi32>,
    %get3A_125 = arith.constant 0 : index
    %get3A_126 = arith.constant 0 : index
    %get3A_127 = vector.load %arg4[%get3A_125, %get3A_126] : memref<2048x128xf32, #tpu.memory_space<vmem>>, vector<2048x128xf32>
    %dot_general3A_128 = arith.constant dense<0.000000e+00> : vector<2048x128xf32>
    %dot_general3A_129 = tpu.matmul %get3A_127, %convert_element_type3A_1, %dot_general3A_128 {dimension_numbers = #tpu.dot_dimension_numbers<[1], [0], [0], [1], [0, 0, 1, 1], [], []>, precision = #tpu.contract_precision<fp32>, transpose_lhs_hint = false} : vector<2048x128xf32>, vector<128x128xf32>, vector<2048x128xf32> -> vector<2048x128xf32>
    %lt3A_130 = arith.constant 5.000000e-01 : f32
    %lt3A_131 = vector.broadcast %lt3A_130 : f32 to vector<2048x128xf32>
    %lt3A_132 = arith.cmpf olt, %dot_general3A_129, %lt3A_131 : vector<2048x128xf32>
    %jit3A_133 = arith.constant 1.000000e+00 : f32
    %jit3A_134 = arith.constant 0.000000e+00 : f32
    %broadcast_in_dim3A_135 = vector.broadcast %jit3A_133 : f32 to vector<2048x128xf32>
    %broadcast_in_dim3A_136 = vector.broadcast %jit3A_134 : f32 to vector<2048x128xf32>
    %select_n3A_137 = arith.select %lt3A_132, %broadcast_in_dim3A_135, %broadcast_in_dim3A_136 : vector<2048x128xi1>, vector<2048x128xf32>
    %reduce_sum3A_138 = arith.constant dense<0.000000e+00> : vector<2048xf32>
    %reduce_sum3A_139 = vector.multi_reduction <add>, %select_n3A_137, %reduce_sum3A_138 [1] : vector<2048x128xf32> to vector<2048xf32>
    %broadcast_in_dim3A_140 = vector.shape_cast %reduce_sum3A_139 : vector<2048xf32> to vector<2048x1xf32>
    %reshape3A_141 = vector.shape_cast %broadcast_in_dim3A_140 : vector<2048x1xf32> to vector<16x128xf32>
    %convert_element_type3A_142 = arith.fptosi %reshape3A_141 : vector<16x128xf32> to vector<16x128xi32>
    %min3A_143 = arith.constant 127 : i32
    %min3A_144 = vector.broadcast %min3A_143 : i32 to vector<16x128xi32>
    %min3A_145 = arith.minsi %convert_element_type3A_142, %min3A_144 : vector<16x128xi32>
    %iota3A_146 = tpu.iota {dimensions = array<i32: 0>} : vector<16x128xi32>
    %mul3A_147 = arith.constant 128 : i32
    %mul3A_148 = vector.broadcast %mul3A_147 : i32 to vector<16x128xi32>
    %mul3A_149 = arith.muli %iota3A_146, %mul3A_148 : vector<16x128xi32>
    %iota3A_150 = tpu.iota {dimensions = array<i32: 1>} : vector<16x128xi32>
    %add3A_151 = arith.addi %mul3A_149, %iota3A_150 : vector<16x128xi32>
    %mul3A_152 = arith.constant 8 : i32
    %mul3A_153 = arith.muli %arg0, %mul3A_152 : i32
    %add3A_154 = arith.constant 3 : i32
    %add3A_155 = arith.addi %mul3A_153, %add3A_154 : i32
    %mul3A_156 = arith.constant 2048 : i32
    %mul3A_157 = arith.muli %add3A_155, %mul3A_156 : i32
    %add3A_158 = vector.broadcast %mul3A_157 : i32 to vector<16x128xi32>
    %add3A_159 = arith.addi %add3A_151, %add3A_158 : vector<16x128xi32>
    %mul3A_160 = arith.constant 128 : i32
    %mul3A_161 = vector.broadcast %mul3A_160 : i32 to vector<16x128xi32>
    %mul3A_162 = arith.muli %add3A_159, %mul3A_161 : vector<16x128xi32>
    %add3A_163 = arith.addi %mul3A_162, %min3A_145 : vector<16x128xi32>
    %swap3A_164 = arith.constant 0 : index
    %swap3A_165 = arith.constant 48 : index
    %swap3A_166 = arith.constant 0 : index
    %swap3A_167 = vector.load %arg9[%swap3A_164, %swap3A_165, %swap3A_166] : memref<1x128x128xi32, #tpu.memory_space<vmem>>, vector<1x16x128xi32>
    %swap3A_168 = vector.shape_cast %swap3A_167 : vector<1x16x128xi32> to vector<16x128xi32>
    %swap3A_169 = vector.shape_cast %add3A_163 : vector<16x128xi32> to vector<1x16x128xi32>
    tpu.vector_store %arg9[%swap3A_164, %swap3A_165, %swap3A_166], %swap3A_169 {strides = array<i32>} : memref<1x128x128xi32, #tpu.memory_space<vmem>>, vector<1x16x128xi32>,
    %get3A_170 = arith.constant 0 : index
    %get3A_171 = arith.constant 0 : index
    %get3A_172 = vector.load %arg5[%get3A_170, %get3A_171] : memref<2048x128xf32, #tpu.memory_space<vmem>>, vector<2048x128xf32>
    %dot_general3A_173 = arith.constant dense<0.000000e+00> : vector<2048x128xf32>
    %dot_general3A_174 = tpu.matmul %get3A_172, %convert_element_type3A_1, %dot_general3A_173 {dimension_numbers = #tpu.dot_dimension_numbers<[1], [0], [0], [1], [0, 0, 1, 1], [], []>, precision = #tpu.contract_precision<fp32>, transpose_lhs_hint = false} : vector<2048x128xf32>, vector<128x128xf32>, vector<2048x128xf32> -> vector<2048x128xf32>
    %lt3A_175 = arith.constant 5.000000e-01 : f32
    %lt3A_176 = vector.broadcast %lt3A_175 : f32 to vector<2048x128xf32>
    %lt3A_177 = arith.cmpf olt, %dot_general3A_174, %lt3A_176 : vector<2048x128xf32>
    %jit3A_178 = arith.constant 1.000000e+00 : f32
    %jit3A_179 = arith.constant 0.000000e+00 : f32
    %broadcast_in_dim3A_180 = vector.broadcast %jit3A_178 : f32 to vector<2048x128xf32>
    %broadcast_in_dim3A_181 = vector.broadcast %jit3A_179 : f32 to vector<2048x128xf32>
    %select_n3A_182 = arith.select %lt3A_177, %broadcast_in_dim3A_180, %broadcast_in_dim3A_181 : vector<2048x128xi1>, vector<2048x128xf32>
    %reduce_sum3A_183 = arith.constant dense<0.000000e+00> : vector<2048xf32>
    %reduce_sum3A_184 = vector.multi_reduction <add>, %select_n3A_182, %reduce_sum3A_183 [1] : vector<2048x128xf32> to vector<2048xf32>
    %broadcast_in_dim3A_185 = vector.shape_cast %reduce_sum3A_184 : vector<2048xf32> to vector<2048x1xf32>
    %reshape3A_186 = vector.shape_cast %broadcast_in_dim3A_185 : vector<2048x1xf32> to vector<16x128xf32>
    %convert_element_type3A_187 = arith.fptosi %reshape3A_186 : vector<16x128xf32> to vector<16x128xi32>
    %min3A_188 = arith.constant 127 : i32
    %min3A_189 = vector.broadcast %min3A_188 : i32 to vector<16x128xi32>
    %min3A_190 = arith.minsi %convert_element_type3A_187, %min3A_189 : vector<16x128xi32>
    %iota3A_191 = tpu.iota {dimensions = array<i32: 0>} : vector<16x128xi32>
    %mul3A_192 = arith.constant 128 : i32
    %mul3A_193 = vector.broadcast %mul3A_192 : i32 to vector<16x128xi32>
    %mul3A_194 = arith.muli %iota3A_191, %mul3A_193 : vector<16x128xi32>
    %iota3A_195 = tpu.iota {dimensions = array<i32: 1>} : vector<16x128xi32>
    %add3A_196 = arith.addi %mul3A_194, %iota3A_195 : vector<16x128xi32>
    %mul3A_197 = arith.constant 8 : i32
    %mul3A_198 = arith.muli %arg0, %mul3A_197 : i32
    %add3A_199 = arith.constant 4 : i32
    %add3A_200 = arith.addi %mul3A_198, %add3A_199 : i32
    %mul3A_201 = arith.constant 2048 : i32
    %mul3A_202 = arith.muli %add3A_200, %mul3A_201 : i32
    %add3A_203 = vector.broadcast %mul3A_202 : i32 to vector<16x128xi32>
    %add3A_204 = arith.addi %add3A_196, %add3A_203 : vector<16x128xi32>
    %mul3A_205 = arith.constant 128 : i32
    %mul3A_206 = vector.broadcast %mul3A_205 : i32 to vector<16x128xi32>
    %mul3A_207 = arith.muli %add3A_204, %mul3A_206 : vector<16x128xi32>
    %add3A_208 = arith.addi %mul3A_207, %min3A_190 : vector<16x128xi32>
    %swap3A_209 = arith.constant 0 : index
    %swap3A_210 = arith.constant 64 : index
    %swap3A_211 = arith.constant 0 : index
    %swap3A_212 = vector.load %arg9[%swap3A_209, %swap3A_210, %swap3A_211] : memref<1x128x128xi32, #tpu.memory_space<vmem>>, vector<1x16x128xi32>
    %swap3A_213 = vector.shape_cast %swap3A_212 : vector<1x16x128xi32> to vector<16x128xi32>
    %swap3A_214 = vector.shape_cast %add3A_208 : vector<16x128xi32> to vector<1x16x128xi32>
    tpu.vector_store %arg9[%swap3A_209, %swap3A_210, %swap3A_211], %swap3A_214 {strides = array<i32>} : memref<1x128x128xi32, #tpu.memory_space<vmem>>, vector<1x16x128xi32>,
    %get3A_215 = arith.constant 0 : index
    %get3A_216 = arith.constant 0 : index
    %get3A_217 = vector.load %arg6[%get3A_215, %get3A_216] : memref<2048x128xf32, #tpu.memory_space<vmem>>, vector<2048x128xf32>
    %dot_general3A_218 = arith.constant dense<0.000000e+00> : vector<2048x128xf32>
    %dot_general3A_219 = tpu.matmul %get3A_217, %convert_element_type3A_1, %dot_general3A_218 {dimension_numbers = #tpu.dot_dimension_numbers<[1], [0], [0], [1], [0, 0, 1, 1], [], []>, precision = #tpu.contract_precision<fp32>, transpose_lhs_hint = false} : vector<2048x128xf32>, vector<128x128xf32>, vector<2048x128xf32> -> vector<2048x128xf32>
    %lt3A_220 = arith.constant 5.000000e-01 : f32
    %lt3A_221 = vector.broadcast %lt3A_220 : f32 to vector<2048x128xf32>
    %lt3A_222 = arith.cmpf olt, %dot_general3A_219, %lt3A_221 : vector<2048x128xf32>
    %jit3A_223 = arith.constant 1.000000e+00 : f32
    %jit3A_224 = arith.constant 0.000000e+00 : f32
    %broadcast_in_dim3A_225 = vector.broadcast %jit3A_223 : f32 to vector<2048x128xf32>
    %broadcast_in_dim3A_226 = vector.broadcast %jit3A_224 : f32 to vector<2048x128xf32>
    %select_n3A_227 = arith.select %lt3A_222, %broadcast_in_dim3A_225, %broadcast_in_dim3A_226 : vector<2048x128xi1>, vector<2048x128xf32>
    %reduce_sum3A_228 = arith.constant dense<0.000000e+00> : vector<2048xf32>
    %reduce_sum3A_229 = vector.multi_reduction <add>, %select_n3A_227, %reduce_sum3A_228 [1] : vector<2048x128xf32> to vector<2048xf32>
    %broadcast_in_dim3A_230 = vector.shape_cast %reduce_sum3A_229 : vector<2048xf32> to vector<2048x1xf32>
    %reshape3A_231 = vector.shape_cast %broadcast_in_dim3A_230 : vector<2048x1xf32> to vector<16x128xf32>
    %convert_element_type3A_232 = arith.fptosi %reshape3A_231 : vector<16x128xf32> to vector<16x128xi32>
    %min3A_233 = arith.constant 127 : i32
    %min3A_234 = vector.broadcast %min3A_233 : i32 to vector<16x128xi32>
    %min3A_235 = arith.minsi %convert_element_type3A_232, %min3A_234 : vector<16x128xi32>
    %iota3A_236 = tpu.iota {dimensions = array<i32: 0>} : vector<16x128xi32>
    %mul3A_237 = arith.constant 128 : i32
    %mul3A_238 = vector.broadcast %mul3A_237 : i32 to vector<16x128xi32>
    %mul3A_239 = arith.muli %iota3A_236, %mul3A_238 : vector<16x128xi32>
    %iota3A_240 = tpu.iota {dimensions = array<i32: 1>} : vector<16x128xi32>
    %add3A_241 = arith.addi %mul3A_239, %iota3A_240 : vector<16x128xi32>
    %mul3A_242 = arith.constant 8 : i32
    %mul3A_243 = arith.muli %arg0, %mul3A_242 : i32
    %add3A_244 = arith.constant 5 : i32
    %add3A_245 = arith.addi %mul3A_243, %add3A_244 : i32
    %mul3A_246 = arith.constant 2048 : i32
    %mul3A_247 = arith.muli %add3A_245, %mul3A_246 : i32
    %add3A_248 = vector.broadcast %mul3A_247 : i32 to vector<16x128xi32>
    %add3A_249 = arith.addi %add3A_241, %add3A_248 : vector<16x128xi32>
    %mul3A_250 = arith.constant 128 : i32
    %mul3A_251 = vector.broadcast %mul3A_250 : i32 to vector<16x128xi32>
    %mul3A_252 = arith.muli %add3A_249, %mul3A_251 : vector<16x128xi32>
    %add3A_253 = arith.addi %mul3A_252, %min3A_235 : vector<16x128xi32>
    %swap3A_254 = arith.constant 0 : index
    %swap3A_255 = arith.constant 80 : index
    %swap3A_256 = arith.constant 0 : index
    %swap3A_257 = vector.load %arg9[%swap3A_254, %swap3A_255, %swap3A_256] : memref<1x128x128xi32, #tpu.memory_space<vmem>>, vector<1x16x128xi32>
    %swap3A_258 = vector.shape_cast %swap3A_257 : vector<1x16x128xi32> to vector<16x128xi32>
    %swap3A_259 = vector.shape_cast %add3A_253 : vector<16x128xi32> to vector<1x16x128xi32>
    tpu.vector_store %arg9[%swap3A_254, %swap3A_255, %swap3A_256], %swap3A_259 {strides = array<i32>} : memref<1x128x128xi32, #tpu.memory_space<vmem>>, vector<1x16x128xi32>,
    %get3A_260 = arith.constant 0 : index
    %get3A_261 = arith.constant 0 : index
    %get3A_262 = vector.load %arg7[%get3A_260, %get3A_261] : memref<2048x128xf32, #tpu.memory_space<vmem>>, vector<2048x128xf32>
    %dot_general3A_263 = arith.constant dense<0.000000e+00> : vector<2048x128xf32>
    %dot_general3A_264 = tpu.matmul %get3A_262, %convert_element_type3A_1, %dot_general3A_263 {dimension_numbers = #tpu.dot_dimension_numbers<[1], [0], [0], [1], [0, 0, 1, 1], [], []>, precision = #tpu.contract_precision<fp32>, transpose_lhs_hint = false} : vector<2048x128xf32>, vector<128x128xf32>, vector<2048x128xf32> -> vector<2048x128xf32>
    %lt3A_265 = arith.constant 5.000000e-01 : f32
    %lt3A_266 = vector.broadcast %lt3A_265 : f32 to vector<2048x128xf32>
    %lt3A_267 = arith.cmpf olt, %dot_general3A_264, %lt3A_266 : vector<2048x128xf32>
    %jit3A_268 = arith.constant 1.000000e+00 : f32
    %jit3A_269 = arith.constant 0.000000e+00 : f32
    %broadcast_in_dim3A_270 = vector.broadcast %jit3A_268 : f32 to vector<2048x128xf32>
    %broadcast_in_dim3A_271 = vector.broadcast %jit3A_269 : f32 to vector<2048x128xf32>
    %select_n3A_272 = arith.select %lt3A_267, %broadcast_in_dim3A_270, %broadcast_in_dim3A_271 : vector<2048x128xi1>, vector<2048x128xf32>
    %reduce_sum3A_273 = arith.constant dense<0.000000e+00> : vector<2048xf32>
    %reduce_sum3A_274 = vector.multi_reduction <add>, %select_n3A_272, %reduce_sum3A_273 [1] : vector<2048x128xf32> to vector<2048xf32>
    %broadcast_in_dim3A_275 = vector.shape_cast %reduce_sum3A_274 : vector<2048xf32> to vector<2048x1xf32>
    %reshape3A_276 = vector.shape_cast %broadcast_in_dim3A_275 : vector<2048x1xf32> to vector<16x128xf32>
    %convert_element_type3A_277 = arith.fptosi %reshape3A_276 : vector<16x128xf32> to vector<16x128xi32>
    %min3A_278 = arith.constant 127 : i32
    %min3A_279 = vector.broadcast %min3A_278 : i32 to vector<16x128xi32>
    %min3A_280 = arith.minsi %convert_element_type3A_277, %min3A_279 : vector<16x128xi32>
    %iota3A_281 = tpu.iota {dimensions = array<i32: 0>} : vector<16x128xi32>
    %mul3A_282 = arith.constant 128 : i32
    %mul3A_283 = vector.broadcast %mul3A_282 : i32 to vector<16x128xi32>
    %mul3A_284 = arith.muli %iota3A_281, %mul3A_283 : vector<16x128xi32>
    %iota3A_285 = tpu.iota {dimensions = array<i32: 1>} : vector<16x128xi32>
    %add3A_286 = arith.addi %mul3A_284, %iota3A_285 : vector<16x128xi32>
    %mul3A_287 = arith.constant 8 : i32
    %mul3A_288 = arith.muli %arg0, %mul3A_287 : i32
    %add3A_289 = arith.constant 6 : i32
    %add3A_290 = arith.addi %mul3A_288, %add3A_289 : i32
    %mul3A_291 = arith.constant 2048 : i32
    %mul3A_292 = arith.muli %add3A_290, %mul3A_291 : i32
    %add3A_293 = vector.broadcast %mul3A_292 : i32 to vector<16x128xi32>
    %add3A_294 = arith.addi %add3A_286, %add3A_293 : vector<16x128xi32>
    %mul3A_295 = arith.constant 128 : i32
    %mul3A_296 = vector.broadcast %mul3A_295 : i32 to vector<16x128xi32>
    %mul3A_297 = arith.muli %add3A_294, %mul3A_296 : vector<16x128xi32>
    %add3A_298 = arith.addi %mul3A_297, %min3A_280 : vector<16x128xi32>
    %swap3A_299 = arith.constant 0 : index
    %swap3A_300 = arith.constant 96 : index
    %swap3A_301 = arith.constant 0 : index
    %swap3A_302 = vector.load %arg9[%swap3A_299, %swap3A_300, %swap3A_301] : memref<1x128x128xi32, #tpu.memory_space<vmem>>, vector<1x16x128xi32>
    %swap3A_303 = vector.shape_cast %swap3A_302 : vector<1x16x128xi32> to vector<16x128xi32>
    %swap3A_304 = vector.shape_cast %add3A_298 : vector<16x128xi32> to vector<1x16x128xi32>
    tpu.vector_store %arg9[%swap3A_299, %swap3A_300, %swap3A_301], %swap3A_304 {strides = array<i32>} : memref<1x128x128xi32, #tpu.memory_space<vmem>>, vector<1x16x128xi32>,
    %get3A_305 = arith.constant 0 : index
    %get3A_306 = arith.constant 0 : index
    %get3A_307 = vector.load %arg8[%get3A_305, %get3A_306] : memref<2048x128xf32, #tpu.memory_space<vmem>>, vector<2048x128xf32>
    %dot_general3A_308 = arith.constant dense<0.000000e+00> : vector<2048x128xf32>
    %dot_general3A_309 = tpu.matmul %get3A_307, %convert_element_type3A_1, %dot_general3A_308 {dimension_numbers = #tpu.dot_dimension_numbers<[1], [0], [0], [1], [0, 0, 1, 1], [], []>, precision = #tpu.contract_precision<fp32>, transpose_lhs_hint = false} : vector<2048x128xf32>, vector<128x128xf32>, vector<2048x128xf32> -> vector<2048x128xf32>
    %lt3A_310 = arith.constant 5.000000e-01 : f32
    %lt3A_311 = vector.broadcast %lt3A_310 : f32 to vector<2048x128xf32>
    %lt3A_312 = arith.cmpf olt, %dot_general3A_309, %lt3A_311 : vector<2048x128xf32>
    %jit3A_313 = arith.constant 1.000000e+00 : f32
    %jit3A_314 = arith.constant 0.000000e+00 : f32
    %broadcast_in_dim3A_315 = vector.broadcast %jit3A_313 : f32 to vector<2048x128xf32>
    %broadcast_in_dim3A_316 = vector.broadcast %jit3A_314 : f32 to vector<2048x128xf32>
    %select_n3A_317 = arith.select %lt3A_312, %broadcast_in_dim3A_315, %broadcast_in_dim3A_316 : vector<2048x128xi1>, vector<2048x128xf32>
    %reduce_sum3A_318 = arith.constant dense<0.000000e+00> : vector<2048xf32>
    %reduce_sum3A_319 = vector.multi_reduction <add>, %select_n3A_317, %reduce_sum3A_318 [1] : vector<2048x128xf32> to vector<2048xf32>
    %broadcast_in_dim3A_320 = vector.shape_cast %reduce_sum3A_319 : vector<2048xf32> to vector<2048x1xf32>
    %reshape3A_321 = vector.shape_cast %broadcast_in_dim3A_320 : vector<2048x1xf32> to vector<16x128xf32>
    %convert_element_type3A_322 = arith.fptosi %reshape3A_321 : vector<16x128xf32> to vector<16x128xi32>
    %min3A_323 = arith.constant 127 : i32
    %min3A_324 = vector.broadcast %min3A_323 : i32 to vector<16x128xi32>
    %min3A_325 = arith.minsi %convert_element_type3A_322, %min3A_324 : vector<16x128xi32>
    %iota3A_326 = tpu.iota {dimensions = array<i32: 0>} : vector<16x128xi32>
    %mul3A_327 = arith.constant 128 : i32
    %mul3A_328 = vector.broadcast %mul3A_327 : i32 to vector<16x128xi32>
    %mul3A_329 = arith.muli %iota3A_326, %mul3A_328 : vector<16x128xi32>
    %iota3A_330 = tpu.iota {dimensions = array<i32: 1>} : vector<16x128xi32>
    %add3A_331 = arith.addi %mul3A_329, %iota3A_330 : vector<16x128xi32>
    %mul3A_332 = arith.constant 8 : i32
    %mul3A_333 = arith.muli %arg0, %mul3A_332 : i32
    %add3A_334 = arith.constant 7 : i32
    %add3A_335 = arith.addi %mul3A_333, %add3A_334 : i32
    %mul3A_336 = arith.constant 2048 : i32
    %mul3A_337 = arith.muli %add3A_335, %mul3A_336 : i32
    %add3A_338 = vector.broadcast %mul3A_337 : i32 to vector<16x128xi32>
    %add3A_339 = arith.addi %add3A_331, %add3A_338 : vector<16x128xi32>
    %mul3A_340 = arith.constant 128 : i32
    %mul3A_341 = vector.broadcast %mul3A_340 : i32 to vector<16x128xi32>
    %mul3A_342 = arith.muli %add3A_339, %mul3A_341 : vector<16x128xi32>
    %add3A_343 = arith.addi %mul3A_342, %min3A_325 : vector<16x128xi32>
    %swap3A_344 = arith.constant 0 : index
    %swap3A_345 = arith.constant 112 : index
    %swap3A_346 = arith.constant 0 : index
    %swap3A_347 = vector.load %arg9[%swap3A_344, %swap3A_345, %swap3A_346] : memref<1x128x128xi32, #tpu.memory_space<vmem>>, vector<1x16x128xi32>
    %swap3A_348 = vector.shape_cast %swap3A_347 : vector<1x16x128xi32> to vector<16x128xi32>
    %swap3A_349 = vector.shape_cast %add3A_343 : vector<16x128xi32> to vector<1x16x128xi32>
    tpu.vector_store %arg9[%swap3A_344, %swap3A_345, %swap3A_346], %swap3A_349 {strides = array<i32>} : memref<1x128x128xi32, #tpu.memory_space<vmem>>, vector<1x16x128xi32>,
    return
  }
  func.func @transform_0(%arg0: i32) -> (i32, i32) {
    %mul3A = arith.constant 8 : i32
    %mul3A_0 = arith.muli %arg0, %mul3A : i32
    %add3A = arith.constant 0 : i32
    %add3A_1 = arith.addi %mul3A_0, %add3A : i32
    %c0_i32 = arith.constant 0 : i32
    %c0_i32_2 = arith.constant 0 : i32
    return %add3A_1, %c0_i32 : i32, i32
  }
  func.func @transform_1(%arg0: i32) -> (i32, i32) {
    %mul3A = arith.constant 8 : i32
    %mul3A_0 = arith.muli %arg0, %mul3A : i32
    %add3A = arith.constant 1 : i32
    %add3A_1 = arith.addi %mul3A_0, %add3A : i32
    %c0_i32 = arith.constant 0 : i32
    %c0_i32_2 = arith.constant 0 : i32
    return %add3A_1, %c0_i32 : i32, i32
  }
  func.func @transform_2(%arg0: i32) -> (i32, i32) {
    %mul3A = arith.constant 8 : i32
    %mul3A_0 = arith.muli %arg0, %mul3A : i32
    %add3A = arith.constant 2 : i32
    %add3A_1 = arith.addi %mul3A_0, %add3A : i32
    %c0_i32 = arith.constant 0 : i32
    %c0_i32_2 = arith.constant 0 : i32
    return %add3A_1, %c0_i32 : i32, i32
  }
  func.func @transform_3(%arg0: i32) -> (i32, i32) {
    %mul3A = arith.constant 8 : i32
    %mul3A_0 = arith.muli %arg0, %mul3A : i32
    %add3A = arith.constant 3 : i32
    %add3A_1 = arith.addi %mul3A_0, %add3A : i32
    %c0_i32 = arith.constant 0 : i32
    %c0_i32_2 = arith.constant 0 : i32
    return %add3A_1, %c0_i32 : i32, i32
  }
  func.func @transform_4(%arg0: i32) -> (i32, i32) {
    %mul3A = arith.constant 8 : i32
    %mul3A_0 = arith.muli %arg0, %mul3A : i32
    %add3A = arith.constant 4 : i32
    %add3A_1 = arith.addi %mul3A_0, %add3A : i32
    %c0_i32 = arith.constant 0 : i32
    %c0_i32_2 = arith.constant 0 : i32
    return %add3A_1, %c0_i32 : i32, i32
  }
  func.func @transform_5(%arg0: i32) -> (i32, i32) {
    %mul3A = arith.constant 8 : i32
    %mul3A_0 = arith.muli %arg0, %mul3A : i32
    %add3A = arith.constant 5 : i32
    %add3A_1 = arith.addi %mul3A_0, %add3A : i32
    %c0_i32 = arith.constant 0 : i32
    %c0_i32_2 = arith.constant 0 : i32
    return %add3A_1, %c0_i32 : i32, i32
  }
  func.func @transform_6(%arg0: i32) -> (i32, i32) {
    %mul3A = arith.constant 8 : i32
    %mul3A_0 = arith.muli %arg0, %mul3A : i32
    %add3A = arith.constant 6 : i32
    %add3A_1 = arith.addi %mul3A_0, %add3A : i32
    %c0_i32 = arith.constant 0 : i32
    %c0_i32_2 = arith.constant 0 : i32
    return %add3A_1, %c0_i32 : i32, i32
  }
  func.func @transform_7(%arg0: i32) -> (i32, i32) {
    %mul3A = arith.constant 8 : i32
    %mul3A_0 = arith.muli %arg0, %mul3A : i32
    %add3A = arith.constant 7 : i32
    %add3A_1 = arith.addi %mul3A_0, %add3A : i32
    %c0_i32 = arith.constant 0 : i32
    %c0_i32_2 = arith.constant 0 : i32
    return %add3A_1, %c0_i32 : i32, i32
  }
  func.func @transform_8(%arg0: i32) -> (i32, i32, i32) {
    %c0_i32 = arith.constant 0 : i32
    %c0_i32_0 = arith.constant 0 : i32
    %c0_i32_1 = arith.constant 0 : i32
    return %arg0, %c0_i32, %c0_i32_0 : i32, i32, i32
  }
}

</mosaic_0001>

<sc_bundles>
// kernel: branch_1_fun.4.cloned.1.call-start
scs
__scs_entry_jumppad:
0x0: {  	(pc) =	sbr.rel $0x88, $3  }
0x1: {  	(tag) =	ssettag $0x0;
	lr =	simm.s32 $0x1  }
0x2: {  	[smem:$0x3F9E] =	sst lr;
	_ =	strace $0xD0000000  }
0x3: {  	_ = 	snop  }
0x4: {  	_ = 	snop  }
0x5: {  	_ = 	snop  }
0x6: {  	_ = 	snop  }
0x7: {  	_ = 	snop  }
__scs_overlays_trampoline_lowered:
0x8: {  	[smem:$0x3FAD] =	sst s0  }
0x9: {  	[smem:$0x3FAE] =	sst s1  }
0xa: {  	[smem:$0x3FAF] =	sst s2  }
0xb: {  	[smem:$0x3FB0] =	sst s3  }
0xc: {  	[smem:$0x3FB1] =	sst s4  }
0xd: {  	[smem:$0x3FB2] =	sst s5  }
0xe: {  	[smem:$0x3FB3] =	sst s6  }
0xf: {  	[smem:$0x3FB4] =	sst s7  }
0x10: {  	[smem:$0x3FB5] =	sst s8  }
0x11: {  	[smem:$0x3FB6] =	sst s9;
	s0 =	simm.s32 @!p0 $0x0  }
0x12: {  	s1 =	sld [smem:$0x3F9C];
	s0 =	simm.s32 @p0 $0x1  }
0x13: {  	[smem:$0x3FB7] =	sst s0;
	s0 =	simm.s32 @!p1 $0x0  }
0x14: {  	s2 =	sld [smem:$0x3F9B];
	s0 =	simm.s32 @p1 $0x1  }
0x15: {  	[smem:$0x3FB8] =	sst s0;
	s0 =	simm.s32 @!p2 $0x0  }
0x16: {  	s3 =	sld [smem:$0x3FDB];
	s0 =	simm.s32 @p2 $0x1  }
0x17: {  	s4 =	simm.s32 $0x1BF5;
	[smem:$0x3FBA] =	sst s0  }
0x18: {  	s0 =	sld [smem:$0x3F9D];
	_ =	swait.ge [sflag:s4], $0x0  }
0x19: {  	s7 =	sld [smem:$0x3F9E]  }
0x1a: {  	s8 =	sadd.s32 $0xFFFFE003, lr  }
0x1b: {  	s9 =	sadd.s32 $0xFFFFFEF7, lr;
	s5 =	simm.s32 $0xFFFFFFFF;
	p2 =	slt.u32 s8, $0xFFFFF086  }
0x1c: {  	p1 =	slt.u32 s9, $0xF7A;
	s5 =	simm.s32 @!p2 $0x0  }
0x1d: {  	s5 =	simm.s32 @p1 $0x1;
	p0 =	seq.s32 s7, s2  }
0x1e: {  	s7 =	smul.u32 @!p0 $0xF7A, s2;
	p2 =	seq.s32 @!p0 s5, $0x0  }
0x1f: {  	s9 =	smul.u32 $0xF7A, s1;
	s8 =	simm.s32 @!p0 $0x1BF5;
	p2 =	por !p2, p0  }
0x20: {  	[sflag:s8] =	ssyncset.s32 @!p0 $0xFFFFF086;
	s6 =	sadd.s32 @!p0 s3, s7;
	s7 =	simm.s32 @!p0 $0x108  }
0x21: {  	s3 =	sadd.s32 s3, s9;
	s6 =	sadd.s32 @!p0 $0x88, s6;
	s7 =	simm.s32 @p2 $0x1082  }
0x22: {  	[simem:s7], [sflag:s8] =	dma.local @!p0 [hbm:s6], $0xF7A  }
0x23: {  	s9 =	sor.u32 $0xD0000000, s2;
	s6 =	simm.s32 $0x108;
	_ =	swait.ge @!p0 [sflag:s8], $0x0  }
0x24: {  	s3 =	sadd.s32 $0x88, s3;
	s6 =	simm.s32 @!p1 $0x1082;
	[sflag:s4] =	ssyncset.s32 $0xFFFFF086  }
0x25: {  	[simem:s6], [sflag:s4] =	dma.local [hbm:s3], $0xF7A  }
0x26: {  	[smem:$0x3F9E] =	sst s1;
	(tag) =	ssettag s2;
	_ =	strace s9  }
0x27: {  	s1 =	sld [smem:$0x3FAE]  }
0x28: {  	s2 =	sld [smem:$0x3FAF]  }
0x29: {  	s4 =	sld [smem:$0x3FB1]  }
0x2a: {  	p0 =	seq.s32 s5, $0x0;
	s5 =	sld [smem:$0x3FB2]  }
0x2b: {  	s6 =	sld [smem:$0x3FB3]  }
0x2c: {  	s7 =	sld [smem:$0x3FB4]  }
0x2d: {  	s3 =	simm.s32 $0x108;
	s8 =	sld [smem:$0x3FB5]  }
0x2e: {  	s3 =	simm.s32 @!p0 $0x1082;
	s9 =	sld [smem:$0x3FB6]  }
0x2f: {  	lr =	sadd.s32 s0, s3;
	s0 =	sld [smem:$0x3FAD]  }
0x30: {  	s3 =	sld [smem:$0x3FB0]  }
0x31: {  	[smem:$0x3FB9] =	sst s10  }
0x32: {  	s10 =	sld [smem:$0x3FB7];
	_ =	sdelay $0x3  }
0x33: {  	p0 =	seq.s32 s10, $0x1;
	s10 =	sld [smem:$0x3FB9];
	_ =	sdelay $0x3  }
0x34: {  	[smem:$0x3FB9] =	sst s10  }
0x35: {  	s10 =	sld [smem:$0x3FB8];
	_ =	sdelay $0x3  }
0x36: {  	p1 =	seq.s32 s10, $0x1;
	s10 =	sld [smem:$0x3FB9];
	_ =	sdelay $0x3  }
0x37: {  	[smem:$0x3FB9] =	sst s10  }
0x38: {  	s10 =	sld [smem:$0x3FBA]  }
0x39: {  	_ = 	snop;
	(pc) =	sbr.ind lr, $3  }
0x3a: {  	_ = 	snop  }
0x3b: {  	_ = 	snop  }
0x3c: {  	p2 =	seq.s32 s10, $0x1;
	s10 =	sld [smem:$0x3FB9]  }
0x3d: {  	_ =	shalt  }
0x3e: {  	_ =	shalt  }
0x3f: {  	_ =	shalt  }
0x40: {  	_ =	shalt  }
0x41: {  	_ =	shalt  }
0x42: {  	_ =	shalt  }
0x43: {  	_ =	shalt  }
0x44: {  	_ =	shalt  }
0x45: {  	_ =	shalt  }
0x46: {  	_ =	shalt  }
0x47: {  	_ =	shalt  }
0x48: {  	_ =	shalt  }
0x49: {  	_ =	shalt  }
0x4a: {  	_ =	shalt  }
0x4b: {  	_ =	shalt  }
0x4c: {  	_ =	shalt  }
0x4d: {  	_ =	shalt  }
0x4e: {  	_ =	shalt  }
0x4f: {  	_ =	shalt  }
0x50: {  	_ =	shalt  }
0x51: {  	_ =	shalt  }
0x52: {  	_ =	shalt  }
0x53: {  	_ =	shalt  }
0x54: {  	_ =	shalt  }
0x55: {  	_ =	shalt  }
0x56: {  	_ =	shalt  }
0x57: {  	_ =	shalt  }
0x58: {  	_ =	shalt  }
0x59: {  	_ =	shalt  }
0x5a: {  	_ =	shalt  }
0x5b: {  	_ =	shalt  }
0x5c: {  	_ =	shalt  }
0x5d: {  	_ =	shalt  }
0x5e: {  	_ =	shalt  }
0x5f: {  	_ =	shalt  }
0x60: {  	_ =	shalt  }
0x61: {  	_ =	shalt  }
0x62: {  	_ =	shalt  }
0x63: {  	_ =	shalt  }
0x64: {  	_ =	shalt  }
0x65: {  	_ =	shalt  }
0x66: {  	_ =	shalt  }
0x67: {  	_ =	shalt  }
0x68: {  	_ =	shalt  }
0x69: {  	_ =	shalt  }
0x6a: {  	_ =	shalt  }
0x6b: {  	_ =	shalt  }
0x6c: {  	_ =	shalt  }
0x6d: {  	_ =	shalt  }
0x6e: {  	_ =	shalt  }
0x6f: {  	_ =	shalt  }
0x70: {  	_ =	shalt  }
0x71: {  	_ =	shalt  }
0x72: {  	_ =	shalt  }
0x73: {  	_ =	shalt  }
0x74: {  	_ =	shalt  }
0x75: {  	_ =	shalt  }
0x76: {  	_ =	shalt  }
0x77: {  	_ =	shalt  }
0x78: {  	_ =	shalt  }
0x79: {  	_ =	shalt  }
0x7a: {  	_ =	shalt  }
0x7b: {  	_ =	shalt  }
0x7c: {  	_ =	shalt  }
0x7d: {  	_ =	shalt  }
0x7e: {  	_ =	shalt  }
0x7f: {  	_ =	shalt  }
0x80: {  	_ =	shalt  }
0x81: {  	_ =	shalt  }
0x82: {  	_ =	shalt  }
0x83: {  	_ =	shalt  }
0x84: {  	_ =	shalt  }
0x85: {  	_ =	shalt  }
0x86: {  	_ =	shalt  }
0x87: {  	_ =	shalt  }
.Lfunc_end0:
.L_simem_size_0:
called_computation_lowered:
.L_overlay_start_0:
0x88: {  	s2 =	sld [smem:$0x3FD9]  }
0x89: {  	s3 =	sld [smem:$0x3FFE];
	_ =	sdelay $0x1  }
0x8a: {  	s1 =	srdreg.scid  }
0x8b: {  	s0 =	sand.u32 $0x1, s1  }
0x8c: {  	s17 =	sshll.u32 s0, $0xA;
	s2 =	sadd.s32 s3, s2  }
0x8d: {  	s2 =	sadd.s32 s2, s17  }
0x8e: {  	[smem:$0x3FC5] =	sst s2  }
0x8f: {  	_ = 	snop  }
0x90: {  	s2 =	sld [smem:$0x3FC8]  }
0x91: {  	s18 =	sld [smem:$0x3FC7]  }
0x92: {  	s4 =	sld [smem:$0x3FD0];
	(tm) =	ssettm $0x1  }
0x93: {  	s5 =	sld [smem:$0x3FFB];
	_ =	sdelay $0x3  }
0x94: {  	_ =	strace s5  }
0x95: {  	s5 =	sld [smem:$0x3FFC];
	_ =	sdelay $0x3  }
0x96: {  	_ =	strace s5  }
0x97: {  	s5 =	sld [smem:$0x3FFD];
	_ =	sdelay $0x3  }
0x98: {  	_ =	strace s5  }
0x99: {  	_ =	strace $0x8FFFFFFF  }
0x9a: {  	s19 =	sld [smem:$0x3FDB];
	_ =	sdelay $0x1  }
0x9b: {  	s6 =	simm.s32 $_scs_section_size  }
0x9c: {  	s7 =	simm.s32 $_size__tile_overlayer_lowered;
	s8 =	simm.s32 $_tile_overlayer_lowered  }
0x9d: {  	s22 =	simm.s32 $0x1BFF;
	s21 =	sshll.u32 s8, $0x1;
	s5 =	sadd.s32 s6, s19  }
0x9e: {  	s9 =	simm.s32 $0x0;
	s20 =	sshll.u32 s7, $0x1;
	s7 =	sadd.s32 s21, s5  }
0x9f: {  	[timem:s9], [sflag:s22] =	dma.local [hbm:s7], s20  }
0xa0: {  	_ =	swait.ge [sflag:s22], s20  }
0xa1: {  	s6 =	ssub.s32 $0x0, s20;
	[sflag:s22] =	ssyncset.done $0x0  }
0xa2: {  	[sflag:s22] =	ssyncadd.s32 s6;
	_ =	sdelay $0x1  }
0xa3: {  	s23 =	simm.s32 $0x1B8B  }
0xa4: {  	_ =	swait.ge [sflag:s23], $0x1  }
0xa5: {  	[sflag:s23] =	ssyncset.done $0x0  }
0xa6: {  	s25 =	simm.s32 $0x1B8E;
	s24 =	sld [smem:$0x3FFE];
	[sflag:s23] =	ssyncadd.s32 $0xFFFFFFFF  }
0xa7: {  	s26 =	simm.s32 $execute0_lowered;
	[smem:$0x3FD2] =	sst s25  }
0xa8: {  	s7 =	sshll.u32 s26, $0x1;
	_ =	strace $0x80000046;
	[dreg:$0x1] =	wrdreg $0xFFFFFFFF  }
0xa9: {  	s28 =	simm.s32 $_size_execute0_lowered;
	s5 =	sadd.s32 s5, s7;
	[dreg:$0x0] =	wrdreg $0x0  }
0xaa: {  	s7 =	sshll.u32 s28, $0x1;
	[dreg:$0x2] =	wrdreg s5  }
0xab: {  	[dreg:$0x3] =	wrdreg s7  }
0xac: {  	[dreg:$0x4] =	wrdreg $0xC0  }
0xad: {  	_ =	task [dreg:s9], $0x5FFFF  }
0xae: {  	[dreg:$0x1] =	wrdreg $0xFFFFFFFF  }
0xaf: {  	[dreg:$0x0] =	wrdreg $0x60  }
0xb0: {  	[dreg:$0x2] =	wrdreg s24  }
0xb1: {  	[dreg:$0x3] =	wrdreg s2  }
0xb2: {  	[dreg:$0x4] =	wrdreg s18  }
0xb3: {  	[dreg:$0x5] =	wrdreg s4  }
0xb4: {  	[dreg:$0x6] =	wrdreg $0x9  }
0xb5: {  	_ =	task.clear_ibuf [dreg:s9], $0x7FFFF;
	_ =	strace $0x90000046  }
0xb6: {  	s29 =	simm.s32 $0x9;
	_ =	strace $0x80000048  }
0xb7: {  	_ =	swait.ge [sflag:s29], $0x1  }
0xb8: {  	[sflag:s29] =	ssyncadd.s32 $0xFFFFFFFF  }
0xb9: {  	_ =	strace $0x90000048  }
0xba: {  	_ =	sfence  }
0xbb: {  	s30 =	sld [smem:$0x0];
	_ =	sdelay $0x2  }
0xbc: {  	s31 =	sshll.u32 s1, $0xD;
	s1 =	sshrl.u32 s1, $0x2  }
0xbd: {  	s3 =	sand.u32 $0x4000, s31;
	s1 =	sadd.s32 s1, s30  }
0xbe: {  	s0 =	sor.u32 s3, s0;
	s1 =	sshll.u32 s1, $0x11  }
0xbf: {  	s0 =	sor.u32 s1, s0  }
0xc0: {  	s0 =	sadd.s32 $0x8F2B, s0  }
0xc1: {  	[sflag:s0] =	ssyncadd.remote.s32 $0x1  }
0xc2: {  	_ =	sfence.sel $0xFFFF  }
0xc3: {  	[dreg:$0x0] =	wrdreg $0xFFFFFFFF;
	(pc) =	sbr.abs _section_cstart, $3  }
0xc4: {  	[dreg:$0x1] =	wrdreg $0xFFFFFFFF  }
0xc5: {  	_ =	task.clear_ibuf [dreg:s9], $0x2FFFF;
	_ =	strace $0x9FFFFFFF  }
0xc6: {  	(tm) =	ssettm $0x7FFFFFFF  }
0xc7: {  	_ =	shalt  }
tec
execute0_lowered:
.L_overlay_start_1:
0x0: {  	(tag) =	ssettag $0x1  }
0x1: {  	s5 =	rddreg [dreg:$0x0]  }
0x2: {  	s1 =	rddreg [dreg:$0x1]  }
0x3: {  	s2 =	rddreg [dreg:$0x2]  }
0x4: {  	s6 =	rddreg [dreg:$0x3]  }
0x5: {  	s0 =	rddreg [dreg:$0x4];
	s7 =	srdreg.scid  }
0x6: {  	s4 =	simm.s32 $0x0;
	s3 =	stileid.u32;
	s10 =	simm.s32 $0x1  }
0x7: {  	s11 =	simm.s32 $0x2;
	s12 =	simm.s32 $0x2000;
	s13 =	simm.s32 $0x0  }
0x8: {  	s7 =	sand.u32 $0x1, s7;
	s8 =	sshll.u32 s3, $0xB;
	[smem:$0x7FF] =	sst s4  }
0x9: {  	s9 =	sshll.u32 s7, $0xA;
	s7 =	ssub.s32 $0x2, s7;
	_ =	strace $0x80000047  }
0xa: {  	s8 =	sor.u32 s9, s8;
	s31 =	sshrl.u32 s7, $0x1;
	s9 =	simm.s32 $0x80  }
0xb: {  	s5 =	sadd.s32 s8, s5;
	s7 =	ssub.s32 s7, s31;
	s6 =	sadd.s32 s6, s8  }
0xc: {  	s8 =	simm.s32 $0x3;
	s5 =	sadd.s32 $0x1200, s5;
	s7 =	smax.u32 s7, $0x1  }
.LBB2_1:
0xd: {  	[tilespmem:s4], [sflag:$0x3] =	stream.linear.gather [hbm4b:s5+s4], $0x2000, $0x38;
	[tilespmem:$0x6000] =	vst v63  }
0xe: {  	_ =	swait.ge [sflag:s8], $0x2000  }
0xf: {  	[sflag:s8] =	ssyncset.done $0x0  }
0x10: {  	s14 =	simm.s32 $0x0;
	s15 =	simm.s32 $0x2000;
	[sflag:s8] =	ssyncadd.s32 $0xFFFFE000  }
0x11: {  	[tilespmem:s15], [sflag:$0x1] =	stream.indirect.gather [hbm4b:s1+s9], $0x1, s14, s9, $0xb8;
	[tilespmem:$0x6000] =	vst v63  }
0x12: {  	s24 =	simm.s32 $0x4000  }
0x13: {  	[tilespmem:s24], [sflag:$0x2] =	stream.indirect.gather [hbm4b:s2+s9], $0x1, s14, s9, $0xb8;
	[tilespmem:$0x6000] =	vst v63  }
0x14: {  	s25 =	simm.s32 $0x2080;
	s26 =	simm.s32 $0x80  }
0x15: {  	[tilespmem:s25], [sflag:$0x1] =	stream.indirect.gather [hbm4b:s1+s9], $0x1, s26, s9, $0xb8;
	[tilespmem:$0x6000] =	vst v63  }
0x16: {  	s28 =	simm.s32 $0x4080  }
0x17: {  	[tilespmem:s28], [sflag:$0x2] =	stream.indirect.gather [hbm4b:s2+s9], $0x1, s26, s9, $0xb8;
	[tilespmem:$0x6000] =	vst v63  }
0x18: {  	s29 =	simm.s32 $0x2100;
	s30 =	simm.s32 $0x100  }
0x19: {  	[tilespmem:s29], [sflag:$0x1] =	stream.indirect.gather [hbm4b:s1+s9], $0x1, s30, s9, $0xb8;
	[tilespmem:$0x6000] =	vst v63  }
0x1a: {  	s31 =	simm.s32 $0x4100  }
0x1b: {  	[tilespmem:s31], [sflag:$0x2] =	stream.indirect.gather [hbm4b:s2+s9], $0x1, s30, s9, $0xb8;
	[tilespmem:$0x6000] =	vst v63  }
0x1c: {  	s16 =	simm.s32 $0x2180;
	s17 =	simm.s32 $0x180  }
0x1d: {  	[tilespmem:s16], [sflag:$0x1] =	stream.indirect.gather [hbm4b:s1+s9], $0x1, s17, s9, $0xb8;
	[tilespmem:$0x6000] =	vst v63  }
0x1e: {  	s18 =	simm.s32 $0x4180  }
0x1f: {  	[tilespmem:s18], [sflag:$0x2] =	stream.indirect.gather [hbm4b:s2+s9], $0x1, s17, s9, $0xb8;
	[tilespmem:$0x6000] =	vst v63  }
0x20: {  	s19 =	simm.s32 $0x2200;
	s20 =	simm.s32 $0x200  }
0x21: {  	[tilespmem:s19], [sflag:$0x1] =	stream.indirect.gather [hbm4b:s1+s9], $0x1, s20, s9, $0xb8;
	[tilespmem:$0x6000] =	vst v63  }
0x22: {  	s21 =	simm.s32 $0x4200  }
0x23: {  	[tilespmem:s21], [sflag:$0x2] =	stream.indirect.gather [hbm4b:s2+s9], $0x1, s20, s9, $0xb8;
	[tilespmem:$0x6000] =	vst v63  }
0x24: {  	s22 =	simm.s32 $0x2280;
	s23 =	simm.s32 $0x280  }
0x25: {  	[tilespmem:s22], [sflag:$0x1] =	stream.indirect.gather [hbm4b:s1+s9], $0x1, s23, s9, $0xb8;
	[tilespmem:$0x6000] =	vst v63  }
0x26: {  	s24 =	simm.s32 $0x4280  }
0x27: {  	[tilespmem:s24], [sflag:$0x2] =	stream.indirect.gather [hbm4b:s2+s9], $0x1, s23, s9, $0xb8;
	[tilespmem:$0x6000] =	vst v63  }
0x28: {  	s25 =	simm.s32 $0x2300;
	s26 =	simm.s32 $0x300  }
0x29: {  	[tilespmem:s25], [sflag:$0x1] =	stream.indirect.gather [hbm4b:s1+s9], $0x1, s26, s9, $0xb8;
	[tilespmem:$0x6000] =	vst v63  }
0x2a: {  	s28 =	simm.s32 $0x4300  }
0x2b: {  	[tilespmem:s28], [sflag:$0x2] =	stream.indirect.gather [hbm4b:s2+s9], $0x1, s26, s9, $0xb8;
	[tilespmem:$0x6000] =	vst v63  }
0x2c: {  	s29 =	simm.s32 $0x2380;
	s30 =	simm.s32 $0x380  }
0x2d: {  	[tilespmem:s29], [sflag:$0x1] =	stream.indirect.gather [hbm4b:s1+s9], $0x1, s30, s9, $0xb8;
	[tilespmem:$0x6000] =	vst v63  }
0x2e: {  	s31 =	simm.s32 $0x4380  }
0x2f: {  	[tilespmem:s31], [sflag:$0x2] =	stream.indirect.gather [hbm4b:s2+s9], $0x1, s30, s9, $0xb8;
	[tilespmem:$0x6000] =	vst v63  }
0x30: {  	_ =	swait.ge [sflag:s10], $0x80  }
0x31: {  	[sflag:s10] =	ssyncset.done $0x0  }
0x32: {  	[sflag:s10] =	ssyncadd.s32 $0xFFFFFF80  }
0x33: {  	_ =	swait.ge [sflag:s11], $0x80  }
0x34: {  	[sflag:s11] =	ssyncset.done $0x0  }
0x35: {  	[sflag:s11] =	ssyncadd.s32 $0xFFFFFF80  }
0x36: {  	_ =	swait.ge [sflag:s10], $0x80  }
0x37: {  	[sflag:s10] =	ssyncset.done $0x0  }
0x38: {  	[sflag:s10] =	ssyncadd.s32 $0xFFFFFF80  }
0x39: {  	_ =	swait.ge [sflag:s11], $0x80  }
0x3a: {  	[sflag:s11] =	ssyncset.done $0x0  }
0x3b: {  	[sflag:s11] =	ssyncadd.s32 $0xFFFFFF80  }
0x3c: {  	_ =	swait.ge [sflag:s10], $0x80  }
0x3d: {  	[sflag:s10] =	ssyncset.done $0x0  }
0x3e: {  	[sflag:s10] =	ssyncadd.s32 $0xFFFFFF80  }
0x3f: {  	_ =	swait.ge [sflag:s11], $0x80  }
0x40: {  	[sflag:s11] =	ssyncset.done $0x0  }
0x41: {  	[sflag:s11] =	ssyncadd.s32 $0xFFFFFF80  }
0x42: {  	_ =	swait.ge [sflag:s10], $0x80  }
0x43: {  	[sflag:s10] =	ssyncset.done $0x0  }
0x44: {  	[sflag:s10] =	ssyncadd.s32 $0xFFFFFF80  }
0x45: {  	_ =	swait.ge [sflag:s11], $0x80  }
0x46: {  	[sflag:s11] =	ssyncset.done $0x0  }
0x47: {  	[sflag:s11] =	ssyncadd.s32 $0xFFFFFF80  }
0x48: {  	_ =	swait.ge [sflag:s10], $0x80  }
0x49: {  	[sflag:s10] =	ssyncset.done $0x0  }
0x4a: {  	[sflag:s10] =	ssyncadd.s32 $0xFFFFFF80  }
0x4b: {  	_ =	swait.ge [sflag:s11], $0x80  }
0x4c: {  	[sflag:s11] =	ssyncset.done $0x0  }
0x4d: {  	[sflag:s11] =	ssyncadd.s32 $0xFFFFFF80  }
0x4e: {  	_ =	swait.ge [sflag:s10], $0x80  }
0x4f: {  	[sflag:s10] =	ssyncset.done $0x0  }
0x50: {  	[sflag:s10] =	ssyncadd.s32 $0xFFFFFF80  }
0x51: {  	_ =	swait.ge [sflag:s11], $0x80  }
0x52: {  	[sflag:s11] =	ssyncset.done $0x0  }
0x53: {  	[sflag:s11] =	ssyncadd.s32 $0xFFFFFF80  }
0x54: {  	_ =	swait.ge [sflag:s10], $0x80  }
0x55: {  	[sflag:s10] =	ssyncset.done $0x0  }
0x56: {  	[sflag:s10] =	ssyncadd.s32 $0xFFFFFF80  }
0x57: {  	_ =	swait.ge [sflag:s11], $0x80  }
0x58: {  	[sflag:s11] =	ssyncset.done $0x0  }
0x59: {  	[sflag:s11] =	ssyncadd.s32 $0xFFFFFF80  }
0x5a: {  	_ =	swait.ge [sflag:s10], $0x80  }
0x5b: {  	[sflag:s10] =	ssyncset.done $0x0  }
0x5c: {  	[sflag:s10] =	ssyncadd.s32 $0xFFFFFF80  }
0x5d: {  	_ =	swait.ge [sflag:s11], $0x80  }
0x5e: {  	s16 =	simm.s32 $0x400;
	s17 =	simm.s32 $0x2000;
	[sflag:s11] =	ssyncset.done $0x0  }
.LBB2_2:
0x5f: {  	s18 =	sadd.s32 $0x2000, s16  }
0x60: {  	[sflag:s11] =	ssyncadd.s32 $0xFFFFFF80;
	s15 =	smov.u32 s17;
	s14 =	sadd.s32 $0x1000, s17  }
0x61: {  	[tilespmem:s18], [sflag:$0x1] =	stream.indirect.gather [hbm4b:s1+s9], $0x1, s16, s9, $0xb8;
	[tilespmem:$0x6000] =	vst v63  }
0x62: {  	p0 =	sne.s32 s17, $0x7000;
	s17 =	sadd.s32 $0x4000, s16  }
0x63: {  	[tilespmem:s17], [sflag:$0x2] =	stream.indirect.gather [hbm4b:s2+s9], $0x1, s16, s9, $0xb8;
	[tilespmem:$0x6000] =	vst v63  }
0x64: {  	s18 =	sadd.s32 $0x80, s16;
	s17 =	sadd.s32 $0x2080, s16  }
0x65: {  	[tilespmem:s17], [sflag:$0x1] =	stream.indirect.gather [hbm4b:s1+s9], $0x1, s18, s9, $0xb8;
	[tilespmem:$0x6000] =	vst v63  }
0x66: {  	s17 =	sadd.s32 $0x4080, s16  }
0x67: {  	[tilespmem:s17], [sflag:$0x2] =	stream.indirect.gather [hbm4b:s2+s9], $0x1, s18, s9, $0xb8;
	[tilespmem:$0x6000] =	vst v63  }
0x68: {  	s17 =	sadd.s32 $0x2100, s16;
	s18 =	sadd.s32 $0x100, s16  }
0x69: {  	[tilespmem:s17], [sflag:$0x1] =	stream.indirect.gather [hbm4b:s1+s9], $0x1, s18, s9, $0xb8;
	[tilespmem:$0x6000] =	vst v63  }
0x6a: {  	s17 =	sadd.s32 $0x4100, s16  }
0x6b: {  	[tilespmem:s17], [sflag:$0x2] =	stream.indirect.gather [hbm4b:s2+s9], $0x1, s18, s9, $0xb8;
	[tilespmem:$0x6000] =	vst v63  }
0x6c: {  	s17 =	sadd.s32 $0x2180, s16;
	s18 =	sadd.s32 $0x180, s16  }
0x6d: {  	[tilespmem:s17], [sflag:$0x1] =	stream.indirect.gather [hbm4b:s1+s9], $0x1, s18, s9, $0xb8;
	[tilespmem:$0x6000] =	vst v63  }
0x6e: {  	s17 =	sadd.s32 $0x4180, s16  }
0x6f: {  	[tilespmem:s17], [sflag:$0x2] =	stream.indirect.gather [hbm4b:s2+s9], $0x1, s18, s9, $0xb8;
	[tilespmem:$0x6000] =	vst v63  }
0x70: {  	s17 =	sadd.s32 $0x2200, s16;
	s18 =	sadd.s32 $0x200, s16  }
0x71: {  	[tilespmem:s17], [sflag:$0x1] =	stream.indirect.gather [hbm4b:s1+s9], $0x1, s18, s9, $0xb8;
	[tilespmem:$0x6000] =	vst v63  }
0x72: {  	s17 =	sadd.s32 $0x4200, s16  }
0x73: {  	[tilespmem:s17], [sflag:$0x2] =	stream.indirect.gather [hbm4b:s2+s9], $0x1, s18, s9, $0xb8;
	[tilespmem:$0x6000] =	vst v63  }
0x74: {  	s17 =	sadd.s32 $0x2280, s16;
	s18 =	sadd.s32 $0x280, s16  }
0x75: {  	[tilespmem:s17], [sflag:$0x1] =	stream.indirect.gather [hbm4b:s1+s9], $0x1, s18, s9, $0xb8;
	[tilespmem:$0x6000] =	vst v63  }
0x76: {  	s17 =	sadd.s32 $0x4280, s16  }
0x77: {  	[tilespmem:s17], [sflag:$0x2] =	stream.indirect.gather [hbm4b:s2+s9], $0x1, s18, s9, $0xb8;
	[tilespmem:$0x6000] =	vst v63  }
0x78: {  	s17 =	sadd.s32 $0x2300, s16;
	s18 =	sadd.s32 $0x300, s16  }
0x79: {  	[tilespmem:s17], [sflag:$0x1] =	stream.indirect.gather [hbm4b:s1+s9], $0x1, s18, s9, $0xb8;
	[tilespmem:$0x6000] =	vst v63  }
0x7a: {  	s17 =	sadd.s32 $0x4300, s16  }
0x7b: {  	[tilespmem:s17], [sflag:$0x2] =	stream.indirect.gather [hbm4b:s2+s9], $0x1, s18, s9, $0xb8;
	[tilespmem:$0x6000] =	vst v63  }
0x7c: {  	s17 =	sadd.s32 $0x2380, s16;
	s18 =	sadd.s32 $0x380, s16  }
0x7d: {  	[tilespmem:s17], [sflag:$0x1] =	stream.indirect.gather [hbm4b:s1+s9], $0x1, s18, s9, $0xb8;
	[tilespmem:$0x6000] =	vst v63  }
0x7e: {  	s16 =	sadd.s32 $0x4380, s16  }
0x7f: {  	[tilespmem:s16], [sflag:$0x2] =	stream.indirect.gather [hbm4b:s2+s9], $0x1, s18, s9, $0xb8;
	[tilespmem:$0x6000] =	vst v63  }
0x80: {  	_ =	swait.ge [sflag:s10], $0x80  }
0x81: {  	[sflag:s10] =	ssyncset.done $0x0  }
0x82: {  	[sflag:s10] =	ssyncadd.s32 $0xFFFFFF80  }
0x83: {  	_ =	swait.ge [sflag:s11], $0x80  }
0x84: {  	[sflag:s11] =	ssyncset.done $0x0  }
0x85: {  	[sflag:s11] =	ssyncadd.s32 $0xFFFFFF80  }
0x86: {  	_ =	swait.ge [sflag:s10], $0x80  }
0x87: {  	[sflag:s10] =	ssyncset.done $0x0  }
0x88: {  	[sflag:s10] =	ssyncadd.s32 $0xFFFFFF80  }
0x89: {  	_ =	swait.ge [sflag:s11], $0x80  }
0x8a: {  	[sflag:s11] =	ssyncset.done $0x0  }
0x8b: {  	[sflag:s11] =	ssyncadd.s32 $0xFFFFFF80  }
0x8c: {  	_ =	swait.ge [sflag:s10], $0x80  }
0x8d: {  	[sflag:s10] =	ssyncset.done $0x0  }
0x8e: {  	[sflag:s10] =	ssyncadd.s32 $0xFFFFFF80  }
0x8f: {  	_ =	swait.ge [sflag:s11], $0x80  }
0x90: {  	[sflag:s11] =	ssyncset.done $0x0  }
0x91: {  	[sflag:s11] =	ssyncadd.s32 $0xFFFFFF80  }
0x92: {  	_ =	swait.ge [sflag:s10], $0x80  }
0x93: {  	[sflag:s10] =	ssyncset.done $0x0  }
0x94: {  	[sflag:s10] =	ssyncadd.s32 $0xFFFFFF80  }
0x95: {  	_ =	swait.ge [sflag:s11], $0x80  }
0x96: {  	[sflag:s11] =	ssyncset.done $0x0  }
0x97: {  	[sflag:s11] =	ssyncadd.s32 $0xFFFFFF80  }
0x98: {  	_ =	swait.ge [sflag:s10], $0x80  }
0x99: {  	[sflag:s10] =	ssyncset.done $0x0  }
0x9a: {  	[sflag:s10] =	ssyncadd.s32 $0xFFFFFF80  }
0x9b: {  	_ =	swait.ge [sflag:s11], $0x80  }
0x9c: {  	[sflag:s11] =	ssyncset.done $0x0  }
0x9d: {  	[sflag:s11] =	ssyncadd.s32 $0xFFFFFF80  }
0x9e: {  	_ =	swait.ge [sflag:s10], $0x80  }
0x9f: {  	[sflag:s10] =	ssyncset.done $0x0  }
0xa0: {  	[sflag:s10] =	ssyncadd.s32 $0xFFFFFF80  }
0xa1: {  	_ =	swait.ge [sflag:s11], $0x80  }
0xa2: {  	[sflag:s11] =	ssyncset.done $0x0  }
0xa3: {  	[sflag:s11] =	ssyncadd.s32 $0xFFFFFF80  }
0xa4: {  	_ =	swait.ge [sflag:s10], $0x80  }
0xa5: {  	[sflag:s10] =	ssyncset.done $0x0  }
0xa6: {  	[sflag:s10] =	ssyncadd.s32 $0xFFFFFF80  }
0xa7: {  	_ =	swait.ge [sflag:s11], $0x80  }
0xa8: {  	[sflag:s11] =	ssyncset.done $0x0  }
0xa9: {  	[sflag:s11] =	ssyncadd.s32 $0xFFFFFF80  }
.Ltmp0:
0xaa: {  	_ =	swait.ge [sflag:s10], $0x80;
	(pc) =	sbr.rel @p0 .LBB2_2-.Ltmp0, $4  }
0xab: {  	[sflag:s10] =	ssyncset.done $0x0  }
0xac: {  	[sflag:s10] =	ssyncadd.s32 $0xFFFFFF80  }
0xad: {  	_ =	swait.ge [sflag:s11], $0x80  }
0xae: {  	s17 =	smov.u32 s14;
	s16 =	sshra.s32 s15, $0x2;
	[sflag:s11] =	ssyncset.done $0x0  }
0xaf: {  	s14 =	sadd.s32 $0x2000, s16;
	[sflag:s11] =	ssyncadd.s32 $0xFFFFFF80  }
0xb0: {  	[tilespmem:s14], [sflag:$0x1] =	stream.indirect.gather [hbm4b:s1+s9], $0x1, s16, s9, $0xb8;
	[tilespmem:$0x6000] =	vst v63  }
0xb1: {  	s25 =	sadd.s32 $0x4000, s16  }
0xb2: {  	[tilespmem:s25], [sflag:$0x2] =	stream.indirect.gather [hbm4b:s2+s9], $0x1, s16, s9, $0xb8;
	[tilespmem:$0x6000] =	vst v63  }
0xb3: {  	s26 =	sadd.s32 $0x2080, s16;
	s15 =	sadd.s32 $0x80, s16  }
0xb4: {  	[tilespmem:s26], [sflag:$0x1] =	stream.indirect.gather [hbm4b:s1+s9], $0x1, s15, s9, $0xb8;
	[tilespmem:$0x6000] =	vst v63  }
0xb5: {  	s28 =	sadd.s32 $0x4080, s16  }
0xb6: {  	[tilespmem:s28], [sflag:$0x2] =	stream.indirect.gather [hbm4b:s2+s9], $0x1, s15, s9, $0xb8;
	[tilespmem:$0x6000] =	vst v63  }
0xb7: {  	s29 =	sadd.s32 $0x2100, s16;
	s30 =	sadd.s32 $0x100, s16  }
0xb8: {  	[tilespmem:s29], [sflag:$0x1] =	stream.indirect.gather [hbm4b:s1+s9], $0x1, s30, s9, $0xb8;
	[tilespmem:$0x6000] =	vst v63  }
0xb9: {  	s31 =	sadd.s32 $0x4100, s16  }
0xba: {  	[tilespmem:s31], [sflag:$0x2] =	stream.indirect.gather [hbm4b:s2+s9], $0x1, s30, s9, $0xb8;
	[tilespmem:$0x6000] =	vst v63  }
0xbb: {  	s17 =	sadd.s32 $0x180, s16;
	s15 =	sadd.s32 $0x2180, s16  }
0xbc: {  	[tilespmem:s15], [sflag:$0x1] =	stream.indirect.gather [hbm4b:s1+s9], $0x1, s17, s9, $0xb8;
	[tilespmem:$0x6000] =	vst v63  }
0xbd: {  	s18 =	sadd.s32 $0x4180, s16  }
0xbe: {  	[tilespmem:s18], [sflag:$0x2] =	stream.indirect.gather [hbm4b:s2+s9], $0x1, s17, s9, $0xb8;
	[tilespmem:$0x6000] =	vst v63  }
0xbf: {  	s19 =	sadd.s32 $0x2200, s16;
	s20 =	sadd.s32 $0x200, s16  }
0xc0: {  	[tilespmem:s19], [sflag:$0x1] =	stream.indirect.gather [hbm4b:s1+s9], $0x1, s20, s9, $0xb8;
	[tilespmem:$0x6000] =	vst v63  }
0xc1: {  	s21 =	sadd.s32 $0x4200, s16  }
0xc2: {  	[tilespmem:s21], [sflag:$0x2] =	stream.indirect.gather [hbm4b:s2+s9], $0x1, s20, s9, $0xb8;
	[tilespmem:$0x6000] =	vst v63  }
0xc3: {  	s22 =	sadd.s32 $0x2280, s16;
	s23 =	sadd.s32 $0x280, s16  }
0xc4: {  	[tilespmem:s22], [sflag:$0x1] =	stream.indirect.gather [hbm4b:s1+s9], $0x1, s23, s9, $0xb8;
	[tilespmem:$0x6000] =	vst v63  }
0xc5: {  	s24 =	sadd.s32 $0x4280, s16  }
0xc6: {  	[tilespmem:s24], [sflag:$0x2] =	stream.indirect.gather [hbm4b:s2+s9], $0x1, s23, s9, $0xb8;
	[tilespmem:$0x6000] =	vst v63  }
0xc7: {  	s25 =	sadd.s32 $0x2300, s16;
	s26 =	sadd.s32 $0x300, s16  }
0xc8: {  	[tilespmem:s25], [sflag:$0x1] =	stream.indirect.gather [hbm4b:s1+s9], $0x1, s26, s9, $0xb8;
	[tilespmem:$0x6000] =	vst v63  }
0xc9: {  	s28 =	sadd.s32 $0x4300, s16  }
0xca: {  	[tilespmem:s28], [sflag:$0x2] =	stream.indirect.gather [hbm4b:s2+s9], $0x1, s26, s9, $0xb8;
	[tilespmem:$0x6000] =	vst v63  }
0xcb: {  	s29 =	sadd.s32 $0x2380, s16;
	s30 =	sadd.s32 $0x380, s16  }
0xcc: {  	[tilespmem:s29], [sflag:$0x1] =	stream.indirect.gather [hbm4b:s1+s9], $0x1, s30, s9, $0xb8;
	[tilespmem:$0x6000] =	vst v63  }
0xcd: {  	s31 =	sadd.s32 $0x4380, s16  }
0xce: {  	[tilespmem:s31], [sflag:$0x2] =	stream.indirect.gather [hbm4b:s2+s9], $0x1, s30, s9, $0xb8;
	[tilespmem:$0x6000] =	vst v63  }
0xcf: {  	_ =	swait.ge [sflag:s10], $0x80  }
0xd0: {  	[sflag:s10] =	ssyncset.done $0x0  }
0xd1: {  	[sflag:s10] =	ssyncadd.s32 $0xFFFFFF80  }
0xd2: {  	_ =	swait.ge [sflag:s11], $0x80  }
0xd3: {  	[sflag:s11] =	ssyncset.done $0x0  }
0xd4: {  	[sflag:s11] =	ssyncadd.s32 $0xFFFFFF80  }
0xd5: {  	_ =	swait.ge [sflag:s10], $0x80  }
0xd6: {  	[sflag:s10] =	ssyncset.done $0x0  }
0xd7: {  	[sflag:s10] =	ssyncadd.s32 $0xFFFFFF80  }
0xd8: {  	_ =	swait.ge [sflag:s11], $0x80  }
0xd9: {  	[sflag:s11] =	ssyncset.done $0x0  }
0xda: {  	[sflag:s11] =	ssyncadd.s32 $0xFFFFFF80  }
0xdb: {  	_ =	swait.ge [sflag:s10], $0x80  }
0xdc: {  	[sflag:s10] =	ssyncset.done $0x0  }
0xdd: {  	[sflag:s10] =	ssyncadd.s32 $0xFFFFFF80  }
0xde: {  	_ =	swait.ge [sflag:s11], $0x80  }
0xdf: {  	[sflag:s11] =	ssyncset.done $0x0  }
0xe0: {  	[sflag:s11] =	ssyncadd.s32 $0xFFFFFF80  }
0xe1: {  	_ =	swait.ge [sflag:s10], $0x80  }
0xe2: {  	[sflag:s10] =	ssyncset.done $0x0  }
0xe3: {  	[sflag:s10] =	ssyncadd.s32 $0xFFFFFF80  }
0xe4: {  	_ =	swait.ge [sflag:s11], $0x80  }
0xe5: {  	[sflag:s11] =	ssyncset.done $0x0  }
0xe6: {  	[sflag:s11] =	ssyncadd.s32 $0xFFFFFF80  }
0xe7: {  	_ =	swait.ge [sflag:s10], $0x80  }
0xe8: {  	[sflag:s10] =	ssyncset.done $0x0  }
0xe9: {  	[sflag:s10] =	ssyncadd.s32 $0xFFFFFF80  }
0xea: {  	_ =	swait.ge [sflag:s11], $0x80  }
0xeb: {  	[sflag:s11] =	ssyncset.done $0x0  }
0xec: {  	[sflag:s11] =	ssyncadd.s32 $0xFFFFFF80  }
0xed: {  	_ =	swait.ge [sflag:s10], $0x80  }
0xee: {  	[sflag:s10] =	ssyncset.done $0x0  }
0xef: {  	[sflag:s10] =	ssyncadd.s32 $0xFFFFFF80  }
0xf0: {  	_ =	swait.ge [sflag:s11], $0x80  }
0xf1: {  	[sflag:s11] =	ssyncset.done $0x0  }
0xf2: {  	[sflag:s11] =	ssyncadd.s32 $0xFFFFFF80  }
0xf3: {  	_ =	swait.ge [sflag:s10], $0x80  }
0xf4: {  	[sflag:s10] =	ssyncset.done $0x0  }
0xf5: {  	[sflag:s10] =	ssyncadd.s32 $0xFFFFFF80  }
0xf6: {  	_ =	swait.ge [sflag:s11], $0x80  }
0xf7: {  	[sflag:s11] =	ssyncset.done $0x0  }
0xf8: {  	[sflag:s11] =	ssyncadd.s32 $0xFFFFFF80  }
0xf9: {  	_ =	swait.ge [sflag:s10], $0x80  }
0xfa: {  	[sflag:s10] =	ssyncset.done $0x0  }
0xfb: {  	[sflag:s10] =	ssyncadd.s32 $0xFFFFFF80  }
0xfc: {  	_ =	swait.ge [sflag:s11], $0x80  }
0xfd: {  	[sflag:s11] =	ssyncset.done $0x0  }
0xfe: {  	s14 =	simm.s32 $0x0;
	[sflag:s11] =	ssyncadd.s32 $0xFFFFFF80  }
0xff: {  	v6 =	vld [tilespmem:s14+$0x4000]  }
0x100: {  	v11 =	vld [tilespmem:s14+$0x4010]  }
0x101: {  	v5 =	vld [tilespmem:s14+$0x4020]  }
0x102: {  	v4 =	vld [tilespmem:s14+$0x4030]  }
0x103: {  	v3 =	vld [tilespmem:s14+$0x4040]  }
0x104: {  	v2 =	vld [tilespmem:s14+$0x4050]  }
0x105: {  	v1 =	vld [tilespmem:s14+$0x4060]  }
0x106: {  	v0 =	vld [tilespmem:s14+$0x4070]  }
0x107: {  	v12 =	vld [tilespmem:s14+$0x2000]  }
0x108: {  	v13 =	vld [tilespmem:s14+$0x2010]  }
0x109: {  	v10 =	vld [tilespmem:s14+$0x2020]  }
0x10a: {  	v9 =	vld [tilespmem:s14+$0x2030]  }
0x10b: {  	v8 =	vld [tilespmem:s14+$0x2040]  }
0x10c: {  	v7 =	vld [tilespmem:s14+$0x2050];
	v12 =	vadd.f32 v6, v12  }
0x10d: {  	s15 =	simm.s32 $0x200;
	v11 =	vadd.f32 v11, v13;
	v6 =	vld [tilespmem:s14+$0x2060]  }
.LBB2_4:
0x10e: {  	s16 =	sshra.s32 s15, $0x2;
	p0 =	sne.s32 s15, $0x7E00;
	v12 =	vmul.f32 $5.000000000e-01, v12;
	v5 =	vadd.f32 v5, v10;
	v10 =	vld [tilespmem:s14+$0x2070]  }
0x10f: {  	v13 =	vld [tilespmem:s16+$0x4000];
	v11 =	vmul.f32 $5.000000000e-01, v11;
	v4 =	vadd.f32 v4, v9  }
0x110: {  	v14 =	vld [tilespmem:s16+$0x4010];
	[tilespmem:s14+$0x2000] =	vst v12;
	v9 =	vmul.f32 $5.000000000e-01, v5;
	v3 =	vadd.f32 v3, v8  }
0x111: {  	v5 =	vld [tilespmem:s16+$0x4020];
	[tilespmem:s14+$0x2010] =	vst v11;
	v8 =	vmul.f32 $5.000000000e-01, v4;
	v2 =	vadd.f32 v2, v7  }
0x112: {  	v4 =	vld [tilespmem:s16+$0x4030];
	[tilespmem:s14+$0x2020] =	vst v9;
	v7 =	vmul.f32 $5.000000000e-01, v3;
	v1 =	vadd.f32 v1, v6  }
0x113: {  	v3 =	vld [tilespmem:s16+$0x4040];
	[tilespmem:s14+$0x2030] =	vst v8;
	v6 =	vmul.f32 $5.000000000e-01, v2;
	v0 =	vadd.f32 v0, v10  }
0x114: {  	v2 =	vld [tilespmem:s16+$0x4050];
	[tilespmem:s14+$0x2040] =	vst v7;
	v7 =	vmul.f32 $5.000000000e-01, v1  }
0x115: {  	v1 =	vld [tilespmem:s16+$0x4060];
	[tilespmem:s14+$0x2050] =	vst v6;
	v6 =	vmul.f32 $5.000000000e-01, v0  }
0x116: {  	v0 =	vld [tilespmem:s16+$0x4070];
	[tilespmem:s14+$0x2060] =	vst v7  }
0x117: {  	v7 =	vld [tilespmem:s16+$0x2000];
	[tilespmem:s14+$0x2070] =	vst v6;
	s14 =	smov.u32 s16  }
0x118: {  	v6 =	vld [tilespmem:s14+$0x2010]  }
.Ltmp1:
0x119: {  	v10 =	vld [tilespmem:s14+$0x2020];
	(pc) =	sbr.rel @p0 .LBB2_4-.Ltmp1, $4  }
0x11a: {  	v9 =	vld [tilespmem:s14+$0x2030]  }
0x11b: {  	v8 =	vld [tilespmem:s14+$0x2040]  }
0x11c: {  	v12 =	vadd.f32 v13, v7;
	v7 =	vld [tilespmem:s14+$0x2050]  }
0x11d: {  	s15 =	sadd.s32 $0x200, s15;
	v11 =	vadd.f32 v14, v6;
	v6 =	vld [tilespmem:s14+$0x2060]  }
0x11e: {  	v12 =	vmul.f32 $5.000000000e-01, v12;
	v5 =	vadd.f32 v5, v10;
	v63 =	vld [tilespmem:s14+$0x2070]  }
0x11f: {  	v11 =	vmul.f32 $5.000000000e-01, v11;
	v4 =	vadd.f32 v4, v9  }
0x120: {  	[tilespmem:s14+$0x2000] =	vst v12;
	v5 =	vmul.f32 $5.000000000e-01, v5;
	v3 =	vadd.f32 v3, v8  }
0x121: {  	[tilespmem:s14+$0x2010] =	vst v11;
	v4 =	vmul.f32 $5.000000000e-01, v4;
	v2 =	vadd.f32 v2, v7  }
0x122: {  	[tilespmem:s14+$0x2020] =	vst v5;
	v3 =	vmul.f32 $5.000000000e-01, v3;
	v1 =	vadd.f32 v1, v6  }
0x123: {  	[tilespmem:s14+$0x2030] =	vst v4;
	v2 =	vmul.f32 $5.000000000e-01, v2;
	v0 =	vadd.f32 v0, v63  }
0x124: {  	[tilespmem:s14+$0x2040] =	vst v3;
	v1 =	vmul.f32 $5.000000000e-01, v1  }
0x125: {  	s13 =	sadd.s32 $0x1, s13;
	[tilespmem:s14+$0x2050] =	vst v2;
	v0 =	vmul.f32 $5.000000000e-01, v0  }
0x126: {  	p0 =	sne.s32 s13, s7;
	[tilespmem:s14+$0x2060] =	vst v1  }
.Ltmp2:
0x127: {  	[tilespmem:s14+$0x2070] =	vst v0;
	(pc) =	sbr.rel @p0 .LBB2_1-.Ltmp2, $4  }
0x128: {  	[hbm4b:s6+s4] =	stream.linear.scatter [tilespmem:s12], [sflag:$0x3], $0x2000, $0x38;
	[tilespmem:$0x6000] =	vst v63  }
0x129: {  	_ =	swait.ge [sflag:s8], $0x2000  }
0x12a: {  	[sflag:s8] =	ssyncset.done $0x0  }
0x12b: {  	[sflag:s8] =	ssyncadd.s32 $0xFFFFE000  }
0x12c: {  	_ =	sfence.sel $0x180000  }
0x12d: {  	[bflag:$0x0] =	sbarrier.arrive $0xFFFF  }
0x12e: {  	p0 =	sne.s32 s3, $0x0;
	_ =	strace $0x90000047  }
0x12f: {  	s0 =	sadd.s32 @!p0 $0x100000, s0;
	[bflag:$0x2] =	sbarrier.arrive $0xFFFF  }
0x130: {  	[sflag:s0] =	ssyncadd.tile.s32 @!p0 $0x1;
	_ =	shalt  }
.Lfunc_end2:
_tile_overlayer_lowered:
.L_overlay_start_2:
0x131: {  	(tag) =	ssettag $0x2  }
0x132: {  	s0 =	rddreg [dreg:$0x0];
	s2 =	stileid.u32  }
0x133: {  	s1 =	rddreg [dreg:$0x1];
	p0 =	sne.s32 s2, $0x0  }
0x134: {  	s3 =	rddreg [dreg:$0x2];
	[bflag:$0x3] =	sbarrier.arrive $0xFFFF;
	s2 =	simm.s32 @!p0 $0x1C03  }
0x135: {  	[timem:s3], [sflag:s2] =	dma.local @!p0 [hbm:s0], s1  }
0x136: {  	s0 =	simm.s32 @!p0 $0x3  }
0x137: {  	_ =	swait.ge @!p0 [sflag:s0], s1  }
0x138: {  	s1 =	ssub.s32 @!p0 $0x0, s1;
	[sflag:s0] =	ssyncset.done @!p0 $0x0  }
0x139: {  	[sflag:s0] =	ssyncadd.s32 @!p0 s1  }
0x13a: {  	[bflag:$0x3] =	sbarrier.arrive $0xFFFF  }
0x13b: {  	_ =	shalt  }

// kernel: kernel.3.cloned.1.call-start
scs
__scs_entry_jumppad:
0x0: {  	(pc) =	sbr.rel $0x88, $3  }
0x1: {  	(tag) =	ssettag $0x0;
	lr =	simm.s32 $0x1  }
0x2: {  	[smem:$0x3F9E] =	sst lr;
	_ =	strace $0xD0000000  }
0x3: {  	_ = 	snop  }
0x4: {  	_ = 	snop  }
0x5: {  	_ = 	snop  }
0x6: {  	_ = 	snop  }
0x7: {  	_ = 	snop  }
__scs_overlays_trampoline_lowered:
0x8: {  	[smem:$0x3FAD] =	sst s0  }
0x9: {  	[smem:$0x3FAE] =	sst s1  }
0xa: {  	[smem:$0x3FAF] =	sst s2  }
0xb: {  	[smem:$0x3FB0] =	sst s3  }
0xc: {  	[smem:$0x3FB1] =	sst s4  }
0xd: {  	[smem:$0x3FB2] =	sst s5  }
0xe: {  	[smem:$0x3FB3] =	sst s6  }
0xf: {  	[smem:$0x3FB4] =	sst s7  }
0x10: {  	[smem:$0x3FB5] =	sst s8  }
0x11: {  	[smem:$0x3FB6] =	sst s9;
	s0 =	simm.s32 @!p0 $0x0  }
0x12: {  	s1 =	sld [smem:$0x3F9C];
	s0 =	simm.s32 @p0 $0x1  }
0x13: {  	[smem:$0x3FB7] =	sst s0;
	s0 =	simm.s32 @!p1 $0x0  }
0x14: {  	s2 =	sld [smem:$0x3F9B];
	s0 =	simm.s32 @p1 $0x1  }
0x15: {  	[smem:$0x3FB8] =	sst s0;
	s0 =	simm.s32 @!p2 $0x0  }
0x16: {  	s3 =	sld [smem:$0x3FDB];
	s0 =	simm.s32 @p2 $0x1  }
0x17: {  	s4 =	simm.s32 $0x1BF5;
	[smem:$0x3FBA] =	sst s0  }
0x18: {  	s0 =	sld [smem:$0x3F9D];
	_ =	swait.ge [sflag:s4], $0x0  }
0x19: {  	s7 =	sld [smem:$0x3F9E]  }
0x1a: {  	s8 =	sadd.s32 $0xFFFFE003, lr  }
0x1b: {  	s9 =	sadd.s32 $0xFFFFFEF7, lr;
	s5 =	simm.s32 $0xFFFFFFFF;
	p2 =	slt.u32 s8, $0xFFFFF086  }
0x1c: {  	p1 =	slt.u32 s9, $0xF7A;
	s5 =	simm.s32 @!p2 $0x0  }
0x1d: {  	s5 =	simm.s32 @p1 $0x1;
	p0 =	seq.s32 s7, s2  }
0x1e: {  	s7 =	smul.u32 @!p0 $0xF7A, s2;
	p2 =	seq.s32 @!p0 s5, $0x0  }
0x1f: {  	s9 =	smul.u32 $0xF7A, s1;
	s8 =	simm.s32 @!p0 $0x1BF5;
	p2 =	por !p2, p0  }
0x20: {  	[sflag:s8] =	ssyncset.s32 @!p0 $0xFFFFF086;
	s6 =	sadd.s32 @!p0 s3, s7;
	s7 =	simm.s32 @!p0 $0x108  }
0x21: {  	s3 =	sadd.s32 s3, s9;
	s6 =	sadd.s32 @!p0 $0x88, s6;
	s7 =	simm.s32 @p2 $0x1082  }
0x22: {  	[simem:s7], [sflag:s8] =	dma.local @!p0 [hbm:s6], $0xF7A  }
0x23: {  	s9 =	sor.u32 $0xD0000000, s2;
	s6 =	simm.s32 $0x108;
	_ =	swait.ge @!p0 [sflag:s8], $0x0  }
0x24: {  	s3 =	sadd.s32 $0x88, s3;
	s6 =	simm.s32 @!p1 $0x1082;
	[sflag:s4] =	ssyncset.s32 $0xFFFFF086  }
0x25: {  	[simem:s6], [sflag:s4] =	dma.local [hbm:s3], $0xF7A  }
0x26: {  	[smem:$0x3F9E] =	sst s1;
	(tag) =	ssettag s2;
	_ =	strace s9  }
0x27: {  	s1 =	sld [smem:$0x3FAE]  }
0x28: {  	s2 =	sld [smem:$0x3FAF]  }
0x29: {  	s4 =	sld [smem:$0x3FB1]  }
0x2a: {  	p0 =	seq.s32 s5, $0x0;
	s5 =	sld [smem:$0x3FB2]  }
0x2b: {  	s6 =	sld [smem:$0x3FB3]  }
0x2c: {  	s7 =	sld [smem:$0x3FB4]  }
0x2d: {  	s3 =	simm.s32 $0x108;
	s8 =	sld [smem:$0x3FB5]  }
0x2e: {  	s3 =	simm.s32 @!p0 $0x1082;
	s9 =	sld [smem:$0x3FB6]  }
0x2f: {  	lr =	sadd.s32 s0, s3;
	s0 =	sld [smem:$0x3FAD]  }
0x30: {  	s3 =	sld [smem:$0x3FB0]  }
0x31: {  	[smem:$0x3FB9] =	sst s10  }
0x32: {  	s10 =	sld [smem:$0x3FB7];
	_ =	sdelay $0x3  }
0x33: {  	p0 =	seq.s32 s10, $0x1;
	s10 =	sld [smem:$0x3FB9];
	_ =	sdelay $0x3  }
0x34: {  	[smem:$0x3FB9] =	sst s10  }
0x35: {  	s10 =	sld [smem:$0x3FB8];
	_ =	sdelay $0x3  }
0x36: {  	p1 =	seq.s32 s10, $0x1;
	s10 =	sld [smem:$0x3FB9];
	_ =	sdelay $0x3  }
0x37: {  	[smem:$0x3FB9] =	sst s10  }
0x38: {  	s10 =	sld [smem:$0x3FBA]  }
0x39: {  	_ = 	snop;
	(pc) =	sbr.ind lr, $3  }
0x3a: {  	_ = 	snop  }
0x3b: {  	_ = 	snop  }
0x3c: {  	p2 =	seq.s32 s10, $0x1;
	s10 =	sld [smem:$0x3FB9]  }
0x3d: {  	_ =	shalt  }
0x3e: {  	_ =	shalt  }
0x3f: {  	_ =	shalt  }
0x40: {  	_ =	shalt  }
0x41: {  	_ =	shalt  }
0x42: {  	_ =	shalt  }
0x43: {  	_ =	shalt  }
0x44: {  	_ =	shalt  }
0x45: {  	_ =	shalt  }
0x46: {  	_ =	shalt  }
0x47: {  	_ =	shalt  }
0x48: {  	_ =	shalt  }
0x49: {  	_ =	shalt  }
0x4a: {  	_ =	shalt  }
0x4b: {  	_ =	shalt  }
0x4c: {  	_ =	shalt  }
0x4d: {  	_ =	shalt  }
0x4e: {  	_ =	shalt  }
0x4f: {  	_ =	shalt  }
0x50: {  	_ =	shalt  }
0x51: {  	_ =	shalt  }
0x52: {  	_ =	shalt  }
0x53: {  	_ =	shalt  }
0x54: {  	_ =	shalt  }
0x55: {  	_ =	shalt  }
0x56: {  	_ =	shalt  }
0x57: {  	_ =	shalt  }
0x58: {  	_ =	shalt  }
0x59: {  	_ =	shalt  }
0x5a: {  	_ =	shalt  }
0x5b: {  	_ =	shalt  }
0x5c: {  	_ =	shalt  }
0x5d: {  	_ =	shalt  }
0x5e: {  	_ =	shalt  }
0x5f: {  	_ =	shalt  }
0x60: {  	_ =	shalt  }
0x61: {  	_ =	shalt  }
0x62: {  	_ =	shalt  }
0x63: {  	_ =	shalt  }
0x64: {  	_ =	shalt  }
0x65: {  	_ =	shalt  }
0x66: {  	_ =	shalt  }
0x67: {  	_ =	shalt  }
0x68: {  	_ =	shalt  }
0x69: {  	_ =	shalt  }
0x6a: {  	_ =	shalt  }
0x6b: {  	_ =	shalt  }
0x6c: {  	_ =	shalt  }
0x6d: {  	_ =	shalt  }
0x6e: {  	_ =	shalt  }
0x6f: {  	_ =	shalt  }
0x70: {  	_ =	shalt  }
0x71: {  	_ =	shalt  }
0x72: {  	_ =	shalt  }
0x73: {  	_ =	shalt  }
0x74: {  	_ =	shalt  }
0x75: {  	_ =	shalt  }
0x76: {  	_ =	shalt  }
0x77: {  	_ =	shalt  }
0x78: {  	_ =	shalt  }
0x79: {  	_ =	shalt  }
0x7a: {  	_ =	shalt  }
0x7b: {  	_ =	shalt  }
0x7c: {  	_ =	shalt  }
0x7d: {  	_ =	shalt  }
0x7e: {  	_ =	shalt  }
0x7f: {  	_ =	shalt  }
0x80: {  	_ =	shalt  }
0x81: {  	_ =	shalt  }
0x82: {  	_ =	shalt  }
0x83: {  	_ =	shalt  }
0x84: {  	_ =	shalt  }
0x85: {  	_ =	shalt  }
0x86: {  	_ =	shalt  }
0x87: {  	_ =	shalt  }
.Lfunc_end0:
.L_simem_size_0:
called_computation.1_lowered:
.L_overlay_start_0:
0x88: {  	s2 =	sld [smem:$0x3FD9]  }
0x89: {  	s3 =	sld [smem:$0x3FFE];
	_ =	sdelay $0x1  }
0x8a: {  	s1 =	srdreg.scid  }
0x8b: {  	s0 =	sand.u32 $0x1, s1  }
0x8c: {  	s17 =	sshll.u32 s0, $0xA;
	s2 =	sadd.s32 s3, s2  }
0x8d: {  	s2 =	sadd.s32 s2, s17  }
0x8e: {  	[smem:$0x3FC5] =	sst s2  }
0x8f: {  	_ = 	snop  }
0x90: {  	s2 =	sld [smem:$0x3FC9]  }
0x91: {  	s18 =	sld [smem:$0x3FC8]  }
0x92: {  	s4 =	sld [smem:$0x3FC7]  }
0x93: {  	s5 =	sld [smem:$0x3FD0];
	(tm) =	ssettm $0x1  }
0x94: {  	s6 =	sld [smem:$0x3FFB];
	_ =	sdelay $0x3  }
0x95: {  	_ =	strace s6  }
0x96: {  	s6 =	sld [smem:$0x3FFC];
	_ =	sdelay $0x3  }
0x97: {  	_ =	strace s6  }
0x98: {  	s6 =	sld [smem:$0x3FFD];
	_ =	sdelay $0x3  }
0x99: {  	_ =	strace s6  }
0x9a: {  	_ =	strace $0x8FFFFFFF  }
0x9b: {  	s19 =	sld [smem:$0x3FDB];
	_ =	sdelay $0x1  }
0x9c: {  	s7 =	simm.s32 $_scs_section_size  }
0x9d: {  	s8 =	simm.s32 $_size__tile_overlayer_lowered;
	s9 =	simm.s32 $_tile_overlayer_lowered  }
0x9e: {  	s22 =	simm.s32 $0x1BFF;
	s21 =	sshll.u32 s9, $0x1;
	s6 =	sadd.s32 s7, s19  }
0x9f: {  	s10 =	simm.s32 $0x0;
	s20 =	sshll.u32 s8, $0x1;
	s8 =	sadd.s32 s21, s6  }
0xa0: {  	[timem:s10], [sflag:s22] =	dma.local [hbm:s8], s20  }
0xa1: {  	_ =	swait.ge [sflag:s22], s20  }
0xa2: {  	s7 =	ssub.s32 $0x0, s20;
	[sflag:s22] =	ssyncset.done $0x0  }
0xa3: {  	[sflag:s22] =	ssyncadd.s32 s7;
	_ =	sdelay $0x1  }
0xa4: {  	s23 =	simm.s32 $0x1B8B  }
0xa5: {  	_ =	swait.ge [sflag:s23], $0x1  }
0xa6: {  	[sflag:s23] =	ssyncset.done $0x0  }
0xa7: {  	s25 =	simm.s32 $0x1B8E;
	s24 =	sld [smem:$0x3FFE];
	[sflag:s23] =	ssyncadd.s32 $0xFFFFFFFF  }
0xa8: {  	s26 =	simm.s32 $execute0_lowered;
	[smem:$0x3FD2] =	sst s25  }
0xa9: {  	s8 =	sshll.u32 s26, $0x1;
	_ =	strace $0x80000049;
	[dreg:$0x1] =	wrdreg $0xFFFFFFFF  }
0xaa: {  	s28 =	simm.s32 $_size_execute0_lowered;
	s6 =	sadd.s32 s6, s8;
	[dreg:$0x0] =	wrdreg $0x0  }
0xab: {  	s8 =	sshll.u32 s28, $0x1;
	[dreg:$0x2] =	wrdreg s6  }
0xac: {  	[dreg:$0x3] =	wrdreg s8  }
0xad: {  	[dreg:$0x4] =	wrdreg $0xC0  }
0xae: {  	_ =	task [dreg:s10], $0x5FFFF  }
0xaf: {  	[dreg:$0x1] =	wrdreg $0xFFFFFFFF  }
0xb0: {  	[dreg:$0x0] =	wrdreg $0x60  }
0xb1: {  	[dreg:$0x2] =	wrdreg s2  }
0xb2: {  	[dreg:$0x3] =	wrdreg s18  }
0xb3: {  	[dreg:$0x4] =	wrdreg s4  }
0xb4: {  	[dreg:$0x5] =	wrdreg s5  }
0xb5: {  	[dreg:$0x6] =	wrdreg s24  }
0xb6: {  	[dreg:$0x7] =	wrdreg $0x9  }
0xb7: {  	_ =	task.clear_ibuf [dreg:s10], $0x8FFFF;
	_ =	strace $0x90000049  }
0xb8: {  	s29 =	simm.s32 $0x9;
	_ =	strace $0x8000004B  }
0xb9: {  	_ =	swait.ge [sflag:s29], $0x1  }
0xba: {  	[sflag:s29] =	ssyncadd.s32 $0xFFFFFFFF  }
0xbb: {  	_ =	strace $0x9000004B  }
0xbc: {  	_ =	sfence  }
0xbd: {  	s30 =	sld [smem:$0x0];
	_ =	sdelay $0x2  }
0xbe: {  	s31 =	sshll.u32 s1, $0xD;
	s1 =	sshrl.u32 s1, $0x2  }
0xbf: {  	s3 =	sand.u32 $0x4000, s31;
	s1 =	sadd.s32 s1, s30  }
0xc0: {  	s0 =	sor.u32 s3, s0;
	s1 =	sshll.u32 s1, $0x11  }
0xc1: {  	s0 =	sor.u32 s1, s0  }
0xc2: {  	s0 =	sadd.s32 $0x8F2B, s0  }
0xc3: {  	[sflag:s0] =	ssyncadd.remote.s32 $0x1  }
0xc4: {  	_ =	sfence.sel $0xFFFF  }
0xc5: {  	[dreg:$0x0] =	wrdreg $0xFFFFFFFF;
	(pc) =	sbr.abs _section_cstart, $3  }
0xc6: {  	[dreg:$0x1] =	wrdreg $0xFFFFFFFF  }
0xc7: {  	_ =	task.clear_ibuf [dreg:s10], $0x2FFFF;
	_ =	strace $0x9FFFFFFF  }
0xc8: {  	(tm) =	ssettm $0x7FFFFFFF  }
0xc9: {  	_ =	shalt  }
tec
execute0_lowered:
.L_overlay_start_1:
0x0: {  	(tag) =	ssettag $0x1  }
0x1: {  	s11 =	rddreg [dreg:$0x0]  }
0x2: {  	s1 =	rddreg [dreg:$0x1]  }
0x3: {  	s2 =	rddreg [dreg:$0x2]  }
0x4: {  	s9 =	rddreg [dreg:$0x3]  }
0x5: {  	s5 =	rddreg [dreg:$0x4]  }
0x6: {  	s4 =	simm.s32 $0x0;
	s6 =	srdreg.scid;
	s3 =	stileid.u32  }
0x7: {  	s17 =	simm.s32 $0x12000;
	s18 =	simm.s32 $0x15;
	s19 =	simm.s32 $0x16000  }
0x8: {  	s20 =	simm.s32 $0x0;
	[smem:$0x7FF] =	sst s4;
	s12 =	sand.u32 $0x1, s6  }
0x9: {  	s24 =	sshll.u32 s3, $0x1;
	s28 =	sshll.u32 s3, $0x12;
	s30 =	sshll.u32 s3, $0xE  }
0xa: {  	_ =	strace $0x8000004A;
	s8 =	sor.u32 s12, s24;
	s25 =	ssub.s32 $0x2, s12  }
0xb: {  	s29 =	sshll.u32 s12, $0x11;
	s16 =	sshll.u32 s12, $0xD;
	s7 =	sshll.u32 s8, $0x4  }
0xc: {  	v0 =	vlaneseq.u32;
	s10 =	sshrl.u32 s25, $0x1;
	s13 =	sshll.u32 s8, $0x11;
	s26 =	sshll.u32 s8, $0xA  }
0xd: {  	vm1 =	vmmov $0x1;
	vm2 =	vmmov $0x3;
	vm3 =	vmmov $0x7;
	s31 =	sor.u32 s16, s30;
	s16 =	simm.s32 $0x80;
	s14 =	sadd.s32 s7, s5  }
0xe: {  	vm4 =	vmmov $0xf;
	vm5 =	vmmov $0x1f;
	vm6 =	vmmov $0x3f;
	s15 =	ssub.s32 s25, s10;
	s5 =	sadd.s32 s11, s13;
	s9 =	sadd.s32 s9, s26  }
0xf: {  	vm7 =	vmmov $0x7f;
	vm8 =	vmmov $0xff;
	vm9 =	vmmov $0x1ff;
	s11 =	sadd.s32 s28, s11;
	[dreg:$0x6] =	wrdreg s31;
	s6 =	sadd.s32 $0x800, s5  }
0x10: {  	vm10 =	vmmov $0x3ff;
	vm11 =	vmmov $0x7ff;
	v1 =	vimm.s32 $0x0;
	s7 =	sadd.s32 $0x1000, s5;
	s8 =	sadd.s32 $0x1800, s5;
	s10 =	sadd.s32 $0x1000, s14  }
0x11: {  	vm12 =	vmmov $0xfff;
	vm13 =	vmmov $0x1fff;
	v1 =	vsel vm1, $0xFFFFFFFF, v1;
	s13 =	sadd.s32 s29, s11;
	s11 =	smax.u32 s15, $0x1;
	s14 =	simm.s32 $0x8000  }
0x12: {  	vm14 =	vmmov $0x3fff;
	vm15 =	vmmov $0x7fff;
	v0 =	vmul.u32 $0x80, v0;
	[tilespmem:$0x1FFF0] =	vst v1;
	s15 =	simm.s32 $0xC000;
	s12 =	sadd.s32 $0x2000, s13;
	s13 =	simm.s32 $0x4000  }
.LBB2_1:
0x13: {  	[tilespmem:s4], [sflag:$0x1] =	stream.linear.gather [hbm4b:s5+s4], $0x4000, $0x38;
	[tilespmem:$0x16080] =	vst v63  }
0x14: {  	_ = 	snop  }
0x15: {  	[tilespmem:s13], [sflag:$0x2] =	stream.linear.gather [hbm4b:s6+s4], $0x4000, $0x38;
	[tilespmem:$0x16080] =	vst v63  }
0x16: {  	s21 =	simm.s32 $0x0  }
0x17: {  	[tilespmem:s14], [sflag:$0x3] =	stream.linear.gather [hbm4b:s7+s4], $0x4000, $0x38;
	[tilespmem:$0x16080] =	vst v63  }
0x18: {  	s22 =	simm.s32 $0x0;
	s23 =	smov.u32 s12;
	s24 =	simm.s32 $0x0  }
0x19: {  	v1 =	vimm.s32 $0x0;
	[tilespmem:s15], [sflag:$0x4] =	stream.linear.gather [hbm4b:s8+s4], $0x4000, $0x38;
	[tilespmem:$0x16080] =	vst v63  }
.LBB2_2:
0x1a: {  	s26 =	sand.u32 $0x3, s24  }
0x1b: {  	s25 =	sadd.s32 $0x1, s26  }
0x1c: {  	s28 =	rddreg [dreg:$0x6];
	_ =	swait.ge [sflag:s25], $0x4000  }
0x1d: {  	[sflag:s25] =	ssyncset.done $0x0  }
0x1e: {  	s26 =	sshll.u32 s26, $0xE;
	v21 =	vld [tilespmem:$0x1FFF0];
	[sflag:s25] =	ssyncadd.s32 $0xFFFFC000  }
0x1f: {  	v2 =	vld [tilespmem:s26+$0x0]  }
0x20: {  	v3 =	vld [tilespmem:s26+$0x80]  }
0x21: {  	v4 =	vld [tilespmem:s26+$0x100]  }
0x22: {  	v5 =	vld [tilespmem:s26+$0x180]  }
0x23: {  	v6 =	vld [tilespmem:s26+$0x200]  }
0x24: {  	(xrf2) =	vadd.scan.msk.f32 $0xffff, v2;
	v2 =	vld [tilespmem:s26+$0x280]  }
0x25: {  	(xrf2) =	vadd.scan.msk.f32 $0xffff, v3;
	v3 =	vld [tilespmem:s26+$0x300]  }
0x26: {  	v12 =	vld [tilespmem:s26+$0x380];
	(xrf2) =	vadd.scan.msk.f32 $0xffff, v4  }
0x27: {  	v13 =	vld [tilespmem:s26+$0x400];
	(xrf2) =	vadd.scan.msk.f32 $0xffff, v5  }
0x28: {  	v14 =	vld [tilespmem:s26+$0x480];
	(xrf2) =	vadd.scan.msk.f32 $0xffff, v6  }
0x29: {  	(xrf2) =	vadd.scan.msk.f32 $0xffff, v2;
	v2 =	vld [tilespmem:s26+$0x500]  }
0x2a: {  	(xrf2) =	vadd.scan.msk.f32 $0xffff, v3;
	v3 =	vld [tilespmem:s26+$0x580]  }
0x2b: {  	v15 =	vld [tilespmem:s26+$0x600];
	(xrf2) =	vadd.scan.msk.f32 $0xffff, v12  }
0x2c: {  	v16 =	vld [tilespmem:s26+$0x680];
	(xrf2) =	vadd.scan.msk.f32 $0xffff, v13  }
0x2d: {  	v17 =	vld [tilespmem:s26+$0x700];
	(xrf2) =	vadd.scan.msk.f32 $0xffff, v14  }
0x2e: {  	v7, _, _ =	vpop (xrf2);
	(xrf2) =	vadd.scan.msk.f32 $0xffff, v2;
	v2 =	vld [tilespmem:s26+$0x780]  }
0x2f: {  	v8, _, _ =	vpop (xrf2);
	(xrf2) =	vadd.scan.msk.f32 $0xffff, v3  }
0x30: {  	vm1 =	vmmov vm15;
	vm15 =	vlt.f32 v7, $5.000000000e-01;
	vm0 =	vlt.f32 v8, $5.000000000e-01;
	v3, _, _ =	vpop (xrf2);
	(xrf2) =	vadd.scan.msk.f32 $0xffff, v15  }
0x31: {  	v18 =	vmpcnt.ones.xlane vm15;
	v19 =	vmpcnt.ones.xlane vm0;
	vm0 =	vlt.f32 v3, $5.000000000e-01;
	v3, _, _ =	vpop (xrf2);
	(xrf2) =	vadd.scan.msk.f32 $0xffff, v16  }
0x32: {  	vm15 =	vnez.u8 v21;
	v20 =	vmpcnt.ones.xlane vm0;
	vm0 =	vlt.f32 v3, $5.000000000e-01;
	v3, _, _ =	vpop (xrf2);
	(xrf2) =	vadd.scan.msk.f32 $0xffff, v17  }
0x33: {  	v4 =	vsel vm15, v18, v19;
	v22 =	vmpcnt.ones.xlane vm0;
	vm0 =	vlt.f32 v3, $5.000000000e-01;
	v3, _, _ =	vpop (xrf2);
	(xrf2) =	vadd.scan.msk.f32 $0xffff, v2  }
0x34: {  	v2 =	vsel vm2, v4, v20;
	v23 =	vmpcnt.ones.xlane vm0;
	vm0 =	vlt.f32 v3, $5.000000000e-01;
	v3, _, _ =	vpop (xrf2)  }
0x35: {  	v2 =	vsel vm3, v2, v22;
	v24 =	vmpcnt.ones.xlane vm0;
	vm0 =	vlt.f32 v3, $5.000000000e-01;
	v3, _, _ =	vpop (xrf2)  }
0x36: {  	v2 =	vsel vm4, v2, v23;
	v25 =	vmpcnt.ones.xlane vm0;
	vm0 =	vlt.f32 v3, $5.000000000e-01;
	v3, _, _ =	vpop (xrf2)  }
0x37: {  	v2 =	vsel vm5, v2, v24;
	v26 =	vmpcnt.ones.xlane vm0;
	vm0 =	vlt.f32 v3, $5.000000000e-01;
	v3, _, _ =	vpop (xrf2)  }
0x38: {  	v2 =	vsel vm6, v2, v25;
	v27 =	vmpcnt.ones.xlane vm0;
	vm0 =	vlt.f32 v3, $5.000000000e-01;
	v3, _, _ =	vpop (xrf2)  }
0x39: {  	v2 =	vsel vm7, v2, v26;
	v28 =	vmpcnt.ones.xlane vm0;
	vm0 =	vlt.f32 v3, $5.000000000e-01;
	v3, _, _ =	vpop (xrf2)  }
0x3a: {  	v2 =	vsel vm8, v2, v27;
	v29 =	vmpcnt.ones.xlane vm0;
	vm0 =	vlt.f32 v3, $5.000000000e-01;
	v3, _, _ =	vpop (xrf2)  }
0x3b: {  	v2 =	vsel vm9, v2, v28;
	v30 =	vmpcnt.ones.xlane vm0;
	vm0 =	vlt.f32 v3, $5.000000000e-01;
	v3, _, _ =	vpop (xrf2)  }
0x3c: {  	v2 =	vsel vm10, v2, v29;
	v31 =	vmpcnt.ones.xlane vm0;
	vm0 =	vlt.f32 v3, $5.000000000e-01;
	v3, _, _ =	vpop (xrf2)  }
0x3d: {  	v2 =	vsel vm11, v2, v30;
	v32 =	vmpcnt.ones.xlane vm0;
	vm0 =	vlt.f32 v3, $5.000000000e-01;
	v3, _, _ =	vpop (xrf2)  }
0x3e: {  	s29 =	sadd.s32 s22, s28;
	v2 =	vsel vm12, v2, v31;
	v33 =	vmpcnt.ones.xlane vm0;
	vm0 =	vlt.f32 v3, $5.000000000e-01  }
0x3f: {  	v3 =	vmov s29;
	v2 =	vsel vm13, v2, v32;
	v34 =	vmpcnt.ones.xlane vm0  }
0x40: {  	v3 =	vshll.u32 v3, $0x7;
	v2 =	vsel vm14, v2, v33  }
0x41: {  	v3 =	vor.u32 v0, v3;
	v2 =	vsel vm1, v2, v34  }
0x42: {  	s28 =	sshra.s32 s21, $0x2;
	v3 =	vadd.s32 v3, v2  }
0x43: {  	v54 =	vld [tilespmem:$0x1FFF0];
	[tilespmem:s28+$0x10000] =	vst v3  }
0x44: {  	v3 =	vld [tilespmem:s26+$0x800]  }
0x45: {  	v35 =	vld [tilespmem:s26+$0x880]  }
0x46: {  	v36 =	vld [tilespmem:s26+$0x900]  }
0x47: {  	v37 =	vld [tilespmem:s26+$0x980]  }
0x48: {  	v38 =	vld [tilespmem:s26+$0xA00]  }
0x49: {  	(xrf2) =	vadd.scan.msk.f32 $0xffff, v3;
	v3 =	vld [tilespmem:s26+$0xA80]  }
0x4a: {  	v39 =	vld [tilespmem:s26+$0xB00];
	(xrf2) =	vadd.scan.msk.f32 $0xffff, v35  }
0x4b: {  	v40 =	vld [tilespmem:s26+$0xB80];
	(xrf2) =	vadd.scan.msk.f32 $0xffff, v36  }
0x4c: {  	v41 =	vld [tilespmem:s26+$0xC00];
	(xrf2) =	vadd.scan.msk.f32 $0xffff, v37  }
0x4d: {  	v42 =	vld [tilespmem:s26+$0xC80];
	(xrf2) =	vadd.scan.msk.f32 $0xffff, v38  }
0x4e: {  	(xrf2) =	vadd.scan.msk.f32 $0xffff, v3;
	v3 =	vld [tilespmem:s26+$0xD00]  }
0x4f: {  	v43 =	vld [tilespmem:s26+$0xD80];
	(xrf2) =	vadd.scan.msk.f32 $0xffff, v39  }
0x50: {  	v44 =	vld [tilespmem:s26+$0xE00];
	(xrf2) =	vadd.scan.msk.f32 $0xffff, v40  }
0x51: {  	v45 =	vld [tilespmem:s26+$0xE80];
	(xrf2) =	vadd.scan.msk.f32 $0xffff, v41  }
0x52: {  	v46 =	vld [tilespmem:s26+$0xF00];
	(xrf2) =	vadd.scan.msk.f32 $0xffff, v42  }
0x53: {  	v47, _, _ =	vpop (xrf2);
	(xrf2) =	vadd.scan.msk.f32 $0xffff, v3;
	v3 =	vld [tilespmem:s26+$0xF80]  }
0x54: {  	v9, _, _ =	vpop (xrf2);
	(xrf2) =	vadd.scan.msk.f32 $0xffff, v43  }
0x55: {  	vm0 =	vlt.f32 v47, $5.000000000e-01;
	vm15 =	vlt.f32 v9, $5.000000000e-01;
	v48, _, _ =	vpop (xrf2);
	(xrf2) =	vadd.scan.msk.f32 $0xffff, v44  }
0x56: {  	v49 =	vmpcnt.ones.xlane vm0;
	v50 =	vmpcnt.ones.xlane vm15;
	vm0 =	vlt.f32 v48, $5.000000000e-01;
	v51, _, _ =	vpop (xrf2);
	(xrf2) =	vadd.scan.msk.f32 $0xffff, v45  }
0x57: {  	vm15 =	vnez.u8 v54;
	v52 =	vmpcnt.ones.xlane vm0;
	vm0 =	vlt.f32 v51, $5.000000000e-01;
	v53, _, _ =	vpop (xrf2);
	(xrf2) =	vadd.scan.msk.f32 $0xffff, v46  }
0x58: {  	v5 =	vsel vm15, v49, v50;
	v55 =	vmpcnt.ones.xlane vm0;
	vm0 =	vlt.f32 v53, $5.000000000e-01;
	v56, _, _ =	vpop (xrf2);
	(xrf2) =	vadd.scan.msk.f32 $0xffff, v3  }
0x59: {  	v3 =	vsel vm2, v5, v52;
	v57 =	vmpcnt.ones.xlane vm0;
	vm0 =	vlt.f32 v56, $5.000000000e-01;
	v58, _, _ =	vpop (xrf2)  }
0x5a: {  	v3 =	vsel vm3, v3, v55;
	v59 =	vmpcnt.ones.xlane vm0;
	vm0 =	vlt.f32 v58, $5.000000000e-01;
	v60, _, _ =	vpop (xrf2)  }
0x5b: {  	v3 =	vsel vm4, v3, v57;
	v61 =	vmpcnt.ones.xlane vm0;
	vm0 =	vlt.f32 v60, $5.000000000e-01;
	v62, _, _ =	vpop (xrf2)  }
0x5c: {  	v3 =	vsel vm5, v3, v59;
	v63 =	vmpcnt.ones.xlane vm0;
	vm0 =	vlt.f32 v62, $5.000000000e-01;
	v9, _, _ =	vpop (xrf2)  }
0x5d: {  	v3 =	vsel vm6, v3, v61;
	v10 =	vmpcnt.ones.xlane vm0;
	vm0 =	vlt.f32 v9, $5.000000000e-01;
	v11, _, _ =	vpop (xrf2)  }
0x5e: {  	v3 =	vsel vm7, v3, v63;
	v12 =	vmpcnt.ones.xlane vm0;
	vm0 =	vlt.f32 v11, $5.000000000e-01;
	v13, _, _ =	vpop (xrf2)  }
0x5f: {  	v3 =	vsel vm8, v3, v10;
	v14 =	vmpcnt.ones.xlane vm0;
	vm0 =	vlt.f32 v13, $5.000000000e-01;
	v15, _, _ =	vpop (xrf2)  }
0x60: {  	v3 =	vsel vm9, v3, v12;
	v16 =	vmpcnt.ones.xlane vm0;
	vm0 =	vlt.f32 v15, $5.000000000e-01;
	v17, _, _ =	vpop (xrf2)  }
0x61: {  	v3 =	vsel vm10, v3, v14;
	v18 =	vmpcnt.ones.xlane vm0;
	vm0 =	vlt.f32 v17, $5.000000000e-01;
	v19, _, _ =	vpop (xrf2)  }
0x62: {  	v3 =	vsel vm11, v3, v16;
	v20 =	vmpcnt.ones.xlane vm0;
	vm0 =	vlt.f32 v19, $5.000000000e-01;
	v21, _, _ =	vpop (xrf2)  }
0x63: {  	s30 =	sadd.s32 $0x10, s29;
	v3 =	vsel vm12, v3, v18;
	v22 =	vmpcnt.ones.xlane vm0;
	vm0 =	vlt.f32 v21, $5.000000000e-01  }
0x64: {  	v23 =	vmov s30;
	v3 =	vsel vm13, v3, v20;
	v24 =	vmpcnt.ones.xlane vm0  }
0x65: {  	v4 =	vshll.u32 v23, $0x7;
	v3 =	vsel vm14, v3, v22  }
0x66: {  	v4 =	vor.u32 v0, v4;
	v3 =	vsel vm1, v3, v24  }
0x67: {  	v4 =	vadd.s32 v4, v3  }
0x68: {  	v47 =	vld [tilespmem:$0x1FFF0];
	[tilespmem:s28+$0x10010] =	vst v4  }
0x69: {  	v4 =	vld [tilespmem:s26+$0x1000]  }
0x6a: {  	v25 =	vld [tilespmem:s26+$0x1080]  }
0x6b: {  	v26 =	vld [tilespmem:s26+$0x1100]  }
0x6c: {  	v27 =	vld [tilespmem:s26+$0x1180]  }
0x6d: {  	v28 =	vld [tilespmem:s26+$0x1200]  }
0x6e: {  	v29 =	vld [tilespmem:s26+$0x1280];
	(xrf2) =	vadd.scan.msk.f32 $0xffff, v4  }
0x6f: {  	v30 =	vld [tilespmem:s26+$0x1300];
	(xrf2) =	vadd.scan.msk.f32 $0xffff, v25  }
0x70: {  	v31 =	vld [tilespmem:s26+$0x1380];
	(xrf2) =	vadd.scan.msk.f32 $0xffff, v26  }
0x71: {  	v32 =	vld [tilespmem:s26+$0x1400];
	(xrf2) =	vadd.scan.msk.f32 $0xffff, v27  }
0x72: {  	v33 =	vld [tilespmem:s26+$0x1480];
	(xrf2) =	vadd.scan.msk.f32 $0xffff, v28  }
0x73: {  	v34 =	vld [tilespmem:s26+$0x1500];
	(xrf2) =	vadd.scan.msk.f32 $0xffff, v29  }
0x74: {  	v35 =	vld [tilespmem:s26+$0x1580];
	(xrf2) =	vadd.scan.msk.f32 $0xffff, v30  }
0x75: {  	v36 =	vld [tilespmem:s26+$0x1600];
	(xrf2) =	vadd.scan.msk.f32 $0xffff, v31  }
0x76: {  	v37 =	vld [tilespmem:s26+$0x1680];
	(xrf2) =	vadd.scan.msk.f32 $0xffff, v32  }
0x77: {  	v38 =	vld [tilespmem:s26+$0x1700];
	(xrf2) =	vadd.scan.msk.f32 $0xffff, v33  }
0x78: {  	v40 =	vld [tilespmem:s26+$0x1780];
	v39, _, _ =	vpop (xrf2);
	(xrf2) =	vadd.scan.msk.f32 $0xffff, v34  }
0x79: {  	v10, _, _ =	vpop (xrf2);
	(xrf2) =	vadd.scan.msk.f32 $0xffff, v35  }
0x7a: {  	vm0 =	vlt.f32 v39, $5.000000000e-01;
	vm15 =	vlt.f32 v10, $5.000000000e-01;
	v41, _, _ =	vpop (xrf2);
	(xrf2) =	vadd.scan.msk.f32 $0xffff, v36  }
0x7b: {  	v42 =	vmpcnt.ones.xlane vm0;
	v43 =	vmpcnt.ones.xlane vm15;
	vm0 =	vlt.f32 v41, $5.000000000e-01;
	v44, _, _ =	vpop (xrf2);
	(xrf2) =	vadd.scan.msk.f32 $0xffff, v37  }
0x7c: {  	vm15 =	vnez.u8 v47;
	v45 =	vmpcnt.ones.xlane vm0;
	vm0 =	vlt.f32 v44, $5.000000000e-01;
	v46, _, _ =	vpop (xrf2);
	(xrf2) =	vadd.scan.msk.f32 $0xffff, v38  }
0x7d: {  	v6 =	vsel vm15, v42, v43;
	v48 =	vmpcnt.ones.xlane vm0;
	vm0 =	vlt.f32 v46, $5.000000000e-01;
	v49, _, _ =	vpop (xrf2);
	(xrf2) =	vadd.scan.msk.f32 $0xffff, v40  }
0x7e: {  	v50 =	vsel vm2, v6, v45;
	v51 =	vmpcnt.ones.xlane vm0;
	vm0 =	vlt.f32 v49, $5.000000000e-01;
	v52, _, _ =	vpop (xrf2)  }
0x7f: {  	v4 =	vsel vm3, v50, v48;
	v53 =	vmpcnt.ones.xlane vm0;
	vm0 =	vlt.f32 v52, $5.000000000e-01;
	v54, _, _ =	vpop (xrf2)  }
0x80: {  	v4 =	vsel vm4, v4, v51;
	v55 =	vmpcnt.ones.xlane vm0;
	vm0 =	vlt.f32 v54, $5.000000000e-01;
	v56, _, _ =	vpop (xrf2)  }
0x81: {  	v4 =	vsel vm5, v4, v53;
	v57 =	vmpcnt.ones.xlane vm0;
	vm0 =	vlt.f32 v56, $5.000000000e-01;
	v58, _, _ =	vpop (xrf2)  }
0x82: {  	v4 =	vsel vm6, v4, v55;
	v59 =	vmpcnt.ones.xlane vm0;
	vm0 =	vlt.f32 v58, $5.000000000e-01;
	v60, _, _ =	vpop (xrf2)  }
0x83: {  	v4 =	vsel vm7, v4, v57;
	v61 =	vmpcnt.ones.xlane vm0;
	vm0 =	vlt.f32 v60, $5.000000000e-01;
	v62, _, _ =	vpop (xrf2)  }
0x84: {  	v4 =	vsel vm8, v4, v59;
	v63 =	vmpcnt.ones.xlane vm0;
	vm0 =	vlt.f32 v62, $5.000000000e-01;
	v9, _, _ =	vpop (xrf2)  }
0x85: {  	v4 =	vsel vm9, v4, v61;
	v10 =	vmpcnt.ones.xlane vm0;
	vm0 =	vlt.f32 v9, $5.000000000e-01;
	v11, _, _ =	vpop (xrf2)  }
0x86: {  	v4 =	vsel vm10, v4, v63;
	v12 =	vmpcnt.ones.xlane vm0;
	vm0 =	vlt.f32 v11, $5.000000000e-01;
	v13, _, _ =	vpop (xrf2)  }
0x87: {  	v4 =	vsel vm11, v4, v10;
	v14 =	vmpcnt.ones.xlane vm0;
	vm0 =	vlt.f32 v13, $5.000000000e-01;
	v15, _, _ =	vpop (xrf2)  }
0x88: {  	s0 =	sadd.s32 $0x20, s29;
	v4 =	vsel vm12, v4, v12;
	v16 =	vmpcnt.ones.xlane vm0;
	vm0 =	vlt.f32 v15, $5.000000000e-01  }
0x89: {  	v17 =	vmov s0;
	v4 =	vsel vm13, v4, v14;
	v18 =	vmpcnt.ones.xlane vm0  }
0x8a: {  	v5 =	vshll.u32 v17, $0x7;
	v4 =	vsel vm14, v4, v16  }
0x8b: {  	v5 =	vor.u32 v0, v5;
	v4 =	vsel vm1, v4, v18  }
0x8c: {  	v5 =	vadd.s32 v5, v4  }
0x8d: {  	v41 =	vld [tilespmem:$0x1FFF0];
	[tilespmem:s28+$0x10020] =	vst v5  }
0x8e: {  	v5 =	vld [tilespmem:s26+$0x1800]  }
0x8f: {  	v19 =	vld [tilespmem:s26+$0x1880]  }
0x90: {  	v20 =	vld [tilespmem:s26+$0x1900]  }
0x91: {  	v21 =	vld [tilespmem:s26+$0x1980]  }
0x92: {  	v22 =	vld [tilespmem:s26+$0x1A00]  }
0x93: {  	v23 =	vld [tilespmem:s26+$0x1A80];
	(xrf2) =	vadd.scan.msk.f32 $0xffff, v5  }
0x94: {  	v24 =	vld [tilespmem:s26+$0x1B00];
	(xrf2) =	vadd.scan.msk.f32 $0xffff, v19  }
0x95: {  	v25 =	vld [tilespmem:s26+$0x1B80];
	(xrf2) =	vadd.scan.msk.f32 $0xffff, v20  }
0x96: {  	v26 =	vld [tilespmem:s26+$0x1C00];
	(xrf2) =	vadd.scan.msk.f32 $0xffff, v21  }
0x97: {  	v27 =	vld [tilespmem:s26+$0x1C80];
	(xrf2) =	vadd.scan.msk.f32 $0xffff, v22  }
0x98: {  	v28 =	vld [tilespmem:s26+$0x1D00];
	(xrf2) =	vadd.scan.msk.f32 $0xffff, v23  }
0x99: {  	v29 =	vld [tilespmem:s26+$0x1D80];
	(xrf2) =	vadd.scan.msk.f32 $0xffff, v24  }
0x9a: {  	v30 =	vld [tilespmem:s26+$0x1E00];
	(xrf2) =	vadd.scan.msk.f32 $0xffff, v25  }
0x9b: {  	v31 =	vld [tilespmem:s26+$0x1E80];
	(xrf2) =	vadd.scan.msk.f32 $0xffff, v26  }
0x9c: {  	v32 =	vld [tilespmem:s26+$0x1F00];
	(xrf2) =	vadd.scan.msk.f32 $0xffff, v27  }
0x9d: {  	v34 =	vld [tilespmem:s26+$0x1F80];
	v33, _, _ =	vpop (xrf2);
	(xrf2) =	vadd.scan.msk.f32 $0xffff, v28  }
0x9e: {  	v11, _, _ =	vpop (xrf2);
	(xrf2) =	vadd.scan.msk.f32 $0xffff, v29  }
0x9f: {  	vm0 =	vlt.f32 v33, $5.000000000e-01;
	vm15 =	vlt.f32 v11, $5.000000000e-01;
	v35, _, _ =	vpop (xrf2);
	(xrf2) =	vadd.scan.msk.f32 $0xffff, v30  }
0xa0: {  	v36 =	vmpcnt.ones.xlane vm0;
	v37 =	vmpcnt.ones.xlane vm15;
	vm0 =	vlt.f32 v35, $5.000000000e-01;
	v38, _, _ =	vpop (xrf2);
	(xrf2) =	vadd.scan.msk.f32 $0xffff, v31  }
0xa1: {  	vm15 =	vnez.u8 v41;
	v39 =	vmpcnt.ones.xlane vm0;
	vm0 =	vlt.f32 v38, $5.000000000e-01;
	v40, _, _ =	vpop (xrf2);
	(xrf2) =	vadd.scan.msk.f32 $0xffff, v32  }
0xa2: {  	v7 =	vsel vm15, v36, v37;
	v42 =	vmpcnt.ones.xlane vm0;
	vm0 =	vlt.f32 v40, $5.000000000e-01;
	v43, _, _ =	vpop (xrf2);
	(xrf2) =	vadd.scan.msk.f32 $0xffff, v34  }
0xa3: {  	v44 =	vsel vm2, v7, v39;
	v45 =	vmpcnt.ones.xlane vm0;
	vm0 =	vlt.f32 v43, $5.000000000e-01;
	v46, _, _ =	vpop (xrf2)  }
0xa4: {  	v5 =	vsel vm3, v44, v42;
	v47 =	vmpcnt.ones.xlane vm0;
	vm0 =	vlt.f32 v46, $5.000000000e-01;
	v48, _, _ =	vpop (xrf2)  }
0xa5: {  	v5 =	vsel vm4, v5, v45;
	v49 =	vmpcnt.ones.xlane vm0;
	vm0 =	vlt.f32 v48, $5.000000000e-01;
	v50, _, _ =	vpop (xrf2)  }
0xa6: {  	v5 =	vsel vm5, v5, v47;
	v51 =	vmpcnt.ones.xlane vm0;
	vm0 =	vlt.f32 v50, $5.000000000e-01;
	v52, _, _ =	vpop (xrf2)  }
0xa7: {  	v5 =	vsel vm6, v5, v49;
	v53 =	vmpcnt.ones.xlane vm0;
	vm0 =	vlt.f32 v52, $5.000000000e-01;
	v54, _, _ =	vpop (xrf2)  }
0xa8: {  	v5 =	vsel vm7, v5, v51;
	v55 =	vmpcnt.ones.xlane vm0;
	vm0 =	vlt.f32 v54, $5.000000000e-01;
	v56, _, _ =	vpop (xrf2)  }
0xa9: {  	v5 =	vsel vm8, v5, v53;
	v57 =	vmpcnt.ones.xlane vm0;
	vm0 =	vlt.f32 v56, $5.000000000e-01;
	v58, _, _ =	vpop (xrf2)  }
0xaa: {  	v5 =	vsel vm9, v5, v55;
	v59 =	vmpcnt.ones.xlane vm0;
	vm0 =	vlt.f32 v58, $5.000000000e-01;
	v60, _, _ =	vpop (xrf2)  }
0xab: {  	v5 =	vsel vm10, v5, v57;
	v61 =	vmpcnt.ones.xlane vm0;
	vm0 =	vlt.f32 v60, $5.000000000e-01;
	v62, _, _ =	vpop (xrf2)  }
0xac: {  	v5 =	vsel vm11, v5, v59;
	v63 =	vmpcnt.ones.xlane vm0;
	vm0 =	vlt.f32 v62, $5.000000000e-01;
	v12, _, _ =	vpop (xrf2)  }
0xad: {  	s31 =	sadd.s32 $0x30, s29;
	v5 =	vsel vm12, v5, v61;
	v13 =	vmpcnt.ones.xlane vm0;
	vm0 =	vlt.f32 v12, $5.000000000e-01  }
0xae: {  	v14 =	vmov s31;
	v5 =	vsel vm13, v5, v63;
	v15 =	vmpcnt.ones.xlane vm0  }
0xaf: {  	v6 =	vshll.u32 v14, $0x7;
	v5 =	vsel vm14, v5, v13  }
0xb0: {  	v6 =	vor.u32 v0, v6;
	v5 =	vsel vm1, v5, v15  }
0xb1: {  	v6 =	vadd.s32 v6, v5  }
0xb2: {  	v38 =	vld [tilespmem:$0x1FFF0];
	[tilespmem:s28+$0x10030] =	vst v6  }
0xb3: {  	v6 =	vld [tilespmem:s26+$0x2000]  }
0xb4: {  	v16 =	vld [tilespmem:s26+$0x2080]  }
0xb5: {  	v17 =	vld [tilespmem:s26+$0x2100]  }
0xb6: {  	v18 =	vld [tilespmem:s26+$0x2180]  }
0xb7: {  	v19 =	vld [tilespmem:s26+$0x2200]  }
0xb8: {  	v20 =	vld [tilespmem:s26+$0x2280];
	(xrf2) =	vadd.scan.msk.f32 $0xffff, v6  }
0xb9: {  	v21 =	vld [tilespmem:s26+$0x2300];
	(xrf2) =	vadd.scan.msk.f32 $0xffff, v16  }
0xba: {  	v22 =	vld [tilespmem:s26+$0x2380];
	(xrf2) =	vadd.scan.msk.f32 $0xffff, v17  }
0xbb: {  	v23 =	vld [tilespmem:s26+$0x2400];
	(xrf2) =	vadd.scan.msk.f32 $0xffff, v18  }
0xbc: {  	v24 =	vld [tilespmem:s26+$0x2480];
	(xrf2) =	vadd.scan.msk.f32 $0xffff, v19  }
0xbd: {  	v25 =	vld [tilespmem:s26+$0x2500];
	(xrf2) =	vadd.scan.msk.f32 $0xffff, v20  }
0xbe: {  	v26 =	vld [tilespmem:s26+$0x2580];
	(xrf2) =	vadd.scan.msk.f32 $0xffff, v21  }
0xbf: {  	v27 =	vld [tilespmem:s26+$0x2600];
	(xrf2) =	vadd.scan.msk.f32 $0xffff, v22  }
0xc0: {  	v28 =	vld [tilespmem:s26+$0x2680];
	(xrf2) =	vadd.scan.msk.f32 $0xffff, v23  }
0xc1: {  	v29 =	vld [tilespmem:s26+$0x2700];
	(xrf2) =	vadd.scan.msk.f32 $0xffff, v24  }
0xc2: {  	v31 =	vld [tilespmem:s26+$0x2780];
	v30, _, _ =	vpop (xrf2);
	(xrf2) =	vadd.scan.msk.f32 $0xffff, v25  }
0xc3: {  	v12, _, _ =	vpop (xrf2);
	(xrf2) =	vadd.scan.msk.f32 $0xffff, v26  }
0xc4: {  	vm0 =	vlt.f32 v30, $5.000000000e-01;
	vm15 =	vlt.f32 v12, $5.000000000e-01;
	v32, _, _ =	vpop (xrf2);
	(xrf2) =	vadd.scan.msk.f32 $0xffff, v27  }
0xc5: {  	v33 =	vmpcnt.ones.xlane vm0;
	v34 =	vmpcnt.ones.xlane vm15;
	vm0 =	vlt.f32 v32, $5.000000000e-01;
	v35, _, _ =	vpop (xrf2);
	(xrf2) =	vadd.scan.msk.f32 $0xffff, v28  }
0xc6: {  	vm15 =	vnez.u8 v38;
	v36 =	vmpcnt.ones.xlane vm0;
	vm0 =	vlt.f32 v35, $5.000000000e-01;
	v37, _, _ =	vpop (xrf2);
	(xrf2) =	vadd.scan.msk.f32 $0xffff, v29  }
0xc7: {  	v8 =	vsel vm15, v33, v34;
	v39 =	vmpcnt.ones.xlane vm0;
	vm0 =	vlt.f32 v37, $5.000000000e-01;
	v40, _, _ =	vpop (xrf2);
	(xrf2) =	vadd.scan.msk.f32 $0xffff, v31  }
0xc8: {  	v41 =	vsel vm2, v8, v36;
	v42 =	vmpcnt.ones.xlane vm0;
	vm0 =	vlt.f32 v40, $5.000000000e-01;
	v43, _, _ =	vpop (xrf2)  }
0xc9: {  	v6 =	vsel vm3, v41, v39;
	v44 =	vmpcnt.ones.xlane vm0;
	vm0 =	vlt.f32 v43, $5.000000000e-01;
	v45, _, _ =	vpop (xrf2)  }
0xca: {  	v6 =	vsel vm4, v6, v42;
	v46 =	vmpcnt.ones.xlane vm0;
	vm0 =	vlt.f32 v45, $5.000000000e-01;
	v47, _, _ =	vpop (xrf2)  }
0xcb: {  	v6 =	vsel vm5, v6, v44;
	v48 =	vmpcnt.ones.xlane vm0;
	vm0 =	vlt.f32 v47, $5.000000000e-01;
	v49, _, _ =	vpop (xrf2)  }
0xcc: {  	v6 =	vsel vm6, v6, v46;
	v50 =	vmpcnt.ones.xlane vm0;
	vm0 =	vlt.f32 v49, $5.000000000e-01;
	v51, _, _ =	vpop (xrf2)  }
0xcd: {  	v6 =	vsel vm7, v6, v48;
	v52 =	vmpcnt.ones.xlane vm0;
	vm0 =	vlt.f32 v51, $5.000000000e-01;
	v53, _, _ =	vpop (xrf2)  }
0xce: {  	v6 =	vsel vm8, v6, v50;
	v54 =	vmpcnt.ones.xlane vm0;
	vm0 =	vlt.f32 v53, $5.000000000e-01;
	v55, _, _ =	vpop (xrf2)  }
0xcf: {  	v6 =	vsel vm9, v6, v52;
	v56 =	vmpcnt.ones.xlane vm0;
	vm0 =	vlt.f32 v55, $5.000000000e-01;
	v57, _, _ =	vpop (xrf2)  }
0xd0: {  	v6 =	vsel vm10, v6, v54;
	v58 =	vmpcnt.ones.xlane vm0;
	vm0 =	vlt.f32 v57, $5.000000000e-01;
	v59, _, _ =	vpop (xrf2)  }
0xd1: {  	v6 =	vsel vm11, v6, v56;
	v60 =	vmpcnt.ones.xlane vm0;
	vm0 =	vlt.f32 v59, $5.000000000e-01;
	v61, _, _ =	vpop (xrf2)  }
0xd2: {  	s0 =	sadd.s32 $0x40, s29;
	v6 =	vsel vm12, v6, v58;
	v62 =	vmpcnt.ones.xlane vm0;
	vm0 =	vlt.f32 v61, $5.000000000e-01  }
0xd3: {  	v63 =	vmov s0;
	v6 =	vsel vm13, v6, v60;
	v12 =	vmpcnt.ones.xlane vm0  }
0xd4: {  	v7 =	vshll.u32 v63, $0x7;
	v6 =	vsel vm14, v6, v62  }
0xd5: {  	v7 =	vor.u32 v0, v7;
	v6 =	vsel vm1, v6, v12  }
0xd6: {  	v7 =	vadd.s32 v7, v6  }
0xd7: {  	v35 =	vld [tilespmem:$0x1FFF0];
	[tilespmem:s28+$0x10040] =	vst v7  }
0xd8: {  	v7 =	vld [tilespmem:s26+$0x2800]  }
0xd9: {  	v13 =	vld [tilespmem:s26+$0x2880]  }
0xda: {  	v14 =	vld [tilespmem:s26+$0x2900]  }
0xdb: {  	v15 =	vld [tilespmem:s26+$0x2980]  }
0xdc: {  	v16 =	vld [tilespmem:s26+$0x2A00]  }
0xdd: {  	v17 =	vld [tilespmem:s26+$0x2A80];
	(xrf2) =	vadd.scan.msk.f32 $0xffff, v7  }
0xde: {  	v18 =	vld [tilespmem:s26+$0x2B00];
	(xrf2) =	vadd.scan.msk.f32 $0xffff, v13  }
0xdf: {  	v19 =	vld [tilespmem:s26+$0x2B80];
	(xrf2) =	vadd.scan.msk.f32 $0xffff, v14  }
0xe0: {  	v20 =	vld [tilespmem:s26+$0x2C00];
	(xrf2) =	vadd.scan.msk.f32 $0xffff, v15  }
0xe1: {  	v21 =	vld [tilespmem:s26+$0x2C80];
	(xrf2) =	vadd.scan.msk.f32 $0xffff, v16  }
0xe2: {  	v22 =	vld [tilespmem:s26+$0x2D00];
	(xrf2) =	vadd.scan.msk.f32 $0xffff, v17  }
0xe3: {  	v23 =	vld [tilespmem:s26+$0x2D80];
	(xrf2) =	vadd.scan.msk.f32 $0xffff, v18  }
0xe4: {  	v24 =	vld [tilespmem:s26+$0x2E00];
	(xrf2) =	vadd.scan.msk.f32 $0xffff, v19  }
0xe5: {  	v25 =	vld [tilespmem:s26+$0x2E80];
	(xrf2) =	vadd.scan.msk.f32 $0xffff, v20  }
0xe6: {  	v26 =	vld [tilespmem:s26+$0x2F00];
	(xrf2) =	vadd.scan.msk.f32 $0xffff, v21  }
0xe7: {  	v28 =	vld [tilespmem:s26+$0x2F80];
	v27, _, _ =	vpop (xrf2);
	(xrf2) =	vadd.scan.msk.f32 $0xffff, v22  }
0xe8: {  	v13, _, _ =	vpop (xrf2);
	(xrf2) =	vadd.scan.msk.f32 $0xffff, v23  }
0xe9: {  	vm0 =	vlt.f32 v27, $5.000000000e-01;
	vm15 =	vlt.f32 v13, $5.000000000e-01;
	v29, _, _ =	vpop (xrf2);
	(xrf2) =	vadd.scan.msk.f32 $0xffff, v24  }
0xea: {  	v30 =	vmpcnt.ones.xlane vm0;
	v31 =	vmpcnt.ones.xlane vm15;
	vm0 =	vlt.f32 v29, $5.000000000e-01;
	v32, _, _ =	vpop (xrf2);
	(xrf2) =	vadd.scan.msk.f32 $0xffff, v25  }
0xeb: {  	vm15 =	vnez.u8 v35;
	v33 =	vmpcnt.ones.xlane vm0;
	vm0 =	vlt.f32 v32, $5.000000000e-01;
	v34, _, _ =	vpop (xrf2);
	(xrf2) =	vadd.scan.msk.f32 $0xffff, v26  }
0xec: {  	v9 =	vsel vm15, v30, v31;
	v36 =	vmpcnt.ones.xlane vm0;
	vm0 =	vlt.f32 v34, $5.000000000e-01;
	v37, _, _ =	vpop (xrf2);
	(xrf2) =	vadd.scan.msk.f32 $0xffff, v28  }
0xed: {  	v38 =	vsel vm2, v9, v33;
	v39 =	vmpcnt.ones.xlane vm0;
	vm0 =	vlt.f32 v37, $5.000000000e-01;
	v40, _, _ =	vpop (xrf2)  }
0xee: {  	v7 =	vsel vm3, v38, v36;
	v41 =	vmpcnt.ones.xlane vm0;
	vm0 =	vlt.f32 v40, $5.000000000e-01;
	v42, _, _ =	vpop (xrf2)  }
0xef: {  	v7 =	vsel vm4, v7, v39;
	v43 =	vmpcnt.ones.xlane vm0;
	vm0 =	vlt.f32 v42, $5.000000000e-01;
	v44, _, _ =	vpop (xrf2)  }
0xf0: {  	v7 =	vsel vm5, v7, v41;
	v45 =	vmpcnt.ones.xlane vm0;
	vm0 =	vlt.f32 v44, $5.000000000e-01;
	v46, _, _ =	vpop (xrf2)  }
0xf1: {  	v7 =	vsel vm6, v7, v43;
	v47 =	vmpcnt.ones.xlane vm0;
	vm0 =	vlt.f32 v46, $5.000000000e-01;
	v48, _, _ =	vpop (xrf2)  }
0xf2: {  	v7 =	vsel vm7, v7, v45;
	v49 =	vmpcnt.ones.xlane vm0;
	vm0 =	vlt.f32 v48, $5.000000000e-01;
	v50, _, _ =	vpop (xrf2)  }
0xf3: {  	v7 =	vsel vm8, v7, v47;
	v51 =	vmpcnt.ones.xlane vm0;
	vm0 =	vlt.f32 v50, $5.000000000e-01;
	v52, _, _ =	vpop (xrf2)  }
0xf4: {  	v7 =	vsel vm9, v7, v49;
	v53 =	vmpcnt.ones.xlane vm0;
	vm0 =	vlt.f32 v52, $5.000000000e-01;
	v54, _, _ =	vpop (xrf2)  }
0xf5: {  	v7 =	vsel vm10, v7, v51;
	v55 =	vmpcnt.ones.xlane vm0;
	vm0 =	vlt.f32 v54, $5.000000000e-01;
	v56, _, _ =	vpop (xrf2)  }
0xf6: {  	v7 =	vsel vm11, v7, v53;
	v57 =	vmpcnt.ones.xlane vm0;
	vm0 =	vlt.f32 v56, $5.000000000e-01;
	v58, _, _ =	vpop (xrf2)  }
0xf7: {  	s31 =	sadd.s32 $0x50, s29;
	v7 =	vsel vm12, v7, v55;
	v59 =	vmpcnt.ones.xlane vm0;
	vm0 =	vlt.f32 v58, $5.000000000e-01  }
0xf8: {  	v60 =	vmov s31;
	v7 =	vsel vm13, v7, v57;
	v61 =	vmpcnt.ones.xlane vm0  }
0xf9: {  	v8 =	vshll.u32 v60, $0x7;
	v7 =	vsel vm14, v7, v59  }
0xfa: {  	v8 =	vor.u32 v0, v8;
	v7 =	vsel vm1, v7, v61  }
0xfb: {  	v8 =	vadd.s32 v8, v7  }
0xfc: {  	v36 =	vld [tilespmem:$0x1FFF0];
	[tilespmem:s28+$0x10050] =	vst v8  }
0xfd: {  	v8 =	vld [tilespmem:s26+$0x3000]  }
0xfe: {  	v62 =	vld [tilespmem:s26+$0x3080]  }
0xff: {  	v63 =	vld [tilespmem:s26+$0x3100]  }
0x100: {  	v16 =	vld [tilespmem:s26+$0x3180]  }
0x101: {  	v17 =	vld [tilespmem:s26+$0x3200]  }
0x102: {  	v18 =	vld [tilespmem:s26+$0x3280];
	(xrf2) =	vadd.scan.msk.f32 $0xffff, v8  }
0x103: {  	v19 =	vld [tilespmem:s26+$0x3300];
	(xrf2) =	vadd.scan.msk.f32 $0xffff, v62  }
0x104: {  	v20 =	vld [tilespmem:s26+$0x3380];
	(xrf2) =	vadd.scan.msk.f32 $0xffff, v63  }
0x105: {  	v21 =	vld [tilespmem:s26+$0x3400];
	(xrf2) =	vadd.scan.msk.f32 $0xffff, v16  }
0x106: {  	v22 =	vld [tilespmem:s26+$0x3480];
	(xrf2) =	vadd.scan.msk.f32 $0xffff, v17  }
0x107: {  	v23 =	vld [tilespmem:s26+$0x3500];
	(xrf2) =	vadd.scan.msk.f32 $0xffff, v18  }
0x108: {  	v24 =	vld [tilespmem:s26+$0x3580];
	(xrf2) =	vadd.scan.msk.f32 $0xffff, v19  }
0x109: {  	v25 =	vld [tilespmem:s26+$0x3600];
	(xrf2) =	vadd.scan.msk.f32 $0xffff, v20  }
0x10a: {  	v26 =	vld [tilespmem:s26+$0x3680];
	(xrf2) =	vadd.scan.msk.f32 $0xffff, v21  }
0x10b: {  	v27 =	vld [tilespmem:s26+$0x3700];
	(xrf2) =	vadd.scan.msk.f32 $0xffff, v22  }
0x10c: {  	v29 =	vld [tilespmem:s26+$0x3780];
	v28, _, _ =	vpop (xrf2);
	(xrf2) =	vadd.scan.msk.f32 $0xffff, v23  }
0x10d: {  	v14, _, _ =	vpop (xrf2);
	(xrf2) =	vadd.scan.msk.f32 $0xffff, v24  }
0x10e: {  	vm0 =	vlt.f32 v28, $5.000000000e-01;
	vm15 =	vlt.f32 v14, $5.000000000e-01;
	v30, _, _ =	vpop (xrf2);
	(xrf2) =	vadd.scan.msk.f32 $0xffff, v25  }
0x10f: {  	v31 =	vmpcnt.ones.xlane vm0;
	v32 =	vmpcnt.ones.xlane vm15;
	vm0 =	vlt.f32 v30, $5.000000000e-01;
	v33, _, _ =	vpop (xrf2);
	(xrf2) =	vadd.scan.msk.f32 $0xffff, v26  }
0x110: {  	vm15 =	vnez.u8 v36;
	v34 =	vmpcnt.ones.xlane vm0;
	vm0 =	vlt.f32 v33, $5.000000000e-01;
	v35, _, _ =	vpop (xrf2);
	(xrf2) =	vadd.scan.msk.f32 $0xffff, v27  }
0x111: {  	v10 =	vsel vm15, v31, v32;
	v37 =	vmpcnt.ones.xlane vm0;
	vm0 =	vlt.f32 v35, $5.000000000e-01;
	v38, _, _ =	vpop (xrf2);
	(xrf2) =	vadd.scan.msk.f32 $0xffff, v29  }
0x112: {  	v39 =	vsel vm2, v10, v34;
	v40 =	vmpcnt.ones.xlane vm0;
	vm0 =	vlt.f32 v38, $5.000000000e-01;
	v41, _, _ =	vpop (xrf2)  }
0x113: {  	v8 =	vsel vm3, v39, v37;
	v42 =	vmpcnt.ones.xlane vm0;
	vm0 =	vlt.f32 v41, $5.000000000e-01;
	v43, _, _ =	vpop (xrf2)  }
0x114: {  	v8 =	vsel vm4, v8, v40;
	v44 =	vmpcnt.ones.xlane vm0;
	vm0 =	vlt.f32 v43, $5.000000000e-01;
	v45, _, _ =	vpop (xrf2)  }
0x115: {  	v8 =	vsel vm5, v8, v42;
	v46 =	vmpcnt.ones.xlane vm0;
	vm0 =	vlt.f32 v45, $5.000000000e-01;
	v47, _, _ =	vpop (xrf2)  }
0x116: {  	v8 =	vsel vm6, v8, v44;
	v48 =	vmpcnt.ones.xlane vm0;
	vm0 =	vlt.f32 v47, $5.000000000e-01;
	v49, _, _ =	vpop (xrf2)  }
0x117: {  	v8 =	vsel vm7, v8, v46;
	v50 =	vmpcnt.ones.xlane vm0;
	vm0 =	vlt.f32 v49, $5.000000000e-01;
	v51, _, _ =	vpop (xrf2)  }
0x118: {  	v8 =	vsel vm8, v8, v48;
	v52 =	vmpcnt.ones.xlane vm0;
	vm0 =	vlt.f32 v51, $5.000000000e-01;
	v53, _, _ =	vpop (xrf2)  }
0x119: {  	v8 =	vsel vm9, v8, v50;
	v54 =	vmpcnt.ones.xlane vm0;
	vm0 =	vlt.f32 v53, $5.000000000e-01;
	v55, _, _ =	vpop (xrf2)  }
0x11a: {  	v8 =	vsel vm10, v8, v52;
	v56 =	vmpcnt.ones.xlane vm0;
	vm0 =	vlt.f32 v55, $5.000000000e-01;
	v57, _, _ =	vpop (xrf2)  }
0x11b: {  	v8 =	vsel vm11, v8, v54;
	v58 =	vmpcnt.ones.xlane vm0;
	vm0 =	vlt.f32 v57, $5.000000000e-01;
	v59, _, _ =	vpop (xrf2)  }
0x11c: {  	s0 =	sadd.s32 $0x60, s29;
	v8 =	vsel vm12, v8, v56;
	v60 =	vmpcnt.ones.xlane vm0;
	vm0 =	vlt.f32 v59, $5.000000000e-01  }
0x11d: {  	v61 =	vmov s0;
	v8 =	vsel vm13, v8, v58;
	v62 =	vmpcnt.ones.xlane vm0  }
0x11e: {  	v9 =	vshll.u32 v61, $0x7;
	v8 =	vsel vm14, v8, v60  }
0x11f: {  	v9 =	vor.u32 v0, v9;
	v8 =	vsel vm1, v8, v62  }
0x120: {  	v9 =	vadd.s32 v9, v8  }
0x121: {  	v34 =	vld [tilespmem:$0x1FFF0];
	[tilespmem:s28+$0x10060] =	vst v9  }
0x122: {  	v9 =	vld [tilespmem:s26+$0x3800]  }
0x123: {  	v63 =	vld [tilespmem:s26+$0x3880]  }
0x124: {  	v16 =	vld [tilespmem:s26+$0x3900]  }
0x125: {  	v17 =	vld [tilespmem:s26+$0x3980]  }
0x126: {  	v18 =	vld [tilespmem:s26+$0x3A00]  }
0x127: {  	v19 =	vld [tilespmem:s26+$0x3A80];
	(xrf2) =	vadd.scan.msk.f32 $0xffff, v9  }
0x128: {  	v20 =	vld [tilespmem:s26+$0x3B00];
	(xrf2) =	vadd.scan.msk.f32 $0xffff, v63  }
0x129: {  	v21 =	vld [tilespmem:s26+$0x3B80];
	(xrf2) =	vadd.scan.msk.f32 $0xffff, v16  }
0x12a: {  	v22 =	vld [tilespmem:s26+$0x3C00];
	(xrf2) =	vadd.scan.msk.f32 $0xffff, v17  }
0x12b: {  	v23 =	vld [tilespmem:s26+$0x3C80];
	(xrf2) =	vadd.scan.msk.f32 $0xffff, v18  }
0x12c: {  	v24 =	vld [tilespmem:s26+$0x3D00];
	(xrf2) =	vadd.scan.msk.f32 $0xffff, v19  }
0x12d: {  	v25 =	vld [tilespmem:s26+$0x3D80];
	(xrf2) =	vadd.scan.msk.f32 $0xffff, v20  }
0x12e: {  	v26 =	vld [tilespmem:s26+$0x3E00];
	(xrf2) =	vadd.scan.msk.f32 $0xffff, v21  }
0x12f: {  	v27 =	vld [tilespmem:s26+$0x3E80];
	(xrf2) =	vadd.scan.msk.f32 $0xffff, v22  }
0x130: {  	v28 =	vld [tilespmem:s26+$0x3F00];
	(xrf2) =	vadd.scan.msk.f32 $0xffff, v23  }
0x131: {  	v30 =	vld [tilespmem:s26+$0x3F80];
	v29, _, _ =	vpop (xrf2);
	(xrf2) =	vadd.scan.msk.f32 $0xffff, v24  }
0x132: {  	v15, _, _ =	vpop (xrf2);
	(xrf2) =	vadd.scan.msk.f32 $0xffff, v25;
	vm0 =	vlt.f32 v29, $5.000000000e-01  }
0x133: {  	vm15 =	vlt.f32 v15, $5.000000000e-01;
	v31, _, _ =	vpop (xrf2);
	(xrf2) =	vadd.scan.msk.f32 $0xffff, v26;
	v32 =	vmpcnt.ones.xlane vm0  }
0x134: {  	v33 =	vmpcnt.ones.xlane vm15;
	vm15 =	vmmov vm1;
	vm0 =	vlt.f32 v31, $5.000000000e-01;
	v35, _, _ =	vpop (xrf2);
	(xrf2) =	vadd.scan.msk.f32 $0xffff, v27  }
0x135: {  	vm1 =	vnez.u8 v34;
	v36 =	vmpcnt.ones.xlane vm0;
	vm0 =	vlt.f32 v35, $5.000000000e-01;
	v37, _, _ =	vpop (xrf2);
	(xrf2) =	vadd.scan.msk.f32 $0xffff, v28  }
0x136: {  	v11 =	vsel vm1, v32, v33;
	v38 =	vmpcnt.ones.xlane vm0;
	vm0 =	vlt.f32 v37, $5.000000000e-01;
	v39, _, _ =	vpop (xrf2);
	(xrf2) =	vadd.scan.msk.f32 $0xffff, v30  }
0x137: {  	v40, _, _ =	vpop (xrf2);
	v11 =	vsel vm2, v11, v36;
	v41 =	vmpcnt.ones.xlane vm0;
	vm0 =	vlt.f32 v39, $5.000000000e-01  }
0x138: {  	v42, _, _ =	vpop (xrf2);
	v11 =	vsel vm3, v11, v38;
	v43 =	vmpcnt.ones.xlane vm0;
	vm0 =	vlt.f32 v40, $5.000000000e-01  }
0x139: {  	v44, _, _ =	vpop (xrf2);
	v11 =	vsel vm4, v11, v41;
	v45 =	vmpcnt.ones.xlane vm0;
	vm0 =	vlt.f32 v42, $5.000000000e-01  }
0x13a: {  	v46, _, _ =	vpop (xrf2);
	v11 =	vsel vm5, v11, v43;
	v47 =	vmpcnt.ones.xlane vm0;
	vm0 =	vlt.f32 v44, $5.000000000e-01  }
0x13b: {  	v48, _, _ =	vpop (xrf2);
	v11 =	vsel vm6, v11, v45;
	v49 =	vmpcnt.ones.xlane vm0;
	vm0 =	vlt.f32 v46, $5.000000000e-01  }
0x13c: {  	v50, _, _ =	vpop (xrf2);
	v11 =	vsel vm7, v11, v47;
	v51 =	vmpcnt.ones.xlane vm0;
	vm0 =	vlt.f32 v48, $5.000000000e-01  }
0x13d: {  	v52, _, _ =	vpop (xrf2);
	v11 =	vsel vm8, v11, v49;
	v53 =	vmpcnt.ones.xlane vm0;
	vm0 =	vlt.f32 v50, $5.000000000e-01  }
0x13e: {  	v54, _, _ =	vpop (xrf2);
	v11 =	vsel vm9, v11, v51;
	v55 =	vmpcnt.ones.xlane vm0;
	vm0 =	vlt.f32 v52, $5.000000000e-01  }
0x13f: {  	v56, _, _ =	vpop (xrf2);
	v11 =	vsel vm10, v11, v53;
	v57 =	vmpcnt.ones.xlane vm0;
	vm0 =	vlt.f32 v54, $5.000000000e-01  }
0x140: {  	v58 =	vsel vm11, v11, v55;
	v59 =	vmpcnt.ones.xlane vm0;
	vm0 =	vlt.f32 v56, $5.000000000e-01;
	v60, _, _ =	vpop (xrf2)  }
0x141: {  	s29 =	sadd.s32 $0x70, s29;
	v10 =	vsel vm12, v58, v57;
	v61 =	vmpcnt.ones.xlane vm0;
	vm0 =	vlt.f32 v60, $5.000000000e-01  }
0x142: {  	v62 =	vmov s29;
	v10 =	vsel vm13, v10, v59;
	v63 =	vmpcnt.ones.xlane vm0  }
0x143: {  	v9 =	vshll.u32 v62, $0x7;
	v10 =	vsel vm14, v10, v61  }
0x144: {  	p0 =	slt.u32 s24, $0x8;
	v9 =	vor.u32 v0, v9;
	v10 =	vsel vm15, v10, v63  }
0x145: {  	s29 =	sand.u32 @!p0 $0x7, s24;
	v9 =	vadd.s32 v9, v10  }
0x146: {  	s30 =	sadd.s32 @!p0 $0x5, s29;
	[tilespmem:s28+$0x10070] =	vst v9  }
0x147: {  	_ =	swait.ge @!p0 [sflag:s30], $0x80  }
0x148: {  	[sflag:s30] =	ssyncset.done @!p0 $0x0  }
0x149: {  	[sflag:s30] =	ssyncadd.s32 @!p0 $0xFFFFFF80;
	s30 =	sadd.s32 @!p0 $0xD, s29  }
0x14a: {  	_ =	swait.ge @!p0 [sflag:s30], $0x80  }
0x14b: {  	[sflag:s30] =	ssyncset.done @!p0 $0x0  }
0x14c: {  	[sflag:s30] =	ssyncadd.s32 @!p0 $0xFFFFFF80;
	s30 =	sshra.s32 @!p0 s21, $0x2  }
0x14d: {  	v9 =	vld @!p0 [tilespmem:s30+$0x11C00]  }
0x14e: {  	v11 =	vld @!p0 [tilespmem:s30+$0x13C00]  }
0x14f: {  	v12 =	vld @!p0 [tilespmem:s30+$0x11C10]  }
0x150: {  	v13 =	vld @!p0 [tilespmem:s30+$0x13C10]  }
0x151: {  	v14 =	vld @!p0 [tilespmem:s30+$0x11C20]  }
0x152: {  	v15 =	vld @!p0 [tilespmem:s30+$0x13C20]  }
0x153: {  	v16 =	vld @!p0 [tilespmem:s30+$0x11C30]  }
0x154: {  	v17 =	vld @!p0 [tilespmem:s30+$0x13C30]  }
0x155: {  	v18 =	vld @!p0 [tilespmem:s30+$0x11C40]  }
0x156: {  	v19 =	vld @!p0 [tilespmem:s30+$0x13C40]  }
0x157: {  	v20 =	vld @!p0 [tilespmem:s30+$0x11C50]  }
0x158: {  	v21 =	vld @!p0 [tilespmem:s30+$0x13C50]  }
0x159: {  	v22 =	vld @!p0 [tilespmem:s30+$0x11C60]  }
0x15a: {  	v9 =	vadd.f32 @!p0 v11, v9;
	v11 =	vld @!p0 [tilespmem:s30+$0x13C60]  }
0x15b: {  	v12 =	vadd.f32 @!p0 v13, v12;
	v13 =	vld @!p0 [tilespmem:s30+$0x11C70]  }
0x15c: {  	v14 =	vadd.f32 @!p0 v15, v14;
	v15 =	vld @!p0 [tilespmem:s30+$0x13C70];
	v9 =	vmul.f32 @!p0 $5.000000000e-01, v9  }
0x15d: {  	v16 =	vadd.f32 @!p0 v17, v16;
	v12 =	vmul.f32 @!p0 $5.000000000e-01, v12  }
0x15e: {  	v14 =	vmul.f32 @!p0 $5.000000000e-01, v14;
	[tilespmem:s30+$0x11C00] =	vst @!p0 v9;
	v9 =	vadd.f32 @!p0 v19, v18  }
0x15f: {  	vm0 =	vgt.s32 v1, v2;
	v16 =	vmul.f32 @!p0 $5.000000000e-01, v16;
	[tilespmem:s30+$0x11C10] =	vst @!p0 v12;
	v12 =	vadd.f32 @!p0 v21, v20  }
0x160: {  	v1 =	vsel vm0, v1, v2;
	[tilespmem:s30+$0x11C20] =	vst @!p0 v14;
	v2 =	vadd.f32 @!p0 v11, v22;
	v9 =	vmul.f32 @!p0 $5.000000000e-01, v9  }
0x161: {  	[tilespmem:s30+$0x11C30] =	vst @!p0 v16;
	v11 =	vadd.f32 @!p0 v15, v13;
	v12 =	vmul.f32 @!p0 $5.000000000e-01, v12  }
0x162: {  	vm0 =	vgt.s32 v1, v3;
	v2 =	vmul.f32 @!p0 $5.000000000e-01, v2;
	[tilespmem:s30+$0x11C40] =	vst @!p0 v9  }
0x163: {  	v1 =	vsel vm0, v1, v3;
	v3 =	vmul.f32 @!p0 $5.000000000e-01, v11;
	[tilespmem:s30+$0x11C50] =	vst @!p0 v12  }
0x164: {  	s29 =	smov.u32 @p0 s24;
	[tilespmem:s30+$0x11C60] =	vst @!p0 v2  }
0x165: {  	s31 =	sadd.s32 $0x12000, s28;
	vm0 =	vgt.s32 v1, v4;
	s0 =	sadd.s32 $0x5, s29;
	[tilespmem:s30+$0x11C70] =	vst @!p0 v3;
	s30 =	sadd.s32 $0x10000, s28  }
0x166: {  	v1 =	vsel vm0, v1, v4;
	[tilespmem:s31], [sflag:s0] =	stream.indirect.gather [hbm4b:s1+s16], $0x1, s30, s16, $0xb8;
	[tilespmem:$0x16080] =	vst v63  }
0x167: {  	vm0 =	vgt.s32 v1, v5;
	p0 =	sgt.u32 s24, $0x3B;
	s0 =	sadd.s32 $0x14000, s28;
	s31 =	sadd.s32 $0xD, s29  }
0x168: {  	v1 =	vsel vm0, v1, v5;
	[tilespmem:s0], [sflag:s31] =	stream.indirect.gather [hbm4b:s2+s16], $0x1, s30, s16, $0xb8;
	[tilespmem:$0x16080] =	vst v63  }
0x169: {  	s22 =	sadd.s32 $0x80, s22;
	vm0 =	vgt.s32 v1, v6;
	s0 =	simm.s32 @!p0 $0x0  }
0x16a: {  	v1 =	vsel vm0, v1, v6;
	[tilespmem:s26], [sflag:s25] =	stream.linear.gather @!p0 [hbm4b:s23+s0], $0x4000, $0x38;
	[tilespmem:$0x16080] =	vst v63  }
0x16b: {  	vm0 =	vgt.s32 v1, v7;
	p0 =	sne.s32 s22, $0x2000  }
.Ltmp0:
0x16c: {  	v1 =	vsel vm0, v1, v7;
	(pc) =	sbr.rel @p0 .LBB2_2-.Ltmp0, $4  }
0x16d: {  	vm0 =	vgt.s32 v1, v8  }
0x16e: {  	v1 =	vsel vm0, v1, v8  }
0x16f: {  	vm0 =	vgt.s32 v1, v10  }
0x170: {  	s21 =	sadd.s32 $0x200, s21;
	v1 =	vsel vm0, v1, v10;
	s24 =	sadd.s32 $0x1, s24;
	s23 =	sadd.s32 $0x800, s23  }
0x171: {  	s0 =	simm.s32 $0x5  }
0x172: {  	_ =	swait.ge [sflag:s0], $0x80  }
0x173: {  	[sflag:s0] =	ssyncset.done $0x0  }
0x174: {  	s31 =	simm.s32 $0xD;
	[sflag:s0] =	ssyncadd.s32 $0xFFFFFF80  }
0x175: {  	_ =	swait.ge [sflag:s31], $0x80  }
0x176: {  	[sflag:s31] =	ssyncset.done $0x0  }
0x177: {  	s23 =	simm.s32 $0x13C70;
	[sflag:s31] =	ssyncadd.s32 $0xFFFFFF80  }
0x178: {  	s21 =	simm.s32 $0x15C70;
	v2 =	vld [tilespmem:s23+$0xFFFFFF90]  }
0x179: {  	v3 =	vld [tilespmem:s21+$0xFFFFFF90];
	_ =	sdelay $0x4  }
0x17a: {  	v2 =	vadd.f32 v3, v2;
	_ =	sdelay $0x1  }
0x17b: {  	v2 =	vmul.f32 $5.000000000e-01, v2;
	_ =	sdelay $0x1  }
0x17c: {  	v3 =	vld [tilespmem:s23+$0xFFFFFFA0];
	[tilespmem:s23+$0xFFFFFF90] =	vst v2  }
0x17d: {  	v2 =	vld [tilespmem:s21+$0xFFFFFFA0];
	_ =	sdelay $0x4  }
0x17e: {  	v2 =	vadd.f32 v2, v3;
	_ =	sdelay $0x1  }
0x17f: {  	v2 =	vmul.f32 $5.000000000e-01, v2;
	_ =	sdelay $0x1  }
0x180: {  	v4 =	vld [tilespmem:s23+$0xFFFFFFB0];
	[tilespmem:s23+$0xFFFFFFA0] =	vst v2  }
0x181: {  	v2 =	vld [tilespmem:s21+$0xFFFFFFB0];
	_ =	sdelay $0x4  }
0x182: {  	v2 =	vadd.f32 v2, v4;
	_ =	sdelay $0x1  }
0x183: {  	v2 =	vmul.f32 $5.000000000e-01, v2;
	_ =	sdelay $0x1  }
0x184: {  	v5 =	vld [tilespmem:s23+$0xFFFFFFC0];
	[tilespmem:s23+$0xFFFFFFB0] =	vst v2  }
0x185: {  	v2 =	vld [tilespmem:s21+$0xFFFFFFC0];
	_ =	sdelay $0x4  }
0x186: {  	v2 =	vadd.f32 v2, v5;
	_ =	sdelay $0x1  }
0x187: {  	v2 =	vmul.f32 $5.000000000e-01, v2;
	_ =	sdelay $0x1  }
0x188: {  	v3 =	vld [tilespmem:s23+$0xFFFFFFD0];
	[tilespmem:s23+$0xFFFFFFC0] =	vst v2  }
0x189: {  	v2 =	vld [tilespmem:s21+$0xFFFFFFD0];
	_ =	sdelay $0x4  }
0x18a: {  	v2 =	vadd.f32 v2, v3;
	_ =	sdelay $0x1  }
0x18b: {  	v2 =	vmul.f32 $5.000000000e-01, v2;
	_ =	sdelay $0x1  }
0x18c: {  	v62 =	vld [tilespmem:s23+$0xFFFFFFE0];
	[tilespmem:s23+$0xFFFFFFD0] =	vst v2  }
0x18d: {  	v2 =	vld [tilespmem:s21+$0xFFFFFFE0];
	_ =	sdelay $0x4  }
0x18e: {  	v2 =	vadd.f32 v2, v62;
	_ =	sdelay $0x1  }
0x18f: {  	v2 =	vmul.f32 $5.000000000e-01, v2;
	_ =	sdelay $0x1  }
0x190: {  	v63 =	vld [tilespmem:s23+$0xFFFFFFF0];
	[tilespmem:s23+$0xFFFFFFE0] =	vst v2  }
0x191: {  	v2 =	vld [tilespmem:s21+$0xFFFFFFF0];
	_ =	sdelay $0x4  }
0x192: {  	v2 =	vadd.f32 v2, v63;
	_ =	sdelay $0x1  }
0x193: {  	v2 =	vmul.f32 $5.000000000e-01, v2;
	_ =	sdelay $0x1  }
0x194: {  	v3 =	vld [tilespmem:s23+$0x0];
	[tilespmem:s23+$0xFFFFFFF0] =	vst v2  }
0x195: {  	v2 =	vld [tilespmem:s21+$0x0];
	_ =	sdelay $0x4  }
0x196: {  	v2 =	vadd.f32 v2, v3;
	_ =	sdelay $0x1  }
0x197: {  	s24 =	simm.s32 $0x4;
	s26 =	simm.s32 $0x8;
	s22 =	simm.s32 $0x13CF0;
	v2 =	vmul.f32 $5.000000000e-01, v2  }
.LBB2_4:
0x198: {  	s0 =	sshra.s32 s24, $0x2  }
0x199: {  	s21 =	sadd.s32 $0x80, s21;
	s24 =	smov.u32 s26;
	s25 =	sadd.s32 $0x4, s26  }
0x19a: {  	p0 =	sne.s32 s26, $0x1C;
	s26 =	sadd.s32 $0x5, s0;
	[tilespmem:s23+$0x0] =	vst v2;
	s23 =	smov.u32 s22  }
0x19b: {  	_ =	swait.ge [sflag:s26], $0x80  }
0x19c: {  	[sflag:s26] =	ssyncset.done $0x0  }
0x19d: {  	s0 =	sadd.s32 $0xD, s0;
	[sflag:s26] =	ssyncadd.s32 $0xFFFFFF80  }
0x19e: {  	_ =	swait.ge [sflag:s0], $0x80  }
0x19f: {  	[sflag:s0] =	ssyncset.done $0x0  }
0x1a0: {  	[sflag:s0] =	ssyncadd.s32 $0xFFFFFF80  }
0x1a1: {  	v2 =	vld [tilespmem:s22+$0xFFFFFF90]  }
0x1a2: {  	v3 =	vld [tilespmem:s21+$0xFFFFFF90]  }
0x1a3: {  	v4 =	vld [tilespmem:s22+$0xFFFFFFA0]  }
0x1a4: {  	v5 =	vld [tilespmem:s22+$0xFFFFFFB0]  }
0x1a5: {  	v6 =	vld [tilespmem:s22+$0xFFFFFFC0]  }
0x1a6: {  	v7 =	vld [tilespmem:s22+$0xFFFFFFD0]  }
0x1a7: {  	v2 =	vadd.f32 v3, v2;
	v3 =	vld [tilespmem:s22+$0xFFFFFFE0]  }
0x1a8: {  	v8 =	vld [tilespmem:s22+$0xFFFFFFF0]  }
0x1a9: {  	v2 =	vmul.f32 $5.000000000e-01, v2;
	v9 =	vld [tilespmem:s22+$0x0];
	_ =	sdelay $0x1  }
0x1aa: {  	[tilespmem:s22+$0xFFFFFF90] =	vst v2  }
0x1ab: {  	v2 =	vld [tilespmem:s21+$0xFFFFFFA0];
	_ =	sdelay $0x4  }
0x1ac: {  	v2 =	vadd.f32 v2, v4;
	_ =	sdelay $0x1  }
0x1ad: {  	v2 =	vmul.f32 $5.000000000e-01, v2;
	_ =	sdelay $0x1  }
0x1ae: {  	[tilespmem:s22+$0xFFFFFFA0] =	vst v2  }
0x1af: {  	v2 =	vld [tilespmem:s21+$0xFFFFFFB0];
	_ =	sdelay $0x4  }
0x1b0: {  	v2 =	vadd.f32 v2, v5;
	_ =	sdelay $0x1  }
0x1b1: {  	v2 =	vmul.f32 $5.000000000e-01, v2;
	_ =	sdelay $0x1  }
0x1b2: {  	[tilespmem:s22+$0xFFFFFFB0] =	vst v2  }
0x1b3: {  	v2 =	vld [tilespmem:s21+$0xFFFFFFC0];
	_ =	sdelay $0x4  }
0x1b4: {  	v2 =	vadd.f32 v2, v6;
	_ =	sdelay $0x1  }
0x1b5: {  	v2 =	vmul.f32 $5.000000000e-01, v2;
	_ =	sdelay $0x1  }
0x1b6: {  	[tilespmem:s22+$0xFFFFFFC0] =	vst v2  }
0x1b7: {  	v2 =	vld [tilespmem:s21+$0xFFFFFFD0];
	_ =	sdelay $0x4  }
0x1b8: {  	v2 =	vadd.f32 v2, v7;
	_ =	sdelay $0x1  }
0x1b9: {  	v2 =	vmul.f32 $5.000000000e-01, v2;
	_ =	sdelay $0x1  }
0x1ba: {  	[tilespmem:s22+$0xFFFFFFD0] =	vst v2  }
0x1bb: {  	v2 =	vld [tilespmem:s21+$0xFFFFFFE0];
	_ =	sdelay $0x4  }
0x1bc: {  	v2 =	vadd.f32 v2, v3;
	_ =	sdelay $0x1  }
0x1bd: {  	v2 =	vmul.f32 $5.000000000e-01, v2;
	_ =	sdelay $0x1  }
0x1be: {  	[tilespmem:s22+$0xFFFFFFE0] =	vst v2  }
0x1bf: {  	v2 =	vld [tilespmem:s21+$0xFFFFFFF0];
	_ =	sdelay $0x4  }
0x1c0: {  	v2 =	vadd.f32 v2, v8;
	_ =	sdelay $0x1  }
0x1c1: {  	v2 =	vmul.f32 $5.000000000e-01, v2;
	_ =	sdelay $0x1  }
0x1c2: {  	[tilespmem:s22+$0xFFFFFFF0] =	vst v2  }
0x1c3: {  	v2 =	vld [tilespmem:s21+$0x0];
	_ =	sdelay $0x2  }
.Ltmp1:
0x1c4: {  	(pc) =	sbr.rel @p0 .LBB2_4-.Ltmp1, $3  }
0x1c5: {  	_ = 	snop  }
0x1c6: {  	v2 =	vadd.f32 v2, v9;
	_ =	sdelay $0x1  }
0x1c7: {  	s26 =	smov.u32 s25;
	s22 =	sadd.s32 $0x80, s22;
	v2 =	vmul.f32 $5.000000000e-01, v2  }
0x1c8: {  	s0 =	sshra.s32 s24, $0x2  }
0x1c9: {  	s24 =	sadd.s32 $0x5, s0;
	[tilespmem:s23+$0x0] =	vst v2  }
0x1ca: {  	_ =	swait.ge [sflag:s24], $0x80  }
0x1cb: {  	[sflag:s24] =	ssyncset.done $0x0  }
0x1cc: {  	s0 =	sadd.s32 $0xD, s0;
	[sflag:s24] =	ssyncadd.s32 $0xFFFFFF80  }
0x1cd: {  	_ =	swait.ge [sflag:s0], $0x80  }
0x1ce: {  	[sflag:s0] =	ssyncset.done $0x0  }
0x1cf: {  	[sflag:s0] =	ssyncadd.s32 $0xFFFFFF80  }
0x1d0: {  	s31 =	sadd.s32 $0x80, s21;
	v2 =	vld [tilespmem:s22+$0xFFFFFF90]  }
0x1d1: {  	v3 =	vld [tilespmem:s31+$0xFFFFFF90];
	_ =	sdelay $0x4  }
0x1d2: {  	v2 =	vadd.f32 v3, v2;
	_ =	sdelay $0x1  }
0x1d3: {  	v2 =	vmul.f32 $5.000000000e-01, v2;
	_ =	sdelay $0x1  }
0x1d4: {  	v3 =	vld [tilespmem:s22+$0xFFFFFFA0];
	[tilespmem:s22+$0xFFFFFF90] =	vst v2  }
0x1d5: {  	v2 =	vld [tilespmem:s31+$0xFFFFFFA0];
	_ =	sdelay $0x4  }
0x1d6: {  	v2 =	vadd.f32 v2, v3;
	_ =	sdelay $0x1  }
0x1d7: {  	v2 =	vmul.f32 $5.000000000e-01, v2;
	_ =	sdelay $0x1  }
0x1d8: {  	v4 =	vld [tilespmem:s22+$0xFFFFFFB0];
	[tilespmem:s22+$0xFFFFFFA0] =	vst v2  }
0x1d9: {  	v2 =	vld [tilespmem:s31+$0xFFFFFFB0];
	_ =	sdelay $0x4  }
0x1da: {  	v2 =	vadd.f32 v2, v4;
	_ =	sdelay $0x1  }
0x1db: {  	v2 =	vmul.f32 $5.000000000e-01, v2;
	_ =	sdelay $0x1  }
0x1dc: {  	v5 =	vld [tilespmem:s22+$0xFFFFFFC0];
	[tilespmem:s22+$0xFFFFFFB0] =	vst v2  }
0x1dd: {  	v2 =	vld [tilespmem:s31+$0xFFFFFFC0];
	_ =	sdelay $0x4  }
0x1de: {  	v2 =	vadd.f32 v2, v5;
	_ =	sdelay $0x1  }
0x1df: {  	v2 =	vmul.f32 $5.000000000e-01, v2;
	_ =	sdelay $0x1  }
0x1e0: {  	v3 =	vld [tilespmem:s22+$0xFFFFFFD0];
	[tilespmem:s22+$0xFFFFFFC0] =	vst v2  }
0x1e1: {  	v2 =	vld [tilespmem:s31+$0xFFFFFFD0];
	_ =	sdelay $0x4  }
0x1e2: {  	v2 =	vadd.f32 v2, v3;
	_ =	sdelay $0x1  }
0x1e3: {  	v2 =	vmul.f32 $5.000000000e-01, v2;
	_ =	sdelay $0x1  }
0x1e4: {  	v62 =	vld [tilespmem:s22+$0xFFFFFFE0];
	[tilespmem:s22+$0xFFFFFFD0] =	vst v2  }
0x1e5: {  	v2 =	vld [tilespmem:s31+$0xFFFFFFE0];
	_ =	sdelay $0x4  }
0x1e6: {  	v2 =	vadd.f32 v2, v62;
	_ =	sdelay $0x1  }
0x1e7: {  	v2 =	vmul.f32 $5.000000000e-01, v2;
	_ =	sdelay $0x1  }
0x1e8: {  	v63 =	vld [tilespmem:s22+$0xFFFFFFF0];
	[tilespmem:s22+$0xFFFFFFE0] =	vst v2  }
0x1e9: {  	v2 =	vld [tilespmem:s31+$0xFFFFFFF0];
	_ =	sdelay $0x4  }
0x1ea: {  	v2 =	vadd.f32 v2, v63;
	_ =	sdelay $0x1  }
0x1eb: {  	v2 =	vmul.f32 $5.000000000e-01, v2;
	_ =	sdelay $0x1  }
0x1ec: {  	v3 =	vld [tilespmem:s22+$0x0];
	[tilespmem:s22+$0xFFFFFFF0] =	vst v2  }
0x1ed: {  	v2 =	vld [tilespmem:s31+$0x0];
	_ =	sdelay $0x4  }
0x1ee: {  	v2 =	vadd.f32 v2, v3;
	_ =	sdelay $0x1  }
0x1ef: {  	v2 =	vmul.f32 $5.000000000e-01, v2;
	_ =	sdelay $0x1  }
0x1f0: {  	[tilespmem:s22+$0x0] =	vst v2  }
0x1f1: {  	[tilespmem:$0x16000] =	vst v1  }
0x1f2: {  	[hbm4b:s9+s4] =	stream.linear.scatter [tilespmem:s17], [sflag:$0x15], $0x2000, $0x38;
	[tilespmem:$0x16080] =	vst v63  }
0x1f3: {  	s20 =	sadd.s32 $0x1, s20;
	_ =	swait.ge [sflag:s18], $0x2000  }
0x1f4: {  	p0 =	sne.s32 s20, s11;
	[sflag:s18] =	ssyncset.done $0x0  }
.Ltmp2:
0x1f5: {  	[sflag:s18] =	ssyncadd.s32 $0xFFFFE000;
	(pc) =	sbr.rel @p0 .LBB2_1-.Ltmp2, $4  }
0x1f6: {  	[hbm4b:s10+s4] =	stream.linear.scatter [tilespmem:s19], [sflag:$0x15], $0x80, $0x38;
	[tilespmem:$0x16080] =	vst v63  }
0x1f7: {  	_ =	swait.ge [sflag:s18], $0x80  }
0x1f8: {  	[sflag:s18] =	ssyncset.done $0x0  }
0x1f9: {  	[sflag:s18] =	ssyncadd.s32 $0xFFFFFF80  }
0x1fa: {  	_ =	sfence.sel $0x180000  }
0x1fb: {  	[bflag:$0x0] =	sbarrier.arrive $0xFFFF  }
0x1fc: {  	_ =	strace $0x9000004A  }
0x1fd: {  	[bflag:$0x2] =	sbarrier.arrive $0xFFFF  }
0x1fe: {  	p0 =	sne.s32 s3, $0x0;
	s0 =	rddreg [dreg:$0x5]  }
0x1ff: {  	s0 =	sadd.s32 @!p0 $0x100000, s0  }
0x200: {  	[sflag:s0] =	ssyncadd.tile.s32 @!p0 $0x1;
	_ =	shalt  }
.Lfunc_end2:
_tile_overlayer_lowered:
.L_overlay_start_2:
0x201: {  	(tag) =	ssettag $0x2  }
0x202: {  	s0 =	rddreg [dreg:$0x0];
	s2 =	stileid.u32  }
0x203: {  	s1 =	rddreg [dreg:$0x1];
	p0 =	sne.s32 s2, $0x0  }
0x204: {  	s3 =	rddreg [dreg:$0x2];
	[bflag:$0x3] =	sbarrier.arrive $0xFFFF;
	s2 =	simm.s32 @!p0 $0x1C15  }
0x205: {  	[timem:s3], [sflag:s2] =	dma.local @!p0 [hbm:s0], s1  }
0x206: {  	s0 =	simm.s32 @!p0 $0x15  }
0x207: {  	_ =	swait.ge @!p0 [sflag:s0], s1  }
0x208: {  	s1 =	ssub.s32 @!p0 $0x0, s1;
	[sflag:s0] =	ssyncset.done @!p0 $0x0  }
0x209: {  	[sflag:s0] =	ssyncadd.s32 @!p0 s1  }
0x20a: {  	[bflag:$0x3] =	sbarrier.arrive $0xFFFF  }
0x20b: {  	_ =	shalt  }

</sc_bundles>
